<compile_context>
chip_gen: v7x
topology: tpu7x:2x2x1
jax: 0.10.2.dev20260603
libtpu: 0.0.44.dev20260713+nightly
codegen_flags: <defaults>
</compile_context>

<pallas_src>
import jax
import jax.numpy as jnp
from jax import lax
from jax.experimental import pallas as pl
from jax.experimental.pallas import tpu as pltpu
from jax.experimental.pallas import tpu_sc as plsc

_B = 16384
_BSC = 4096
_BTC = _B - _BSC
_NC = 2
_NS = 16
_NW = _NC * _NS
_BPW = _BSC // _NW
_NG = _BPW // 16
_FS = 129
_R = 4096
_NSTEP_TC = _BTC // _R


def _gather_body(t_hbm, m_hbm, d_hbm, w_hbm, h_hbm, out_hbm,
                 t_v, mi_v, di_v, wi_v, hi_v, cb_v):
    wid = lax.axis_index("s") * _NC + lax.axis_index("c")
    base = wid * _BPW
    pltpu.sync_copy(t_hbm, t_v)
    pltpu.sync_copy(m_hbm.at[pl.ds(base, _BPW)], mi_v)
    pltpu.sync_copy(d_hbm.at[pl.ds(base, _BPW)], di_v)
    pltpu.sync_copy(w_hbm.at[pl.ds(base, _BPW)], wi_v)
    pltpu.sync_copy(h_hbm.at[pl.ds(base, _BPW)], hi_v)

    @plsc.parallel_loop(0, _NG)
    def g_body(g):
        o = g * 16
        mi = mi_v[pl.ds(o, 16)] * _FS
        di = (di_v[pl.ds(o, 16)] + 13) * _FS
        wi = (wi_v[pl.ds(o, 16)] + 45) * _FS
        hi = (hi_v[pl.ds(o, 16)] + 52) * _FS
        for k in range(128):
            e = ((plsc.load_gather(t_v, [mi + k])
                  + plsc.load_gather(t_v, [di + k]))
                 + plsc.load_gather(t_v, [wi + k])
                 + plsc.load_gather(t_v, [hi + k]))
            cb_v[k, pl.ds(o, 16)] = e

    pltpu.sync_copy(cb_v, out_hbm.at[:, pl.ds(base, _BPW)])


def _mlp(comb, w1_ref, b1_ref, w2_ref, b2_ref, w3_ref, b3_ref):
    f32 = jnp.float32
    c00 = (((0,), (0,)), ((), ()))
    h1 = jax.lax.dot_general(w1_ref[...], comb, c00,
                             preferred_element_type=f32)
    h1 = jnp.maximum(h1 + b1_ref[...], 0.0)
    h2 = jax.lax.dot_general(w2_ref[...], h1, c00,
                             preferred_element_type=f32)
    h2 = jnp.maximum(h2 + b2_ref[...], 0.0)
    o = jax.lax.dot_general(w3_ref[...], h2, c00,
                            preferred_element_type=f32)
    return jnp.maximum(o + b3_ref[...], 0.0)


def _mlp_body(cb_ref, w1_ref, b1_ref, w2_ref, b2_ref, w3_ref, b3_ref,
              out_ref):
    out_ref[...] = _mlp(cb_ref[...], w1_ref, b1_ref, w2_ref, b2_ref,
                        w3_ref, b3_ref)


def _hot_body(m_ref, d_ref, w_ref, h_ref, tcat_ref, w1_ref, b1_ref, w2_ref,
              b2_ref, w3_ref, b3_ref, out_ref):
    f32 = jnp.float32
    m = m_ref[0]
    d = d_ref[0]
    w = w_ref[0]
    h = h_ref[0]
    iota = jax.lax.broadcasted_iota(jnp.int32, (128, _R), 0)
    hot = ((iota == m) | (iota == d + 13) | (iota == w + 45)
           | (iota == h + 52))
    mh = jnp.where(hot, f32(1.0), f32(0.0))

    c00 = (((0,), (0,)), ((), ()))
    tcat = tcat_ref[...]
    t_hi = tcat.astype(jnp.bfloat16).astype(f32)
    t_lo = tcat - t_hi
    comb = (jax.lax.dot_general(t_hi, mh, c00, preferred_element_type=f32)
            + jax.lax.dot_general(t_lo, mh, c00,
                                  preferred_element_type=f32))
    o = _mlp(comb, w1_ref, b1_ref, w2_ref, b2_ref, w3_ref, b3_ref)
    out_ref[...] = o.reshape(1, 1, _R)


def kernel(month, day, weekday, hour, month_table, day_table, weekday_table,
           hour_table, W1, b1, W2, b2, W3, b3):
    i32 = jnp.int32
    f32 = jnp.float32
    m = month.astype(i32)
    d = day.astype(i32)
    w = weekday.astype(i32)
    h = hour.astype(i32)
    tcat = jnp.concatenate(
        [month_table, day_table, weekday_table, hour_table,
         jnp.zeros((52, 128), f32)], axis=0)
    tflat = jnp.pad(tcat, ((0, 0), (0, _FS - 128))).reshape(128 * _FS)
    b1c = b1.reshape(64, 1)
    b2c = b2.reshape(32, 1)
    b3c = b3.reshape(1, 1)

    mesh = plsc.VectorSubcoreMesh(core_axis_name="c", subcore_axis_name="s")
    comb_sc = pl.kernel(
        _gather_body,
        out_type=jax.ShapeDtypeStruct((128, _BSC), f32),
        mesh=mesh,
        compiler_params=pltpu.CompilerParams(needs_layout_passes=False),
        scratch_types=[
            pltpu.VMEM((128 * _FS,), f32),
            pltpu.VMEM((_BPW,), i32),
            pltpu.VMEM((_BPW,), i32),
            pltpu.VMEM((_BPW,), i32),
            pltpu.VMEM((_BPW,), i32),
            pltpu.VMEM((128, _BPW), f32),
        ],
    )(tflat, m[:_BSC], d[:_BSC], w[:_BSC], h[:_BSC])

    full = lambda s: pl.BlockSpec(s, lambda i: tuple(0 for _ in s))

    mt = m[_BSC:].reshape(_NSTEP_TC, 1, _R)
    dt = d[_BSC:].reshape(_NSTEP_TC, 1, _R)
    wt = w[_BSC:].reshape(_NSTEP_TC, 1, _R)
    ht = h[_BSC:].reshape(_NSTEP_TC, 1, _R)
    idx_spec = pl.BlockSpec((1, 1, _R), lambda i: (i, 0, 0))
    out_tc = pl.pallas_call(
        _hot_body,
        grid=(_NSTEP_TC,),
        in_specs=[idx_spec, idx_spec, idx_spec, idx_spec,
                  full((128, 128)), full((128, 64)), full((64, 1)),
                  full((64, 32)), full((32, 1)), full((32, 1)),
                  full((1, 1))],
        out_specs=pl.BlockSpec((1, 1, _R), lambda i: (i, 0, 0)),
        out_shape=jax.ShapeDtypeStruct((_NSTEP_TC, 1, _R), f32),
    )(mt, dt, wt, ht, tcat, W1, b1c, W2, b2c, W3, b3c)

    out_sc = pl.pallas_call(
        _mlp_body,
        grid=(1,),
        in_specs=[full((128, _BSC)),
                  full((128, 64)), full((64, 1)), full((64, 32)),
                  full((32, 1)), full((32, 1)), full((1, 1))],
        out_specs=full((1, _BSC)),
        out_shape=jax.ShapeDtypeStruct((1, _BSC), f32),
    )(comb_sc, W1, b1c, W2, b2c, W3, b3c)

    return jnp.concatenate(
        [out_sc.reshape(_BSC, 1), out_tc.reshape(_BTC, 1)], axis=0)

# --- scband reference (transcript-rebuilt; emitter-appended) ---
"""Pipeline reference for scband-embedding-model-62603443306583 (READ-ONLY COPY).

The authoritative reference and input builder live on the scoring server;
editing this copy changes nothing except your own understanding.
"""

import jax, jax.numpy as jnp
import numpy as np

B = 16384
EMBED_DIM = 128
HIDDEN = 64
OUT = 1

def setup_inputs(seed: int = 0) -> dict:
    key = jax.random.key(seed)
    ks = jax.random.split(key, 16)
    month = jax.random.randint(ks[0], (B,), 0, 13)
    day = jax.random.randint(ks[1], (B,), 0, 32)
    weekday = jax.random.randint(ks[2], (B,), 0, 7)
    hour = jax.random.randint(ks[3], (B,), 0, 24)
    month_table = jax.random.normal(ks[4], (13, EMBED_DIM), dtype=jnp.float32)
    day_table = jax.random.normal(ks[5], (32, EMBED_DIM), dtype=jnp.float32)
    weekday_table = jax.random.normal(ks[6], (7, EMBED_DIM), dtype=jnp.float32)
    hour_table = jax.random.normal(ks[7], (24, EMBED_DIM), dtype=jnp.float32)
    W1 = jax.random.normal(ks[8], (EMBED_DIM, HIDDEN), dtype=jnp.float32) * (1.0 / np.sqrt(EMBED_DIM))
    b1 = jnp.zeros((HIDDEN,), dtype=jnp.float32)
    W2 = jax.random.normal(ks[9], (HIDDEN, HIDDEN // 2), dtype=jnp.float32) * (1.0 / np.sqrt(HIDDEN))
    b2 = jnp.zeros((HIDDEN // 2,), dtype=jnp.float32)
    W3 = jax.random.normal(ks[10], (HIDDEN // 2, OUT), dtype=jnp.float32) * (1.0 / np.sqrt(HIDDEN // 2))
    b3 = jnp.zeros((OUT,), dtype=jnp.float32)
    return {"month": month, "day": day, "weekday": weekday, "hour": hour,
            "month_table": month_table, "day_table": day_table,
            "weekday_table": weekday_table, "hour_table": hour_table,
            "W1": W1, "b1": b1, "W2": W2, "b2": b2, "W3": W3, "b3": b3}

def reference(month, day, weekday, hour, month_table, day_table, weekday_table, hour_table, W1, b1, W2, b2, W3, b3):
    # Embedding lookups (gather)
    month_emb = jnp.take(month_table, month, axis=0)
    day_emb = jnp.take(day_table, day, axis=0)
    weekday_emb = jnp.take(weekday_table, weekday, axis=0)
    hour_emb = jnp.take(hour_table, hour, axis=0)
    combined = month_emb + day_emb + weekday_emb + hour_emb
    # MLP (dropout is identity in eval mode)
    h = jax.nn.relu(combined @ W1 + b1)
    h = jax.nn.relu(h @ W2 + b2)
    out = jax.nn.relu(h @ W3 + b3)
    return out

if __name__ == "__main__":
    import jax
    _d = setup_inputs()
    print(jax.jit(kernel)(*tuple(_d.values())))

</pallas_src>

<mosaic_0001>
#map = affine_map<(d0, d1) -> (0)>
#map1 = affine_map<(d0, d1) -> (0, 0)>
module attributes {stable_mosaic.version = 14 : i64} {
  func.func @_gather_body(%arg0: i32, %arg1: i32, %arg2: memref<16512xf32, #tpu.memory_space<hbm>>, %arg3: memref<4096xi32, #tpu.memory_space<hbm>>, %arg4: memref<4096xi32, #tpu.memory_space<hbm>>, %arg5: memref<4096xi32, #tpu.memory_space<hbm>>, %arg6: memref<4096xi32, #tpu.memory_space<hbm>>, %arg7: memref<128x4096xf32, #tpu.memory_space<hbm>>, %arg8: memref<16512xf32, #tpu.memory_space<vmem>>, %arg9: memref<128xi32, #tpu.memory_space<vmem>>, %arg10: memref<128xi32, #tpu.memory_space<vmem>>, %arg11: memref<128xi32, #tpu.memory_space<vmem>>, %arg12: memref<128xi32, #tpu.memory_space<vmem>>, %arg13: memref<128x128xf32, #tpu.memory_space<vmem>>) attributes {dimension_semantics = [#tpu.dimension_semantics<core_parallel>, #tpu.dimension_semantics<subcore_parallel>], iteration_bounds = array<i64: 2, 16>, scalar_prefetch = 0 : i64, scratch_operands = 6 : i64, tpu.core_type = #tpu.core_type<sc_vector_subcore>, window_params = [{transform_indices = #map}, {transform_indices = #map}, {transform_indices = #map}, {transform_indices = #map}, {transform_indices = #map}, {transform_indices = #map1}]} {
    %mul3A = arith.constant 2 : i32
    %mul3A_0 = arith.muli %arg1, %mul3A : i32
    %add3A = arith.addi %mul3A_0, %arg0 : i32
    %mul3A_1 = arith.constant 128 : i32
    %mul3A_2 = arith.muli %add3A, %mul3A_1 : i32
    "tpu.region"() ({
      %run_scoped3A = tpu.sem_alloc : memref<!tpu.dma_semaphore, #tpu.memory_space<semaphore_mem>>
      tpu.enqueue_dma source(%arg2 : memref<16512xf32, #tpu.memory_space<hbm>>) target(%arg8 : memref<16512xf32, #tpu.memory_space<vmem>>) target_semaphore(%run_scoped3A : memref<!tpu.dma_semaphore, #tpu.memory_space<semaphore_mem>>)
      tpu.wait_dma2 semaphore(%run_scoped3A : memref<!tpu.dma_semaphore, #tpu.memory_space<semaphore_mem>>) src(%arg2 : memref<16512xf32, #tpu.memory_space<hbm>>) dst(%arg8 : memref<16512xf32, #tpu.memory_space<vmem>>)
      tpu.yield
    }) : () -> ()
    "tpu.region"() ({
      %run_scoped3A = tpu.sem_alloc : memref<!tpu.dma_semaphore, #tpu.memory_space<semaphore_mem>>
      %dma_start3A = tpu.memref_slice %arg3[%mul3A_2] : memref<4096xi32, #tpu.memory_space<hbm>> -> memref<128xi32, #tpu.memory_space<hbm>>
      %dma_start3A_5 = tpu.memref_slice %arg3[%mul3A_2] : memref<4096xi32, #tpu.memory_space<hbm>> -> memref<128xi32, #tpu.memory_space<hbm>>
      tpu.enqueue_dma source(%dma_start3A_5 : memref<128xi32, #tpu.memory_space<hbm>>) target(%arg9 : memref<128xi32, #tpu.memory_space<vmem>>) target_semaphore(%run_scoped3A : memref<!tpu.dma_semaphore, #tpu.memory_space<semaphore_mem>>)
      %dma_wait3A = tpu.memref_slice %arg3[%mul3A_2] : memref<4096xi32, #tpu.memory_space<hbm>> -> memref<128xi32, #tpu.memory_space<hbm>>
      %dma_wait3A_6 = tpu.memref_slice %arg3[%mul3A_2] : memref<4096xi32, #tpu.memory_space<hbm>> -> memref<128xi32, #tpu.memory_space<hbm>>
      tpu.wait_dma2 semaphore(%run_scoped3A : memref<!tpu.dma_semaphore, #tpu.memory_space<semaphore_mem>>) src(%dma_wait3A_6 : memref<128xi32, #tpu.memory_space<hbm>>) dst(%arg9 : memref<128xi32, #tpu.memory_space<vmem>>)
      tpu.yield
    }) : () -> ()
    "tpu.region"() ({
      %run_scoped3A = tpu.sem_alloc : memref<!tpu.dma_semaphore, #tpu.memory_space<semaphore_mem>>
      %dma_start3A = tpu.memref_slice %arg4[%mul3A_2] : memref<4096xi32, #tpu.memory_space<hbm>> -> memref<128xi32, #tpu.memory_space<hbm>>
      %dma_start3A_5 = tpu.memref_slice %arg4[%mul3A_2] : memref<4096xi32, #tpu.memory_space<hbm>> -> memref<128xi32, #tpu.memory_space<hbm>>
      tpu.enqueue_dma source(%dma_start3A_5 : memref<128xi32, #tpu.memory_space<hbm>>) target(%arg10 : memref<128xi32, #tpu.memory_space<vmem>>) target_semaphore(%run_scoped3A : memref<!tpu.dma_semaphore, #tpu.memory_space<semaphore_mem>>)
      %dma_wait3A = tpu.memref_slice %arg4[%mul3A_2] : memref<4096xi32, #tpu.memory_space<hbm>> -> memref<128xi32, #tpu.memory_space<hbm>>
      %dma_wait3A_6 = tpu.memref_slice %arg4[%mul3A_2] : memref<4096xi32, #tpu.memory_space<hbm>> -> memref<128xi32, #tpu.memory_space<hbm>>
      tpu.wait_dma2 semaphore(%run_scoped3A : memref<!tpu.dma_semaphore, #tpu.memory_space<semaphore_mem>>) src(%dma_wait3A_6 : memref<128xi32, #tpu.memory_space<hbm>>) dst(%arg10 : memref<128xi32, #tpu.memory_space<vmem>>)
      tpu.yield
    }) : () -> ()
    "tpu.region"() ({
      %run_scoped3A = tpu.sem_alloc : memref<!tpu.dma_semaphore, #tpu.memory_space<semaphore_mem>>
      %dma_start3A = tpu.memref_slice %arg5[%mul3A_2] : memref<4096xi32, #tpu.memory_space<hbm>> -> memref<128xi32, #tpu.memory_space<hbm>>
      %dma_start3A_5 = tpu.memref_slice %arg5[%mul3A_2] : memref<4096xi32, #tpu.memory_space<hbm>> -> memref<128xi32, #tpu.memory_space<hbm>>
      tpu.enqueue_dma source(%dma_start3A_5 : memref<128xi32, #tpu.memory_space<hbm>>) target(%arg11 : memref<128xi32, #tpu.memory_space<vmem>>) target_semaphore(%run_scoped3A : memref<!tpu.dma_semaphore, #tpu.memory_space<semaphore_mem>>)
      %dma_wait3A = tpu.memref_slice %arg5[%mul3A_2] : memref<4096xi32, #tpu.memory_space<hbm>> -> memref<128xi32, #tpu.memory_space<hbm>>
      %dma_wait3A_6 = tpu.memref_slice %arg5[%mul3A_2] : memref<4096xi32, #tpu.memory_space<hbm>> -> memref<128xi32, #tpu.memory_space<hbm>>
      tpu.wait_dma2 semaphore(%run_scoped3A : memref<!tpu.dma_semaphore, #tpu.memory_space<semaphore_mem>>) src(%dma_wait3A_6 : memref<128xi32, #tpu.memory_space<hbm>>) dst(%arg11 : memref<128xi32, #tpu.memory_space<vmem>>)
      tpu.yield
    }) : () -> ()
    "tpu.region"() ({
      %run_scoped3A = tpu.sem_alloc : memref<!tpu.dma_semaphore, #tpu.memory_space<semaphore_mem>>
      %dma_start3A = tpu.memref_slice %arg6[%mul3A_2] : memref<4096xi32, #tpu.memory_space<hbm>> -> memref<128xi32, #tpu.memory_space<hbm>>
      %dma_start3A_5 = tpu.memref_slice %arg6[%mul3A_2] : memref<4096xi32, #tpu.memory_space<hbm>> -> memref<128xi32, #tpu.memory_space<hbm>>
      tpu.enqueue_dma source(%dma_start3A_5 : memref<128xi32, #tpu.memory_space<hbm>>) target(%arg12 : memref<128xi32, #tpu.memory_space<vmem>>) target_semaphore(%run_scoped3A : memref<!tpu.dma_semaphore, #tpu.memory_space<semaphore_mem>>)
      %dma_wait3A = tpu.memref_slice %arg6[%mul3A_2] : memref<4096xi32, #tpu.memory_space<hbm>> -> memref<128xi32, #tpu.memory_space<hbm>>
      %dma_wait3A_6 = tpu.memref_slice %arg6[%mul3A_2] : memref<4096xi32, #tpu.memory_space<hbm>> -> memref<128xi32, #tpu.memory_space<hbm>>
      tpu.wait_dma2 semaphore(%run_scoped3A : memref<!tpu.dma_semaphore, #tpu.memory_space<semaphore_mem>>) src(%dma_wait3A_6 : memref<128xi32, #tpu.memory_space<hbm>>) dst(%arg12 : memref<128xi32, #tpu.memory_space<vmem>>)
      tpu.yield
    }) : () -> ()
    %parallel_loop3A = arith.constant 0 : i32
    %parallel_loop3A_3 = arith.constant 8 : i32
    %parallel_loop3A_4 = arith.constant 1 : i32
    scf.for %parallel_loop3A_5 = %parallel_loop3A to %parallel_loop3A_3 step %parallel_loop3A_4  : i32 {
      %parallel_loop3A_6 = arith.constant 16 : i32
      %parallel_loop3A_7 = arith.muli %parallel_loop3A_5, %parallel_loop3A_6 : i32
      %parallel_loop3A_8 = arith.index_cast %parallel_loop3A_7 : i32 to index
      %parallel_loop3A_9 = tpu.vector_load %arg9[%parallel_loop3A_8] {strides = array<i32>} : memref<128xi32, #tpu.memory_space<vmem>>, vector<16xi32>,
      %parallel_loop3A_10 = arith.constant 129 : i32
      %parallel_loop3A_11 = vector.broadcast %parallel_loop3A_10 : i32 to vector<16xi32>
      %parallel_loop3A_12 = arith.muli %parallel_loop3A_9, %parallel_loop3A_11 : vector<16xi32>
      %parallel_loop3A_13 = arith.index_cast %parallel_loop3A_7 : i32 to index
      %parallel_loop3A_14 = tpu.vector_load %arg10[%parallel_loop3A_13] {strides = array<i32>} : memref<128xi32, #tpu.memory_space<vmem>>, vector<16xi32>,
      %parallel_loop3A_15 = arith.constant 13 : i32
      %parallel_loop3A_16 = vector.broadcast %parallel_loop3A_15 : i32 to vector<16xi32>
      %parallel_loop3A_17 = arith.addi %parallel_loop3A_14, %parallel_loop3A_16 : vector<16xi32>
      %parallel_loop3A_18 = arith.constant 129 : i32
      %parallel_loop3A_19 = vector.broadcast %parallel_loop3A_18 : i32 to vector<16xi32>
      %parallel_loop3A_20 = arith.muli %parallel_loop3A_17, %parallel_loop3A_19 : vector<16xi32>
      %parallel_loop3A_21 = arith.index_cast %parallel_loop3A_7 : i32 to index
      %parallel_loop3A_22 = tpu.vector_load %arg11[%parallel_loop3A_21] {strides = array<i32>} : memref<128xi32, #tpu.memory_space<vmem>>, vector<16xi32>,
      %parallel_loop3A_23 = arith.constant 45 : i32
      %parallel_loop3A_24 = vector.broadcast %parallel_loop3A_23 : i32 to vector<16xi32>
      %parallel_loop3A_25 = arith.addi %parallel_loop3A_22, %parallel_loop3A_24 : vector<16xi32>
      %parallel_loop3A_26 = arith.constant 129 : i32
      %parallel_loop3A_27 = vector.broadcast %parallel_loop3A_26 : i32 to vector<16xi32>
      %parallel_loop3A_28 = arith.muli %parallel_loop3A_25, %parallel_loop3A_27 : vector<16xi32>
      %parallel_loop3A_29 = arith.index_cast %parallel_loop3A_7 : i32 to index
      %parallel_loop3A_30 = tpu.vector_load %arg12[%parallel_loop3A_29] {strides = array<i32>} : memref<128xi32, #tpu.memory_space<vmem>>, vector<16xi32>,
      %parallel_loop3A_31 = arith.constant 52 : i32
      %parallel_loop3A_32 = vector.broadcast %parallel_loop3A_31 : i32 to vector<16xi32>
      %parallel_loop3A_33 = arith.addi %parallel_loop3A_30, %parallel_loop3A_32 : vector<16xi32>
      %parallel_loop3A_34 = arith.constant 129 : i32
      %parallel_loop3A_35 = vector.broadcast %parallel_loop3A_34 : i32 to vector<16xi32>
      %parallel_loop3A_36 = arith.muli %parallel_loop3A_33, %parallel_loop3A_35 : vector<16xi32>
      %parallel_loop3A_37 = arith.constant 0 : i32
      %parallel_loop3A_38 = vector.broadcast %parallel_loop3A_37 : i32 to vector<16xi32>
      %parallel_loop3A_39 = arith.addi %parallel_loop3A_12, %parallel_loop3A_38 : vector<16xi32>
      %parallel_loop3A_40 = tpu.vector_load_idx %arg8[%parallel_loop3A_39] : memref<16512xf32, #tpu.memory_space<vmem>>[vector<16xi32>], vector<16xf32>,
      %parallel_loop3A_41 = arith.constant 0 : i32
      %parallel_loop3A_42 = vector.broadcast %parallel_loop3A_41 : i32 to vector<16xi32>
      %parallel_loop3A_43 = arith.addi %parallel_loop3A_20, %parallel_loop3A_42 : vector<16xi32>
      %parallel_loop3A_44 = tpu.vector_load_idx %arg8[%parallel_loop3A_43] : memref<16512xf32, #tpu.memory_space<vmem>>[vector<16xi32>], vector<16xf32>,
      %parallel_loop3A_45 = arith.addf %parallel_loop3A_40, %parallel_loop3A_44 : vector<16xf32>
      %parallel_loop3A_46 = arith.constant 0 : i32
      %parallel_loop3A_47 = vector.broadcast %parallel_loop3A_46 : i32 to vector<16xi32>
      %parallel_loop3A_48 = arith.addi %parallel_loop3A_28, %parallel_loop3A_47 : vector<16xi32>
      %parallel_loop3A_49 = tpu.vector_load_idx %arg8[%parallel_loop3A_48] : memref<16512xf32, #tpu.memory_space<vmem>>[vector<16xi32>], vector<16xf32>,
      %parallel_loop3A_50 = arith.addf %parallel_loop3A_45, %parallel_loop3A_49 : vector<16xf32>
      %parallel_loop3A_51 = arith.constant 0 : i32
      %parallel_loop3A_52 = vector.broadcast %parallel_loop3A_51 : i32 to vector<16xi32>
      %parallel_loop3A_53 = arith.addi %parallel_loop3A_36, %parallel_loop3A_52 : vector<16xi32>
      %parallel_loop3A_54 = tpu.vector_load_idx %arg8[%parallel_loop3A_53] : memref<16512xf32, #tpu.memory_space<vmem>>[vector<16xi32>], vector<16xf32>,
      %parallel_loop3A_55 = arith.addf %parallel_loop3A_50, %parallel_loop3A_54 : vector<16xf32>
      %parallel_loop3A_56 = arith.constant 0 : i32
      %parallel_loop3A_57 = arith.index_cast %parallel_loop3A_56 : i32 to index
      %parallel_loop3A_58 = arith.index_cast %parallel_loop3A_7 : i32 to index
      %parallel_loop3A_59 = tpu.vector_load %arg13[%parallel_loop3A_57, %parallel_loop3A_58] {strides = array<i32>} : memref<128x128xf32, #tpu.memory_space<vmem>>, vector<16xf32>,
      tpu.vector_store %arg13[%parallel_loop3A_57, %parallel_loop3A_58], %parallel_loop3A_55 {strides = array<i32>} : memref<128x128xf32, #tpu.memory_space<vmem>>, vector<16xf32>,
      %parallel_loop3A_60 = arith.constant 1 : i32
      %parallel_loop3A_61 = vector.broadcast %parallel_loop3A_60 : i32 to vector<16xi32>
      %parallel_loop3A_62 = arith.addi %parallel_loop3A_12, %parallel_loop3A_61 : vector<16xi32>
      %parallel_loop3A_63 = tpu.vector_load_idx %arg8[%parallel_loop3A_62] : memref<16512xf32, #tpu.memory_space<vmem>>[vector<16xi32>], vector<16xf32>,
      %parallel_loop3A_64 = arith.constant 1 : i32
      %parallel_loop3A_65 = vector.broadcast %parallel_loop3A_64 : i32 to vector<16xi32>
      %parallel_loop3A_66 = arith.addi %parallel_loop3A_20, %parallel_loop3A_65 : vector<16xi32>
      %parallel_loop3A_67 = tpu.vector_load_idx %arg8[%parallel_loop3A_66] : memref<16512xf32, #tpu.memory_space<vmem>>[vector<16xi32>], vector<16xf32>,
      %parallel_loop3A_68 = arith.addf %parallel_loop3A_63, %parallel_loop3A_67 : vector<16xf32>
      %parallel_loop3A_69 = arith.constant 1 : i32
      %parallel_loop3A_70 = vector.broadcast %parallel_loop3A_69 : i32 to vector<16xi32>
      %parallel_loop3A_71 = arith.addi %parallel_loop3A_28, %parallel_loop3A_70 : vector<16xi32>
      %parallel_loop3A_72 = tpu.vector_load_idx %arg8[%parallel_loop3A_71] : memref<16512xf32, #tpu.memory_space<vmem>>[vector<16xi32>], vector<16xf32>,
      %parallel_loop3A_73 = arith.addf %parallel_loop3A_68, %parallel_loop3A_72 : vector<16xf32>
      %parallel_loop3A_74 = arith.constant 1 : i32
      %parallel_loop3A_75 = vector.broadcast %parallel_loop3A_74 : i32 to vector<16xi32>
      %parallel_loop3A_76 = arith.addi %parallel_loop3A_36, %parallel_loop3A_75 : vector<16xi32>
      %parallel_loop3A_77 = tpu.vector_load_idx %arg8[%parallel_loop3A_76] : memref<16512xf32, #tpu.memory_space<vmem>>[vector<16xi32>], vector<16xf32>,
      %parallel_loop3A_78 = arith.addf %parallel_loop3A_73, %parallel_loop3A_77 : vector<16xf32>
      %parallel_loop3A_79 = arith.constant 1 : i32
      %parallel_loop3A_80 = arith.index_cast %parallel_loop3A_79 : i32 to index
      %parallel_loop3A_81 = arith.index_cast %parallel_loop3A_7 : i32 to index
      %parallel_loop3A_82 = tpu.vector_load %arg13[%parallel_loop3A_80, %parallel_loop3A_81] {strides = array<i32>} : memref<128x128xf32, #tpu.memory_space<vmem>>, vector<16xf32>,
      tpu.vector_store %arg13[%parallel_loop3A_80, %parallel_loop3A_81], %parallel_loop3A_78 {strides = array<i32>} : memref<128x128xf32, #tpu.memory_space<vmem>>, vector<16xf32>,
      %parallel_loop3A_83 = arith.constant 2 : i32
      %parallel_loop3A_84 = vector.broadcast %parallel_loop3A_83 : i32 to vector<16xi32>
      %parallel_loop3A_85 = arith.addi %parallel_loop3A_12, %parallel_loop3A_84 : vector<16xi32>
      %parallel_loop3A_86 = tpu.vector_load_idx %arg8[%parallel_loop3A_85] : memref<16512xf32, #tpu.memory_space<vmem>>[vector<16xi32>], vector<16xf32>,
      %parallel_loop3A_87 = arith.constant 2 : i32
      %parallel_loop3A_88 = vector.broadcast %parallel_loop3A_87 : i32 to vector<16xi32>
      %parallel_loop3A_89 = arith.addi %parallel_loop3A_20, %parallel_loop3A_88 : vector<16xi32>
      %parallel_loop3A_90 = tpu.vector_load_idx %arg8[%parallel_loop3A_89] : memref<16512xf32, #tpu.memory_space<vmem>>[vector<16xi32>], vector<16xf32>,
      %parallel_loop3A_91 = arith.addf %parallel_loop3A_86, %parallel_loop3A_90 : vector<16xf32>
      %parallel_loop3A_92 = arith.constant 2 : i32
      %parallel_loop3A_93 = vector.broadcast %parallel_loop3A_92 : i32 to vector<16xi32>
      %parallel_loop3A_94 = arith.addi %parallel_loop3A_28, %parallel_loop3A_93 : vector<16xi32>
      %parallel_loop3A_95 = tpu.vector_load_idx %arg8[%parallel_loop3A_94] : memref<16512xf32, #tpu.memory_space<vmem>>[vector<16xi32>], vector<16xf32>,
      %parallel_loop3A_96 = arith.addf %parallel_loop3A_91, %parallel_loop3A_95 : vector<16xf32>
      %parallel_loop3A_97 = arith.constant 2 : i32
      %parallel_loop3A_98 = vector.broadcast %parallel_loop3A_97 : i32 to vector<16xi32>
      %parallel_loop3A_99 = arith.addi %parallel_loop3A_36, %parallel_loop3A_98 : vector<16xi32>
      %parallel_loop3A_100 = tpu.vector_load_idx %arg8[%parallel_loop3A_99] : memref<16512xf32, #tpu.memory_space<vmem>>[vector<16xi32>], vector<16xf32>,
      %parallel_loop3A_101 = arith.addf %parallel_loop3A_96, %parallel_loop3A_100 : vector<16xf32>
      %parallel_loop3A_102 = arith.constant 2 : i32
      %parallel_loop3A_103 = arith.index_cast %parallel_loop3A_102 : i32 to index
      %parallel_loop3A_104 = arith.index_cast %parallel_loop3A_7 : i32 to index
      %parallel_loop3A_105 = tpu.vector_load %arg13[%parallel_loop3A_103, %parallel_loop3A_104] {strides = array<i32>} : memref<128x128xf32, #tpu.memory_space<vmem>>, vector<16xf32>,
      tpu.vector_store %arg13[%parallel_loop3A_103, %parallel_loop3A_104], %parallel_loop3A_101 {strides = array<i32>} : memref<128x128xf32, #tpu.memory_space<vmem>>, vector<16xf32>,
      %parallel_loop3A_106 = arith.constant 3 : i32
      %parallel_loop3A_107 = vector.broadcast %parallel_loop3A_106 : i32 to vector<16xi32>
      %parallel_loop3A_108 = arith.addi %parallel_loop3A_12, %parallel_loop3A_107 : vector<16xi32>
      %parallel_loop3A_109 = tpu.vector_load_idx %arg8[%parallel_loop3A_108] : memref<16512xf32, #tpu.memory_space<vmem>>[vector<16xi32>], vector<16xf32>,
      %parallel_loop3A_110 = arith.constant 3 : i32
      %parallel_loop3A_111 = vector.broadcast %parallel_loop3A_110 : i32 to vector<16xi32>
      %parallel_loop3A_112 = arith.addi %parallel_loop3A_20, %parallel_loop3A_111 : vector<16xi32>
      %parallel_loop3A_113 = tpu.vector_load_idx %arg8[%parallel_loop3A_112] : memref<16512xf32, #tpu.memory_space<vmem>>[vector<16xi32>], vector<16xf32>,
      %parallel_loop3A_114 = arith.addf %parallel_loop3A_109, %parallel_loop3A_113 : vector<16xf32>
      %parallel_loop3A_115 = arith.constant 3 : i32
      %parallel_loop3A_116 = vector.broadcast %parallel_loop3A_115 : i32 to vector<16xi32>
      %parallel_loop3A_117 = arith.addi %parallel_loop3A_28, %parallel_loop3A_116 : vector<16xi32>
      %parallel_loop3A_118 = tpu.vector_load_idx %arg8[%parallel_loop3A_117] : memref<16512xf32, #tpu.memory_space<vmem>>[vector<16xi32>], vector<16xf32>,
      %parallel_loop3A_119 = arith.addf %parallel_loop3A_114, %parallel_loop3A_118 : vector<16xf32>
      %parallel_loop3A_120 = arith.constant 3 : i32
      %parallel_loop3A_121 = vector.broadcast %parallel_loop3A_120 : i32 to vector<16xi32>
      %parallel_loop3A_122 = arith.addi %parallel_loop3A_36, %parallel_loop3A_121 : vector<16xi32>
      %parallel_loop3A_123 = tpu.vector_load_idx %arg8[%parallel_loop3A_122] : memref<16512xf32, #tpu.memory_space<vmem>>[vector<16xi32>], vector<16xf32>,
      %parallel_loop3A_124 = arith.addf %parallel_loop3A_119, %parallel_loop3A_123 : vector<16xf32>
      %parallel_loop3A_125 = arith.constant 3 : i32
      %parallel_loop3A_126 = arith.index_cast %parallel_loop3A_125 : i32 to index
      %parallel_loop3A_127 = arith.index_cast %parallel_loop3A_7 : i32 to index
      %parallel_loop3A_128 = tpu.vector_load %arg13[%parallel_loop3A_126, %parallel_loop3A_127] {strides = array<i32>} : memref<128x128xf32, #tpu.memory_space<vmem>>, vector<16xf32>,
      tpu.vector_store %arg13[%parallel_loop3A_126, %parallel_loop3A_127], %parallel_loop3A_124 {strides = array<i32>} : memref<128x128xf32, #tpu.memory_space<vmem>>, vector<16xf32>,
      %parallel_loop3A_129 = arith.constant 4 : i32
      %parallel_loop3A_130 = vector.broadcast %parallel_loop3A_129 : i32 to vector<16xi32>
      %parallel_loop3A_131 = arith.addi %parallel_loop3A_12, %parallel_loop3A_130 : vector<16xi32>
      %parallel_loop3A_132 = tpu.vector_load_idx %arg8[%parallel_loop3A_131] : memref<16512xf32, #tpu.memory_space<vmem>>[vector<16xi32>], vector<16xf32>,
      %parallel_loop3A_133 = arith.constant 4 : i32
      %parallel_loop3A_134 = vector.broadcast %parallel_loop3A_133 : i32 to vector<16xi32>
      %parallel_loop3A_135 = arith.addi %parallel_loop3A_20, %parallel_loop3A_134 : vector<16xi32>
      %parallel_loop3A_136 = tpu.vector_load_idx %arg8[%parallel_loop3A_135] : memref<16512xf32, #tpu.memory_space<vmem>>[vector<16xi32>], vector<16xf32>,
      %parallel_loop3A_137 = arith.addf %parallel_loop3A_132, %parallel_loop3A_136 : vector<16xf32>
      %parallel_loop3A_138 = arith.constant 4 : i32
      %parallel_loop3A_139 = vector.broadcast %parallel_loop3A_138 : i32 to vector<16xi32>
      %parallel_loop3A_140 = arith.addi %parallel_loop3A_28, %parallel_loop3A_139 : vector<16xi32>
      %parallel_loop3A_141 = tpu.vector_load_idx %arg8[%parallel_loop3A_140] : memref<16512xf32, #tpu.memory_space<vmem>>[vector<16xi32>], vector<16xf32>,
      %parallel_loop3A_142 = arith.addf %parallel_loop3A_137, %parallel_loop3A_141 : vector<16xf32>
      %parallel_loop3A_143 = arith.constant 4 : i32
      %parallel_loop3A_144 = vector.broadcast %parallel_loop3A_143 : i32 to vector<16xi32>
      %parallel_loop3A_145 = arith.addi %parallel_loop3A_36, %parallel_loop3A_144 : vector<16xi32>
      %parallel_loop3A_146 = tpu.vector_load_idx %arg8[%parallel_loop3A_145] : memref<16512xf32, #tpu.memory_space<vmem>>[vector<16xi32>], vector<16xf32>,
      %parallel_loop3A_147 = arith.addf %parallel_loop3A_142, %parallel_loop3A_146 : vector<16xf32>
      %parallel_loop3A_148 = arith.constant 4 : i32
      %parallel_loop3A_149 = arith.index_cast %parallel_loop3A_148 : i32 to index
      %parallel_loop3A_150 = arith.index_cast %parallel_loop3A_7 : i32 to index
      %parallel_loop3A_151 = tpu.vector_load %arg13[%parallel_loop3A_149, %parallel_loop3A_150] {strides = array<i32>} : memref<128x128xf32, #tpu.memory_space<vmem>>, vector<16xf32>,
      tpu.vector_store %arg13[%parallel_loop3A_149, %parallel_loop3A_150], %parallel_loop3A_147 {strides = array<i32>} : memref<128x128xf32, #tpu.memory_space<vmem>>, vector<16xf32>,
      %parallel_loop3A_152 = arith.constant 5 : i32
      %parallel_loop3A_153 = vector.broadcast %parallel_loop3A_152 : i32 to vector<16xi32>
      %parallel_loop3A_154 = arith.addi %parallel_loop3A_12, %parallel_loop3A_153 : vector<16xi32>
      %parallel_loop3A_155 = tpu.vector_load_idx %arg8[%parallel_loop3A_154] : memref<16512xf32, #tpu.memory_space<vmem>>[vector<16xi32>], vector<16xf32>,
      %parallel_loop3A_156 = arith.constant 5 : i32
      %parallel_loop3A_157 = vector.broadcast %parallel_loop3A_156 : i32 to vector<16xi32>
      %parallel_loop3A_158 = arith.addi %parallel_loop3A_20, %parallel_loop3A_157 : vector<16xi32>
      %parallel_loop3A_159 = tpu.vector_load_idx %arg8[%parallel_loop3A_158] : memref<16512xf32, #tpu.memory_space<vmem>>[vector<16xi32>], vector<16xf32>,
      %parallel_loop3A_160 = arith.addf %parallel_loop3A_155, %parallel_loop3A_159 : vector<16xf32>
      %parallel_loop3A_161 = arith.constant 5 : i32
      %parallel_loop3A_162 = vector.broadcast %parallel_loop3A_161 : i32 to vector<16xi32>
      %parallel_loop3A_163 = arith.addi %parallel_loop3A_28, %parallel_loop3A_162 : vector<16xi32>
      %parallel_loop3A_164 = tpu.vector_load_idx %arg8[%parallel_loop3A_163] : memref<16512xf32, #tpu.memory_space<vmem>>[vector<16xi32>], vector<16xf32>,
      %parallel_loop3A_165 = arith.addf %parallel_loop3A_160, %parallel_loop3A_164 : vector<16xf32>
      %parallel_loop3A_166 = arith.constant 5 : i32
      %parallel_loop3A_167 = vector.broadcast %parallel_loop3A_166 : i32 to vector<16xi32>
      %parallel_loop3A_168 = arith.addi %parallel_loop3A_36, %parallel_loop3A_167 : vector<16xi32>
      %parallel_loop3A_169 = tpu.vector_load_idx %arg8[%parallel_loop3A_168] : memref<16512xf32, #tpu.memory_space<vmem>>[vector<16xi32>], vector<16xf32>,
      %parallel_loop3A_170 = arith.addf %parallel_loop3A_165, %parallel_loop3A_169 : vector<16xf32>
      %parallel_loop3A_171 = arith.constant 5 : i32
      %parallel_loop3A_172 = arith.index_cast %parallel_loop3A_171 : i32 to index
      %parallel_loop3A_173 = arith.index_cast %parallel_loop3A_7 : i32 to index
      %parallel_loop3A_174 = tpu.vector_load %arg13[%parallel_loop3A_172, %parallel_loop3A_173] {strides = array<i32>} : memref<128x128xf32, #tpu.memory_space<vmem>>, vector<16xf32>,
      tpu.vector_store %arg13[%parallel_loop3A_172, %parallel_loop3A_173], %parallel_loop3A_170 {strides = array<i32>} : memref<128x128xf32, #tpu.memory_space<vmem>>, vector<16xf32>,
      %parallel_loop3A_175 = arith.constant 6 : i32
      %parallel_loop3A_176 = vector.broadcast %parallel_loop3A_175 : i32 to vector<16xi32>
      %parallel_loop3A_177 = arith.addi %parallel_loop3A_12, %parallel_loop3A_176 : vector<16xi32>
      %parallel_loop3A_178 = tpu.vector_load_idx %arg8[%parallel_loop3A_177] : memref<16512xf32, #tpu.memory_space<vmem>>[vector<16xi32>], vector<16xf32>,
      %parallel_loop3A_179 = arith.constant 6 : i32
      %parallel_loop3A_180 = vector.broadcast %parallel_loop3A_179 : i32 to vector<16xi32>
      %parallel_loop3A_181 = arith.addi %parallel_loop3A_20, %parallel_loop3A_180 : vector<16xi32>
      %parallel_loop3A_182 = tpu.vector_load_idx %arg8[%parallel_loop3A_181] : memref<16512xf32, #tpu.memory_space<vmem>>[vector<16xi32>], vector<16xf32>,
      %parallel_loop3A_183 = arith.addf %parallel_loop3A_178, %parallel_loop3A_182 : vector<16xf32>
      %parallel_loop3A_184 = arith.constant 6 : i32
      %parallel_loop3A_185 = vector.broadcast %parallel_loop3A_184 : i32 to vector<16xi32>
      %parallel_loop3A_186 = arith.addi %parallel_loop3A_28, %parallel_loop3A_185 : vector<16xi32>
      %parallel_loop3A_187 = tpu.vector_load_idx %arg8[%parallel_loop3A_186] : memref<16512xf32, #tpu.memory_space<vmem>>[vector<16xi32>], vector<16xf32>,
      %parallel_loop3A_188 = arith.addf %parallel_loop3A_183, %parallel_loop3A_187 : vector<16xf32>
      %parallel_loop3A_189 = arith.constant 6 : i32
      %parallel_loop3A_190 = vector.broadcast %parallel_loop3A_189 : i32 to vector<16xi32>
      %parallel_loop3A_191 = arith.addi %parallel_loop3A_36, %parallel_loop3A_190 : vector<16xi32>
      %parallel_loop3A_192 = tpu.vector_load_idx %arg8[%parallel_loop3A_191] : memref<16512xf32, #tpu.memory_space<vmem>>[vector<16xi32>], vector<16xf32>,
      %parallel_loop3A_193 = arith.addf %parallel_loop3A_188, %parallel_loop3A_192 : vector<16xf32>
      %parallel_loop3A_194 = arith.constant 6 : i32
      %parallel_loop3A_195 = arith.index_cast %parallel_loop3A_194 : i32 to index
      %parallel_loop3A_196 = arith.index_cast %parallel_loop3A_7 : i32 to index
      %parallel_loop3A_197 = tpu.vector_load %arg13[%parallel_loop3A_195, %parallel_loop3A_196] {strides = array<i32>} : memref<128x128xf32, #tpu.memory_space<vmem>>, vector<16xf32>,
      tpu.vector_store %arg13[%parallel_loop3A_195, %parallel_loop3A_196], %parallel_loop3A_193 {strides = array<i32>} : memref<128x128xf32, #tpu.memory_space<vmem>>, vector<16xf32>,
      %parallel_loop3A_198 = arith.constant 7 : i32
      %parallel_loop3A_199 = vector.broadcast %parallel_loop3A_198 : i32 to vector<16xi32>
      %parallel_loop3A_200 = arith.addi %parallel_loop3A_12, %parallel_loop3A_199 : vector<16xi32>
      %parallel_loop3A_201 = tpu.vector_load_idx %arg8[%parallel_loop3A_200] : memref<16512xf32, #tpu.memory_space<vmem>>[vector<16xi32>], vector<16xf32>,
      %parallel_loop3A_202 = arith.constant 7 : i32
      %parallel_loop3A_203 = vector.broadcast %parallel_loop3A_202 : i32 to vector<16xi32>
      %parallel_loop3A_204 = arith.addi %parallel_loop3A_20, %parallel_loop3A_203 : vector<16xi32>
      %parallel_loop3A_205 = tpu.vector_load_idx %arg8[%parallel_loop3A_204] : memref<16512xf32, #tpu.memory_space<vmem>>[vector<16xi32>], vector<16xf32>,
      %parallel_loop3A_206 = arith.addf %parallel_loop3A_201, %parallel_loop3A_205 : vector<16xf32>
      %parallel_loop3A_207 = arith.constant 7 : i32
      %parallel_loop3A_208 = vector.broadcast %parallel_loop3A_207 : i32 to vector<16xi32>
      %parallel_loop3A_209 = arith.addi %parallel_loop3A_28, %parallel_loop3A_208 : vector<16xi32>
      %parallel_loop3A_210 = tpu.vector_load_idx %arg8[%parallel_loop3A_209] : memref<16512xf32, #tpu.memory_space<vmem>>[vector<16xi32>], vector<16xf32>,
      %parallel_loop3A_211 = arith.addf %parallel_loop3A_206, %parallel_loop3A_210 : vector<16xf32>
      %parallel_loop3A_212 = arith.constant 7 : i32
      %parallel_loop3A_213 = vector.broadcast %parallel_loop3A_212 : i32 to vector<16xi32>
      %parallel_loop3A_214 = arith.addi %parallel_loop3A_36, %parallel_loop3A_213 : vector<16xi32>
      %parallel_loop3A_215 = tpu.vector_load_idx %arg8[%parallel_loop3A_214] : memref<16512xf32, #tpu.memory_space<vmem>>[vector<16xi32>], vector<16xf32>,
      %parallel_loop3A_216 = arith.addf %parallel_loop3A_211, %parallel_loop3A_215 : vector<16xf32>
      %parallel_loop3A_217 = arith.constant 7 : i32
      %parallel_loop3A_218 = arith.index_cast %parallel_loop3A_217 : i32 to index
      %parallel_loop3A_219 = arith.index_cast %parallel_loop3A_7 : i32 to index
      %parallel_loop3A_220 = tpu.vector_load %arg13[%parallel_loop3A_218, %parallel_loop3A_219] {strides = array<i32>} : memref<128x128xf32, #tpu.memory_space<vmem>>, vector<16xf32>,
      tpu.vector_store %arg13[%parallel_loop3A_218, %parallel_loop3A_219], %parallel_loop3A_216 {strides = array<i32>} : memref<128x128xf32, #tpu.memory_space<vmem>>, vector<16xf32>,
      %parallel_loop3A_221 = arith.constant 8 : i32
      %parallel_loop3A_222 = vector.broadcast %parallel_loop3A_221 : i32 to vector<16xi32>
      %parallel_loop3A_223 = arith.addi %parallel_loop3A_12, %parallel_loop3A_222 : vector<16xi32>
      %parallel_loop3A_224 = tpu.vector_load_idx %arg8[%parallel_loop3A_223] : memref<16512xf32, #tpu.memory_space<vmem>>[vector<16xi32>], vector<16xf32>,
      %parallel_loop3A_225 = arith.constant 8 : i32
      %parallel_loop3A_226 = vector.broadcast %parallel_loop3A_225 : i32 to vector<16xi32>
      %parallel_loop3A_227 = arith.addi %parallel_loop3A_20, %parallel_loop3A_226 : vector<16xi32>
      %parallel_loop3A_228 = tpu.vector_load_idx %arg8[%parallel_loop3A_227] : memref<16512xf32, #tpu.memory_space<vmem>>[vector<16xi32>], vector<16xf32>,
      %parallel_loop3A_229 = arith.addf %parallel_loop3A_224, %parallel_loop3A_228 : vector<16xf32>
      %parallel_loop3A_230 = arith.constant 8 : i32
      %parallel_loop3A_231 = vector.broadcast %parallel_loop3A_230 : i32 to vector<16xi32>
      %parallel_loop3A_232 = arith.addi %parallel_loop3A_28, %parallel_loop3A_231 : vector<16xi32>
      %parallel_loop3A_233 = tpu.vector_load_idx %arg8[%parallel_loop3A_232] : memref<16512xf32, #tpu.memory_space<vmem>>[vector<16xi32>], vector<16xf32>,
      %parallel_loop3A_234 = arith.addf %parallel_loop3A_229, %parallel_loop3A_233 : vector<16xf32>
      %parallel_loop3A_235 = arith.constant 8 : i32
      %parallel_loop3A_236 = vector.broadcast %parallel_loop3A_235 : i32 to vector<16xi32>
      %parallel_loop3A_237 = arith.addi %parallel_loop3A_36, %parallel_loop3A_236 : vector<16xi32>
      %parallel_loop3A_238 = tpu.vector_load_idx %arg8[%parallel_loop3A_237] : memref<16512xf32, #tpu.memory_space<vmem>>[vector<16xi32>], vector<16xf32>,
      %parallel_loop3A_239 = arith.addf %parallel_loop3A_234, %parallel_loop3A_238 : vector<16xf32>
      %parallel_loop3A_240 = arith.constant 8 : i32
      %parallel_loop3A_241 = arith.index_cast %parallel_loop3A_240 : i32 to index
      %parallel_loop3A_242 = arith.index_cast %parallel_loop3A_7 : i32 to index
      %parallel_loop3A_243 = tpu.vector_load %arg13[%parallel_loop3A_241, %parallel_loop3A_242] {strides = array<i32>} : memref<128x128xf32, #tpu.memory_space<vmem>>, vector<16xf32>,
      tpu.vector_store %arg13[%parallel_loop3A_241, %parallel_loop3A_242], %parallel_loop3A_239 {strides = array<i32>} : memref<128x128xf32, #tpu.memory_space<vmem>>, vector<16xf32>,
      %parallel_loop3A_244 = arith.constant 9 : i32
      %parallel_loop3A_245 = vector.broadcast %parallel_loop3A_244 : i32 to vector<16xi32>
      %parallel_loop3A_246 = arith.addi %parallel_loop3A_12, %parallel_loop3A_245 : vector<16xi32>
      %parallel_loop3A_247 = tpu.vector_load_idx %arg8[%parallel_loop3A_246] : memref<16512xf32, #tpu.memory_space<vmem>>[vector<16xi32>], vector<16xf32>,
      %parallel_loop3A_248 = arith.constant 9 : i32
      %parallel_loop3A_249 = vector.broadcast %parallel_loop3A_248 : i32 to vector<16xi32>
      %parallel_loop3A_250 = arith.addi %parallel_loop3A_20, %parallel_loop3A_249 : vector<16xi32>
      %parallel_loop3A_251 = tpu.vector_load_idx %arg8[%parallel_loop3A_250] : memref<16512xf32, #tpu.memory_space<vmem>>[vector<16xi32>], vector<16xf32>,
      %parallel_loop3A_252 = arith.addf %parallel_loop3A_247, %parallel_loop3A_251 : vector<16xf32>
      %parallel_loop3A_253 = arith.constant 9 : i32
      %parallel_loop3A_254 = vector.broadcast %parallel_loop3A_253 : i32 to vector<16xi32>
      %parallel_loop3A_255 = arith.addi %parallel_loop3A_28, %parallel_loop3A_254 : vector<16xi32>
      %parallel_loop3A_256 = tpu.vector_load_idx %arg8[%parallel_loop3A_255] : memref<16512xf32, #tpu.memory_space<vmem>>[vector<16xi32>], vector<16xf32>,
      %parallel_loop3A_257 = arith.addf %parallel_loop3A_252, %parallel_loop3A_256 : vector<16xf32>
      %parallel_loop3A_258 = arith.constant 9 : i32
      %parallel_loop3A_259 = vector.broadcast %parallel_loop3A_258 : i32 to vector<16xi32>
      %parallel_loop3A_260 = arith.addi %parallel_loop3A_36, %parallel_loop3A_259 : vector<16xi32>
      %parallel_loop3A_261 = tpu.vector_load_idx %arg8[%parallel_loop3A_260] : memref<16512xf32, #tpu.memory_space<vmem>>[vector<16xi32>], vector<16xf32>,
      %parallel_loop3A_262 = arith.addf %parallel_loop3A_257, %parallel_loop3A_261 : vector<16xf32>
      %parallel_loop3A_263 = arith.constant 9 : i32
      %parallel_loop3A_264 = arith.index_cast %parallel_loop3A_263 : i32 to index
      %parallel_loop3A_265 = arith.index_cast %parallel_loop3A_7 : i32 to index
      %parallel_loop3A_266 = tpu.vector_load %arg13[%parallel_loop3A_264, %parallel_loop3A_265] {strides = array<i32>} : memref<128x128xf32, #tpu.memory_space<vmem>>, vector<16xf32>,
      tpu.vector_store %arg13[%parallel_loop3A_264, %parallel_loop3A_265], %parallel_loop3A_262 {strides = array<i32>} : memref<128x128xf32, #tpu.memory_space<vmem>>, vector<16xf32>,
      %parallel_loop3A_267 = arith.constant 10 : i32
      %parallel_loop3A_268 = vector.broadcast %parallel_loop3A_267 : i32 to vector<16xi32>
      %parallel_loop3A_269 = arith.addi %parallel_loop3A_12, %parallel_loop3A_268 : vector<16xi32>
      %parallel_loop3A_270 = tpu.vector_load_idx %arg8[%parallel_loop3A_269] : memref<16512xf32, #tpu.memory_space<vmem>>[vector<16xi32>], vector<16xf32>,
      %parallel_loop3A_271 = arith.constant 10 : i32
      %parallel_loop3A_272 = vector.broadcast %parallel_loop3A_271 : i32 to vector<16xi32>
      %parallel_loop3A_273 = arith.addi %parallel_loop3A_20, %parallel_loop3A_272 : vector<16xi32>
      %parallel_loop3A_274 = tpu.vector_load_idx %arg8[%parallel_loop3A_273] : memref<16512xf32, #tpu.memory_space<vmem>>[vector<16xi32>], vector<16xf32>,
      %parallel_loop3A_275 = arith.addf %parallel_loop3A_270, %parallel_loop3A_274 : vector<16xf32>
      %parallel_loop3A_276 = arith.constant 10 : i32
      %parallel_loop3A_277 = vector.broadcast %parallel_loop3A_276 : i32 to vector<16xi32>
      %parallel_loop3A_278 = arith.addi %parallel_loop3A_28, %parallel_loop3A_277 : vector<16xi32>
      %parallel_loop3A_279 = tpu.vector_load_idx %arg8[%parallel_loop3A_278] : memref<16512xf32, #tpu.memory_space<vmem>>[vector<16xi32>], vector<16xf32>,
      %parallel_loop3A_280 = arith.addf %parallel_loop3A_275, %parallel_loop3A_279 : vector<16xf32>
      %parallel_loop3A_281 = arith.constant 10 : i32
      %parallel_loop3A_282 = vector.broadcast %parallel_loop3A_281 : i32 to vector<16xi32>
      %parallel_loop3A_283 = arith.addi %parallel_loop3A_36, %parallel_loop3A_282 : vector<16xi32>
      %parallel_loop3A_284 = tpu.vector_load_idx %arg8[%parallel_loop3A_283] : memref<16512xf32, #tpu.memory_space<vmem>>[vector<16xi32>], vector<16xf32>,
      %parallel_loop3A_285 = arith.addf %parallel_loop3A_280, %parallel_loop3A_284 : vector<16xf32>
      %parallel_loop3A_286 = arith.constant 10 : i32
      %parallel_loop3A_287 = arith.index_cast %parallel_loop3A_286 : i32 to index
      %parallel_loop3A_288 = arith.index_cast %parallel_loop3A_7 : i32 to index
      %parallel_loop3A_289 = tpu.vector_load %arg13[%parallel_loop3A_287, %parallel_loop3A_288] {strides = array<i32>} : memref<128x128xf32, #tpu.memory_space<vmem>>, vector<16xf32>,
      tpu.vector_store %arg13[%parallel_loop3A_287, %parallel_loop3A_288], %parallel_loop3A_285 {strides = array<i32>} : memref<128x128xf32, #tpu.memory_space<vmem>>, vector<16xf32>,
      %parallel_loop3A_290 = arith.constant 11 : i32
      %parallel_loop3A_291 = vector.broadcast %parallel_loop3A_290 : i32 to vector<16xi32>
      %parallel_loop3A_292 = arith.addi %parallel_loop3A_12, %parallel_loop3A_291 : vector<16xi32>
      %parallel_loop3A_293 = tpu.vector_load_idx %arg8[%parallel_loop3A_292] : memref<16512xf32, #tpu.memory_space<vmem>>[vector<16xi32>], vector<16xf32>,
      %parallel_loop3A_294 = arith.constant 11 : i32
      %parallel_loop3A_295 = vector.broadcast %parallel_loop3A_294 : i32 to vector<16xi32>
      %parallel_loop3A_296 = arith.addi %parallel_loop3A_20, %parallel_loop3A_295 : vector<16xi32>
      %parallel_loop3A_297 = tpu.vector_load_idx %arg8[%parallel_loop3A_296] : memref<16512xf32, #tpu.memory_space<vmem>>[vector<16xi32>], vector<16xf32>,
      %parallel_loop3A_298 = arith.addf %parallel_loop3A_293, %parallel_loop3A_297 : vector<16xf32>
      %parallel_loop3A_299 = arith.constant 11 : i32
      %parallel_loop3A_300 = vector.broadcast %parallel_loop3A_299 : i32 to vector<16xi32>
      %parallel_loop3A_301 = arith.addi %parallel_loop3A_28, %parallel_loop3A_300 : vector<16xi32>
      %parallel_loop3A_302 = tpu.vector_load_idx %arg8[%parallel_loop3A_301] : memref<16512xf32, #tpu.memory_space<vmem>>[vector<16xi32>], vector<16xf32>,
      %parallel_loop3A_303 = arith.addf %parallel_loop3A_298, %parallel_loop3A_302 : vector<16xf32>
      %parallel_loop3A_304 = arith.constant 11 : i32
      %parallel_loop3A_305 = vector.broadcast %parallel_loop3A_304 : i32 to vector<16xi32>
      %parallel_loop3A_306 = arith.addi %parallel_loop3A_36, %parallel_loop3A_305 : vector<16xi32>
      %parallel_loop3A_307 = tpu.vector_load_idx %arg8[%parallel_loop3A_306] : memref<16512xf32, #tpu.memory_space<vmem>>[vector<16xi32>], vector<16xf32>,
      %parallel_loop3A_308 = arith.addf %parallel_loop3A_303, %parallel_loop3A_307 : vector<16xf32>
      %parallel_loop3A_309 = arith.constant 11 : i32
      %parallel_loop3A_310 = arith.index_cast %parallel_loop3A_309 : i32 to index
      %parallel_loop3A_311 = arith.index_cast %parallel_loop3A_7 : i32 to index
      %parallel_loop3A_312 = tpu.vector_load %arg13[%parallel_loop3A_310, %parallel_loop3A_311] {strides = array<i32>} : memref<128x128xf32, #tpu.memory_space<vmem>>, vector<16xf32>,
      tpu.vector_store %arg13[%parallel_loop3A_310, %parallel_loop3A_311], %parallel_loop3A_308 {strides = array<i32>} : memref<128x128xf32, #tpu.memory_space<vmem>>, vector<16xf32>,
      %parallel_loop3A_313 = arith.constant 12 : i32
      %parallel_loop3A_314 = vector.broadcast %parallel_loop3A_313 : i32 to vector<16xi32>
      %parallel_loop3A_315 = arith.addi %parallel_loop3A_12, %parallel_loop3A_314 : vector<16xi32>
      %parallel_loop3A_316 = tpu.vector_load_idx %arg8[%parallel_loop3A_315] : memref<16512xf32, #tpu.memory_space<vmem>>[vector<16xi32>], vector<16xf32>,
      %parallel_loop3A_317 = arith.constant 12 : i32
      %parallel_loop3A_318 = vector.broadcast %parallel_loop3A_317 : i32 to vector<16xi32>
      %parallel_loop3A_319 = arith.addi %parallel_loop3A_20, %parallel_loop3A_318 : vector<16xi32>
      %parallel_loop3A_320 = tpu.vector_load_idx %arg8[%parallel_loop3A_319] : memref<16512xf32, #tpu.memory_space<vmem>>[vector<16xi32>], vector<16xf32>,
      %parallel_loop3A_321 = arith.addf %parallel_loop3A_316, %parallel_loop3A_320 : vector<16xf32>
      %parallel_loop3A_322 = arith.constant 12 : i32
      %parallel_loop3A_323 = vector.broadcast %parallel_loop3A_322 : i32 to vector<16xi32>
      %parallel_loop3A_324 = arith.addi %parallel_loop3A_28, %parallel_loop3A_323 : vector<16xi32>
      %parallel_loop3A_325 = tpu.vector_load_idx %arg8[%parallel_loop3A_324] : memref<16512xf32, #tpu.memory_space<vmem>>[vector<16xi32>], vector<16xf32>,
      %parallel_loop3A_326 = arith.addf %parallel_loop3A_321, %parallel_loop3A_325 : vector<16xf32>
      %parallel_loop3A_327 = arith.constant 12 : i32
      %parallel_loop3A_328 = vector.broadcast %parallel_loop3A_327 : i32 to vector<16xi32>
      %parallel_loop3A_329 = arith.addi %parallel_loop3A_36, %parallel_loop3A_328 : vector<16xi32>
      %parallel_loop3A_330 = tpu.vector_load_idx %arg8[%parallel_loop3A_329] : memref<16512xf32, #tpu.memory_space<vmem>>[vector<16xi32>], vector<16xf32>,
      %parallel_loop3A_331 = arith.addf %parallel_loop3A_326, %parallel_loop3A_330 : vector<16xf32>
      %parallel_loop3A_332 = arith.constant 12 : i32
      %parallel_loop3A_333 = arith.index_cast %parallel_loop3A_332 : i32 to index
      %parallel_loop3A_334 = arith.index_cast %parallel_loop3A_7 : i32 to index
      %parallel_loop3A_335 = tpu.vector_load %arg13[%parallel_loop3A_333, %parallel_loop3A_334] {strides = array<i32>} : memref<128x128xf32, #tpu.memory_space<vmem>>, vector<16xf32>,
      tpu.vector_store %arg13[%parallel_loop3A_333, %parallel_loop3A_334], %parallel_loop3A_331 {strides = array<i32>} : memref<128x128xf32, #tpu.memory_space<vmem>>, vector<16xf32>,
      %parallel_loop3A_336 = arith.constant 13 : i32
      %parallel_loop3A_337 = vector.broadcast %parallel_loop3A_336 : i32 to vector<16xi32>
      %parallel_loop3A_338 = arith.addi %parallel_loop3A_12, %parallel_loop3A_337 : vector<16xi32>
      %parallel_loop3A_339 = tpu.vector_load_idx %arg8[%parallel_loop3A_338] : memref<16512xf32, #tpu.memory_space<vmem>>[vector<16xi32>], vector<16xf32>,
      %parallel_loop3A_340 = arith.constant 13 : i32
      %parallel_loop3A_341 = vector.broadcast %parallel_loop3A_340 : i32 to vector<16xi32>
      %parallel_loop3A_342 = arith.addi %parallel_loop3A_20, %parallel_loop3A_341 : vector<16xi32>
      %parallel_loop3A_343 = tpu.vector_load_idx %arg8[%parallel_loop3A_342] : memref<16512xf32, #tpu.memory_space<vmem>>[vector<16xi32>], vector<16xf32>,
      %parallel_loop3A_344 = arith.addf %parallel_loop3A_339, %parallel_loop3A_343 : vector<16xf32>
      %parallel_loop3A_345 = arith.constant 13 : i32
      %parallel_loop3A_346 = vector.broadcast %parallel_loop3A_345 : i32 to vector<16xi32>
      %parallel_loop3A_347 = arith.addi %parallel_loop3A_28, %parallel_loop3A_346 : vector<16xi32>
      %parallel_loop3A_348 = tpu.vector_load_idx %arg8[%parallel_loop3A_347] : memref<16512xf32, #tpu.memory_space<vmem>>[vector<16xi32>], vector<16xf32>,
      %parallel_loop3A_349 = arith.addf %parallel_loop3A_344, %parallel_loop3A_348 : vector<16xf32>
      %parallel_loop3A_350 = arith.constant 13 : i32
      %parallel_loop3A_351 = vector.broadcast %parallel_loop3A_350 : i32 to vector<16xi32>
      %parallel_loop3A_352 = arith.addi %parallel_loop3A_36, %parallel_loop3A_351 : vector<16xi32>
      %parallel_loop3A_353 = tpu.vector_load_idx %arg8[%parallel_loop3A_352] : memref<16512xf32, #tpu.memory_space<vmem>>[vector<16xi32>], vector<16xf32>,
      %parallel_loop3A_354 = arith.addf %parallel_loop3A_349, %parallel_loop3A_353 : vector<16xf32>
      %parallel_loop3A_355 = arith.constant 13 : i32
      %parallel_loop3A_356 = arith.index_cast %parallel_loop3A_355 : i32 to index
      %parallel_loop3A_357 = arith.index_cast %parallel_loop3A_7 : i32 to index
      %parallel_loop3A_358 = tpu.vector_load %arg13[%parallel_loop3A_356, %parallel_loop3A_357] {strides = array<i32>} : memref<128x128xf32, #tpu.memory_space<vmem>>, vector<16xf32>,
      tpu.vector_store %arg13[%parallel_loop3A_356, %parallel_loop3A_357], %parallel_loop3A_354 {strides = array<i32>} : memref<128x128xf32, #tpu.memory_space<vmem>>, vector<16xf32>,
      %parallel_loop3A_359 = arith.constant 14 : i32
      %parallel_loop3A_360 = vector.broadcast %parallel_loop3A_359 : i32 to vector<16xi32>
      %parallel_loop3A_361 = arith.addi %parallel_loop3A_12, %parallel_loop3A_360 : vector<16xi32>
      %parallel_loop3A_362 = tpu.vector_load_idx %arg8[%parallel_loop3A_361] : memref<16512xf32, #tpu.memory_space<vmem>>[vector<16xi32>], vector<16xf32>,
      %parallel_loop3A_363 = arith.constant 14 : i32
      %parallel_loop3A_364 = vector.broadcast %parallel_loop3A_363 : i32 to vector<16xi32>
      %parallel_loop3A_365 = arith.addi %parallel_loop3A_20, %parallel_loop3A_364 : vector<16xi32>
      %parallel_loop3A_366 = tpu.vector_load_idx %arg8[%parallel_loop3A_365] : memref<16512xf32, #tpu.memory_space<vmem>>[vector<16xi32>], vector<16xf32>,
      %parallel_loop3A_367 = arith.addf %parallel_loop3A_362, %parallel_loop3A_366 : vector<16xf32>
      %parallel_loop3A_368 = arith.constant 14 : i32
      %parallel_loop3A_369 = vector.broadcast %parallel_loop3A_368 : i32 to vector<16xi32>
      %parallel_loop3A_370 = arith.addi %parallel_loop3A_28, %parallel_loop3A_369 : vector<16xi32>
      %parallel_loop3A_371 = tpu.vector_load_idx %arg8[%parallel_loop3A_370] : memref<16512xf32, #tpu.memory_space<vmem>>[vector<16xi32>], vector<16xf32>,
      %parallel_loop3A_372 = arith.addf %parallel_loop3A_367, %parallel_loop3A_371 : vector<16xf32>
      %parallel_loop3A_373 = arith.constant 14 : i32
      %parallel_loop3A_374 = vector.broadcast %parallel_loop3A_373 : i32 to vector<16xi32>
      %parallel_loop3A_375 = arith.addi %parallel_loop3A_36, %parallel_loop3A_374 : vector<16xi32>
      %parallel_loop3A_376 = tpu.vector_load_idx %arg8[%parallel_loop3A_375] : memref<16512xf32, #tpu.memory_space<vmem>>[vector<16xi32>], vector<16xf32>,
      %parallel_loop3A_377 = arith.addf %parallel_loop3A_372, %parallel_loop3A_376 : vector<16xf32>
      %parallel_loop3A_378 = arith.constant 14 : i32
      %parallel_loop3A_379 = arith.index_cast %parallel_loop3A_378 : i32 to index
      %parallel_loop3A_380 = arith.index_cast %parallel_loop3A_7 : i32 to index
      %parallel_loop3A_381 = tpu.vector_load %arg13[%parallel_loop3A_379, %parallel_loop3A_380] {strides = array<i32>} : memref<128x128xf32, #tpu.memory_space<vmem>>, vector<16xf32>,
      tpu.vector_store %arg13[%parallel_loop3A_379, %parallel_loop3A_380], %parallel_loop3A_377 {strides = array<i32>} : memref<128x128xf32, #tpu.memory_space<vmem>>, vector<16xf32>,
      %parallel_loop3A_382 = arith.constant 15 : i32
      %parallel_loop3A_383 = vector.broadcast %parallel_loop3A_382 : i32 to vector<16xi32>
      %parallel_loop3A_384 = arith.addi %parallel_loop3A_12, %parallel_loop3A_383 : vector<16xi32>
      %parallel_loop3A_385 = tpu.vector_load_idx %arg8[%parallel_loop3A_384] : memref<16512xf32, #tpu.memory_space<vmem>>[vector<16xi32>], vector<16xf32>,
      %parallel_loop3A_386 = arith.constant 15 : i32
      %parallel_loop3A_387 = vector.broadcast %parallel_loop3A_386 : i32 to vector<16xi32>
      %parallel_loop3A_388 = arith.addi %parallel_loop3A_20, %parallel_loop3A_387 : vector<16xi32>
      %parallel_loop3A_389 = tpu.vector_load_idx %arg8[%parallel_loop3A_388] : memref<16512xf32, #tpu.memory_space<vmem>>[vector<16xi32>], vector<16xf32>,
      %parallel_loop3A_390 = arith.addf %parallel_loop3A_385, %parallel_loop3A_389 : vector<16xf32>
      %parallel_loop3A_391 = arith.constant 15 : i32
      %parallel_loop3A_392 = vector.broadcast %parallel_loop3A_391 : i32 to vector<16xi32>
      %parallel_loop3A_393 = arith.addi %parallel_loop3A_28, %parallel_loop3A_392 : vector<16xi32>
      %parallel_loop3A_394 = tpu.vector_load_idx %arg8[%parallel_loop3A_393] : memref<16512xf32, #tpu.memory_space<vmem>>[vector<16xi32>], vector<16xf32>,
      %parallel_loop3A_395 = arith.addf %parallel_loop3A_390, %parallel_loop3A_394 : vector<16xf32>
      %parallel_loop3A_396 = arith.constant 15 : i32
      %parallel_loop3A_397 = vector.broadcast %parallel_loop3A_396 : i32 to vector<16xi32>
      %parallel_loop3A_398 = arith.addi %parallel_loop3A_36, %parallel_loop3A_397 : vector<16xi32>
      %parallel_loop3A_399 = tpu.vector_load_idx %arg8[%parallel_loop3A_398] : memref<16512xf32, #tpu.memory_space<vmem>>[vector<16xi32>], vector<16xf32>,
      %parallel_loop3A_400 = arith.addf %parallel_loop3A_395, %parallel_loop3A_399 : vector<16xf32>
      %parallel_loop3A_401 = arith.constant 15 : i32
      %parallel_loop3A_402 = arith.index_cast %parallel_loop3A_401 : i32 to index
      %parallel_loop3A_403 = arith.index_cast %parallel_loop3A_7 : i32 to index
      %parallel_loop3A_404 = tpu.vector_load %arg13[%parallel_loop3A_402, %parallel_loop3A_403] {strides = array<i32>} : memref<128x128xf32, #tpu.memory_space<vmem>>, vector<16xf32>,
      tpu.vector_store %arg13[%parallel_loop3A_402, %parallel_loop3A_403], %parallel_loop3A_400 {strides = array<i32>} : memref<128x128xf32, #tpu.memory_space<vmem>>, vector<16xf32>,
      %parallel_loop3A_405 = arith.constant 16 : i32
      %parallel_loop3A_406 = vector.broadcast %parallel_loop3A_405 : i32 to vector<16xi32>
      %parallel_loop3A_407 = arith.addi %parallel_loop3A_12, %parallel_loop3A_406 : vector<16xi32>
      %parallel_loop3A_408 = tpu.vector_load_idx %arg8[%parallel_loop3A_407] : memref<16512xf32, #tpu.memory_space<vmem>>[vector<16xi32>], vector<16xf32>,
      %parallel_loop3A_409 = arith.constant 16 : i32
      %parallel_loop3A_410 = vector.broadcast %parallel_loop3A_409 : i32 to vector<16xi32>
      %parallel_loop3A_411 = arith.addi %parallel_loop3A_20, %parallel_loop3A_410 : vector<16xi32>
      %parallel_loop3A_412 = tpu.vector_load_idx %arg8[%parallel_loop3A_411] : memref<16512xf32, #tpu.memory_space<vmem>>[vector<16xi32>], vector<16xf32>,
      %parallel_loop3A_413 = arith.addf %parallel_loop3A_408, %parallel_loop3A_412 : vector<16xf32>
      %parallel_loop3A_414 = arith.constant 16 : i32
      %parallel_loop3A_415 = vector.broadcast %parallel_loop3A_414 : i32 to vector<16xi32>
      %parallel_loop3A_416 = arith.addi %parallel_loop3A_28, %parallel_loop3A_415 : vector<16xi32>
      %parallel_loop3A_417 = tpu.vector_load_idx %arg8[%parallel_loop3A_416] : memref<16512xf32, #tpu.memory_space<vmem>>[vector<16xi32>], vector<16xf32>,
      %parallel_loop3A_418 = arith.addf %parallel_loop3A_413, %parallel_loop3A_417 : vector<16xf32>
      %parallel_loop3A_419 = arith.constant 16 : i32
      %parallel_loop3A_420 = vector.broadcast %parallel_loop3A_419 : i32 to vector<16xi32>
      %parallel_loop3A_421 = arith.addi %parallel_loop3A_36, %parallel_loop3A_420 : vector<16xi32>
      %parallel_loop3A_422 = tpu.vector_load_idx %arg8[%parallel_loop3A_421] : memref<16512xf32, #tpu.memory_space<vmem>>[vector<16xi32>], vector<16xf32>,
      %parallel_loop3A_423 = arith.addf %parallel_loop3A_418, %parallel_loop3A_422 : vector<16xf32>
      %parallel_loop3A_424 = arith.constant 16 : i32
      %parallel_loop3A_425 = arith.index_cast %parallel_loop3A_424 : i32 to index
      %parallel_loop3A_426 = arith.index_cast %parallel_loop3A_7 : i32 to index
      %parallel_loop3A_427 = tpu.vector_load %arg13[%parallel_loop3A_425, %parallel_loop3A_426] {strides = array<i32>} : memref<128x128xf32, #tpu.memory_space<vmem>>, vector<16xf32>,
      tpu.vector_store %arg13[%parallel_loop3A_425, %parallel_loop3A_426], %parallel_loop3A_423 {strides = array<i32>} : memref<128x128xf32, #tpu.memory_space<vmem>>, vector<16xf32>,
      %parallel_loop3A_428 = arith.constant 17 : i32
      %parallel_loop3A_429 = vector.broadcast %parallel_loop3A_428 : i32 to vector<16xi32>
      %parallel_loop3A_430 = arith.addi %parallel_loop3A_12, %parallel_loop3A_429 : vector<16xi32>
      %parallel_loop3A_431 = tpu.vector_load_idx %arg8[%parallel_loop3A_430] : memref<16512xf32, #tpu.memory_space<vmem>>[vector<16xi32>], vector<16xf32>,
      %parallel_loop3A_432 = arith.constant 17 : i32
      %parallel_loop3A_433 = vector.broadcast %parallel_loop3A_432 : i32 to vector<16xi32>
      %parallel_loop3A_434 = arith.addi %parallel_loop3A_20, %parallel_loop3A_433 : vector<16xi32>
      %parallel_loop3A_435 = tpu.vector_load_idx %arg8[%parallel_loop3A_434] : memref<16512xf32, #tpu.memory_space<vmem>>[vector<16xi32>], vector<16xf32>,
      %parallel_loop3A_436 = arith.addf %parallel_loop3A_431, %parallel_loop3A_435 : vector<16xf32>
      %parallel_loop3A_437 = arith.constant 17 : i32
      %parallel_loop3A_438 = vector.broadcast %parallel_loop3A_437 : i32 to vector<16xi32>
      %parallel_loop3A_439 = arith.addi %parallel_loop3A_28, %parallel_loop3A_438 : vector<16xi32>
      %parallel_loop3A_440 = tpu.vector_load_idx %arg8[%parallel_loop3A_439] : memref<16512xf32, #tpu.memory_space<vmem>>[vector<16xi32>], vector<16xf32>,
      %parallel_loop3A_441 = arith.addf %parallel_loop3A_436, %parallel_loop3A_440 : vector<16xf32>
      %parallel_loop3A_442 = arith.constant 17 : i32
      %parallel_loop3A_443 = vector.broadcast %parallel_loop3A_442 : i32 to vector<16xi32>
      %parallel_loop3A_444 = arith.addi %parallel_loop3A_36, %parallel_loop3A_443 : vector<16xi32>
      %parallel_loop3A_445 = tpu.vector_load_idx %arg8[%parallel_loop3A_444] : memref<16512xf32, #tpu.memory_space<vmem>>[vector<16xi32>], vector<16xf32>,
      %parallel_loop3A_446 = arith.addf %parallel_loop3A_441, %parallel_loop3A_445 : vector<16xf32>
      %parallel_loop3A_447 = arith.constant 17 : i32
      %parallel_loop3A_448 = arith.index_cast %parallel_loop3A_447 : i32 to index
      %parallel_loop3A_449 = arith.index_cast %parallel_loop3A_7 : i32 to index
      %parallel_loop3A_450 = tpu.vector_load %arg13[%parallel_loop3A_448, %parallel_loop3A_449] {strides = array<i32>} : memref<128x128xf32, #tpu.memory_space<vmem>>, vector<16xf32>,
      tpu.vector_store %arg13[%parallel_loop3A_448, %parallel_loop3A_449], %parallel_loop3A_446 {strides = array<i32>} : memref<128x128xf32, #tpu.memory_space<vmem>>, vector<16xf32>,
      %parallel_loop3A_451 = arith.constant 18 : i32
      %parallel_loop3A_452 = vector.broadcast %parallel_loop3A_451 : i32 to vector<16xi32>
      %parallel_loop3A_453 = arith.addi %parallel_loop3A_12, %parallel_loop3A_452 : vector<16xi32>
      %parallel_loop3A_454 = tpu.vector_load_idx %arg8[%parallel_loop3A_453] : memref<16512xf32, #tpu.memory_space<vmem>>[vector<16xi32>], vector<16xf32>,
      %parallel_loop3A_455 = arith.constant 18 : i32
      %parallel_loop3A_456 = vector.broadcast %parallel_loop3A_455 : i32 to vector<16xi32>
      %parallel_loop3A_457 = arith.addi %parallel_loop3A_20, %parallel_loop3A_456 : vector<16xi32>
      %parallel_loop3A_458 = tpu.vector_load_idx %arg8[%parallel_loop3A_457] : memref<16512xf32, #tpu.memory_space<vmem>>[vector<16xi32>], vector<16xf32>,
      %parallel_loop3A_459 = arith.addf %parallel_loop3A_454, %parallel_loop3A_458 : vector<16xf32>
      %parallel_loop3A_460 = arith.constant 18 : i32
      %parallel_loop3A_461 = vector.broadcast %parallel_loop3A_460 : i32 to vector<16xi32>
      %parallel_loop3A_462 = arith.addi %parallel_loop3A_28, %parallel_loop3A_461 : vector<16xi32>
      %parallel_loop3A_463 = tpu.vector_load_idx %arg8[%parallel_loop3A_462] : memref<16512xf32, #tpu.memory_space<vmem>>[vector<16xi32>], vector<16xf32>,
      %parallel_loop3A_464 = arith.addf %parallel_loop3A_459, %parallel_loop3A_463 : vector<16xf32>
      %parallel_loop3A_465 = arith.constant 18 : i32
      %parallel_loop3A_466 = vector.broadcast %parallel_loop3A_465 : i32 to vector<16xi32>
      %parallel_loop3A_467 = arith.addi %parallel_loop3A_36, %parallel_loop3A_466 : vector<16xi32>
      %parallel_loop3A_468 = tpu.vector_load_idx %arg8[%parallel_loop3A_467] : memref<16512xf32, #tpu.memory_space<vmem>>[vector<16xi32>], vector<16xf32>,
      %parallel_loop3A_469 = arith.addf %parallel_loop3A_464, %parallel_loop3A_468 : vector<16xf32>
      %parallel_loop3A_470 = arith.constant 18 : i32
      %parallel_loop3A_471 = arith.index_cast %parallel_loop3A_470 : i32 to index
      %parallel_loop3A_472 = arith.index_cast %parallel_loop3A_7 : i32 to index
      %parallel_loop3A_473 = tpu.vector_load %arg13[%parallel_loop3A_471, %parallel_loop3A_472] {strides = array<i32>} : memref<128x128xf32, #tpu.memory_space<vmem>>, vector<16xf32>,
      tpu.vector_store %arg13[%parallel_loop3A_471, %parallel_loop3A_472], %parallel_loop3A_469 {strides = array<i32>} : memref<128x128xf32, #tpu.memory_space<vmem>>, vector<16xf32>,
      %parallel_loop3A_474 = arith.constant 19 : i32
      %parallel_loop3A_475 = vector.broadcast %parallel_loop3A_474 : i32 to vector<16xi32>
      %parallel_loop3A_476 = arith.addi %parallel_loop3A_12, %parallel_loop3A_475 : vector<16xi32>
      %parallel_loop3A_477 = tpu.vector_load_idx %arg8[%parallel_loop3A_476] : memref<16512xf32, #tpu.memory_space<vmem>>[vector<16xi32>], vector<16xf32>,
      %parallel_loop3A_478 = arith.constant 19 : i32
      %parallel_loop3A_479 = vector.broadcast %parallel_loop3A_478 : i32 to vector<16xi32>
      %parallel_loop3A_480 = arith.addi %parallel_loop3A_20, %parallel_loop3A_479 : vector<16xi32>
      %parallel_loop3A_481 = tpu.vector_load_idx %arg8[%parallel_loop3A_480] : memref<16512xf32, #tpu.memory_space<vmem>>[vector<16xi32>], vector<16xf32>,
      %parallel_loop3A_482 = arith.addf %parallel_loop3A_477, %parallel_loop3A_481 : vector<16xf32>
      %parallel_loop3A_483 = arith.constant 19 : i32
      %parallel_loop3A_484 = vector.broadcast %parallel_loop3A_483 : i32 to vector<16xi32>
      %parallel_loop3A_485 = arith.addi %parallel_loop3A_28, %parallel_loop3A_484 : vector<16xi32>
      %parallel_loop3A_486 = tpu.vector_load_idx %arg8[%parallel_loop3A_485] : memref<16512xf32, #tpu.memory_space<vmem>>[vector<16xi32>], vector<16xf32>,
      %parallel_loop3A_487 = arith.addf %parallel_loop3A_482, %parallel_loop3A_486 : vector<16xf32>
      %parallel_loop3A_488 = arith.constant 19 : i32
      %parallel_loop3A_489 = vector.broadcast %parallel_loop3A_488 : i32 to vector<16xi32>
      %parallel_loop3A_490 = arith.addi %parallel_loop3A_36, %parallel_loop3A_489 : vector<16xi32>
      %parallel_loop3A_491 = tpu.vector_load_idx %arg8[%parallel_loop3A_490] : memref<16512xf32, #tpu.memory_space<vmem>>[vector<16xi32>], vector<16xf32>,
      %parallel_loop3A_492 = arith.addf %parallel_loop3A_487, %parallel_loop3A_491 : vector<16xf32>
      %parallel_loop3A_493 = arith.constant 19 : i32
      %parallel_loop3A_494 = arith.index_cast %parallel_loop3A_493 : i32 to index
      %parallel_loop3A_495 = arith.index_cast %parallel_loop3A_7 : i32 to index
      %parallel_loop3A_496 = tpu.vector_load %arg13[%parallel_loop3A_494, %parallel_loop3A_495] {strides = array<i32>} : memref<128x128xf32, #tpu.memory_space<vmem>>, vector<16xf32>,
      tpu.vector_store %arg13[%parallel_loop3A_494, %parallel_loop3A_495], %parallel_loop3A_492 {strides = array<i32>} : memref<128x128xf32, #tpu.memory_space<vmem>>, vector<16xf32>,
      %parallel_loop3A_497 = arith.constant 20 : i32
      %parallel_loop3A_498 = vector.broadcast %parallel_loop3A_497 : i32 to vector<16xi32>
      %parallel_loop3A_499 = arith.addi %parallel_loop3A_12, %parallel_loop3A_498 : vector<16xi32>
      %parallel_loop3A_500 = tpu.vector_load_idx %arg8[%parallel_loop3A_499] : memref<16512xf32, #tpu.memory_space<vmem>>[vector<16xi32>], vector<16xf32>,
      %parallel_loop3A_501 = arith.constant 20 : i32
      %parallel_loop3A_502 = vector.broadcast %parallel_loop3A_501 : i32 to vector<16xi32>
      %parallel_loop3A_503 = arith.addi %parallel_loop3A_20, %parallel_loop3A_502 : vector<16xi32>
      %parallel_loop3A_504 = tpu.vector_load_idx %arg8[%parallel_loop3A_503] : memref<16512xf32, #tpu.memory_space<vmem>>[vector<16xi32>], vector<16xf32>,
      %parallel_loop3A_505 = arith.addf %parallel_loop3A_500, %parallel_loop3A_504 : vector<16xf32>
      %parallel_loop3A_506 = arith.constant 20 : i32
      %parallel_loop3A_507 = vector.broadcast %parallel_loop3A_506 : i32 to vector<16xi32>
      %parallel_loop3A_508 = arith.addi %parallel_loop3A_28, %parallel_loop3A_507 : vector<16xi32>
      %parallel_loop3A_509 = tpu.vector_load_idx %arg8[%parallel_loop3A_508] : memref<16512xf32, #tpu.memory_space<vmem>>[vector<16xi32>], vector<16xf32>,
      %parallel_loop3A_510 = arith.addf %parallel_loop3A_505, %parallel_loop3A_509 : vector<16xf32>
      %parallel_loop3A_511 = arith.constant 20 : i32
      %parallel_loop3A_512 = vector.broadcast %parallel_loop3A_511 : i32 to vector<16xi32>
      %parallel_loop3A_513 = arith.addi %parallel_loop3A_36, %parallel_loop3A_512 : vector<16xi32>
      %parallel_loop3A_514 = tpu.vector_load_idx %arg8[%parallel_loop3A_513] : memref<16512xf32, #tpu.memory_space<vmem>>[vector<16xi32>], vector<16xf32>,
      %parallel_loop3A_515 = arith.addf %parallel_loop3A_510, %parallel_loop3A_514 : vector<16xf32>
      %parallel_loop3A_516 = arith.constant 20 : i32
      %parallel_loop3A_517 = arith.index_cast %parallel_loop3A_516 : i32 to index
      %parallel_loop3A_518 = arith.index_cast %parallel_loop3A_7 : i32 to index
      %parallel_loop3A_519 = tpu.vector_load %arg13[%parallel_loop3A_517, %parallel_loop3A_518] {strides = array<i32>} : memref<128x128xf32, #tpu.memory_space<vmem>>, vector<16xf32>,
      tpu.vector_store %arg13[%parallel_loop3A_517, %parallel_loop3A_518], %parallel_loop3A_515 {strides = array<i32>} : memref<128x128xf32, #tpu.memory_space<vmem>>, vector<16xf32>,
      %parallel_loop3A_520 = arith.constant 21 : i32
      %parallel_loop3A_521 = vector.broadcast %parallel_loop3A_520 : i32 to vector<16xi32>
      %parallel_loop3A_522 = arith.addi %parallel_loop3A_12, %parallel_loop3A_521 : vector<16xi32>
      %parallel_loop3A_523 = tpu.vector_load_idx %arg8[%parallel_loop3A_522] : memref<16512xf32, #tpu.memory_space<vmem>>[vector<16xi32>], vector<16xf32>,
      %parallel_loop3A_524 = arith.constant 21 : i32
      %parallel_loop3A_525 = vector.broadcast %parallel_loop3A_524 : i32 to vector<16xi32>
      %parallel_loop3A_526 = arith.addi %parallel_loop3A_20, %parallel_loop3A_525 : vector<16xi32>
      %parallel_loop3A_527 = tpu.vector_load_idx %arg8[%parallel_loop3A_526] : memref<16512xf32, #tpu.memory_space<vmem>>[vector<16xi32>], vector<16xf32>,
      %parallel_loop3A_528 = arith.addf %parallel_loop3A_523, %parallel_loop3A_527 : vector<16xf32>
      %parallel_loop3A_529 = arith.constant 21 : i32
      %parallel_loop3A_530 = vector.broadcast %parallel_loop3A_529 : i32 to vector<16xi32>
      %parallel_loop3A_531 = arith.addi %parallel_loop3A_28, %parallel_loop3A_530 : vector<16xi32>
      %parallel_loop3A_532 = tpu.vector_load_idx %arg8[%parallel_loop3A_531] : memref<16512xf32, #tpu.memory_space<vmem>>[vector<16xi32>], vector<16xf32>,
      %parallel_loop3A_533 = arith.addf %parallel_loop3A_528, %parallel_loop3A_532 : vector<16xf32>
      %parallel_loop3A_534 = arith.constant 21 : i32
      %parallel_loop3A_535 = vector.broadcast %parallel_loop3A_534 : i32 to vector<16xi32>
      %parallel_loop3A_536 = arith.addi %parallel_loop3A_36, %parallel_loop3A_535 : vector<16xi32>
      %parallel_loop3A_537 = tpu.vector_load_idx %arg8[%parallel_loop3A_536] : memref<16512xf32, #tpu.memory_space<vmem>>[vector<16xi32>], vector<16xf32>,
      %parallel_loop3A_538 = arith.addf %parallel_loop3A_533, %parallel_loop3A_537 : vector<16xf32>
      %parallel_loop3A_539 = arith.constant 21 : i32
      %parallel_loop3A_540 = arith.index_cast %parallel_loop3A_539 : i32 to index
      %parallel_loop3A_541 = arith.index_cast %parallel_loop3A_7 : i32 to index
      %parallel_loop3A_542 = tpu.vector_load %arg13[%parallel_loop3A_540, %parallel_loop3A_541] {strides = array<i32>} : memref<128x128xf32, #tpu.memory_space<vmem>>, vector<16xf32>,
      tpu.vector_store %arg13[%parallel_loop3A_540, %parallel_loop3A_541], %parallel_loop3A_538 {strides = array<i32>} : memref<128x128xf32, #tpu.memory_space<vmem>>, vector<16xf32>,
      %parallel_loop3A_543 = arith.constant 22 : i32
      %parallel_loop3A_544 = vector.broadcast %parallel_loop3A_543 : i32 to vector<16xi32>
      %parallel_loop3A_545 = arith.addi %parallel_loop3A_12, %parallel_loop3A_544 : vector<16xi32>
      %parallel_loop3A_546 = tpu.vector_load_idx %arg8[%parallel_loop3A_545] : memref<16512xf32, #tpu.memory_space<vmem>>[vector<16xi32>], vector<16xf32>,
      %parallel_loop3A_547 = arith.constant 22 : i32
      %parallel_loop3A_548 = vector.broadcast %parallel_loop3A_547 : i32 to vector<16xi32>
      %parallel_loop3A_549 = arith.addi %parallel_loop3A_20, %parallel_loop3A_548 : vector<16xi32>
      %parallel_loop3A_550 = tpu.vector_load_idx %arg8[%parallel_loop3A_549] : memref<16512xf32, #tpu.memory_space<vmem>>[vector<16xi32>], vector<16xf32>,
      %parallel_loop3A_551 = arith.addf %parallel_loop3A_546, %parallel_loop3A_550 : vector<16xf32>
      %parallel_loop3A_552 = arith.constant 22 : i32
      %parallel_loop3A_553 = vector.broadcast %parallel_loop3A_552 : i32 to vector<16xi32>
      %parallel_loop3A_554 = arith.addi %parallel_loop3A_28, %parallel_loop3A_553 : vector<16xi32>
      %parallel_loop3A_555 = tpu.vector_load_idx %arg8[%parallel_loop3A_554] : memref<16512xf32, #tpu.memory_space<vmem>>[vector<16xi32>], vector<16xf32>,
      %parallel_loop3A_556 = arith.addf %parallel_loop3A_551, %parallel_loop3A_555 : vector<16xf32>
      %parallel_loop3A_557 = arith.constant 22 : i32
      %parallel_loop3A_558 = vector.broadcast %parallel_loop3A_557 : i32 to vector<16xi32>
      %parallel_loop3A_559 = arith.addi %parallel_loop3A_36, %parallel_loop3A_558 : vector<16xi32>
      %parallel_loop3A_560 = tpu.vector_load_idx %arg8[%parallel_loop3A_559] : memref<16512xf32, #tpu.memory_space<vmem>>[vector<16xi32>], vector<16xf32>,
      %parallel_loop3A_561 = arith.addf %parallel_loop3A_556, %parallel_loop3A_560 : vector<16xf32>
      %parallel_loop3A_562 = arith.constant 22 : i32
      %parallel_loop3A_563 = arith.index_cast %parallel_loop3A_562 : i32 to index
      %parallel_loop3A_564 = arith.index_cast %parallel_loop3A_7 : i32 to index
      %parallel_loop3A_565 = tpu.vector_load %arg13[%parallel_loop3A_563, %parallel_loop3A_564] {strides = array<i32>} : memref<128x128xf32, #tpu.memory_space<vmem>>, vector<16xf32>,
      tpu.vector_store %arg13[%parallel_loop3A_563, %parallel_loop3A_564], %parallel_loop3A_561 {strides = array<i32>} : memref<128x128xf32, #tpu.memory_space<vmem>>, vector<16xf32>,
      %parallel_loop3A_566 = arith.constant 23 : i32
      %parallel_loop3A_567 = vector.broadcast %parallel_loop3A_566 : i32 to vector<16xi32>
      %parallel_loop3A_568 = arith.addi %parallel_loop3A_12, %parallel_loop3A_567 : vector<16xi32>
      %parallel_loop3A_569 = tpu.vector_load_idx %arg8[%parallel_loop3A_568] : memref<16512xf32, #tpu.memory_space<vmem>>[vector<16xi32>], vector<16xf32>,
      %parallel_loop3A_570 = arith.constant 23 : i32
      %parallel_loop3A_571 = vector.broadcast %parallel_loop3A_570 : i32 to vector<16xi32>
      %parallel_loop3A_572 = arith.addi %parallel_loop3A_20, %parallel_loop3A_571 : vector<16xi32>
      %parallel_loop3A_573 = tpu.vector_load_idx %arg8[%parallel_loop3A_572] : memref<16512xf32, #tpu.memory_space<vmem>>[vector<16xi32>], vector<16xf32>,
      %parallel_loop3A_574 = arith.addf %parallel_loop3A_569, %parallel_loop3A_573 : vector<16xf32>
      %parallel_loop3A_575 = arith.constant 23 : i32
      %parallel_loop3A_576 = vector.broadcast %parallel_loop3A_575 : i32 to vector<16xi32>
      %parallel_loop3A_577 = arith.addi %parallel_loop3A_28, %parallel_loop3A_576 : vector<16xi32>
      %parallel_loop3A_578 = tpu.vector_load_idx %arg8[%parallel_loop3A_577] : memref<16512xf32, #tpu.memory_space<vmem>>[vector<16xi32>], vector<16xf32>,
      %parallel_loop3A_579 = arith.addf %parallel_loop3A_574, %parallel_loop3A_578 : vector<16xf32>
      %parallel_loop3A_580 = arith.constant 23 : i32
      %parallel_loop3A_581 = vector.broadcast %parallel_loop3A_580 : i32 to vector<16xi32>
      %parallel_loop3A_582 = arith.addi %parallel_loop3A_36, %parallel_loop3A_581 : vector<16xi32>
      %parallel_loop3A_583 = tpu.vector_load_idx %arg8[%parallel_loop3A_582] : memref<16512xf32, #tpu.memory_space<vmem>>[vector<16xi32>], vector<16xf32>,
      %parallel_loop3A_584 = arith.addf %parallel_loop3A_579, %parallel_loop3A_583 : vector<16xf32>
      %parallel_loop3A_585 = arith.constant 23 : i32
      %parallel_loop3A_586 = arith.index_cast %parallel_loop3A_585 : i32 to index
      %parallel_loop3A_587 = arith.index_cast %parallel_loop3A_7 : i32 to index
      %parallel_loop3A_588 = tpu.vector_load %arg13[%parallel_loop3A_586, %parallel_loop3A_587] {strides = array<i32>} : memref<128x128xf32, #tpu.memory_space<vmem>>, vector<16xf32>,
      tpu.vector_store %arg13[%parallel_loop3A_586, %parallel_loop3A_587], %parallel_loop3A_584 {strides = array<i32>} : memref<128x128xf32, #tpu.memory_space<vmem>>, vector<16xf32>,
      %parallel_loop3A_589 = arith.constant 24 : i32
      %parallel_loop3A_590 = vector.broadcast %parallel_loop3A_589 : i32 to vector<16xi32>
      %parallel_loop3A_591 = arith.addi %parallel_loop3A_12, %parallel_loop3A_590 : vector<16xi32>
      %parallel_loop3A_592 = tpu.vector_load_idx %arg8[%parallel_loop3A_591] : memref<16512xf32, #tpu.memory_space<vmem>>[vector<16xi32>], vector<16xf32>,
      %parallel_loop3A_593 = arith.constant 24 : i32
      %parallel_loop3A_594 = vector.broadcast %parallel_loop3A_593 : i32 to vector<16xi32>
      %parallel_loop3A_595 = arith.addi %parallel_loop3A_20, %parallel_loop3A_594 : vector<16xi32>
      %parallel_loop3A_596 = tpu.vector_load_idx %arg8[%parallel_loop3A_595] : memref<16512xf32, #tpu.memory_space<vmem>>[vector<16xi32>], vector<16xf32>,
      %parallel_loop3A_597 = arith.addf %parallel_loop3A_592, %parallel_loop3A_596 : vector<16xf32>
      %parallel_loop3A_598 = arith.constant 24 : i32
      %parallel_loop3A_599 = vector.broadcast %parallel_loop3A_598 : i32 to vector<16xi32>
      %parallel_loop3A_600 = arith.addi %parallel_loop3A_28, %parallel_loop3A_599 : vector<16xi32>
      %parallel_loop3A_601 = tpu.vector_load_idx %arg8[%parallel_loop3A_600] : memref<16512xf32, #tpu.memory_space<vmem>>[vector<16xi32>], vector<16xf32>,
      %parallel_loop3A_602 = arith.addf %parallel_loop3A_597, %parallel_loop3A_601 : vector<16xf32>
      %parallel_loop3A_603 = arith.constant 24 : i32
      %parallel_loop3A_604 = vector.broadcast %parallel_loop3A_603 : i32 to vector<16xi32>
      %parallel_loop3A_605 = arith.addi %parallel_loop3A_36, %parallel_loop3A_604 : vector<16xi32>
      %parallel_loop3A_606 = tpu.vector_load_idx %arg8[%parallel_loop3A_605] : memref<16512xf32, #tpu.memory_space<vmem>>[vector<16xi32>], vector<16xf32>,
      %parallel_loop3A_607 = arith.addf %parallel_loop3A_602, %parallel_loop3A_606 : vector<16xf32>
      %parallel_loop3A_608 = arith.constant 24 : i32
      %parallel_loop3A_609 = arith.index_cast %parallel_loop3A_608 : i32 to index
      %parallel_loop3A_610 = arith.index_cast %parallel_loop3A_7 : i32 to index
      %parallel_loop3A_611 = tpu.vector_load %arg13[%parallel_loop3A_609, %parallel_loop3A_610] {strides = array<i32>} : memref<128x128xf32, #tpu.memory_space<vmem>>, vector<16xf32>,
      tpu.vector_store %arg13[%parallel_loop3A_609, %parallel_loop3A_610], %parallel_loop3A_607 {strides = array<i32>} : memref<128x128xf32, #tpu.memory_space<vmem>>, vector<16xf32>,
      %parallel_loop3A_612 = arith.constant 25 : i32
      %parallel_loop3A_613 = vector.broadcast %parallel_loop3A_612 : i32 to vector<16xi32>
      %parallel_loop3A_614 = arith.addi %parallel_loop3A_12, %parallel_loop3A_613 : vector<16xi32>
      %parallel_loop3A_615 = tpu.vector_load_idx %arg8[%parallel_loop3A_614] : memref<16512xf32, #tpu.memory_space<vmem>>[vector<16xi32>], vector<16xf32>,
      %parallel_loop3A_616 = arith.constant 25 : i32
      %parallel_loop3A_617 = vector.broadcast %parallel_loop3A_616 : i32 to vector<16xi32>
      %parallel_loop3A_618 = arith.addi %parallel_loop3A_20, %parallel_loop3A_617 : vector<16xi32>
      %parallel_loop3A_619 = tpu.vector_load_idx %arg8[%parallel_loop3A_618] : memref<16512xf32, #tpu.memory_space<vmem>>[vector<16xi32>], vector<16xf32>,
      %parallel_loop3A_620 = arith.addf %parallel_loop3A_615, %parallel_loop3A_619 : vector<16xf32>
      %parallel_loop3A_621 = arith.constant 25 : i32
      %parallel_loop3A_622 = vector.broadcast %parallel_loop3A_621 : i32 to vector<16xi32>
      %parallel_loop3A_623 = arith.addi %parallel_loop3A_28, %parallel_loop3A_622 : vector<16xi32>
      %parallel_loop3A_624 = tpu.vector_load_idx %arg8[%parallel_loop3A_623] : memref<16512xf32, #tpu.memory_space<vmem>>[vector<16xi32>], vector<16xf32>,
      %parallel_loop3A_625 = arith.addf %parallel_loop3A_620, %parallel_loop3A_624 : vector<16xf32>
      %parallel_loop3A_626 = arith.constant 25 : i32
      %parallel_loop3A_627 = vector.broadcast %parallel_loop3A_626 : i32 to vector<16xi32>
      %parallel_loop3A_628 = arith.addi %parallel_loop3A_36, %parallel_loop3A_627 : vector<16xi32>
      %parallel_loop3A_629 = tpu.vector_load_idx %arg8[%parallel_loop3A_628] : memref<16512xf32, #tpu.memory_space<vmem>>[vector<16xi32>], vector<16xf32>,
      %parallel_loop3A_630 = arith.addf %parallel_loop3A_625, %parallel_loop3A_629 : vector<16xf32>
      %parallel_loop3A_631 = arith.constant 25 : i32
      %parallel_loop3A_632 = arith.index_cast %parallel_loop3A_631 : i32 to index
      %parallel_loop3A_633 = arith.index_cast %parallel_loop3A_7 : i32 to index
      %parallel_loop3A_634 = tpu.vector_load %arg13[%parallel_loop3A_632, %parallel_loop3A_633] {strides = array<i32>} : memref<128x128xf32, #tpu.memory_space<vmem>>, vector<16xf32>,
      tpu.vector_store %arg13[%parallel_loop3A_632, %parallel_loop3A_633], %parallel_loop3A_630 {strides = array<i32>} : memref<128x128xf32, #tpu.memory_space<vmem>>, vector<16xf32>,
      %parallel_loop3A_635 = arith.constant 26 : i32
      %parallel_loop3A_636 = vector.broadcast %parallel_loop3A_635 : i32 to vector<16xi32>
      %parallel_loop3A_637 = arith.addi %parallel_loop3A_12, %parallel_loop3A_636 : vector<16xi32>
      %parallel_loop3A_638 = tpu.vector_load_idx %arg8[%parallel_loop3A_637] : memref<16512xf32, #tpu.memory_space<vmem>>[vector<16xi32>], vector<16xf32>,
      %parallel_loop3A_639 = arith.constant 26 : i32
      %parallel_loop3A_640 = vector.broadcast %parallel_loop3A_639 : i32 to vector<16xi32>
      %parallel_loop3A_641 = arith.addi %parallel_loop3A_20, %parallel_loop3A_640 : vector<16xi32>
      %parallel_loop3A_642 = tpu.vector_load_idx %arg8[%parallel_loop3A_641] : memref<16512xf32, #tpu.memory_space<vmem>>[vector<16xi32>], vector<16xf32>,
      %parallel_loop3A_643 = arith.addf %parallel_loop3A_638, %parallel_loop3A_642 : vector<16xf32>
      %parallel_loop3A_644 = arith.constant 26 : i32
      %parallel_loop3A_645 = vector.broadcast %parallel_loop3A_644 : i32 to vector<16xi32>
      %parallel_loop3A_646 = arith.addi %parallel_loop3A_28, %parallel_loop3A_645 : vector<16xi32>
      %parallel_loop3A_647 = tpu.vector_load_idx %arg8[%parallel_loop3A_646] : memref<16512xf32, #tpu.memory_space<vmem>>[vector<16xi32>], vector<16xf32>,
      %parallel_loop3A_648 = arith.addf %parallel_loop3A_643, %parallel_loop3A_647 : vector<16xf32>
      %parallel_loop3A_649 = arith.constant 26 : i32
      %parallel_loop3A_650 = vector.broadcast %parallel_loop3A_649 : i32 to vector<16xi32>
      %parallel_loop3A_651 = arith.addi %parallel_loop3A_36, %parallel_loop3A_650 : vector<16xi32>
      %parallel_loop3A_652 = tpu.vector_load_idx %arg8[%parallel_loop3A_651] : memref<16512xf32, #tpu.memory_space<vmem>>[vector<16xi32>], vector<16xf32>,
      %parallel_loop3A_653 = arith.addf %parallel_loop3A_648, %parallel_loop3A_652 : vector<16xf32>
      %parallel_loop3A_654 = arith.constant 26 : i32
      %parallel_loop3A_655 = arith.index_cast %parallel_loop3A_654 : i32 to index
      %parallel_loop3A_656 = arith.index_cast %parallel_loop3A_7 : i32 to index
      %parallel_loop3A_657 = tpu.vector_load %arg13[%parallel_loop3A_655, %parallel_loop3A_656] {strides = array<i32>} : memref<128x128xf32, #tpu.memory_space<vmem>>, vector<16xf32>,
      tpu.vector_store %arg13[%parallel_loop3A_655, %parallel_loop3A_656], %parallel_loop3A_653 {strides = array<i32>} : memref<128x128xf32, #tpu.memory_space<vmem>>, vector<16xf32>,
      %parallel_loop3A_658 = arith.constant 27 : i32
      %parallel_loop3A_659 = vector.broadcast %parallel_loop3A_658 : i32 to vector<16xi32>
      %parallel_loop3A_660 = arith.addi %parallel_loop3A_12, %parallel_loop3A_659 : vector<16xi32>
      %parallel_loop3A_661 = tpu.vector_load_idx %arg8[%parallel_loop3A_660] : memref<16512xf32, #tpu.memory_space<vmem>>[vector<16xi32>], vector<16xf32>,
      %parallel_loop3A_662 = arith.constant 27 : i32
      %parallel_loop3A_663 = vector.broadcast %parallel_loop3A_662 : i32 to vector<16xi32>
      %parallel_loop3A_664 = arith.addi %parallel_loop3A_20, %parallel_loop3A_663 : vector<16xi32>
      %parallel_loop3A_665 = tpu.vector_load_idx %arg8[%parallel_loop3A_664] : memref<16512xf32, #tpu.memory_space<vmem>>[vector<16xi32>], vector<16xf32>,
      %parallel_loop3A_666 = arith.addf %parallel_loop3A_661, %parallel_loop3A_665 : vector<16xf32>
      %parallel_loop3A_667 = arith.constant 27 : i32
      %parallel_loop3A_668 = vector.broadcast %parallel_loop3A_667 : i32 to vector<16xi32>
      %parallel_loop3A_669 = arith.addi %parallel_loop3A_28, %parallel_loop3A_668 : vector<16xi32>
      %parallel_loop3A_670 = tpu.vector_load_idx %arg8[%parallel_loop3A_669] : memref<16512xf32, #tpu.memory_space<vmem>>[vector<16xi32>], vector<16xf32>,
      %parallel_loop3A_671 = arith.addf %parallel_loop3A_666, %parallel_loop3A_670 : vector<16xf32>
      %parallel_loop3A_672 = arith.constant 27 : i32
      %parallel_loop3A_673 = vector.broadcast %parallel_loop3A_672 : i32 to vector<16xi32>
      %parallel_loop3A_674 = arith.addi %parallel_loop3A_36, %parallel_loop3A_673 : vector<16xi32>
      %parallel_loop3A_675 = tpu.vector_load_idx %arg8[%parallel_loop3A_674] : memref<16512xf32, #tpu.memory_space<vmem>>[vector<16xi32>], vector<16xf32>,
      %parallel_loop3A_676 = arith.addf %parallel_loop3A_671, %parallel_loop3A_675 : vector<16xf32>
      %parallel_loop3A_677 = arith.constant 27 : i32
      %parallel_loop3A_678 = arith.index_cast %parallel_loop3A_677 : i32 to index
      %parallel_loop3A_679 = arith.index_cast %parallel_loop3A_7 : i32 to index
      %parallel_loop3A_680 = tpu.vector_load %arg13[%parallel_loop3A_678, %parallel_loop3A_679] {strides = array<i32>} : memref<128x128xf32, #tpu.memory_space<vmem>>, vector<16xf32>,
      tpu.vector_store %arg13[%parallel_loop3A_678, %parallel_loop3A_679], %parallel_loop3A_676 {strides = array<i32>} : memref<128x128xf32, #tpu.memory_space<vmem>>, vector<16xf32>,
      %parallel_loop3A_681 = arith.constant 28 : i32
      %parallel_loop3A_682 = vector.broadcast %parallel_loop3A_681 : i32 to vector<16xi32>
      %parallel_loop3A_683 = arith.addi %parallel_loop3A_12, %parallel_loop3A_682 : vector<16xi32>
      %parallel_loop3A_684 = tpu.vector_load_idx %arg8[%parallel_loop3A_683] : memref<16512xf32, #tpu.memory_space<vmem>>[vector<16xi32>], vector<16xf32>,
      %parallel_loop3A_685 = arith.constant 28 : i32
      %parallel_loop3A_686 = vector.broadcast %parallel_loop3A_685 : i32 to vector<16xi32>
      %parallel_loop3A_687 = arith.addi %parallel_loop3A_20, %parallel_loop3A_686 : vector<16xi32>
      %parallel_loop3A_688 = tpu.vector_load_idx %arg8[%parallel_loop3A_687] : memref<16512xf32, #tpu.memory_space<vmem>>[vector<16xi32>], vector<16xf32>,
      %parallel_loop3A_689 = arith.addf %parallel_loop3A_684, %parallel_loop3A_688 : vector<16xf32>
      %parallel_loop3A_690 = arith.constant 28 : i32
      %parallel_loop3A_691 = vector.broadcast %parallel_loop3A_690 : i32 to vector<16xi32>
      %parallel_loop3A_692 = arith.addi %parallel_loop3A_28, %parallel_loop3A_691 : vector<16xi32>
      %parallel_loop3A_693 = tpu.vector_load_idx %arg8[%parallel_loop3A_692] : memref<16512xf32, #tpu.memory_space<vmem>>[vector<16xi32>], vector<16xf32>,
      %parallel_loop3A_694 = arith.addf %parallel_loop3A_689, %parallel_loop3A_693 : vector<16xf32>
      %parallel_loop3A_695 = arith.constant 28 : i32
      %parallel_loop3A_696 = vector.broadcast %parallel_loop3A_695 : i32 to vector<16xi32>
      %parallel_loop3A_697 = arith.addi %parallel_loop3A_36, %parallel_loop3A_696 : vector<16xi32>
      %parallel_loop3A_698 = tpu.vector_load_idx %arg8[%parallel_loop3A_697] : memref<16512xf32, #tpu.memory_space<vmem>>[vector<16xi32>], vector<16xf32>,
      %parallel_loop3A_699 = arith.addf %parallel_loop3A_694, %parallel_loop3A_698 : vector<16xf32>
      %parallel_loop3A_700 = arith.constant 28 : i32
      %parallel_loop3A_701 = arith.index_cast %parallel_loop3A_700 : i32 to index
      %parallel_loop3A_702 = arith.index_cast %parallel_loop3A_7 : i32 to index
      %parallel_loop3A_703 = tpu.vector_load %arg13[%parallel_loop3A_701, %parallel_loop3A_702] {strides = array<i32>} : memref<128x128xf32, #tpu.memory_space<vmem>>, vector<16xf32>,
      tpu.vector_store %arg13[%parallel_loop3A_701, %parallel_loop3A_702], %parallel_loop3A_699 {strides = array<i32>} : memref<128x128xf32, #tpu.memory_space<vmem>>, vector<16xf32>,
      %parallel_loop3A_704 = arith.constant 29 : i32
      %parallel_loop3A_705 = vector.broadcast %parallel_loop3A_704 : i32 to vector<16xi32>
      %parallel_loop3A_706 = arith.addi %parallel_loop3A_12, %parallel_loop3A_705 : vector<16xi32>
      %parallel_loop3A_707 = tpu.vector_load_idx %arg8[%parallel_loop3A_706] : memref<16512xf32, #tpu.memory_space<vmem>>[vector<16xi32>], vector<16xf32>,
      %parallel_loop3A_708 = arith.constant 29 : i32
      %parallel_loop3A_709 = vector.broadcast %parallel_loop3A_708 : i32 to vector<16xi32>
      %parallel_loop3A_710 = arith.addi %parallel_loop3A_20, %parallel_loop3A_709 : vector<16xi32>
      %parallel_loop3A_711 = tpu.vector_load_idx %arg8[%parallel_loop3A_710] : memref<16512xf32, #tpu.memory_space<vmem>>[vector<16xi32>], vector<16xf32>,
      %parallel_loop3A_712 = arith.addf %parallel_loop3A_707, %parallel_loop3A_711 : vector<16xf32>
      %parallel_loop3A_713 = arith.constant 29 : i32
      %parallel_loop3A_714 = vector.broadcast %parallel_loop3A_713 : i32 to vector<16xi32>
      %parallel_loop3A_715 = arith.addi %parallel_loop3A_28, %parallel_loop3A_714 : vector<16xi32>
      %parallel_loop3A_716 = tpu.vector_load_idx %arg8[%parallel_loop3A_715] : memref<16512xf32, #tpu.memory_space<vmem>>[vector<16xi32>], vector<16xf32>,
      %parallel_loop3A_717 = arith.addf %parallel_loop3A_712, %parallel_loop3A_716 : vector<16xf32>
      %parallel_loop3A_718 = arith.constant 29 : i32
      %parallel_loop3A_719 = vector.broadcast %parallel_loop3A_718 : i32 to vector<16xi32>
      %parallel_loop3A_720 = arith.addi %parallel_loop3A_36, %parallel_loop3A_719 : vector<16xi32>
      %parallel_loop3A_721 = tpu.vector_load_idx %arg8[%parallel_loop3A_720] : memref<16512xf32, #tpu.memory_space<vmem>>[vector<16xi32>], vector<16xf32>,
      %parallel_loop3A_722 = arith.addf %parallel_loop3A_717, %parallel_loop3A_721 : vector<16xf32>
      %parallel_loop3A_723 = arith.constant 29 : i32
      %parallel_loop3A_724 = arith.index_cast %parallel_loop3A_723 : i32 to index
      %parallel_loop3A_725 = arith.index_cast %parallel_loop3A_7 : i32 to index
      %parallel_loop3A_726 = tpu.vector_load %arg13[%parallel_loop3A_724, %parallel_loop3A_725] {strides = array<i32>} : memref<128x128xf32, #tpu.memory_space<vmem>>, vector<16xf32>,
      tpu.vector_store %arg13[%parallel_loop3A_724, %parallel_loop3A_725], %parallel_loop3A_722 {strides = array<i32>} : memref<128x128xf32, #tpu.memory_space<vmem>>, vector<16xf32>,
      %parallel_loop3A_727 = arith.constant 30 : i32
      %parallel_loop3A_728 = vector.broadcast %parallel_loop3A_727 : i32 to vector<16xi32>
      %parallel_loop3A_729 = arith.addi %parallel_loop3A_12, %parallel_loop3A_728 : vector<16xi32>
      %parallel_loop3A_730 = tpu.vector_load_idx %arg8[%parallel_loop3A_729] : memref<16512xf32, #tpu.memory_space<vmem>>[vector<16xi32>], vector<16xf32>,
      %parallel_loop3A_731 = arith.constant 30 : i32
      %parallel_loop3A_732 = vector.broadcast %parallel_loop3A_731 : i32 to vector<16xi32>
      %parallel_loop3A_733 = arith.addi %parallel_loop3A_20, %parallel_loop3A_732 : vector<16xi32>
      %parallel_loop3A_734 = tpu.vector_load_idx %arg8[%parallel_loop3A_733] : memref<16512xf32, #tpu.memory_space<vmem>>[vector<16xi32>], vector<16xf32>,
      %parallel_loop3A_735 = arith.addf %parallel_loop3A_730, %parallel_loop3A_734 : vector<16xf32>
      %parallel_loop3A_736 = arith.constant 30 : i32
      %parallel_loop3A_737 = vector.broadcast %parallel_loop3A_736 : i32 to vector<16xi32>
      %parallel_loop3A_738 = arith.addi %parallel_loop3A_28, %parallel_loop3A_737 : vector<16xi32>
      %parallel_loop3A_739 = tpu.vector_load_idx %arg8[%parallel_loop3A_738] : memref<16512xf32, #tpu.memory_space<vmem>>[vector<16xi32>], vector<16xf32>,
      %parallel_loop3A_740 = arith.addf %parallel_loop3A_735, %parallel_loop3A_739 : vector<16xf32>
      %parallel_loop3A_741 = arith.constant 30 : i32
      %parallel_loop3A_742 = vector.broadcast %parallel_loop3A_741 : i32 to vector<16xi32>
      %parallel_loop3A_743 = arith.addi %parallel_loop3A_36, %parallel_loop3A_742 : vector<16xi32>
      %parallel_loop3A_744 = tpu.vector_load_idx %arg8[%parallel_loop3A_743] : memref<16512xf32, #tpu.memory_space<vmem>>[vector<16xi32>], vector<16xf32>,
      %parallel_loop3A_745 = arith.addf %parallel_loop3A_740, %parallel_loop3A_744 : vector<16xf32>
      %parallel_loop3A_746 = arith.constant 30 : i32
      %parallel_loop3A_747 = arith.index_cast %parallel_loop3A_746 : i32 to index
      %parallel_loop3A_748 = arith.index_cast %parallel_loop3A_7 : i32 to index
      %parallel_loop3A_749 = tpu.vector_load %arg13[%parallel_loop3A_747, %parallel_loop3A_748] {strides = array<i32>} : memref<128x128xf32, #tpu.memory_space<vmem>>, vector<16xf32>,
      tpu.vector_store %arg13[%parallel_loop3A_747, %parallel_loop3A_748], %parallel_loop3A_745 {strides = array<i32>} : memref<128x128xf32, #tpu.memory_space<vmem>>, vector<16xf32>,
      %parallel_loop3A_750 = arith.constant 31 : i32
      %parallel_loop3A_751 = vector.broadcast %parallel_loop3A_750 : i32 to vector<16xi32>
      %parallel_loop3A_752 = arith.addi %parallel_loop3A_12, %parallel_loop3A_751 : vector<16xi32>
      %parallel_loop3A_753 = tpu.vector_load_idx %arg8[%parallel_loop3A_752] : memref<16512xf32, #tpu.memory_space<vmem>>[vector<16xi32>], vector<16xf32>,
      %parallel_loop3A_754 = arith.constant 31 : i32
      %parallel_loop3A_755 = vector.broadcast %parallel_loop3A_754 : i32 to vector<16xi32>
      %parallel_loop3A_756 = arith.addi %parallel_loop3A_20, %parallel_loop3A_755 : vector<16xi32>
      %parallel_loop3A_757 = tpu.vector_load_idx %arg8[%parallel_loop3A_756] : memref<16512xf32, #tpu.memory_space<vmem>>[vector<16xi32>], vector<16xf32>,
      %parallel_loop3A_758 = arith.addf %parallel_loop3A_753, %parallel_loop3A_757 : vector<16xf32>
      %parallel_loop3A_759 = arith.constant 31 : i32
      %parallel_loop3A_760 = vector.broadcast %parallel_loop3A_759 : i32 to vector<16xi32>
      %parallel_loop3A_761 = arith.addi %parallel_loop3A_28, %parallel_loop3A_760 : vector<16xi32>
      %parallel_loop3A_762 = tpu.vector_load_idx %arg8[%parallel_loop3A_761] : memref<16512xf32, #tpu.memory_space<vmem>>[vector<16xi32>], vector<16xf32>,
      %parallel_loop3A_763 = arith.addf %parallel_loop3A_758, %parallel_loop3A_762 : vector<16xf32>
      %parallel_loop3A_764 = arith.constant 31 : i32
      %parallel_loop3A_765 = vector.broadcast %parallel_loop3A_764 : i32 to vector<16xi32>
      %parallel_loop3A_766 = arith.addi %parallel_loop3A_36, %parallel_loop3A_765 : vector<16xi32>
      %parallel_loop3A_767 = tpu.vector_load_idx %arg8[%parallel_loop3A_766] : memref<16512xf32, #tpu.memory_space<vmem>>[vector<16xi32>], vector<16xf32>,
      %parallel_loop3A_768 = arith.addf %parallel_loop3A_763, %parallel_loop3A_767 : vector<16xf32>
      %parallel_loop3A_769 = arith.constant 31 : i32
      %parallel_loop3A_770 = arith.index_cast %parallel_loop3A_769 : i32 to index
      %parallel_loop3A_771 = arith.index_cast %parallel_loop3A_7 : i32 to index
      %parallel_loop3A_772 = tpu.vector_load %arg13[%parallel_loop3A_770, %parallel_loop3A_771] {strides = array<i32>} : memref<128x128xf32, #tpu.memory_space<vmem>>, vector<16xf32>,
      tpu.vector_store %arg13[%parallel_loop3A_770, %parallel_loop3A_771], %parallel_loop3A_768 {strides = array<i32>} : memref<128x128xf32, #tpu.memory_space<vmem>>, vector<16xf32>,
      %parallel_loop3A_773 = arith.constant 32 : i32
      %parallel_loop3A_774 = vector.broadcast %parallel_loop3A_773 : i32 to vector<16xi32>
      %parallel_loop3A_775 = arith.addi %parallel_loop3A_12, %parallel_loop3A_774 : vector<16xi32>
      %parallel_loop3A_776 = tpu.vector_load_idx %arg8[%parallel_loop3A_775] : memref<16512xf32, #tpu.memory_space<vmem>>[vector<16xi32>], vector<16xf32>,
      %parallel_loop3A_777 = arith.constant 32 : i32
      %parallel_loop3A_778 = vector.broadcast %parallel_loop3A_777 : i32 to vector<16xi32>
      %parallel_loop3A_779 = arith.addi %parallel_loop3A_20, %parallel_loop3A_778 : vector<16xi32>
      %parallel_loop3A_780 = tpu.vector_load_idx %arg8[%parallel_loop3A_779] : memref<16512xf32, #tpu.memory_space<vmem>>[vector<16xi32>], vector<16xf32>,
      %parallel_loop3A_781 = arith.addf %parallel_loop3A_776, %parallel_loop3A_780 : vector<16xf32>
      %parallel_loop3A_782 = arith.constant 32 : i32
      %parallel_loop3A_783 = vector.broadcast %parallel_loop3A_782 : i32 to vector<16xi32>
      %parallel_loop3A_784 = arith.addi %parallel_loop3A_28, %parallel_loop3A_783 : vector<16xi32>
      %parallel_loop3A_785 = tpu.vector_load_idx %arg8[%parallel_loop3A_784] : memref<16512xf32, #tpu.memory_space<vmem>>[vector<16xi32>], vector<16xf32>,
      %parallel_loop3A_786 = arith.addf %parallel_loop3A_781, %parallel_loop3A_785 : vector<16xf32>
      %parallel_loop3A_787 = arith.constant 32 : i32
      %parallel_loop3A_788 = vector.broadcast %parallel_loop3A_787 : i32 to vector<16xi32>
      %parallel_loop3A_789 = arith.addi %parallel_loop3A_36, %parallel_loop3A_788 : vector<16xi32>
      %parallel_loop3A_790 = tpu.vector_load_idx %arg8[%parallel_loop3A_789] : memref<16512xf32, #tpu.memory_space<vmem>>[vector<16xi32>], vector<16xf32>,
      %parallel_loop3A_791 = arith.addf %parallel_loop3A_786, %parallel_loop3A_790 : vector<16xf32>
      %parallel_loop3A_792 = arith.constant 32 : i32
      %parallel_loop3A_793 = arith.index_cast %parallel_loop3A_792 : i32 to index
      %parallel_loop3A_794 = arith.index_cast %parallel_loop3A_7 : i32 to index
      %parallel_loop3A_795 = tpu.vector_load %arg13[%parallel_loop3A_793, %parallel_loop3A_794] {strides = array<i32>} : memref<128x128xf32, #tpu.memory_space<vmem>>, vector<16xf32>,
      tpu.vector_store %arg13[%parallel_loop3A_793, %parallel_loop3A_794], %parallel_loop3A_791 {strides = array<i32>} : memref<128x128xf32, #tpu.memory_space<vmem>>, vector<16xf32>,
      %parallel_loop3A_796 = arith.constant 33 : i32
      %parallel_loop3A_797 = vector.broadcast %parallel_loop3A_796 : i32 to vector<16xi32>
      %parallel_loop3A_798 = arith.addi %parallel_loop3A_12, %parallel_loop3A_797 : vector<16xi32>
      %parallel_loop3A_799 = tpu.vector_load_idx %arg8[%parallel_loop3A_798] : memref<16512xf32, #tpu.memory_space<vmem>>[vector<16xi32>], vector<16xf32>,
      %parallel_loop3A_800 = arith.constant 33 : i32
      %parallel_loop3A_801 = vector.broadcast %parallel_loop3A_800 : i32 to vector<16xi32>
      %parallel_loop3A_802 = arith.addi %parallel_loop3A_20, %parallel_loop3A_801 : vector<16xi32>
      %parallel_loop3A_803 = tpu.vector_load_idx %arg8[%parallel_loop3A_802] : memref<16512xf32, #tpu.memory_space<vmem>>[vector<16xi32>], vector<16xf32>,
      %parallel_loop3A_804 = arith.addf %parallel_loop3A_799, %parallel_loop3A_803 : vector<16xf32>
      %parallel_loop3A_805 = arith.constant 33 : i32
      %parallel_loop3A_806 = vector.broadcast %parallel_loop3A_805 : i32 to vector<16xi32>
      %parallel_loop3A_807 = arith.addi %parallel_loop3A_28, %parallel_loop3A_806 : vector<16xi32>
      %parallel_loop3A_808 = tpu.vector_load_idx %arg8[%parallel_loop3A_807] : memref<16512xf32, #tpu.memory_space<vmem>>[vector<16xi32>], vector<16xf32>,
      %parallel_loop3A_809 = arith.addf %parallel_loop3A_804, %parallel_loop3A_808 : vector<16xf32>
      %parallel_loop3A_810 = arith.constant 33 : i32
      %parallel_loop3A_811 = vector.broadcast %parallel_loop3A_810 : i32 to vector<16xi32>
      %parallel_loop3A_812 = arith.addi %parallel_loop3A_36, %parallel_loop3A_811 : vector<16xi32>
      %parallel_loop3A_813 = tpu.vector_load_idx %arg8[%parallel_loop3A_812] : memref<16512xf32, #tpu.memory_space<vmem>>[vector<16xi32>], vector<16xf32>,
      %parallel_loop3A_814 = arith.addf %parallel_loop3A_809, %parallel_loop3A_813 : vector<16xf32>
      %parallel_loop3A_815 = arith.constant 33 : i32
      %parallel_loop3A_816 = arith.index_cast %parallel_loop3A_815 : i32 to index
      %parallel_loop3A_817 = arith.index_cast %parallel_loop3A_7 : i32 to index
      %parallel_loop3A_818 = tpu.vector_load %arg13[%parallel_loop3A_816, %parallel_loop3A_817] {strides = array<i32>} : memref<128x128xf32, #tpu.memory_space<vmem>>, vector<16xf32>,
      tpu.vector_store %arg13[%parallel_loop3A_816, %parallel_loop3A_817], %parallel_loop3A_814 {strides = array<i32>} : memref<128x128xf32, #tpu.memory_space<vmem>>, vector<16xf32>,
      %parallel_loop3A_819 = arith.constant 34 : i32
      %parallel_loop3A_820 = vector.broadcast %parallel_loop3A_819 : i32 to vector<16xi32>
      %parallel_loop3A_821 = arith.addi %parallel_loop3A_12, %parallel_loop3A_820 : vector<16xi32>
      %parallel_loop3A_822 = tpu.vector_load_idx %arg8[%parallel_loop3A_821] : memref<16512xf32, #tpu.memory_space<vmem>>[vector<16xi32>], vector<16xf32>,
      %parallel_loop3A_823 = arith.constant 34 : i32
      %parallel_loop3A_824 = vector.broadcast %parallel_loop3A_823 : i32 to vector<16xi32>
      %parallel_loop3A_825 = arith.addi %parallel_loop3A_20, %parallel_loop3A_824 : vector<16xi32>
      %parallel_loop3A_826 = tpu.vector_load_idx %arg8[%parallel_loop3A_825] : memref<16512xf32, #tpu.memory_space<vmem>>[vector<16xi32>], vector<16xf32>,
      %parallel_loop3A_827 = arith.addf %parallel_loop3A_822, %parallel_loop3A_826 : vector<16xf32>
      %parallel_loop3A_828 = arith.constant 34 : i32
      %parallel_loop3A_829 = vector.broadcast %parallel_loop3A_828 : i32 to vector<16xi32>
      %parallel_loop3A_830 = arith.addi %parallel_loop3A_28, %parallel_loop3A_829 : vector<16xi32>
      %parallel_loop3A_831 = tpu.vector_load_idx %arg8[%parallel_loop3A_830] : memref<16512xf32, #tpu.memory_space<vmem>>[vector<16xi32>], vector<16xf32>,
      %parallel_loop3A_832 = arith.addf %parallel_loop3A_827, %parallel_loop3A_831 : vector<16xf32>
      %parallel_loop3A_833 = arith.constant 34 : i32
      %parallel_loop3A_834 = vector.broadcast %parallel_loop3A_833 : i32 to vector<16xi32>
      %parallel_loop3A_835 = arith.addi %parallel_loop3A_36, %parallel_loop3A_834 : vector<16xi32>
      %parallel_loop3A_836 = tpu.vector_load_idx %arg8[%parallel_loop3A_835] : memref<16512xf32, #tpu.memory_space<vmem>>[vector<16xi32>], vector<16xf32>,
      %parallel_loop3A_837 = arith.addf %parallel_loop3A_832, %parallel_loop3A_836 : vector<16xf32>
      %parallel_loop3A_838 = arith.constant 34 : i32
      %parallel_loop3A_839 = arith.index_cast %parallel_loop3A_838 : i32 to index
      %parallel_loop3A_840 = arith.index_cast %parallel_loop3A_7 : i32 to index
      %parallel_loop3A_841 = tpu.vector_load %arg13[%parallel_loop3A_839, %parallel_loop3A_840] {strides = array<i32>} : memref<128x128xf32, #tpu.memory_space<vmem>>, vector<16xf32>,
      tpu.vector_store %arg13[%parallel_loop3A_839, %parallel_loop3A_840], %parallel_loop3A_837 {strides = array<i32>} : memref<128x128xf32, #tpu.memory_space<vmem>>, vector<16xf32>,
      %parallel_loop3A_842 = arith.constant 35 : i32
      %parallel_loop3A_843 = vector.broadcast %parallel_loop3A_842 : i32 to vector<16xi32>
      %parallel_loop3A_844 = arith.addi %parallel_loop3A_12, %parallel_loop3A_843 : vector<16xi32>
      %parallel_loop3A_845 = tpu.vector_load_idx %arg8[%parallel_loop3A_844] : memref<16512xf32, #tpu.memory_space<vmem>>[vector<16xi32>], vector<16xf32>,
      %parallel_loop3A_846 = arith.constant 35 : i32
      %parallel_loop3A_847 = vector.broadcast %parallel_loop3A_846 : i32 to vector<16xi32>
      %parallel_loop3A_848 = arith.addi %parallel_loop3A_20, %parallel_loop3A_847 : vector<16xi32>
      %parallel_loop3A_849 = tpu.vector_load_idx %arg8[%parallel_loop3A_848] : memref<16512xf32, #tpu.memory_space<vmem>>[vector<16xi32>], vector<16xf32>,
      %parallel_loop3A_850 = arith.addf %parallel_loop3A_845, %parallel_loop3A_849 : vector<16xf32>
      %parallel_loop3A_851 = arith.constant 35 : i32
      %parallel_loop3A_852 = vector.broadcast %parallel_loop3A_851 : i32 to vector<16xi32>
      %parallel_loop3A_853 = arith.addi %parallel_loop3A_28, %parallel_loop3A_852 : vector<16xi32>
      %parallel_loop3A_854 = tpu.vector_load_idx %arg8[%parallel_loop3A_853] : memref<16512xf32, #tpu.memory_space<vmem>>[vector<16xi32>], vector<16xf32>,
      %parallel_loop3A_855 = arith.addf %parallel_loop3A_850, %parallel_loop3A_854 : vector<16xf32>
      %parallel_loop3A_856 = arith.constant 35 : i32
      %parallel_loop3A_857 = vector.broadcast %parallel_loop3A_856 : i32 to vector<16xi32>
      %parallel_loop3A_858 = arith.addi %parallel_loop3A_36, %parallel_loop3A_857 : vector<16xi32>
      %parallel_loop3A_859 = tpu.vector_load_idx %arg8[%parallel_loop3A_858] : memref<16512xf32, #tpu.memory_space<vmem>>[vector<16xi32>], vector<16xf32>,
      %parallel_loop3A_860 = arith.addf %parallel_loop3A_855, %parallel_loop3A_859 : vector<16xf32>
      %parallel_loop3A_861 = arith.constant 35 : i32
      %parallel_loop3A_862 = arith.index_cast %parallel_loop3A_861 : i32 to index
      %parallel_loop3A_863 = arith.index_cast %parallel_loop3A_7 : i32 to index
      %parallel_loop3A_864 = tpu.vector_load %arg13[%parallel_loop3A_862, %parallel_loop3A_863] {strides = array<i32>} : memref<128x128xf32, #tpu.memory_space<vmem>>, vector<16xf32>,
      tpu.vector_store %arg13[%parallel_loop3A_862, %parallel_loop3A_863], %parallel_loop3A_860 {strides = array<i32>} : memref<128x128xf32, #tpu.memory_space<vmem>>, vector<16xf32>,
      %parallel_loop3A_865 = arith.constant 36 : i32
      %parallel_loop3A_866 = vector.broadcast %parallel_loop3A_865 : i32 to vector<16xi32>
      %parallel_loop3A_867 = arith.addi %parallel_loop3A_12, %parallel_loop3A_866 : vector<16xi32>
      %parallel_loop3A_868 = tpu.vector_load_idx %arg8[%parallel_loop3A_867] : memref<16512xf32, #tpu.memory_space<vmem>>[vector<16xi32>], vector<16xf32>,
      %parallel_loop3A_869 = arith.constant 36 : i32
      %parallel_loop3A_870 = vector.broadcast %parallel_loop3A_869 : i32 to vector<16xi32>
      %parallel_loop3A_871 = arith.addi %parallel_loop3A_20, %parallel_loop3A_870 : vector<16xi32>
      %parallel_loop3A_872 = tpu.vector_load_idx %arg8[%parallel_loop3A_871] : memref<16512xf32, #tpu.memory_space<vmem>>[vector<16xi32>], vector<16xf32>,
      %parallel_loop3A_873 = arith.addf %parallel_loop3A_868, %parallel_loop3A_872 : vector<16xf32>
      %parallel_loop3A_874 = arith.constant 36 : i32
      %parallel_loop3A_875 = vector.broadcast %parallel_loop3A_874 : i32 to vector<16xi32>
      %parallel_loop3A_876 = arith.addi %parallel_loop3A_28, %parallel_loop3A_875 : vector<16xi32>
      %parallel_loop3A_877 = tpu.vector_load_idx %arg8[%parallel_loop3A_876] : memref<16512xf32, #tpu.memory_space<vmem>>[vector<16xi32>], vector<16xf32>,
      %parallel_loop3A_878 = arith.addf %parallel_loop3A_873, %parallel_loop3A_877 : vector<16xf32>
      %parallel_loop3A_879 = arith.constant 36 : i32
      %parallel_loop3A_880 = vector.broadcast %parallel_loop3A_879 : i32 to vector<16xi32>
      %parallel_loop3A_881 = arith.addi %parallel_loop3A_36, %parallel_loop3A_880 : vector<16xi32>
      %parallel_loop3A_882 = tpu.vector_load_idx %arg8[%parallel_loop3A_881] : memref<16512xf32, #tpu.memory_space<vmem>>[vector<16xi32>], vector<16xf32>,
      %parallel_loop3A_883 = arith.addf %parallel_loop3A_878, %parallel_loop3A_882 : vector<16xf32>
      %parallel_loop3A_884 = arith.constant 36 : i32
      %parallel_loop3A_885 = arith.index_cast %parallel_loop3A_884 : i32 to index
      %parallel_loop3A_886 = arith.index_cast %parallel_loop3A_7 : i32 to index
      %parallel_loop3A_887 = tpu.vector_load %arg13[%parallel_loop3A_885, %parallel_loop3A_886] {strides = array<i32>} : memref<128x128xf32, #tpu.memory_space<vmem>>, vector<16xf32>,
      tpu.vector_store %arg13[%parallel_loop3A_885, %parallel_loop3A_886], %parallel_loop3A_883 {strides = array<i32>} : memref<128x128xf32, #tpu.memory_space<vmem>>, vector<16xf32>,
      %parallel_loop3A_888 = arith.constant 37 : i32
      %parallel_loop3A_889 = vector.broadcast %parallel_loop3A_888 : i32 to vector<16xi32>
      %parallel_loop3A_890 = arith.addi %parallel_loop3A_12, %parallel_loop3A_889 : vector<16xi32>
      %parallel_loop3A_891 = tpu.vector_load_idx %arg8[%parallel_loop3A_890] : memref<16512xf32, #tpu.memory_space<vmem>>[vector<16xi32>], vector<16xf32>,
      %parallel_loop3A_892 = arith.constant 37 : i32
      %parallel_loop3A_893 = vector.broadcast %parallel_loop3A_892 : i32 to vector<16xi32>
      %parallel_loop3A_894 = arith.addi %parallel_loop3A_20, %parallel_loop3A_893 : vector<16xi32>
      %parallel_loop3A_895 = tpu.vector_load_idx %arg8[%parallel_loop3A_894] : memref<16512xf32, #tpu.memory_space<vmem>>[vector<16xi32>], vector<16xf32>,
      %parallel_loop3A_896 = arith.addf %parallel_loop3A_891, %parallel_loop3A_895 : vector<16xf32>
      %parallel_loop3A_897 = arith.constant 37 : i32
      %parallel_loop3A_898 = vector.broadcast %parallel_loop3A_897 : i32 to vector<16xi32>
      %parallel_loop3A_899 = arith.addi %parallel_loop3A_28, %parallel_loop3A_898 : vector<16xi32>
      %parallel_loop3A_900 = tpu.vector_load_idx %arg8[%parallel_loop3A_899] : memref<16512xf32, #tpu.memory_space<vmem>>[vector<16xi32>], vector<16xf32>,
      %parallel_loop3A_901 = arith.addf %parallel_loop3A_896, %parallel_loop3A_900 : vector<16xf32>
      %parallel_loop3A_902 = arith.constant 37 : i32
      %parallel_loop3A_903 = vector.broadcast %parallel_loop3A_902 : i32 to vector<16xi32>
      %parallel_loop3A_904 = arith.addi %parallel_loop3A_36, %parallel_loop3A_903 : vector<16xi32>
      %parallel_loop3A_905 = tpu.vector_load_idx %arg8[%parallel_loop3A_904] : memref<16512xf32, #tpu.memory_space<vmem>>[vector<16xi32>], vector<16xf32>,
      %parallel_loop3A_906 = arith.addf %parallel_loop3A_901, %parallel_loop3A_905 : vector<16xf32>
      %parallel_loop3A_907 = arith.constant 37 : i32
      %parallel_loop3A_908 = arith.index_cast %parallel_loop3A_907 : i32 to index
      %parallel_loop3A_909 = arith.index_cast %parallel_loop3A_7 : i32 to index
      %parallel_loop3A_910 = tpu.vector_load %arg13[%parallel_loop3A_908, %parallel_loop3A_909] {strides = array<i32>} : memref<128x128xf32, #tpu.memory_space<vmem>>, vector<16xf32>,
      tpu.vector_store %arg13[%parallel_loop3A_908, %parallel_loop3A_909], %parallel_loop3A_906 {strides = array<i32>} : memref<128x128xf32, #tpu.memory_space<vmem>>, vector<16xf32>,
      %parallel_loop3A_911 = arith.constant 38 : i32
      %parallel_loop3A_912 = vector.broadcast %parallel_loop3A_911 : i32 to vector<16xi32>
      %parallel_loop3A_913 = arith.addi %parallel_loop3A_12, %parallel_loop3A_912 : vector<16xi32>
      %parallel_loop3A_914 = tpu.vector_load_idx %arg8[%parallel_loop3A_913] : memref<16512xf32, #tpu.memory_space<vmem>>[vector<16xi32>], vector<16xf32>,
      %parallel_loop3A_915 = arith.constant 38 : i32
      %parallel_loop3A_916 = vector.broadcast %parallel_loop3A_915 : i32 to vector<16xi32>
      %parallel_loop3A_917 = arith.addi %parallel_loop3A_20, %parallel_loop3A_916 : vector<16xi32>
      %parallel_loop3A_918 = tpu.vector_load_idx %arg8[%parallel_loop3A_917] : memref<16512xf32, #tpu.memory_space<vmem>>[vector<16xi32>], vector<16xf32>,
      %parallel_loop3A_919 = arith.addf %parallel_loop3A_914, %parallel_loop3A_918 : vector<16xf32>
      %parallel_loop3A_920 = arith.constant 38 : i32
      %parallel_loop3A_921 = vector.broadcast %parallel_loop3A_920 : i32 to vector<16xi32>
      %parallel_loop3A_922 = arith.addi %parallel_loop3A_28, %parallel_loop3A_921 : vector<16xi32>
      %parallel_loop3A_923 = tpu.vector_load_idx %arg8[%parallel_loop3A_922] : memref<16512xf32, #tpu.memory_space<vmem>>[vector<16xi32>], vector<16xf32>,
      %parallel_loop3A_924 = arith.addf %parallel_loop3A_919, %parallel_loop3A_923 : vector<16xf32>
      %parallel_loop3A_925 = arith.constant 38 : i32
      %parallel_loop3A_926 = vector.broadcast %parallel_loop3A_925 : i32 to vector<16xi32>
      %parallel_loop3A_927 = arith.addi %parallel_loop3A_36, %parallel_loop3A_926 : vector<16xi32>
      %parallel_loop3A_928 = tpu.vector_load_idx %arg8[%parallel_loop3A_927] : memref<16512xf32, #tpu.memory_space<vmem>>[vector<16xi32>], vector<16xf32>,
      %parallel_loop3A_929 = arith.addf %parallel_loop3A_924, %parallel_loop3A_928 : vector<16xf32>
      %parallel_loop3A_930 = arith.constant 38 : i32
      %parallel_loop3A_931 = arith.index_cast %parallel_loop3A_930 : i32 to index
      %parallel_loop3A_932 = arith.index_cast %parallel_loop3A_7 : i32 to index
      %parallel_loop3A_933 = tpu.vector_load %arg13[%parallel_loop3A_931, %parallel_loop3A_932] {strides = array<i32>} : memref<128x128xf32, #tpu.memory_space<vmem>>, vector<16xf32>,
      tpu.vector_store %arg13[%parallel_loop3A_931, %parallel_loop3A_932], %parallel_loop3A_929 {strides = array<i32>} : memref<128x128xf32, #tpu.memory_space<vmem>>, vector<16xf32>,
      %parallel_loop3A_934 = arith.constant 39 : i32
      %parallel_loop3A_935 = vector.broadcast %parallel_loop3A_934 : i32 to vector<16xi32>
      %parallel_loop3A_936 = arith.addi %parallel_loop3A_12, %parallel_loop3A_935 : vector<16xi32>
      %parallel_loop3A_937 = tpu.vector_load_idx %arg8[%parallel_loop3A_936] : memref<16512xf32, #tpu.memory_space<vmem>>[vector<16xi32>], vector<16xf32>,
      %parallel_loop3A_938 = arith.constant 39 : i32
      %parallel_loop3A_939 = vector.broadcast %parallel_loop3A_938 : i32 to vector<16xi32>
      %parallel_loop3A_940 = arith.addi %parallel_loop3A_20, %parallel_loop3A_939 : vector<16xi32>
      %parallel_loop3A_941 = tpu.vector_load_idx %arg8[%parallel_loop3A_940] : memref<16512xf32, #tpu.memory_space<vmem>>[vector<16xi32>], vector<16xf32>,
      %parallel_loop3A_942 = arith.addf %parallel_loop3A_937, %parallel_loop3A_941 : vector<16xf32>
      %parallel_loop3A_943 = arith.constant 39 : i32
      %parallel_loop3A_944 = vector.broadcast %parallel_loop3A_943 : i32 to vector<16xi32>
      %parallel_loop3A_945 = arith.addi %parallel_loop3A_28, %parallel_loop3A_944 : vector<16xi32>
      %parallel_loop3A_946 = tpu.vector_load_idx %arg8[%parallel_loop3A_945] : memref<16512xf32, #tpu.memory_space<vmem>>[vector<16xi32>], vector<16xf32>,
      %parallel_loop3A_947 = arith.addf %parallel_loop3A_942, %parallel_loop3A_946 : vector<16xf32>
      %parallel_loop3A_948 = arith.constant 39 : i32
      %parallel_loop3A_949 = vector.broadcast %parallel_loop3A_948 : i32 to vector<16xi32>
      %parallel_loop3A_950 = arith.addi %parallel_loop3A_36, %parallel_loop3A_949 : vector<16xi32>
      %parallel_loop3A_951 = tpu.vector_load_idx %arg8[%parallel_loop3A_950] : memref<16512xf32, #tpu.memory_space<vmem>>[vector<16xi32>], vector<16xf32>,
      %parallel_loop3A_952 = arith.addf %parallel_loop3A_947, %parallel_loop3A_951 : vector<16xf32>
      %parallel_loop3A_953 = arith.constant 39 : i32
      %parallel_loop3A_954 = arith.index_cast %parallel_loop3A_953 : i32 to index
      %parallel_loop3A_955 = arith.index_cast %parallel_loop3A_7 : i32 to index
      %parallel_loop3A_956 = tpu.vector_load %arg13[%parallel_loop3A_954, %parallel_loop3A_955] {strides = array<i32>} : memref<128x128xf32, #tpu.memory_space<vmem>>, vector<16xf32>,
      tpu.vector_store %arg13[%parallel_loop3A_954, %parallel_loop3A_955], %parallel_loop3A_952 {strides = array<i32>} : memref<128x128xf32, #tpu.memory_space<vmem>>, vector<16xf32>,
      %parallel_loop3A_957 = arith.constant 40 : i32
      %parallel_loop3A_958 = vector.broadcast %parallel_loop3A_957 : i32 to vector<16xi32>
      %parallel_loop3A_959 = arith.addi %parallel_loop3A_12, %parallel_loop3A_958 : vector<16xi32>
      %parallel_loop3A_960 = tpu.vector_load_idx %arg8[%parallel_loop3A_959] : memref<16512xf32, #tpu.memory_space<vmem>>[vector<16xi32>], vector<16xf32>,
      %parallel_loop3A_961 = arith.constant 40 : i32
      %parallel_loop3A_962 = vector.broadcast %parallel_loop3A_961 : i32 to vector<16xi32>
      %parallel_loop3A_963 = arith.addi %parallel_loop3A_20, %parallel_loop3A_962 : vector<16xi32>
      %parallel_loop3A_964 = tpu.vector_load_idx %arg8[%parallel_loop3A_963] : memref<16512xf32, #tpu.memory_space<vmem>>[vector<16xi32>], vector<16xf32>,
      %parallel_loop3A_965 = arith.addf %parallel_loop3A_960, %parallel_loop3A_964 : vector<16xf32>
      %parallel_loop3A_966 = arith.constant 40 : i32
      %parallel_loop3A_967 = vector.broadcast %parallel_loop3A_966 : i32 to vector<16xi32>
      %parallel_loop3A_968 = arith.addi %parallel_loop3A_28, %parallel_loop3A_967 : vector<16xi32>
      %parallel_loop3A_969 = tpu.vector_load_idx %arg8[%parallel_loop3A_968] : memref<16512xf32, #tpu.memory_space<vmem>>[vector<16xi32>], vector<16xf32>,
      %parallel_loop3A_970 = arith.addf %parallel_loop3A_965, %parallel_loop3A_969 : vector<16xf32>
      %parallel_loop3A_971 = arith.constant 40 : i32
      %parallel_loop3A_972 = vector.broadcast %parallel_loop3A_971 : i32 to vector<16xi32>
      %parallel_loop3A_973 = arith.addi %parallel_loop3A_36, %parallel_loop3A_972 : vector<16xi32>
      %parallel_loop3A_974 = tpu.vector_load_idx %arg8[%parallel_loop3A_973] : memref<16512xf32, #tpu.memory_space<vmem>>[vector<16xi32>], vector<16xf32>,
      %parallel_loop3A_975 = arith.addf %parallel_loop3A_970, %parallel_loop3A_974 : vector<16xf32>
      %parallel_loop3A_976 = arith.constant 40 : i32
      %parallel_loop3A_977 = arith.index_cast %parallel_loop3A_976 : i32 to index
      %parallel_loop3A_978 = arith.index_cast %parallel_loop3A_7 : i32 to index
      %parallel_loop3A_979 = tpu.vector_load %arg13[%parallel_loop3A_977, %parallel_loop3A_978] {strides = array<i32>} : memref<128x128xf32, #tpu.memory_space<vmem>>, vector<16xf32>,
      tpu.vector_store %arg13[%parallel_loop3A_977, %parallel_loop3A_978], %parallel_loop3A_975 {strides = array<i32>} : memref<128x128xf32, #tpu.memory_space<vmem>>, vector<16xf32>,
      %parallel_loop3A_980 = arith.constant 41 : i32
      %parallel_loop3A_981 = vector.broadcast %parallel_loop3A_980 : i32 to vector<16xi32>
      %parallel_loop3A_982 = arith.addi %parallel_loop3A_12, %parallel_loop3A_981 : vector<16xi32>
      %parallel_loop3A_983 = tpu.vector_load_idx %arg8[%parallel_loop3A_982] : memref<16512xf32, #tpu.memory_space<vmem>>[vector<16xi32>], vector<16xf32>,
      %parallel_loop3A_984 = arith.constant 41 : i32
      %parallel_loop3A_985 = vector.broadcast %parallel_loop3A_984 : i32 to vector<16xi32>
      %parallel_loop3A_986 = arith.addi %parallel_loop3A_20, %parallel_loop3A_985 : vector<16xi32>
      %parallel_loop3A_987 = tpu.vector_load_idx %arg8[%parallel_loop3A_986] : memref<16512xf32, #tpu.memory_space<vmem>>[vector<16xi32>], vector<16xf32>,
      %parallel_loop3A_988 = arith.addf %parallel_loop3A_983, %parallel_loop3A_987 : vector<16xf32>
      %parallel_loop3A_989 = arith.constant 41 : i32
      %parallel_loop3A_990 = vector.broadcast %parallel_loop3A_989 : i32 to vector<16xi32>
      %parallel_loop3A_991 = arith.addi %parallel_loop3A_28, %parallel_loop3A_990 : vector<16xi32>
      %parallel_loop3A_992 = tpu.vector_load_idx %arg8[%parallel_loop3A_991] : memref<16512xf32, #tpu.memory_space<vmem>>[vector<16xi32>], vector<16xf32>,
      %parallel_loop3A_993 = arith.addf %parallel_loop3A_988, %parallel_loop3A_992 : vector<16xf32>
      %parallel_loop3A_994 = arith.constant 41 : i32
      %parallel_loop3A_995 = vector.broadcast %parallel_loop3A_994 : i32 to vector<16xi32>
      %parallel_loop3A_996 = arith.addi %parallel_loop3A_36, %parallel_loop3A_995 : vector<16xi32>
      %parallel_loop3A_997 = tpu.vector_load_idx %arg8[%parallel_loop3A_996] : memref<16512xf32, #tpu.memory_space<vmem>>[vector<16xi32>], vector<16xf32>,
      %parallel_loop3A_998 = arith.addf %parallel_loop3A_993, %parallel_loop3A_997 : vector<16xf32>
      %parallel_loop3A_999 = arith.constant 41 : i32
      %parallel_loop3A_1000 = arith.index_cast %parallel_loop3A_999 : i32 to index
      %parallel_loop3A_1001 = arith.index_cast %parallel_loop3A_7 : i32 to index
      %parallel_loop3A_1002 = tpu.vector_load %arg13[%parallel_loop3A_1000, %parallel_loop3A_1001] {strides = array<i32>} : memref<128x128xf32, #tpu.memory_space<vmem>>, vector<16xf32>,
      tpu.vector_store %arg13[%parallel_loop3A_1000, %parallel_loop3A_1001], %parallel_loop3A_998 {strides = array<i32>} : memref<128x128xf32, #tpu.memory_space<vmem>>, vector<16xf32>,
      %parallel_loop3A_1003 = arith.constant 42 : i32
      %parallel_loop3A_1004 = vector.broadcast %parallel_loop3A_1003 : i32 to vector<16xi32>
      %parallel_loop3A_1005 = arith.addi %parallel_loop3A_12, %parallel_loop3A_1004 : vector<16xi32>
      %parallel_loop3A_1006 = tpu.vector_load_idx %arg8[%parallel_loop3A_1005] : memref<16512xf32, #tpu.memory_space<vmem>>[vector<16xi32>], vector<16xf32>,
      %parallel_loop3A_1007 = arith.constant 42 : i32
      %parallel_loop3A_1008 = vector.broadcast %parallel_loop3A_1007 : i32 to vector<16xi32>
      %parallel_loop3A_1009 = arith.addi %parallel_loop3A_20, %parallel_loop3A_1008 : vector<16xi32>
      %parallel_loop3A_1010 = tpu.vector_load_idx %arg8[%parallel_loop3A_1009] : memref<16512xf32, #tpu.memory_space<vmem>>[vector<16xi32>], vector<16xf32>,
      %parallel_loop3A_1011 = arith.addf %parallel_loop3A_1006, %parallel_loop3A_1010 : vector<16xf32>
      %parallel_loop3A_1012 = arith.constant 42 : i32
      %parallel_loop3A_1013 = vector.broadcast %parallel_loop3A_1012 : i32 to vector<16xi32>
      %parallel_loop3A_1014 = arith.addi %parallel_loop3A_28, %parallel_loop3A_1013 : vector<16xi32>
      %parallel_loop3A_1015 = tpu.vector_load_idx %arg8[%parallel_loop3A_1014] : memref<16512xf32, #tpu.memory_space<vmem>>[vector<16xi32>], vector<16xf32>,
      %parallel_loop3A_1016 = arith.addf %parallel_loop3A_1011, %parallel_loop3A_1015 : vector<16xf32>
      %parallel_loop3A_1017 = arith.constant 42 : i32
      %parallel_loop3A_1018 = vector.broadcast %parallel_loop3A_1017 : i32 to vector<16xi32>
      %parallel_loop3A_1019 = arith.addi %parallel_loop3A_36, %parallel_loop3A_1018 : vector<16xi32>
      %parallel_loop3A_1020 = tpu.vector_load_idx %arg8[%parallel_loop3A_1019] : memref<16512xf32, #tpu.memory_space<vmem>>[vector<16xi32>], vector<16xf32>,
      %parallel_loop3A_1021 = arith.addf %parallel_loop3A_1016, %parallel_loop3A_1020 : vector<16xf32>
      %parallel_loop3A_1022 = arith.constant 42 : i32
      %parallel_loop3A_1023 = arith.index_cast %parallel_loop3A_1022 : i32 to index
      %parallel_loop3A_1024 = arith.index_cast %parallel_loop3A_7 : i32 to index
      %parallel_loop3A_1025 = tpu.vector_load %arg13[%parallel_loop3A_1023, %parallel_loop3A_1024] {strides = array<i32>} : memref<128x128xf32, #tpu.memory_space<vmem>>, vector<16xf32>,
      tpu.vector_store %arg13[%parallel_loop3A_1023, %parallel_loop3A_1024], %parallel_loop3A_1021 {strides = array<i32>} : memref<128x128xf32, #tpu.memory_space<vmem>>, vector<16xf32>,
      %parallel_loop3A_1026 = arith.constant 43 : i32
      %parallel_loop3A_1027 = vector.broadcast %parallel_loop3A_1026 : i32 to vector<16xi32>
      %parallel_loop3A_1028 = arith.addi %parallel_loop3A_12, %parallel_loop3A_1027 : vector<16xi32>
      %parallel_loop3A_1029 = tpu.vector_load_idx %arg8[%parallel_loop3A_1028] : memref<16512xf32, #tpu.memory_space<vmem>>[vector<16xi32>], vector<16xf32>,
      %parallel_loop3A_1030 = arith.constant 43 : i32
      %parallel_loop3A_1031 = vector.broadcast %parallel_loop3A_1030 : i32 to vector<16xi32>
      %parallel_loop3A_1032 = arith.addi %parallel_loop3A_20, %parallel_loop3A_1031 : vector<16xi32>
      %parallel_loop3A_1033 = tpu.vector_load_idx %arg8[%parallel_loop3A_1032] : memref<16512xf32, #tpu.memory_space<vmem>>[vector<16xi32>], vector<16xf32>,
      %parallel_loop3A_1034 = arith.addf %parallel_loop3A_1029, %parallel_loop3A_1033 : vector<16xf32>
      %parallel_loop3A_1035 = arith.constant 43 : i32
      %parallel_loop3A_1036 = vector.broadcast %parallel_loop3A_1035 : i32 to vector<16xi32>
      %parallel_loop3A_1037 = arith.addi %parallel_loop3A_28, %parallel_loop3A_1036 : vector<16xi32>
      %parallel_loop3A_1038 = tpu.vector_load_idx %arg8[%parallel_loop3A_1037] : memref<16512xf32, #tpu.memory_space<vmem>>[vector<16xi32>], vector<16xf32>,
      %parallel_loop3A_1039 = arith.addf %parallel_loop3A_1034, %parallel_loop3A_1038 : vector<16xf32>
      %parallel_loop3A_1040 = arith.constant 43 : i32
      %parallel_loop3A_1041 = vector.broadcast %parallel_loop3A_1040 : i32 to vector<16xi32>
      %parallel_loop3A_1042 = arith.addi %parallel_loop3A_36, %parallel_loop3A_1041 : vector<16xi32>
      %parallel_loop3A_1043 = tpu.vector_load_idx %arg8[%parallel_loop3A_1042] : memref<16512xf32, #tpu.memory_space<vmem>>[vector<16xi32>], vector<16xf32>,
      %parallel_loop3A_1044 = arith.addf %parallel_loop3A_1039, %parallel_loop3A_1043 : vector<16xf32>
      %parallel_loop3A_1045 = arith.constant 43 : i32
      %parallel_loop3A_1046 = arith.index_cast %parallel_loop3A_1045 : i32 to index
      %parallel_loop3A_1047 = arith.index_cast %parallel_loop3A_7 : i32 to index
      %parallel_loop3A_1048 = tpu.vector_load %arg13[%parallel_loop3A_1046, %parallel_loop3A_1047] {strides = array<i32>} : memref<128x128xf32, #tpu.memory_space<vmem>>, vector<16xf32>,
      tpu.vector_store %arg13[%parallel_loop3A_1046, %parallel_loop3A_1047], %parallel_loop3A_1044 {strides = array<i32>} : memref<128x128xf32, #tpu.memory_space<vmem>>, vector<16xf32>,
      %parallel_loop3A_1049 = arith.constant 44 : i32
      %parallel_loop3A_1050 = vector.broadcast %parallel_loop3A_1049 : i32 to vector<16xi32>
      %parallel_loop3A_1051 = arith.addi %parallel_loop3A_12, %parallel_loop3A_1050 : vector<16xi32>
      %parallel_loop3A_1052 = tpu.vector_load_idx %arg8[%parallel_loop3A_1051] : memref<16512xf32, #tpu.memory_space<vmem>>[vector<16xi32>], vector<16xf32>,
      %parallel_loop3A_1053 = arith.constant 44 : i32
      %parallel_loop3A_1054 = vector.broadcast %parallel_loop3A_1053 : i32 to vector<16xi32>
      %parallel_loop3A_1055 = arith.addi %parallel_loop3A_20, %parallel_loop3A_1054 : vector<16xi32>
      %parallel_loop3A_1056 = tpu.vector_load_idx %arg8[%parallel_loop3A_1055] : memref<16512xf32, #tpu.memory_space<vmem>>[vector<16xi32>], vector<16xf32>,
      %parallel_loop3A_1057 = arith.addf %parallel_loop3A_1052, %parallel_loop3A_1056 : vector<16xf32>
      %parallel_loop3A_1058 = arith.constant 44 : i32
      %parallel_loop3A_1059 = vector.broadcast %parallel_loop3A_1058 : i32 to vector<16xi32>
      %parallel_loop3A_1060 = arith.addi %parallel_loop3A_28, %parallel_loop3A_1059 : vector<16xi32>
      %parallel_loop3A_1061 = tpu.vector_load_idx %arg8[%parallel_loop3A_1060] : memref<16512xf32, #tpu.memory_space<vmem>>[vector<16xi32>], vector<16xf32>,
      %parallel_loop3A_1062 = arith.addf %parallel_loop3A_1057, %parallel_loop3A_1061 : vector<16xf32>
      %parallel_loop3A_1063 = arith.constant 44 : i32
      %parallel_loop3A_1064 = vector.broadcast %parallel_loop3A_1063 : i32 to vector<16xi32>
      %parallel_loop3A_1065 = arith.addi %parallel_loop3A_36, %parallel_loop3A_1064 : vector<16xi32>
      %parallel_loop3A_1066 = tpu.vector_load_idx %arg8[%parallel_loop3A_1065] : memref<16512xf32, #tpu.memory_space<vmem>>[vector<16xi32>], vector<16xf32>,
      %parallel_loop3A_1067 = arith.addf %parallel_loop3A_1062, %parallel_loop3A_1066 : vector<16xf32>
      %parallel_loop3A_1068 = arith.constant 44 : i32
      %parallel_loop3A_1069 = arith.index_cast %parallel_loop3A_1068 : i32 to index
      %parallel_loop3A_1070 = arith.index_cast %parallel_loop3A_7 : i32 to index
      %parallel_loop3A_1071 = tpu.vector_load %arg13[%parallel_loop3A_1069, %parallel_loop3A_1070] {strides = array<i32>} : memref<128x128xf32, #tpu.memory_space<vmem>>, vector<16xf32>,
      tpu.vector_store %arg13[%parallel_loop3A_1069, %parallel_loop3A_1070], %parallel_loop3A_1067 {strides = array<i32>} : memref<128x128xf32, #tpu.memory_space<vmem>>, vector<16xf32>,
      %parallel_loop3A_1072 = arith.constant 45 : i32
      %parallel_loop3A_1073 = vector.broadcast %parallel_loop3A_1072 : i32 to vector<16xi32>
      %parallel_loop3A_1074 = arith.addi %parallel_loop3A_12, %parallel_loop3A_1073 : vector<16xi32>
      %parallel_loop3A_1075 = tpu.vector_load_idx %arg8[%parallel_loop3A_1074] : memref<16512xf32, #tpu.memory_space<vmem>>[vector<16xi32>], vector<16xf32>,
      %parallel_loop3A_1076 = arith.constant 45 : i32
      %parallel_loop3A_1077 = vector.broadcast %parallel_loop3A_1076 : i32 to vector<16xi32>
      %parallel_loop3A_1078 = arith.addi %parallel_loop3A_20, %parallel_loop3A_1077 : vector<16xi32>
      %parallel_loop3A_1079 = tpu.vector_load_idx %arg8[%parallel_loop3A_1078] : memref<16512xf32, #tpu.memory_space<vmem>>[vector<16xi32>], vector<16xf32>,
      %parallel_loop3A_1080 = arith.addf %parallel_loop3A_1075, %parallel_loop3A_1079 : vector<16xf32>
      %parallel_loop3A_1081 = arith.constant 45 : i32
      %parallel_loop3A_1082 = vector.broadcast %parallel_loop3A_1081 : i32 to vector<16xi32>
      %parallel_loop3A_1083 = arith.addi %parallel_loop3A_28, %parallel_loop3A_1082 : vector<16xi32>
      %parallel_loop3A_1084 = tpu.vector_load_idx %arg8[%parallel_loop3A_1083] : memref<16512xf32, #tpu.memory_space<vmem>>[vector<16xi32>], vector<16xf32>,
      %parallel_loop3A_1085 = arith.addf %parallel_loop3A_1080, %parallel_loop3A_1084 : vector<16xf32>
      %parallel_loop3A_1086 = arith.constant 45 : i32
      %parallel_loop3A_1087 = vector.broadcast %parallel_loop3A_1086 : i32 to vector<16xi32>
      %parallel_loop3A_1088 = arith.addi %parallel_loop3A_36, %parallel_loop3A_1087 : vector<16xi32>
      %parallel_loop3A_1089 = tpu.vector_load_idx %arg8[%parallel_loop3A_1088] : memref<16512xf32, #tpu.memory_space<vmem>>[vector<16xi32>], vector<16xf32>,
      %parallel_loop3A_1090 = arith.addf %parallel_loop3A_1085, %parallel_loop3A_1089 : vector<16xf32>
      %parallel_loop3A_1091 = arith.constant 45 : i32
      %parallel_loop3A_1092 = arith.index_cast %parallel_loop3A_1091 : i32 to index
      %parallel_loop3A_1093 = arith.index_cast %parallel_loop3A_7 : i32 to index
      %parallel_loop3A_1094 = tpu.vector_load %arg13[%parallel_loop3A_1092, %parallel_loop3A_1093] {strides = array<i32>} : memref<128x128xf32, #tpu.memory_space<vmem>>, vector<16xf32>,
      tpu.vector_store %arg13[%parallel_loop3A_1092, %parallel_loop3A_1093], %parallel_loop3A_1090 {strides = array<i32>} : memref<128x128xf32, #tpu.memory_space<vmem>>, vector<16xf32>,
      %parallel_loop3A_1095 = arith.constant 46 : i32
      %parallel_loop3A_1096 = vector.broadcast %parallel_loop3A_1095 : i32 to vector<16xi32>
      %parallel_loop3A_1097 = arith.addi %parallel_loop3A_12, %parallel_loop3A_1096 : vector<16xi32>
      %parallel_loop3A_1098 = tpu.vector_load_idx %arg8[%parallel_loop3A_1097] : memref<16512xf32, #tpu.memory_space<vmem>>[vector<16xi32>], vector<16xf32>,
      %parallel_loop3A_1099 = arith.constant 46 : i32
      %parallel_loop3A_1100 = vector.broadcast %parallel_loop3A_1099 : i32 to vector<16xi32>
      %parallel_loop3A_1101 = arith.addi %parallel_loop3A_20, %parallel_loop3A_1100 : vector<16xi32>
      %parallel_loop3A_1102 = tpu.vector_load_idx %arg8[%parallel_loop3A_1101] : memref<16512xf32, #tpu.memory_space<vmem>>[vector<16xi32>], vector<16xf32>,
      %parallel_loop3A_1103 = arith.addf %parallel_loop3A_1098, %parallel_loop3A_1102 : vector<16xf32>
      %parallel_loop3A_1104 = arith.constant 46 : i32
      %parallel_loop3A_1105 = vector.broadcast %parallel_loop3A_1104 : i32 to vector<16xi32>
      %parallel_loop3A_1106 = arith.addi %parallel_loop3A_28, %parallel_loop3A_1105 : vector<16xi32>
      %parallel_loop3A_1107 = tpu.vector_load_idx %arg8[%parallel_loop3A_1106] : memref<16512xf32, #tpu.memory_space<vmem>>[vector<16xi32>], vector<16xf32>,
      %parallel_loop3A_1108 = arith.addf %parallel_loop3A_1103, %parallel_loop3A_1107 : vector<16xf32>
      %parallel_loop3A_1109 = arith.constant 46 : i32
      %parallel_loop3A_1110 = vector.broadcast %parallel_loop3A_1109 : i32 to vector<16xi32>
      %parallel_loop3A_1111 = arith.addi %parallel_loop3A_36, %parallel_loop3A_1110 : vector<16xi32>
      %parallel_loop3A_1112 = tpu.vector_load_idx %arg8[%parallel_loop3A_1111] : memref<16512xf32, #tpu.memory_space<vmem>>[vector<16xi32>], vector<16xf32>,
      %parallel_loop3A_1113 = arith.addf %parallel_loop3A_1108, %parallel_loop3A_1112 : vector<16xf32>
      %parallel_loop3A_1114 = arith.constant 46 : i32
      %parallel_loop3A_1115 = arith.index_cast %parallel_loop3A_1114 : i32 to index
      %parallel_loop3A_1116 = arith.index_cast %parallel_loop3A_7 : i32 to index
      %parallel_loop3A_1117 = tpu.vector_load %arg13[%parallel_loop3A_1115, %parallel_loop3A_1116] {strides = array<i32>} : memref<128x128xf32, #tpu.memory_space<vmem>>, vector<16xf32>,
      tpu.vector_store %arg13[%parallel_loop3A_1115, %parallel_loop3A_1116], %parallel_loop3A_1113 {strides = array<i32>} : memref<128x128xf32, #tpu.memory_space<vmem>>, vector<16xf32>,
      %parallel_loop3A_1118 = arith.constant 47 : i32
      %parallel_loop3A_1119 = vector.broadcast %parallel_loop3A_1118 : i32 to vector<16xi32>
      %parallel_loop3A_1120 = arith.addi %parallel_loop3A_12, %parallel_loop3A_1119 : vector<16xi32>
      %parallel_loop3A_1121 = tpu.vector_load_idx %arg8[%parallel_loop3A_1120] : memref<16512xf32, #tpu.memory_space<vmem>>[vector<16xi32>], vector<16xf32>,
      %parallel_loop3A_1122 = arith.constant 47 : i32
      %parallel_loop3A_1123 = vector.broadcast %parallel_loop3A_1122 : i32 to vector<16xi32>
      %parallel_loop3A_1124 = arith.addi %parallel_loop3A_20, %parallel_loop3A_1123 : vector<16xi32>
      %parallel_loop3A_1125 = tpu.vector_load_idx %arg8[%parallel_loop3A_1124] : memref<16512xf32, #tpu.memory_space<vmem>>[vector<16xi32>], vector<16xf32>,
      %parallel_loop3A_1126 = arith.addf %parallel_loop3A_1121, %parallel_loop3A_1125 : vector<16xf32>
      %parallel_loop3A_1127 = arith.constant 47 : i32
      %parallel_loop3A_1128 = vector.broadcast %parallel_loop3A_1127 : i32 to vector<16xi32>
      %parallel_loop3A_1129 = arith.addi %parallel_loop3A_28, %parallel_loop3A_1128 : vector<16xi32>
      %parallel_loop3A_1130 = tpu.vector_load_idx %arg8[%parallel_loop3A_1129] : memref<16512xf32, #tpu.memory_space<vmem>>[vector<16xi32>], vector<16xf32>,
      %parallel_loop3A_1131 = arith.addf %parallel_loop3A_1126, %parallel_loop3A_1130 : vector<16xf32>
      %parallel_loop3A_1132 = arith.constant 47 : i32
      %parallel_loop3A_1133 = vector.broadcast %parallel_loop3A_1132 : i32 to vector<16xi32>
      %parallel_loop3A_1134 = arith.addi %parallel_loop3A_36, %parallel_loop3A_1133 : vector<16xi32>
      %parallel_loop3A_1135 = tpu.vector_load_idx %arg8[%parallel_loop3A_1134] : memref<16512xf32, #tpu.memory_space<vmem>>[vector<16xi32>], vector<16xf32>,
      %parallel_loop3A_1136 = arith.addf %parallel_loop3A_1131, %parallel_loop3A_1135 : vector<16xf32>
      %parallel_loop3A_1137 = arith.constant 47 : i32
      %parallel_loop3A_1138 = arith.index_cast %parallel_loop3A_1137 : i32 to index
      %parallel_loop3A_1139 = arith.index_cast %parallel_loop3A_7 : i32 to index
      %parallel_loop3A_1140 = tpu.vector_load %arg13[%parallel_loop3A_1138, %parallel_loop3A_1139] {strides = array<i32>} : memref<128x128xf32, #tpu.memory_space<vmem>>, vector<16xf32>,
      tpu.vector_store %arg13[%parallel_loop3A_1138, %parallel_loop3A_1139], %parallel_loop3A_1136 {strides = array<i32>} : memref<128x128xf32, #tpu.memory_space<vmem>>, vector<16xf32>,
      %parallel_loop3A_1141 = arith.constant 48 : i32
      %parallel_loop3A_1142 = vector.broadcast %parallel_loop3A_1141 : i32 to vector<16xi32>
      %parallel_loop3A_1143 = arith.addi %parallel_loop3A_12, %parallel_loop3A_1142 : vector<16xi32>
      %parallel_loop3A_1144 = tpu.vector_load_idx %arg8[%parallel_loop3A_1143] : memref<16512xf32, #tpu.memory_space<vmem>>[vector<16xi32>], vector<16xf32>,
      %parallel_loop3A_1145 = arith.constant 48 : i32
      %parallel_loop3A_1146 = vector.broadcast %parallel_loop3A_1145 : i32 to vector<16xi32>
      %parallel_loop3A_1147 = arith.addi %parallel_loop3A_20, %parallel_loop3A_1146 : vector<16xi32>
      %parallel_loop3A_1148 = tpu.vector_load_idx %arg8[%parallel_loop3A_1147] : memref<16512xf32, #tpu.memory_space<vmem>>[vector<16xi32>], vector<16xf32>,
      %parallel_loop3A_1149 = arith.addf %parallel_loop3A_1144, %parallel_loop3A_1148 : vector<16xf32>
      %parallel_loop3A_1150 = arith.constant 48 : i32
      %parallel_loop3A_1151 = vector.broadcast %parallel_loop3A_1150 : i32 to vector<16xi32>
      %parallel_loop3A_1152 = arith.addi %parallel_loop3A_28, %parallel_loop3A_1151 : vector<16xi32>
      %parallel_loop3A_1153 = tpu.vector_load_idx %arg8[%parallel_loop3A_1152] : memref<16512xf32, #tpu.memory_space<vmem>>[vector<16xi32>], vector<16xf32>,
      %parallel_loop3A_1154 = arith.addf %parallel_loop3A_1149, %parallel_loop3A_1153 : vector<16xf32>
      %parallel_loop3A_1155 = arith.constant 48 : i32
      %parallel_loop3A_1156 = vector.broadcast %parallel_loop3A_1155 : i32 to vector<16xi32>
      %parallel_loop3A_1157 = arith.addi %parallel_loop3A_36, %parallel_loop3A_1156 : vector<16xi32>
      %parallel_loop3A_1158 = tpu.vector_load_idx %arg8[%parallel_loop3A_1157] : memref<16512xf32, #tpu.memory_space<vmem>>[vector<16xi32>], vector<16xf32>,
      %parallel_loop3A_1159 = arith.addf %parallel_loop3A_1154, %parallel_loop3A_1158 : vector<16xf32>
      %parallel_loop3A_1160 = arith.constant 48 : i32
      %parallel_loop3A_1161 = arith.index_cast %parallel_loop3A_1160 : i32 to index
      %parallel_loop3A_1162 = arith.index_cast %parallel_loop3A_7 : i32 to index
      %parallel_loop3A_1163 = tpu.vector_load %arg13[%parallel_loop3A_1161, %parallel_loop3A_1162] {strides = array<i32>} : memref<128x128xf32, #tpu.memory_space<vmem>>, vector<16xf32>,
      tpu.vector_store %arg13[%parallel_loop3A_1161, %parallel_loop3A_1162], %parallel_loop3A_1159 {strides = array<i32>} : memref<128x128xf32, #tpu.memory_space<vmem>>, vector<16xf32>,
      %parallel_loop3A_1164 = arith.constant 49 : i32
      %parallel_loop3A_1165 = vector.broadcast %parallel_loop3A_1164 : i32 to vector<16xi32>
      %parallel_loop3A_1166 = arith.addi %parallel_loop3A_12, %parallel_loop3A_1165 : vector<16xi32>
      %parallel_loop3A_1167 = tpu.vector_load_idx %arg8[%parallel_loop3A_1166] : memref<16512xf32, #tpu.memory_space<vmem>>[vector<16xi32>], vector<16xf32>,
      %parallel_loop3A_1168 = arith.constant 49 : i32
      %parallel_loop3A_1169 = vector.broadcast %parallel_loop3A_1168 : i32 to vector<16xi32>
      %parallel_loop3A_1170 = arith.addi %parallel_loop3A_20, %parallel_loop3A_1169 : vector<16xi32>
      %parallel_loop3A_1171 = tpu.vector_load_idx %arg8[%parallel_loop3A_1170] : memref<16512xf32, #tpu.memory_space<vmem>>[vector<16xi32>], vector<16xf32>,
      %parallel_loop3A_1172 = arith.addf %parallel_loop3A_1167, %parallel_loop3A_1171 : vector<16xf32>
      %parallel_loop3A_1173 = arith.constant 49 : i32
      %parallel_loop3A_1174 = vector.broadcast %parallel_loop3A_1173 : i32 to vector<16xi32>
      %parallel_loop3A_1175 = arith.addi %parallel_loop3A_28, %parallel_loop3A_1174 : vector<16xi32>
      %parallel_loop3A_1176 = tpu.vector_load_idx %arg8[%parallel_loop3A_1175] : memref<16512xf32, #tpu.memory_space<vmem>>[vector<16xi32>], vector<16xf32>,
      %parallel_loop3A_1177 = arith.addf %parallel_loop3A_1172, %parallel_loop3A_1176 : vector<16xf32>
      %parallel_loop3A_1178 = arith.constant 49 : i32
      %parallel_loop3A_1179 = vector.broadcast %parallel_loop3A_1178 : i32 to vector<16xi32>
      %parallel_loop3A_1180 = arith.addi %parallel_loop3A_36, %parallel_loop3A_1179 : vector<16xi32>
      %parallel_loop3A_1181 = tpu.vector_load_idx %arg8[%parallel_loop3A_1180] : memref<16512xf32, #tpu.memory_space<vmem>>[vector<16xi32>], vector<16xf32>,
      %parallel_loop3A_1182 = arith.addf %parallel_loop3A_1177, %parallel_loop3A_1181 : vector<16xf32>
      %parallel_loop3A_1183 = arith.constant 49 : i32
      %parallel_loop3A_1184 = arith.index_cast %parallel_loop3A_1183 : i32 to index
      %parallel_loop3A_1185 = arith.index_cast %parallel_loop3A_7 : i32 to index
      %parallel_loop3A_1186 = tpu.vector_load %arg13[%parallel_loop3A_1184, %parallel_loop3A_1185] {strides = array<i32>} : memref<128x128xf32, #tpu.memory_space<vmem>>, vector<16xf32>,
      tpu.vector_store %arg13[%parallel_loop3A_1184, %parallel_loop3A_1185], %parallel_loop3A_1182 {strides = array<i32>} : memref<128x128xf32, #tpu.memory_space<vmem>>, vector<16xf32>,
      %parallel_loop3A_1187 = arith.constant 50 : i32
      %parallel_loop3A_1188 = vector.broadcast %parallel_loop3A_1187 : i32 to vector<16xi32>
      %parallel_loop3A_1189 = arith.addi %parallel_loop3A_12, %parallel_loop3A_1188 : vector<16xi32>
      %parallel_loop3A_1190 = tpu.vector_load_idx %arg8[%parallel_loop3A_1189] : memref<16512xf32, #tpu.memory_space<vmem>>[vector<16xi32>], vector<16xf32>,
      %parallel_loop3A_1191 = arith.constant 50 : i32
      %parallel_loop3A_1192 = vector.broadcast %parallel_loop3A_1191 : i32 to vector<16xi32>
      %parallel_loop3A_1193 = arith.addi %parallel_loop3A_20, %parallel_loop3A_1192 : vector<16xi32>
      %parallel_loop3A_1194 = tpu.vector_load_idx %arg8[%parallel_loop3A_1193] : memref<16512xf32, #tpu.memory_space<vmem>>[vector<16xi32>], vector<16xf32>,
      %parallel_loop3A_1195 = arith.addf %parallel_loop3A_1190, %parallel_loop3A_1194 : vector<16xf32>
      %parallel_loop3A_1196 = arith.constant 50 : i32
      %parallel_loop3A_1197 = vector.broadcast %parallel_loop3A_1196 : i32 to vector<16xi32>
      %parallel_loop3A_1198 = arith.addi %parallel_loop3A_28, %parallel_loop3A_1197 : vector<16xi32>
      %parallel_loop3A_1199 = tpu.vector_load_idx %arg8[%parallel_loop3A_1198] : memref<16512xf32, #tpu.memory_space<vmem>>[vector<16xi32>], vector<16xf32>,
      %parallel_loop3A_1200 = arith.addf %parallel_loop3A_1195, %parallel_loop3A_1199 : vector<16xf32>
      %parallel_loop3A_1201 = arith.constant 50 : i32
      %parallel_loop3A_1202 = vector.broadcast %parallel_loop3A_1201 : i32 to vector<16xi32>
      %parallel_loop3A_1203 = arith.addi %parallel_loop3A_36, %parallel_loop3A_1202 : vector<16xi32>
      %parallel_loop3A_1204 = tpu.vector_load_idx %arg8[%parallel_loop3A_1203] : memref<16512xf32, #tpu.memory_space<vmem>>[vector<16xi32>], vector<16xf32>,
      %parallel_loop3A_1205 = arith.addf %parallel_loop3A_1200, %parallel_loop3A_1204 : vector<16xf32>
      %parallel_loop3A_1206 = arith.constant 50 : i32
      %parallel_loop3A_1207 = arith.index_cast %parallel_loop3A_1206 : i32 to index
      %parallel_loop3A_1208 = arith.index_cast %parallel_loop3A_7 : i32 to index
      %parallel_loop3A_1209 = tpu.vector_load %arg13[%parallel_loop3A_1207, %parallel_loop3A_1208] {strides = array<i32>} : memref<128x128xf32, #tpu.memory_space<vmem>>, vector<16xf32>,
      tpu.vector_store %arg13[%parallel_loop3A_1207, %parallel_loop3A_1208], %parallel_loop3A_1205 {strides = array<i32>} : memref<128x128xf32, #tpu.memory_space<vmem>>, vector<16xf32>,
      %parallel_loop3A_1210 = arith.constant 51 : i32
      %parallel_loop3A_1211 = vector.broadcast %parallel_loop3A_1210 : i32 to vector<16xi32>
      %parallel_loop3A_1212 = arith.addi %parallel_loop3A_12, %parallel_loop3A_1211 : vector<16xi32>
      %parallel_loop3A_1213 = tpu.vector_load_idx %arg8[%parallel_loop3A_1212] : memref<16512xf32, #tpu.memory_space<vmem>>[vector<16xi32>], vector<16xf32>,
      %parallel_loop3A_1214 = arith.constant 51 : i32
      %parallel_loop3A_1215 = vector.broadcast %parallel_loop3A_1214 : i32 to vector<16xi32>
      %parallel_loop3A_1216 = arith.addi %parallel_loop3A_20, %parallel_loop3A_1215 : vector<16xi32>
      %parallel_loop3A_1217 = tpu.vector_load_idx %arg8[%parallel_loop3A_1216] : memref<16512xf32, #tpu.memory_space<vmem>>[vector<16xi32>], vector<16xf32>,
      %parallel_loop3A_1218 = arith.addf %parallel_loop3A_1213, %parallel_loop3A_1217 : vector<16xf32>
      %parallel_loop3A_1219 = arith.constant 51 : i32
      %parallel_loop3A_1220 = vector.broadcast %parallel_loop3A_1219 : i32 to vector<16xi32>
      %parallel_loop3A_1221 = arith.addi %parallel_loop3A_28, %parallel_loop3A_1220 : vector<16xi32>
      %parallel_loop3A_1222 = tpu.vector_load_idx %arg8[%parallel_loop3A_1221] : memref<16512xf32, #tpu.memory_space<vmem>>[vector<16xi32>], vector<16xf32>,
      %parallel_loop3A_1223 = arith.addf %parallel_loop3A_1218, %parallel_loop3A_1222 : vector<16xf32>
      %parallel_loop3A_1224 = arith.constant 51 : i32
      %parallel_loop3A_1225 = vector.broadcast %parallel_loop3A_1224 : i32 to vector<16xi32>
      %parallel_loop3A_1226 = arith.addi %parallel_loop3A_36, %parallel_loop3A_1225 : vector<16xi32>
      %parallel_loop3A_1227 = tpu.vector_load_idx %arg8[%parallel_loop3A_1226] : memref<16512xf32, #tpu.memory_space<vmem>>[vector<16xi32>], vector<16xf32>,
      %parallel_loop3A_1228 = arith.addf %parallel_loop3A_1223, %parallel_loop3A_1227 : vector<16xf32>
      %parallel_loop3A_1229 = arith.constant 51 : i32
      %parallel_loop3A_1230 = arith.index_cast %parallel_loop3A_1229 : i32 to index
      %parallel_loop3A_1231 = arith.index_cast %parallel_loop3A_7 : i32 to index
      %parallel_loop3A_1232 = tpu.vector_load %arg13[%parallel_loop3A_1230, %parallel_loop3A_1231] {strides = array<i32>} : memref<128x128xf32, #tpu.memory_space<vmem>>, vector<16xf32>,
      tpu.vector_store %arg13[%parallel_loop3A_1230, %parallel_loop3A_1231], %parallel_loop3A_1228 {strides = array<i32>} : memref<128x128xf32, #tpu.memory_space<vmem>>, vector<16xf32>,
      %parallel_loop3A_1233 = arith.constant 52 : i32
      %parallel_loop3A_1234 = vector.broadcast %parallel_loop3A_1233 : i32 to vector<16xi32>
      %parallel_loop3A_1235 = arith.addi %parallel_loop3A_12, %parallel_loop3A_1234 : vector<16xi32>
      %parallel_loop3A_1236 = tpu.vector_load_idx %arg8[%parallel_loop3A_1235] : memref<16512xf32, #tpu.memory_space<vmem>>[vector<16xi32>], vector<16xf32>,
      %parallel_loop3A_1237 = arith.constant 52 : i32
      %parallel_loop3A_1238 = vector.broadcast %parallel_loop3A_1237 : i32 to vector<16xi32>
      %parallel_loop3A_1239 = arith.addi %parallel_loop3A_20, %parallel_loop3A_1238 : vector<16xi32>
      %parallel_loop3A_1240 = tpu.vector_load_idx %arg8[%parallel_loop3A_1239] : memref<16512xf32, #tpu.memory_space<vmem>>[vector<16xi32>], vector<16xf32>,
      %parallel_loop3A_1241 = arith.addf %parallel_loop3A_1236, %parallel_loop3A_1240 : vector<16xf32>
      %parallel_loop3A_1242 = arith.constant 52 : i32
      %parallel_loop3A_1243 = vector.broadcast %parallel_loop3A_1242 : i32 to vector<16xi32>
      %parallel_loop3A_1244 = arith.addi %parallel_loop3A_28, %parallel_loop3A_1243 : vector<16xi32>
      %parallel_loop3A_1245 = tpu.vector_load_idx %arg8[%parallel_loop3A_1244] : memref<16512xf32, #tpu.memory_space<vmem>>[vector<16xi32>], vector<16xf32>,
      %parallel_loop3A_1246 = arith.addf %parallel_loop3A_1241, %parallel_loop3A_1245 : vector<16xf32>
      %parallel_loop3A_1247 = arith.constant 52 : i32
      %parallel_loop3A_1248 = vector.broadcast %parallel_loop3A_1247 : i32 to vector<16xi32>
      %parallel_loop3A_1249 = arith.addi %parallel_loop3A_36, %parallel_loop3A_1248 : vector<16xi32>
      %parallel_loop3A_1250 = tpu.vector_load_idx %arg8[%parallel_loop3A_1249] : memref<16512xf32, #tpu.memory_space<vmem>>[vector<16xi32>], vector<16xf32>,
      %parallel_loop3A_1251 = arith.addf %parallel_loop3A_1246, %parallel_loop3A_1250 : vector<16xf32>
      %parallel_loop3A_1252 = arith.constant 52 : i32
      %parallel_loop3A_1253 = arith.index_cast %parallel_loop3A_1252 : i32 to index
      %parallel_loop3A_1254 = arith.index_cast %parallel_loop3A_7 : i32 to index
      %parallel_loop3A_1255 = tpu.vector_load %arg13[%parallel_loop3A_1253, %parallel_loop3A_1254] {strides = array<i32>} : memref<128x128xf32, #tpu.memory_space<vmem>>, vector<16xf32>,
      tpu.vector_store %arg13[%parallel_loop3A_1253, %parallel_loop3A_1254], %parallel_loop3A_1251 {strides = array<i32>} : memref<128x128xf32, #tpu.memory_space<vmem>>, vector<16xf32>,
      %parallel_loop3A_1256 = arith.constant 53 : i32
      %parallel_loop3A_1257 = vector.broadcast %parallel_loop3A_1256 : i32 to vector<16xi32>
      %parallel_loop3A_1258 = arith.addi %parallel_loop3A_12, %parallel_loop3A_1257 : vector<16xi32>
      %parallel_loop3A_1259 = tpu.vector_load_idx %arg8[%parallel_loop3A_1258] : memref<16512xf32, #tpu.memory_space<vmem>>[vector<16xi32>], vector<16xf32>,
      %parallel_loop3A_1260 = arith.constant 53 : i32
      %parallel_loop3A_1261 = vector.broadcast %parallel_loop3A_1260 : i32 to vector<16xi32>
      %parallel_loop3A_1262 = arith.addi %parallel_loop3A_20, %parallel_loop3A_1261 : vector<16xi32>
      %parallel_loop3A_1263 = tpu.vector_load_idx %arg8[%parallel_loop3A_1262] : memref<16512xf32, #tpu.memory_space<vmem>>[vector<16xi32>], vector<16xf32>,
      %parallel_loop3A_1264 = arith.addf %parallel_loop3A_1259, %parallel_loop3A_1263 : vector<16xf32>
      %parallel_loop3A_1265 = arith.constant 53 : i32
      %parallel_loop3A_1266 = vector.broadcast %parallel_loop3A_1265 : i32 to vector<16xi32>
      %parallel_loop3A_1267 = arith.addi %parallel_loop3A_28, %parallel_loop3A_1266 : vector<16xi32>
      %parallel_loop3A_1268 = tpu.vector_load_idx %arg8[%parallel_loop3A_1267] : memref<16512xf32, #tpu.memory_space<vmem>>[vector<16xi32>], vector<16xf32>,
      %parallel_loop3A_1269 = arith.addf %parallel_loop3A_1264, %parallel_loop3A_1268 : vector<16xf32>
      %parallel_loop3A_1270 = arith.constant 53 : i32
      %parallel_loop3A_1271 = vector.broadcast %parallel_loop3A_1270 : i32 to vector<16xi32>
      %parallel_loop3A_1272 = arith.addi %parallel_loop3A_36, %parallel_loop3A_1271 : vector<16xi32>
      %parallel_loop3A_1273 = tpu.vector_load_idx %arg8[%parallel_loop3A_1272] : memref<16512xf32, #tpu.memory_space<vmem>>[vector<16xi32>], vector<16xf32>,
      %parallel_loop3A_1274 = arith.addf %parallel_loop3A_1269, %parallel_loop3A_1273 : vector<16xf32>
      %parallel_loop3A_1275 = arith.constant 53 : i32
      %parallel_loop3A_1276 = arith.index_cast %parallel_loop3A_1275 : i32 to index
      %parallel_loop3A_1277 = arith.index_cast %parallel_loop3A_7 : i32 to index
      %parallel_loop3A_1278 = tpu.vector_load %arg13[%parallel_loop3A_1276, %parallel_loop3A_1277] {strides = array<i32>} : memref<128x128xf32, #tpu.memory_space<vmem>>, vector<16xf32>,
      tpu.vector_store %arg13[%parallel_loop3A_1276, %parallel_loop3A_1277], %parallel_loop3A_1274 {strides = array<i32>} : memref<128x128xf32, #tpu.memory_space<vmem>>, vector<16xf32>,
      %parallel_loop3A_1279 = arith.constant 54 : i32
      %parallel_loop3A_1280 = vector.broadcast %parallel_loop3A_1279 : i32 to vector<16xi32>
      %parallel_loop3A_1281 = arith.addi %parallel_loop3A_12, %parallel_loop3A_1280 : vector<16xi32>
      %parallel_loop3A_1282 = tpu.vector_load_idx %arg8[%parallel_loop3A_1281] : memref<16512xf32, #tpu.memory_space<vmem>>[vector<16xi32>], vector<16xf32>,
      %parallel_loop3A_1283 = arith.constant 54 : i32
      %parallel_loop3A_1284 = vector.broadcast %parallel_loop3A_1283 : i32 to vector<16xi32>
      %parallel_loop3A_1285 = arith.addi %parallel_loop3A_20, %parallel_loop3A_1284 : vector<16xi32>
      %parallel_loop3A_1286 = tpu.vector_load_idx %arg8[%parallel_loop3A_1285] : memref<16512xf32, #tpu.memory_space<vmem>>[vector<16xi32>], vector<16xf32>,
      %parallel_loop3A_1287 = arith.addf %parallel_loop3A_1282, %parallel_loop3A_1286 : vector<16xf32>
      %parallel_loop3A_1288 = arith.constant 54 : i32
      %parallel_loop3A_1289 = vector.broadcast %parallel_loop3A_1288 : i32 to vector<16xi32>
      %parallel_loop3A_1290 = arith.addi %parallel_loop3A_28, %parallel_loop3A_1289 : vector<16xi32>
      %parallel_loop3A_1291 = tpu.vector_load_idx %arg8[%parallel_loop3A_1290] : memref<16512xf32, #tpu.memory_space<vmem>>[vector<16xi32>], vector<16xf32>,
      %parallel_loop3A_1292 = arith.addf %parallel_loop3A_1287, %parallel_loop3A_1291 : vector<16xf32>
      %parallel_loop3A_1293 = arith.constant 54 : i32
      %parallel_loop3A_1294 = vector.broadcast %parallel_loop3A_1293 : i32 to vector<16xi32>
      %parallel_loop3A_1295 = arith.addi %parallel_loop3A_36, %parallel_loop3A_1294 : vector<16xi32>
      %parallel_loop3A_1296 = tpu.vector_load_idx %arg8[%parallel_loop3A_1295] : memref<16512xf32, #tpu.memory_space<vmem>>[vector<16xi32>], vector<16xf32>,
      %parallel_loop3A_1297 = arith.addf %parallel_loop3A_1292, %parallel_loop3A_1296 : vector<16xf32>
      %parallel_loop3A_1298 = arith.constant 54 : i32
      %parallel_loop3A_1299 = arith.index_cast %parallel_loop3A_1298 : i32 to index
      %parallel_loop3A_1300 = arith.index_cast %parallel_loop3A_7 : i32 to index
      %parallel_loop3A_1301 = tpu.vector_load %arg13[%parallel_loop3A_1299, %parallel_loop3A_1300] {strides = array<i32>} : memref<128x128xf32, #tpu.memory_space<vmem>>, vector<16xf32>,
      tpu.vector_store %arg13[%parallel_loop3A_1299, %parallel_loop3A_1300], %parallel_loop3A_1297 {strides = array<i32>} : memref<128x128xf32, #tpu.memory_space<vmem>>, vector<16xf32>,
      %parallel_loop3A_1302 = arith.constant 55 : i32
      %parallel_loop3A_1303 = vector.broadcast %parallel_loop3A_1302 : i32 to vector<16xi32>
      %parallel_loop3A_1304 = arith.addi %parallel_loop3A_12, %parallel_loop3A_1303 : vector<16xi32>
      %parallel_loop3A_1305 = tpu.vector_load_idx %arg8[%parallel_loop3A_1304] : memref<16512xf32, #tpu.memory_space<vmem>>[vector<16xi32>], vector<16xf32>,
      %parallel_loop3A_1306 = arith.constant 55 : i32
      %parallel_loop3A_1307 = vector.broadcast %parallel_loop3A_1306 : i32 to vector<16xi32>
      %parallel_loop3A_1308 = arith.addi %parallel_loop3A_20, %parallel_loop3A_1307 : vector<16xi32>
      %parallel_loop3A_1309 = tpu.vector_load_idx %arg8[%parallel_loop3A_1308] : memref<16512xf32, #tpu.memory_space<vmem>>[vector<16xi32>], vector<16xf32>,
      %parallel_loop3A_1310 = arith.addf %parallel_loop3A_1305, %parallel_loop3A_1309 : vector<16xf32>
      %parallel_loop3A_1311 = arith.constant 55 : i32
      %parallel_loop3A_1312 = vector.broadcast %parallel_loop3A_1311 : i32 to vector<16xi32>
      %parallel_loop3A_1313 = arith.addi %parallel_loop3A_28, %parallel_loop3A_1312 : vector<16xi32>
      %parallel_loop3A_1314 = tpu.vector_load_idx %arg8[%parallel_loop3A_1313] : memref<16512xf32, #tpu.memory_space<vmem>>[vector<16xi32>], vector<16xf32>,
      %parallel_loop3A_1315 = arith.addf %parallel_loop3A_1310, %parallel_loop3A_1314 : vector<16xf32>
      %parallel_loop3A_1316 = arith.constant 55 : i32
      %parallel_loop3A_1317 = vector.broadcast %parallel_loop3A_1316 : i32 to vector<16xi32>
      %parallel_loop3A_1318 = arith.addi %parallel_loop3A_36, %parallel_loop3A_1317 : vector<16xi32>
      %parallel_loop3A_1319 = tpu.vector_load_idx %arg8[%parallel_loop3A_1318] : memref<16512xf32, #tpu.memory_space<vmem>>[vector<16xi32>], vector<16xf32>,
      %parallel_loop3A_1320 = arith.addf %parallel_loop3A_1315, %parallel_loop3A_1319 : vector<16xf32>
      %parallel_loop3A_1321 = arith.constant 55 : i32
      %parallel_loop3A_1322 = arith.index_cast %parallel_loop3A_1321 : i32 to index
      %parallel_loop3A_1323 = arith.index_cast %parallel_loop3A_7 : i32 to index
      %parallel_loop3A_1324 = tpu.vector_load %arg13[%parallel_loop3A_1322, %parallel_loop3A_1323] {strides = array<i32>} : memref<128x128xf32, #tpu.memory_space<vmem>>, vector<16xf32>,
      tpu.vector_store %arg13[%parallel_loop3A_1322, %parallel_loop3A_1323], %parallel_loop3A_1320 {strides = array<i32>} : memref<128x128xf32, #tpu.memory_space<vmem>>, vector<16xf32>,
      %parallel_loop3A_1325 = arith.constant 56 : i32
      %parallel_loop3A_1326 = vector.broadcast %parallel_loop3A_1325 : i32 to vector<16xi32>
      %parallel_loop3A_1327 = arith.addi %parallel_loop3A_12, %parallel_loop3A_1326 : vector<16xi32>
      %parallel_loop3A_1328 = tpu.vector_load_idx %arg8[%parallel_loop3A_1327] : memref<16512xf32, #tpu.memory_space<vmem>>[vector<16xi32>], vector<16xf32>,
      %parallel_loop3A_1329 = arith.constant 56 : i32
      %parallel_loop3A_1330 = vector.broadcast %parallel_loop3A_1329 : i32 to vector<16xi32>
      %parallel_loop3A_1331 = arith.addi %parallel_loop3A_20, %parallel_loop3A_1330 : vector<16xi32>
      %parallel_loop3A_1332 = tpu.vector_load_idx %arg8[%parallel_loop3A_1331] : memref<16512xf32, #tpu.memory_space<vmem>>[vector<16xi32>], vector<16xf32>,
      %parallel_loop3A_1333 = arith.addf %parallel_loop3A_1328, %parallel_loop3A_1332 : vector<16xf32>
      %parallel_loop3A_1334 = arith.constant 56 : i32
      %parallel_loop3A_1335 = vector.broadcast %parallel_loop3A_1334 : i32 to vector<16xi32>
      %parallel_loop3A_1336 = arith.addi %parallel_loop3A_28, %parallel_loop3A_1335 : vector<16xi32>
      %parallel_loop3A_1337 = tpu.vector_load_idx %arg8[%parallel_loop3A_1336] : memref<16512xf32, #tpu.memory_space<vmem>>[vector<16xi32>], vector<16xf32>,
      %parallel_loop3A_1338 = arith.addf %parallel_loop3A_1333, %parallel_loop3A_1337 : vector<16xf32>
      %parallel_loop3A_1339 = arith.constant 56 : i32
      %parallel_loop3A_1340 = vector.broadcast %parallel_loop3A_1339 : i32 to vector<16xi32>
      %parallel_loop3A_1341 = arith.addi %parallel_loop3A_36, %parallel_loop3A_1340 : vector<16xi32>
      %parallel_loop3A_1342 = tpu.vector_load_idx %arg8[%parallel_loop3A_1341] : memref<16512xf32, #tpu.memory_space<vmem>>[vector<16xi32>], vector<16xf32>,
      %parallel_loop3A_1343 = arith.addf %parallel_loop3A_1338, %parallel_loop3A_1342 : vector<16xf32>
      %parallel_loop3A_1344 = arith.constant 56 : i32
      %parallel_loop3A_1345 = arith.index_cast %parallel_loop3A_1344 : i32 to index
      %parallel_loop3A_1346 = arith.index_cast %parallel_loop3A_7 : i32 to index
      %parallel_loop3A_1347 = tpu.vector_load %arg13[%parallel_loop3A_1345, %parallel_loop3A_1346] {strides = array<i32>} : memref<128x128xf32, #tpu.memory_space<vmem>>, vector<16xf32>,
      tpu.vector_store %arg13[%parallel_loop3A_1345, %parallel_loop3A_1346], %parallel_loop3A_1343 {strides = array<i32>} : memref<128x128xf32, #tpu.memory_space<vmem>>, vector<16xf32>,
      %parallel_loop3A_1348 = arith.constant 57 : i32
      %parallel_loop3A_1349 = vector.broadcast %parallel_loop3A_1348 : i32 to vector<16xi32>
      %parallel_loop3A_1350 = arith.addi %parallel_loop3A_12, %parallel_loop3A_1349 : vector<16xi32>
      %parallel_loop3A_1351 = tpu.vector_load_idx %arg8[%parallel_loop3A_1350] : memref<16512xf32, #tpu.memory_space<vmem>>[vector<16xi32>], vector<16xf32>,
      %parallel_loop3A_1352 = arith.constant 57 : i32
      %parallel_loop3A_1353 = vector.broadcast %parallel_loop3A_1352 : i32 to vector<16xi32>
      %parallel_loop3A_1354 = arith.addi %parallel_loop3A_20, %parallel_loop3A_1353 : vector<16xi32>
      %parallel_loop3A_1355 = tpu.vector_load_idx %arg8[%parallel_loop3A_1354] : memref<16512xf32, #tpu.memory_space<vmem>>[vector<16xi32>], vector<16xf32>,
      %parallel_loop3A_1356 = arith.addf %parallel_loop3A_1351, %parallel_loop3A_1355 : vector<16xf32>
      %parallel_loop3A_1357 = arith.constant 57 : i32
      %parallel_loop3A_1358 = vector.broadcast %parallel_loop3A_1357 : i32 to vector<16xi32>
      %parallel_loop3A_1359 = arith.addi %parallel_loop3A_28, %parallel_loop3A_1358 : vector<16xi32>
      %parallel_loop3A_1360 = tpu.vector_load_idx %arg8[%parallel_loop3A_1359] : memref<16512xf32, #tpu.memory_space<vmem>>[vector<16xi32>], vector<16xf32>,
      %parallel_loop3A_1361 = arith.addf %parallel_loop3A_1356, %parallel_loop3A_1360 : vector<16xf32>
      %parallel_loop3A_1362 = arith.constant 57 : i32
      %parallel_loop3A_1363 = vector.broadcast %parallel_loop3A_1362 : i32 to vector<16xi32>
      %parallel_loop3A_1364 = arith.addi %parallel_loop3A_36, %parallel_loop3A_1363 : vector<16xi32>
      %parallel_loop3A_1365 = tpu.vector_load_idx %arg8[%parallel_loop3A_1364] : memref<16512xf32, #tpu.memory_space<vmem>>[vector<16xi32>], vector<16xf32>,
      %parallel_loop3A_1366 = arith.addf %parallel_loop3A_1361, %parallel_loop3A_1365 : vector<16xf32>
      %parallel_loop3A_1367 = arith.constant 57 : i32
      %parallel_loop3A_1368 = arith.index_cast %parallel_loop3A_1367 : i32 to index
      %parallel_loop3A_1369 = arith.index_cast %parallel_loop3A_7 : i32 to index
      %parallel_loop3A_1370 = tpu.vector_load %arg13[%parallel_loop3A_1368, %parallel_loop3A_1369] {strides = array<i32>} : memref<128x128xf32, #tpu.memory_space<vmem>>, vector<16xf32>,
      tpu.vector_store %arg13[%parallel_loop3A_1368, %parallel_loop3A_1369], %parallel_loop3A_1366 {strides = array<i32>} : memref<128x128xf32, #tpu.memory_space<vmem>>, vector<16xf32>,
      %parallel_loop3A_1371 = arith.constant 58 : i32
      %parallel_loop3A_1372 = vector.broadcast %parallel_loop3A_1371 : i32 to vector<16xi32>
      %parallel_loop3A_1373 = arith.addi %parallel_loop3A_12, %parallel_loop3A_1372 : vector<16xi32>
      %parallel_loop3A_1374 = tpu.vector_load_idx %arg8[%parallel_loop3A_1373] : memref<16512xf32, #tpu.memory_space<vmem>>[vector<16xi32>], vector<16xf32>,
      %parallel_loop3A_1375 = arith.constant 58 : i32
      %parallel_loop3A_1376 = vector.broadcast %parallel_loop3A_1375 : i32 to vector<16xi32>
      %parallel_loop3A_1377 = arith.addi %parallel_loop3A_20, %parallel_loop3A_1376 : vector<16xi32>
      %parallel_loop3A_1378 = tpu.vector_load_idx %arg8[%parallel_loop3A_1377] : memref<16512xf32, #tpu.memory_space<vmem>>[vector<16xi32>], vector<16xf32>,
      %parallel_loop3A_1379 = arith.addf %parallel_loop3A_1374, %parallel_loop3A_1378 : vector<16xf32>
      %parallel_loop3A_1380 = arith.constant 58 : i32
      %parallel_loop3A_1381 = vector.broadcast %parallel_loop3A_1380 : i32 to vector<16xi32>
      %parallel_loop3A_1382 = arith.addi %parallel_loop3A_28, %parallel_loop3A_1381 : vector<16xi32>
      %parallel_loop3A_1383 = tpu.vector_load_idx %arg8[%parallel_loop3A_1382] : memref<16512xf32, #tpu.memory_space<vmem>>[vector<16xi32>], vector<16xf32>,
      %parallel_loop3A_1384 = arith.addf %parallel_loop3A_1379, %parallel_loop3A_1383 : vector<16xf32>
      %parallel_loop3A_1385 = arith.constant 58 : i32
      %parallel_loop3A_1386 = vector.broadcast %parallel_loop3A_1385 : i32 to vector<16xi32>
      %parallel_loop3A_1387 = arith.addi %parallel_loop3A_36, %parallel_loop3A_1386 : vector<16xi32>
      %parallel_loop3A_1388 = tpu.vector_load_idx %arg8[%parallel_loop3A_1387] : memref<16512xf32, #tpu.memory_space<vmem>>[vector<16xi32>], vector<16xf32>,
      %parallel_loop3A_1389 = arith.addf %parallel_loop3A_1384, %parallel_loop3A_1388 : vector<16xf32>
      %parallel_loop3A_1390 = arith.constant 58 : i32
      %parallel_loop3A_1391 = arith.index_cast %parallel_loop3A_1390 : i32 to index
      %parallel_loop3A_1392 = arith.index_cast %parallel_loop3A_7 : i32 to index
      %parallel_loop3A_1393 = tpu.vector_load %arg13[%parallel_loop3A_1391, %parallel_loop3A_1392] {strides = array<i32>} : memref<128x128xf32, #tpu.memory_space<vmem>>, vector<16xf32>,
      tpu.vector_store %arg13[%parallel_loop3A_1391, %parallel_loop3A_1392], %parallel_loop3A_1389 {strides = array<i32>} : memref<128x128xf32, #tpu.memory_space<vmem>>, vector<16xf32>,
      %parallel_loop3A_1394 = arith.constant 59 : i32
      %parallel_loop3A_1395 = vector.broadcast %parallel_loop3A_1394 : i32 to vector<16xi32>
      %parallel_loop3A_1396 = arith.addi %parallel_loop3A_12, %parallel_loop3A_1395 : vector<16xi32>
      %parallel_loop3A_1397 = tpu.vector_load_idx %arg8[%parallel_loop3A_1396] : memref<16512xf32, #tpu.memory_space<vmem>>[vector<16xi32>], vector<16xf32>,
      %parallel_loop3A_1398 = arith.constant 59 : i32
      %parallel_loop3A_1399 = vector.broadcast %parallel_loop3A_1398 : i32 to vector<16xi32>
      %parallel_loop3A_1400 = arith.addi %parallel_loop3A_20, %parallel_loop3A_1399 : vector<16xi32>
      %parallel_loop3A_1401 = tpu.vector_load_idx %arg8[%parallel_loop3A_1400] : memref<16512xf32, #tpu.memory_space<vmem>>[vector<16xi32>], vector<16xf32>,
      %parallel_loop3A_1402 = arith.addf %parallel_loop3A_1397, %parallel_loop3A_1401 : vector<16xf32>
      %parallel_loop3A_1403 = arith.constant 59 : i32
      %parallel_loop3A_1404 = vector.broadcast %parallel_loop3A_1403 : i32 to vector<16xi32>
      %parallel_loop3A_1405 = arith.addi %parallel_loop3A_28, %parallel_loop3A_1404 : vector<16xi32>
      %parallel_loop3A_1406 = tpu.vector_load_idx %arg8[%parallel_loop3A_1405] : memref<16512xf32, #tpu.memory_space<vmem>>[vector<16xi32>], vector<16xf32>,
      %parallel_loop3A_1407 = arith.addf %parallel_loop3A_1402, %parallel_loop3A_1406 : vector<16xf32>
      %parallel_loop3A_1408 = arith.constant 59 : i32
      %parallel_loop3A_1409 = vector.broadcast %parallel_loop3A_1408 : i32 to vector<16xi32>
      %parallel_loop3A_1410 = arith.addi %parallel_loop3A_36, %parallel_loop3A_1409 : vector<16xi32>
      %parallel_loop3A_1411 = tpu.vector_load_idx %arg8[%parallel_loop3A_1410] : memref<16512xf32, #tpu.memory_space<vmem>>[vector<16xi32>], vector<16xf32>,
      %parallel_loop3A_1412 = arith.addf %parallel_loop3A_1407, %parallel_loop3A_1411 : vector<16xf32>
      %parallel_loop3A_1413 = arith.constant 59 : i32
      %parallel_loop3A_1414 = arith.index_cast %parallel_loop3A_1413 : i32 to index
      %parallel_loop3A_1415 = arith.index_cast %parallel_loop3A_7 : i32 to index
      %parallel_loop3A_1416 = tpu.vector_load %arg13[%parallel_loop3A_1414, %parallel_loop3A_1415] {strides = array<i32>} : memref<128x128xf32, #tpu.memory_space<vmem>>, vector<16xf32>,
      tpu.vector_store %arg13[%parallel_loop3A_1414, %parallel_loop3A_1415], %parallel_loop3A_1412 {strides = array<i32>} : memref<128x128xf32, #tpu.memory_space<vmem>>, vector<16xf32>,
      %parallel_loop3A_1417 = arith.constant 60 : i32
      %parallel_loop3A_1418 = vector.broadcast %parallel_loop3A_1417 : i32 to vector<16xi32>
      %parallel_loop3A_1419 = arith.addi %parallel_loop3A_12, %parallel_loop3A_1418 : vector<16xi32>
      %parallel_loop3A_1420 = tpu.vector_load_idx %arg8[%parallel_loop3A_1419] : memref<16512xf32, #tpu.memory_space<vmem>>[vector<16xi32>], vector<16xf32>,
      %parallel_loop3A_1421 = arith.constant 60 : i32
      %parallel_loop3A_1422 = vector.broadcast %parallel_loop3A_1421 : i32 to vector<16xi32>
      %parallel_loop3A_1423 = arith.addi %parallel_loop3A_20, %parallel_loop3A_1422 : vector<16xi32>
      %parallel_loop3A_1424 = tpu.vector_load_idx %arg8[%parallel_loop3A_1423] : memref<16512xf32, #tpu.memory_space<vmem>>[vector<16xi32>], vector<16xf32>,
      %parallel_loop3A_1425 = arith.addf %parallel_loop3A_1420, %parallel_loop3A_1424 : vector<16xf32>
      %parallel_loop3A_1426 = arith.constant 60 : i32
      %parallel_loop3A_1427 = vector.broadcast %parallel_loop3A_1426 : i32 to vector<16xi32>
      %parallel_loop3A_1428 = arith.addi %parallel_loop3A_28, %parallel_loop3A_1427 : vector<16xi32>
      %parallel_loop3A_1429 = tpu.vector_load_idx %arg8[%parallel_loop3A_1428] : memref<16512xf32, #tpu.memory_space<vmem>>[vector<16xi32>], vector<16xf32>,
      %parallel_loop3A_1430 = arith.addf %parallel_loop3A_1425, %parallel_loop3A_1429 : vector<16xf32>
      %parallel_loop3A_1431 = arith.constant 60 : i32
      %parallel_loop3A_1432 = vector.broadcast %parallel_loop3A_1431 : i32 to vector<16xi32>
      %parallel_loop3A_1433 = arith.addi %parallel_loop3A_36, %parallel_loop3A_1432 : vector<16xi32>
      %parallel_loop3A_1434 = tpu.vector_load_idx %arg8[%parallel_loop3A_1433] : memref<16512xf32, #tpu.memory_space<vmem>>[vector<16xi32>], vector<16xf32>,
      %parallel_loop3A_1435 = arith.addf %parallel_loop3A_1430, %parallel_loop3A_1434 : vector<16xf32>
      %parallel_loop3A_1436 = arith.constant 60 : i32
      %parallel_loop3A_1437 = arith.index_cast %parallel_loop3A_1436 : i32 to index
      %parallel_loop3A_1438 = arith.index_cast %parallel_loop3A_7 : i32 to index
      %parallel_loop3A_1439 = tpu.vector_load %arg13[%parallel_loop3A_1437, %parallel_loop3A_1438] {strides = array<i32>} : memref<128x128xf32, #tpu.memory_space<vmem>>, vector<16xf32>,
      tpu.vector_store %arg13[%parallel_loop3A_1437, %parallel_loop3A_1438], %parallel_loop3A_1435 {strides = array<i32>} : memref<128x128xf32, #tpu.memory_space<vmem>>, vector<16xf32>,
      %parallel_loop3A_1440 = arith.constant 61 : i32
      %parallel_loop3A_1441 = vector.broadcast %parallel_loop3A_1440 : i32 to vector<16xi32>
      %parallel_loop3A_1442 = arith.addi %parallel_loop3A_12, %parallel_loop3A_1441 : vector<16xi32>
      %parallel_loop3A_1443 = tpu.vector_load_idx %arg8[%parallel_loop3A_1442] : memref<16512xf32, #tpu.memory_space<vmem>>[vector<16xi32>], vector<16xf32>,
      %parallel_loop3A_1444 = arith.constant 61 : i32
      %parallel_loop3A_1445 = vector.broadcast %parallel_loop3A_1444 : i32 to vector<16xi32>
      %parallel_loop3A_1446 = arith.addi %parallel_loop3A_20, %parallel_loop3A_1445 : vector<16xi32>
      %parallel_loop3A_1447 = tpu.vector_load_idx %arg8[%parallel_loop3A_1446] : memref<16512xf32, #tpu.memory_space<vmem>>[vector<16xi32>], vector<16xf32>,
      %parallel_loop3A_1448 = arith.addf %parallel_loop3A_1443, %parallel_loop3A_1447 : vector<16xf32>
      %parallel_loop3A_1449 = arith.constant 61 : i32
      %parallel_loop3A_1450 = vector.broadcast %parallel_loop3A_1449 : i32 to vector<16xi32>
      %parallel_loop3A_1451 = arith.addi %parallel_loop3A_28, %parallel_loop3A_1450 : vector<16xi32>
      %parallel_loop3A_1452 = tpu.vector_load_idx %arg8[%parallel_loop3A_1451] : memref<16512xf32, #tpu.memory_space<vmem>>[vector<16xi32>], vector<16xf32>,
      %parallel_loop3A_1453 = arith.addf %parallel_loop3A_1448, %parallel_loop3A_1452 : vector<16xf32>
      %parallel_loop3A_1454 = arith.constant 61 : i32
      %parallel_loop3A_1455 = vector.broadcast %parallel_loop3A_1454 : i32 to vector<16xi32>
      %parallel_loop3A_1456 = arith.addi %parallel_loop3A_36, %parallel_loop3A_1455 : vector<16xi32>
      %parallel_loop3A_1457 = tpu.vector_load_idx %arg8[%parallel_loop3A_1456] : memref<16512xf32, #tpu.memory_space<vmem>>[vector<16xi32>], vector<16xf32>,
      %parallel_loop3A_1458 = arith.addf %parallel_loop3A_1453, %parallel_loop3A_1457 : vector<16xf32>
      %parallel_loop3A_1459 = arith.constant 61 : i32
      %parallel_loop3A_1460 = arith.index_cast %parallel_loop3A_1459 : i32 to index
      %parallel_loop3A_1461 = arith.index_cast %parallel_loop3A_7 : i32 to index
      %parallel_loop3A_1462 = tpu.vector_load %arg13[%parallel_loop3A_1460, %parallel_loop3A_1461] {strides = array<i32>} : memref<128x128xf32, #tpu.memory_space<vmem>>, vector<16xf32>,
      tpu.vector_store %arg13[%parallel_loop3A_1460, %parallel_loop3A_1461], %parallel_loop3A_1458 {strides = array<i32>} : memref<128x128xf32, #tpu.memory_space<vmem>>, vector<16xf32>,
      %parallel_loop3A_1463 = arith.constant 62 : i32
      %parallel_loop3A_1464 = vector.broadcast %parallel_loop3A_1463 : i32 to vector<16xi32>
      %parallel_loop3A_1465 = arith.addi %parallel_loop3A_12, %parallel_loop3A_1464 : vector<16xi32>
      %parallel_loop3A_1466 = tpu.vector_load_idx %arg8[%parallel_loop3A_1465] : memref<16512xf32, #tpu.memory_space<vmem>>[vector<16xi32>], vector<16xf32>,
      %parallel_loop3A_1467 = arith.constant 62 : i32
      %parallel_loop3A_1468 = vector.broadcast %parallel_loop3A_1467 : i32 to vector<16xi32>
      %parallel_loop3A_1469 = arith.addi %parallel_loop3A_20, %parallel_loop3A_1468 : vector<16xi32>
      %parallel_loop3A_1470 = tpu.vector_load_idx %arg8[%parallel_loop3A_1469] : memref<16512xf32, #tpu.memory_space<vmem>>[vector<16xi32>], vector<16xf32>,
      %parallel_loop3A_1471 = arith.addf %parallel_loop3A_1466, %parallel_loop3A_1470 : vector<16xf32>
      %parallel_loop3A_1472 = arith.constant 62 : i32
      %parallel_loop3A_1473 = vector.broadcast %parallel_loop3A_1472 : i32 to vector<16xi32>
      %parallel_loop3A_1474 = arith.addi %parallel_loop3A_28, %parallel_loop3A_1473 : vector<16xi32>
      %parallel_loop3A_1475 = tpu.vector_load_idx %arg8[%parallel_loop3A_1474] : memref<16512xf32, #tpu.memory_space<vmem>>[vector<16xi32>], vector<16xf32>,
      %parallel_loop3A_1476 = arith.addf %parallel_loop3A_1471, %parallel_loop3A_1475 : vector<16xf32>
      %parallel_loop3A_1477 = arith.constant 62 : i32
      %parallel_loop3A_1478 = vector.broadcast %parallel_loop3A_1477 : i32 to vector<16xi32>
      %parallel_loop3A_1479 = arith.addi %parallel_loop3A_36, %parallel_loop3A_1478 : vector<16xi32>
      %parallel_loop3A_1480 = tpu.vector_load_idx %arg8[%parallel_loop3A_1479] : memref<16512xf32, #tpu.memory_space<vmem>>[vector<16xi32>], vector<16xf32>,
      %parallel_loop3A_1481 = arith.addf %parallel_loop3A_1476, %parallel_loop3A_1480 : vector<16xf32>
      %parallel_loop3A_1482 = arith.constant 62 : i32
      %parallel_loop3A_1483 = arith.index_cast %parallel_loop3A_1482 : i32 to index
      %parallel_loop3A_1484 = arith.index_cast %parallel_loop3A_7 : i32 to index
      %parallel_loop3A_1485 = tpu.vector_load %arg13[%parallel_loop3A_1483, %parallel_loop3A_1484] {strides = array<i32>} : memref<128x128xf32, #tpu.memory_space<vmem>>, vector<16xf32>,
      tpu.vector_store %arg13[%parallel_loop3A_1483, %parallel_loop3A_1484], %parallel_loop3A_1481 {strides = array<i32>} : memref<128x128xf32, #tpu.memory_space<vmem>>, vector<16xf32>,
      %parallel_loop3A_1486 = arith.constant 63 : i32
      %parallel_loop3A_1487 = vector.broadcast %parallel_loop3A_1486 : i32 to vector<16xi32>
      %parallel_loop3A_1488 = arith.addi %parallel_loop3A_12, %parallel_loop3A_1487 : vector<16xi32>
      %parallel_loop3A_1489 = tpu.vector_load_idx %arg8[%parallel_loop3A_1488] : memref<16512xf32, #tpu.memory_space<vmem>>[vector<16xi32>], vector<16xf32>,
      %parallel_loop3A_1490 = arith.constant 63 : i32
      %parallel_loop3A_1491 = vector.broadcast %parallel_loop3A_1490 : i32 to vector<16xi32>
      %parallel_loop3A_1492 = arith.addi %parallel_loop3A_20, %parallel_loop3A_1491 : vector<16xi32>
      %parallel_loop3A_1493 = tpu.vector_load_idx %arg8[%parallel_loop3A_1492] : memref<16512xf32, #tpu.memory_space<vmem>>[vector<16xi32>], vector<16xf32>,
      %parallel_loop3A_1494 = arith.addf %parallel_loop3A_1489, %parallel_loop3A_1493 : vector<16xf32>
      %parallel_loop3A_1495 = arith.constant 63 : i32
      %parallel_loop3A_1496 = vector.broadcast %parallel_loop3A_1495 : i32 to vector<16xi32>
      %parallel_loop3A_1497 = arith.addi %parallel_loop3A_28, %parallel_loop3A_1496 : vector<16xi32>
      %parallel_loop3A_1498 = tpu.vector_load_idx %arg8[%parallel_loop3A_1497] : memref<16512xf32, #tpu.memory_space<vmem>>[vector<16xi32>], vector<16xf32>,
      %parallel_loop3A_1499 = arith.addf %parallel_loop3A_1494, %parallel_loop3A_1498 : vector<16xf32>
      %parallel_loop3A_1500 = arith.constant 63 : i32
      %parallel_loop3A_1501 = vector.broadcast %parallel_loop3A_1500 : i32 to vector<16xi32>
      %parallel_loop3A_1502 = arith.addi %parallel_loop3A_36, %parallel_loop3A_1501 : vector<16xi32>
      %parallel_loop3A_1503 = tpu.vector_load_idx %arg8[%parallel_loop3A_1502] : memref<16512xf32, #tpu.memory_space<vmem>>[vector<16xi32>], vector<16xf32>,
      %parallel_loop3A_1504 = arith.addf %parallel_loop3A_1499, %parallel_loop3A_1503 : vector<16xf32>
      %parallel_loop3A_1505 = arith.constant 63 : i32
      %parallel_loop3A_1506 = arith.index_cast %parallel_loop3A_1505 : i32 to index
      %parallel_loop3A_1507 = arith.index_cast %parallel_loop3A_7 : i32 to index
      %parallel_loop3A_1508 = tpu.vector_load %arg13[%parallel_loop3A_1506, %parallel_loop3A_1507] {strides = array<i32>} : memref<128x128xf32, #tpu.memory_space<vmem>>, vector<16xf32>,
      tpu.vector_store %arg13[%parallel_loop3A_1506, %parallel_loop3A_1507], %parallel_loop3A_1504 {strides = array<i32>} : memref<128x128xf32, #tpu.memory_space<vmem>>, vector<16xf32>,
      %parallel_loop3A_1509 = arith.constant 64 : i32
      %parallel_loop3A_1510 = vector.broadcast %parallel_loop3A_1509 : i32 to vector<16xi32>
      %parallel_loop3A_1511 = arith.addi %parallel_loop3A_12, %parallel_loop3A_1510 : vector<16xi32>
      %parallel_loop3A_1512 = tpu.vector_load_idx %arg8[%parallel_loop3A_1511] : memref<16512xf32, #tpu.memory_space<vmem>>[vector<16xi32>], vector<16xf32>,
      %parallel_loop3A_1513 = arith.constant 64 : i32
      %parallel_loop3A_1514 = vector.broadcast %parallel_loop3A_1513 : i32 to vector<16xi32>
      %parallel_loop3A_1515 = arith.addi %parallel_loop3A_20, %parallel_loop3A_1514 : vector<16xi32>
      %parallel_loop3A_1516 = tpu.vector_load_idx %arg8[%parallel_loop3A_1515] : memref<16512xf32, #tpu.memory_space<vmem>>[vector<16xi32>], vector<16xf32>,
      %parallel_loop3A_1517 = arith.addf %parallel_loop3A_1512, %parallel_loop3A_1516 : vector<16xf32>
      %parallel_loop3A_1518 = arith.constant 64 : i32
      %parallel_loop3A_1519 = vector.broadcast %parallel_loop3A_1518 : i32 to vector<16xi32>
      %parallel_loop3A_1520 = arith.addi %parallel_loop3A_28, %parallel_loop3A_1519 : vector<16xi32>
      %parallel_loop3A_1521 = tpu.vector_load_idx %arg8[%parallel_loop3A_1520] : memref<16512xf32, #tpu.memory_space<vmem>>[vector<16xi32>], vector<16xf32>,
      %parallel_loop3A_1522 = arith.addf %parallel_loop3A_1517, %parallel_loop3A_1521 : vector<16xf32>
      %parallel_loop3A_1523 = arith.constant 64 : i32
      %parallel_loop3A_1524 = vector.broadcast %parallel_loop3A_1523 : i32 to vector<16xi32>
      %parallel_loop3A_1525 = arith.addi %parallel_loop3A_36, %parallel_loop3A_1524 : vector<16xi32>
      %parallel_loop3A_1526 = tpu.vector_load_idx %arg8[%parallel_loop3A_1525] : memref<16512xf32, #tpu.memory_space<vmem>>[vector<16xi32>], vector<16xf32>,
      %parallel_loop3A_1527 = arith.addf %parallel_loop3A_1522, %parallel_loop3A_1526 : vector<16xf32>
      %parallel_loop3A_1528 = arith.constant 64 : i32
      %parallel_loop3A_1529 = arith.index_cast %parallel_loop3A_1528 : i32 to index
      %parallel_loop3A_1530 = arith.index_cast %parallel_loop3A_7 : i32 to index
      %parallel_loop3A_1531 = tpu.vector_load %arg13[%parallel_loop3A_1529, %parallel_loop3A_1530] {strides = array<i32>} : memref<128x128xf32, #tpu.memory_space<vmem>>, vector<16xf32>,
      tpu.vector_store %arg13[%parallel_loop3A_1529, %parallel_loop3A_1530], %parallel_loop3A_1527 {strides = array<i32>} : memref<128x128xf32, #tpu.memory_space<vmem>>, vector<16xf32>,
      %parallel_loop3A_1532 = arith.constant 65 : i32
      %parallel_loop3A_1533 = vector.broadcast %parallel_loop3A_1532 : i32 to vector<16xi32>
      %parallel_loop3A_1534 = arith.addi %parallel_loop3A_12, %parallel_loop3A_1533 : vector<16xi32>
      %parallel_loop3A_1535 = tpu.vector_load_idx %arg8[%parallel_loop3A_1534] : memref<16512xf32, #tpu.memory_space<vmem>>[vector<16xi32>], vector<16xf32>,
      %parallel_loop3A_1536 = arith.constant 65 : i32
      %parallel_loop3A_1537 = vector.broadcast %parallel_loop3A_1536 : i32 to vector<16xi32>
      %parallel_loop3A_1538 = arith.addi %parallel_loop3A_20, %parallel_loop3A_1537 : vector<16xi32>
      %parallel_loop3A_1539 = tpu.vector_load_idx %arg8[%parallel_loop3A_1538] : memref<16512xf32, #tpu.memory_space<vmem>>[vector<16xi32>], vector<16xf32>,
      %parallel_loop3A_1540 = arith.addf %parallel_loop3A_1535, %parallel_loop3A_1539 : vector<16xf32>
      %parallel_loop3A_1541 = arith.constant 65 : i32
      %parallel_loop3A_1542 = vector.broadcast %parallel_loop3A_1541 : i32 to vector<16xi32>
      %parallel_loop3A_1543 = arith.addi %parallel_loop3A_28, %parallel_loop3A_1542 : vector<16xi32>
      %parallel_loop3A_1544 = tpu.vector_load_idx %arg8[%parallel_loop3A_1543] : memref<16512xf32, #tpu.memory_space<vmem>>[vector<16xi32>], vector<16xf32>,
      %parallel_loop3A_1545 = arith.addf %parallel_loop3A_1540, %parallel_loop3A_1544 : vector<16xf32>
      %parallel_loop3A_1546 = arith.constant 65 : i32
      %parallel_loop3A_1547 = vector.broadcast %parallel_loop3A_1546 : i32 to vector<16xi32>
      %parallel_loop3A_1548 = arith.addi %parallel_loop3A_36, %parallel_loop3A_1547 : vector<16xi32>
      %parallel_loop3A_1549 = tpu.vector_load_idx %arg8[%parallel_loop3A_1548] : memref<16512xf32, #tpu.memory_space<vmem>>[vector<16xi32>], vector<16xf32>,
      %parallel_loop3A_1550 = arith.addf %parallel_loop3A_1545, %parallel_loop3A_1549 : vector<16xf32>
      %parallel_loop3A_1551 = arith.constant 65 : i32
      %parallel_loop3A_1552 = arith.index_cast %parallel_loop3A_1551 : i32 to index
      %parallel_loop3A_1553 = arith.index_cast %parallel_loop3A_7 : i32 to index
      %parallel_loop3A_1554 = tpu.vector_load %arg13[%parallel_loop3A_1552, %parallel_loop3A_1553] {strides = array<i32>} : memref<128x128xf32, #tpu.memory_space<vmem>>, vector<16xf32>,
      tpu.vector_store %arg13[%parallel_loop3A_1552, %parallel_loop3A_1553], %parallel_loop3A_1550 {strides = array<i32>} : memref<128x128xf32, #tpu.memory_space<vmem>>, vector<16xf32>,
      %parallel_loop3A_1555 = arith.constant 66 : i32
      %parallel_loop3A_1556 = vector.broadcast %parallel_loop3A_1555 : i32 to vector<16xi32>
      %parallel_loop3A_1557 = arith.addi %parallel_loop3A_12, %parallel_loop3A_1556 : vector<16xi32>
      %parallel_loop3A_1558 = tpu.vector_load_idx %arg8[%parallel_loop3A_1557] : memref<16512xf32, #tpu.memory_space<vmem>>[vector<16xi32>], vector<16xf32>,
      %parallel_loop3A_1559 = arith.constant 66 : i32
      %parallel_loop3A_1560 = vector.broadcast %parallel_loop3A_1559 : i32 to vector<16xi32>
      %parallel_loop3A_1561 = arith.addi %parallel_loop3A_20, %parallel_loop3A_1560 : vector<16xi32>
      %parallel_loop3A_1562 = tpu.vector_load_idx %arg8[%parallel_loop3A_1561] : memref<16512xf32, #tpu.memory_space<vmem>>[vector<16xi32>], vector<16xf32>,
      %parallel_loop3A_1563 = arith.addf %parallel_loop3A_1558, %parallel_loop3A_1562 : vector<16xf32>
      %parallel_loop3A_1564 = arith.constant 66 : i32
      %parallel_loop3A_1565 = vector.broadcast %parallel_loop3A_1564 : i32 to vector<16xi32>
      %parallel_loop3A_1566 = arith.addi %parallel_loop3A_28, %parallel_loop3A_1565 : vector<16xi32>
      %parallel_loop3A_1567 = tpu.vector_load_idx %arg8[%parallel_loop3A_1566] : memref<16512xf32, #tpu.memory_space<vmem>>[vector<16xi32>], vector<16xf32>,
      %parallel_loop3A_1568 = arith.addf %parallel_loop3A_1563, %parallel_loop3A_1567 : vector<16xf32>
      %parallel_loop3A_1569 = arith.constant 66 : i32
      %parallel_loop3A_1570 = vector.broadcast %parallel_loop3A_1569 : i32 to vector<16xi32>
      %parallel_loop3A_1571 = arith.addi %parallel_loop3A_36, %parallel_loop3A_1570 : vector<16xi32>
      %parallel_loop3A_1572 = tpu.vector_load_idx %arg8[%parallel_loop3A_1571] : memref<16512xf32, #tpu.memory_space<vmem>>[vector<16xi32>], vector<16xf32>,
      %parallel_loop3A_1573 = arith.addf %parallel_loop3A_1568, %parallel_loop3A_1572 : vector<16xf32>
      %parallel_loop3A_1574 = arith.constant 66 : i32
      %parallel_loop3A_1575 = arith.index_cast %parallel_loop3A_1574 : i32 to index
      %parallel_loop3A_1576 = arith.index_cast %parallel_loop3A_7 : i32 to index
      %parallel_loop3A_1577 = tpu.vector_load %arg13[%parallel_loop3A_1575, %parallel_loop3A_1576] {strides = array<i32>} : memref<128x128xf32, #tpu.memory_space<vmem>>, vector<16xf32>,
      tpu.vector_store %arg13[%parallel_loop3A_1575, %parallel_loop3A_1576], %parallel_loop3A_1573 {strides = array<i32>} : memref<128x128xf32, #tpu.memory_space<vmem>>, vector<16xf32>,
      %parallel_loop3A_1578 = arith.constant 67 : i32
      %parallel_loop3A_1579 = vector.broadcast %parallel_loop3A_1578 : i32 to vector<16xi32>
      %parallel_loop3A_1580 = arith.addi %parallel_loop3A_12, %parallel_loop3A_1579 : vector<16xi32>
      %parallel_loop3A_1581 = tpu.vector_load_idx %arg8[%parallel_loop3A_1580] : memref<16512xf32, #tpu.memory_space<vmem>>[vector<16xi32>], vector<16xf32>,
      %parallel_loop3A_1582 = arith.constant 67 : i32
      %parallel_loop3A_1583 = vector.broadcast %parallel_loop3A_1582 : i32 to vector<16xi32>
      %parallel_loop3A_1584 = arith.addi %parallel_loop3A_20, %parallel_loop3A_1583 : vector<16xi32>
      %parallel_loop3A_1585 = tpu.vector_load_idx %arg8[%parallel_loop3A_1584] : memref<16512xf32, #tpu.memory_space<vmem>>[vector<16xi32>], vector<16xf32>,
      %parallel_loop3A_1586 = arith.addf %parallel_loop3A_1581, %parallel_loop3A_1585 : vector<16xf32>
      %parallel_loop3A_1587 = arith.constant 67 : i32
      %parallel_loop3A_1588 = vector.broadcast %parallel_loop3A_1587 : i32 to vector<16xi32>
      %parallel_loop3A_1589 = arith.addi %parallel_loop3A_28, %parallel_loop3A_1588 : vector<16xi32>
      %parallel_loop3A_1590 = tpu.vector_load_idx %arg8[%parallel_loop3A_1589] : memref<16512xf32, #tpu.memory_space<vmem>>[vector<16xi32>], vector<16xf32>,
      %parallel_loop3A_1591 = arith.addf %parallel_loop3A_1586, %parallel_loop3A_1590 : vector<16xf32>
      %parallel_loop3A_1592 = arith.constant 67 : i32
      %parallel_loop3A_1593 = vector.broadcast %parallel_loop3A_1592 : i32 to vector<16xi32>
      %parallel_loop3A_1594 = arith.addi %parallel_loop3A_36, %parallel_loop3A_1593 : vector<16xi32>
      %parallel_loop3A_1595 = tpu.vector_load_idx %arg8[%parallel_loop3A_1594] : memref<16512xf32, #tpu.memory_space<vmem>>[vector<16xi32>], vector<16xf32>,
      %parallel_loop3A_1596 = arith.addf %parallel_loop3A_1591, %parallel_loop3A_1595 : vector<16xf32>
      %parallel_loop3A_1597 = arith.constant 67 : i32
      %parallel_loop3A_1598 = arith.index_cast %parallel_loop3A_1597 : i32 to index
      %parallel_loop3A_1599 = arith.index_cast %parallel_loop3A_7 : i32 to index
      %parallel_loop3A_1600 = tpu.vector_load %arg13[%parallel_loop3A_1598, %parallel_loop3A_1599] {strides = array<i32>} : memref<128x128xf32, #tpu.memory_space<vmem>>, vector<16xf32>,
      tpu.vector_store %arg13[%parallel_loop3A_1598, %parallel_loop3A_1599], %parallel_loop3A_1596 {strides = array<i32>} : memref<128x128xf32, #tpu.memory_space<vmem>>, vector<16xf32>,
      %parallel_loop3A_1601 = arith.constant 68 : i32
      %parallel_loop3A_1602 = vector.broadcast %parallel_loop3A_1601 : i32 to vector<16xi32>
      %parallel_loop3A_1603 = arith.addi %parallel_loop3A_12, %parallel_loop3A_1602 : vector<16xi32>
      %parallel_loop3A_1604 = tpu.vector_load_idx %arg8[%parallel_loop3A_1603] : memref<16512xf32, #tpu.memory_space<vmem>>[vector<16xi32>], vector<16xf32>,
      %parallel_loop3A_1605 = arith.constant 68 : i32
      %parallel_loop3A_1606 = vector.broadcast %parallel_loop3A_1605 : i32 to vector<16xi32>
      %parallel_loop3A_1607 = arith.addi %parallel_loop3A_20, %parallel_loop3A_1606 : vector<16xi32>
      %parallel_loop3A_1608 = tpu.vector_load_idx %arg8[%parallel_loop3A_1607] : memref<16512xf32, #tpu.memory_space<vmem>>[vector<16xi32>], vector<16xf32>,
      %parallel_loop3A_1609 = arith.addf %parallel_loop3A_1604, %parallel_loop3A_1608 : vector<16xf32>
      %parallel_loop3A_1610 = arith.constant 68 : i32
      %parallel_loop3A_1611 = vector.broadcast %parallel_loop3A_1610 : i32 to vector<16xi32>
      %parallel_loop3A_1612 = arith.addi %parallel_loop3A_28, %parallel_loop3A_1611 : vector<16xi32>
      %parallel_loop3A_1613 = tpu.vector_load_idx %arg8[%parallel_loop3A_1612] : memref<16512xf32, #tpu.memory_space<vmem>>[vector<16xi32>], vector<16xf32>,
      %parallel_loop3A_1614 = arith.addf %parallel_loop3A_1609, %parallel_loop3A_1613 : vector<16xf32>
      %parallel_loop3A_1615 = arith.constant 68 : i32
      %parallel_loop3A_1616 = vector.broadcast %parallel_loop3A_1615 : i32 to vector<16xi32>
      %parallel_loop3A_1617 = arith.addi %parallel_loop3A_36, %parallel_loop3A_1616 : vector<16xi32>
      %parallel_loop3A_1618 = tpu.vector_load_idx %arg8[%parallel_loop3A_1617] : memref<16512xf32, #tpu.memory_space<vmem>>[vector<16xi32>], vector<16xf32>,
      %parallel_loop3A_1619 = arith.addf %parallel_loop3A_1614, %parallel_loop3A_1618 : vector<16xf32>
      %parallel_loop3A_1620 = arith.constant 68 : i32
      %parallel_loop3A_1621 = arith.index_cast %parallel_loop3A_1620 : i32 to index
      %parallel_loop3A_1622 = arith.index_cast %parallel_loop3A_7 : i32 to index
      %parallel_loop3A_1623 = tpu.vector_load %arg13[%parallel_loop3A_1621, %parallel_loop3A_1622] {strides = array<i32>} : memref<128x128xf32, #tpu.memory_space<vmem>>, vector<16xf32>,
      tpu.vector_store %arg13[%parallel_loop3A_1621, %parallel_loop3A_1622], %parallel_loop3A_1619 {strides = array<i32>} : memref<128x128xf32, #tpu.memory_space<vmem>>, vector<16xf32>,
      %parallel_loop3A_1624 = arith.constant 69 : i32
      %parallel_loop3A_1625 = vector.broadcast %parallel_loop3A_1624 : i32 to vector<16xi32>
      %parallel_loop3A_1626 = arith.addi %parallel_loop3A_12, %parallel_loop3A_1625 : vector<16xi32>
      %parallel_loop3A_1627 = tpu.vector_load_idx %arg8[%parallel_loop3A_1626] : memref<16512xf32, #tpu.memory_space<vmem>>[vector<16xi32>], vector<16xf32>,
      %parallel_loop3A_1628 = arith.constant 69 : i32
      %parallel_loop3A_1629 = vector.broadcast %parallel_loop3A_1628 : i32 to vector<16xi32>
      %parallel_loop3A_1630 = arith.addi %parallel_loop3A_20, %parallel_loop3A_1629 : vector<16xi32>
      %parallel_loop3A_1631 = tpu.vector_load_idx %arg8[%parallel_loop3A_1630] : memref<16512xf32, #tpu.memory_space<vmem>>[vector<16xi32>], vector<16xf32>,
      %parallel_loop3A_1632 = arith.addf %parallel_loop3A_1627, %parallel_loop3A_1631 : vector<16xf32>
      %parallel_loop3A_1633 = arith.constant 69 : i32
      %parallel_loop3A_1634 = vector.broadcast %parallel_loop3A_1633 : i32 to vector<16xi32>
      %parallel_loop3A_1635 = arith.addi %parallel_loop3A_28, %parallel_loop3A_1634 : vector<16xi32>
      %parallel_loop3A_1636 = tpu.vector_load_idx %arg8[%parallel_loop3A_1635] : memref<16512xf32, #tpu.memory_space<vmem>>[vector<16xi32>], vector<16xf32>,
      %parallel_loop3A_1637 = arith.addf %parallel_loop3A_1632, %parallel_loop3A_1636 : vector<16xf32>
      %parallel_loop3A_1638 = arith.constant 69 : i32
      %parallel_loop3A_1639 = vector.broadcast %parallel_loop3A_1638 : i32 to vector<16xi32>
      %parallel_loop3A_1640 = arith.addi %parallel_loop3A_36, %parallel_loop3A_1639 : vector<16xi32>
      %parallel_loop3A_1641 = tpu.vector_load_idx %arg8[%parallel_loop3A_1640] : memref<16512xf32, #tpu.memory_space<vmem>>[vector<16xi32>], vector<16xf32>,
      %parallel_loop3A_1642 = arith.addf %parallel_loop3A_1637, %parallel_loop3A_1641 : vector<16xf32>
      %parallel_loop3A_1643 = arith.constant 69 : i32
      %parallel_loop3A_1644 = arith.index_cast %parallel_loop3A_1643 : i32 to index
      %parallel_loop3A_1645 = arith.index_cast %parallel_loop3A_7 : i32 to index
      %parallel_loop3A_1646 = tpu.vector_load %arg13[%parallel_loop3A_1644, %parallel_loop3A_1645] {strides = array<i32>} : memref<128x128xf32, #tpu.memory_space<vmem>>, vector<16xf32>,
      tpu.vector_store %arg13[%parallel_loop3A_1644, %parallel_loop3A_1645], %parallel_loop3A_1642 {strides = array<i32>} : memref<128x128xf32, #tpu.memory_space<vmem>>, vector<16xf32>,
      %parallel_loop3A_1647 = arith.constant 70 : i32
      %parallel_loop3A_1648 = vector.broadcast %parallel_loop3A_1647 : i32 to vector<16xi32>
      %parallel_loop3A_1649 = arith.addi %parallel_loop3A_12, %parallel_loop3A_1648 : vector<16xi32>
      %parallel_loop3A_1650 = tpu.vector_load_idx %arg8[%parallel_loop3A_1649] : memref<16512xf32, #tpu.memory_space<vmem>>[vector<16xi32>], vector<16xf32>,
      %parallel_loop3A_1651 = arith.constant 70 : i32
      %parallel_loop3A_1652 = vector.broadcast %parallel_loop3A_1651 : i32 to vector<16xi32>
      %parallel_loop3A_1653 = arith.addi %parallel_loop3A_20, %parallel_loop3A_1652 : vector<16xi32>
      %parallel_loop3A_1654 = tpu.vector_load_idx %arg8[%parallel_loop3A_1653] : memref<16512xf32, #tpu.memory_space<vmem>>[vector<16xi32>], vector<16xf32>,
      %parallel_loop3A_1655 = arith.addf %parallel_loop3A_1650, %parallel_loop3A_1654 : vector<16xf32>
      %parallel_loop3A_1656 = arith.constant 70 : i32
      %parallel_loop3A_1657 = vector.broadcast %parallel_loop3A_1656 : i32 to vector<16xi32>
      %parallel_loop3A_1658 = arith.addi %parallel_loop3A_28, %parallel_loop3A_1657 : vector<16xi32>
      %parallel_loop3A_1659 = tpu.vector_load_idx %arg8[%parallel_loop3A_1658] : memref<16512xf32, #tpu.memory_space<vmem>>[vector<16xi32>], vector<16xf32>,
      %parallel_loop3A_1660 = arith.addf %parallel_loop3A_1655, %parallel_loop3A_1659 : vector<16xf32>
      %parallel_loop3A_1661 = arith.constant 70 : i32
      %parallel_loop3A_1662 = vector.broadcast %parallel_loop3A_1661 : i32 to vector<16xi32>
      %parallel_loop3A_1663 = arith.addi %parallel_loop3A_36, %parallel_loop3A_1662 : vector<16xi32>
      %parallel_loop3A_1664 = tpu.vector_load_idx %arg8[%parallel_loop3A_1663] : memref<16512xf32, #tpu.memory_space<vmem>>[vector<16xi32>], vector<16xf32>,
      %parallel_loop3A_1665 = arith.addf %parallel_loop3A_1660, %parallel_loop3A_1664 : vector<16xf32>
      %parallel_loop3A_1666 = arith.constant 70 : i32
      %parallel_loop3A_1667 = arith.index_cast %parallel_loop3A_1666 : i32 to index
      %parallel_loop3A_1668 = arith.index_cast %parallel_loop3A_7 : i32 to index
      %parallel_loop3A_1669 = tpu.vector_load %arg13[%parallel_loop3A_1667, %parallel_loop3A_1668] {strides = array<i32>} : memref<128x128xf32, #tpu.memory_space<vmem>>, vector<16xf32>,
      tpu.vector_store %arg13[%parallel_loop3A_1667, %parallel_loop3A_1668], %parallel_loop3A_1665 {strides = array<i32>} : memref<128x128xf32, #tpu.memory_space<vmem>>, vector<16xf32>,
      %parallel_loop3A_1670 = arith.constant 71 : i32
      %parallel_loop3A_1671 = vector.broadcast %parallel_loop3A_1670 : i32 to vector<16xi32>
      %parallel_loop3A_1672 = arith.addi %parallel_loop3A_12, %parallel_loop3A_1671 : vector<16xi32>
      %parallel_loop3A_1673 = tpu.vector_load_idx %arg8[%parallel_loop3A_1672] : memref<16512xf32, #tpu.memory_space<vmem>>[vector<16xi32>], vector<16xf32>,
      %parallel_loop3A_1674 = arith.constant 71 : i32
      %parallel_loop3A_1675 = vector.broadcast %parallel_loop3A_1674 : i32 to vector<16xi32>
      %parallel_loop3A_1676 = arith.addi %parallel_loop3A_20, %parallel_loop3A_1675 : vector<16xi32>
      %parallel_loop3A_1677 = tpu.vector_load_idx %arg8[%parallel_loop3A_1676] : memref<16512xf32, #tpu.memory_space<vmem>>[vector<16xi32>], vector<16xf32>,
      %parallel_loop3A_1678 = arith.addf %parallel_loop3A_1673, %parallel_loop3A_1677 : vector<16xf32>
      %parallel_loop3A_1679 = arith.constant 71 : i32
      %parallel_loop3A_1680 = vector.broadcast %parallel_loop3A_1679 : i32 to vector<16xi32>
      %parallel_loop3A_1681 = arith.addi %parallel_loop3A_28, %parallel_loop3A_1680 : vector<16xi32>
      %parallel_loop3A_1682 = tpu.vector_load_idx %arg8[%parallel_loop3A_1681] : memref<16512xf32, #tpu.memory_space<vmem>>[vector<16xi32>], vector<16xf32>,
      %parallel_loop3A_1683 = arith.addf %parallel_loop3A_1678, %parallel_loop3A_1682 : vector<16xf32>
      %parallel_loop3A_1684 = arith.constant 71 : i32
      %parallel_loop3A_1685 = vector.broadcast %parallel_loop3A_1684 : i32 to vector<16xi32>
      %parallel_loop3A_1686 = arith.addi %parallel_loop3A_36, %parallel_loop3A_1685 : vector<16xi32>
      %parallel_loop3A_1687 = tpu.vector_load_idx %arg8[%parallel_loop3A_1686] : memref<16512xf32, #tpu.memory_space<vmem>>[vector<16xi32>], vector<16xf32>,
      %parallel_loop3A_1688 = arith.addf %parallel_loop3A_1683, %parallel_loop3A_1687 : vector<16xf32>
      %parallel_loop3A_1689 = arith.constant 71 : i32
      %parallel_loop3A_1690 = arith.index_cast %parallel_loop3A_1689 : i32 to index
      %parallel_loop3A_1691 = arith.index_cast %parallel_loop3A_7 : i32 to index
      %parallel_loop3A_1692 = tpu.vector_load %arg13[%parallel_loop3A_1690, %parallel_loop3A_1691] {strides = array<i32>} : memref<128x128xf32, #tpu.memory_space<vmem>>, vector<16xf32>,
      tpu.vector_store %arg13[%parallel_loop3A_1690, %parallel_loop3A_1691], %parallel_loop3A_1688 {strides = array<i32>} : memref<128x128xf32, #tpu.memory_space<vmem>>, vector<16xf32>,
      %parallel_loop3A_1693 = arith.constant 72 : i32
      %parallel_loop3A_1694 = vector.broadcast %parallel_loop3A_1693 : i32 to vector<16xi32>
      %parallel_loop3A_1695 = arith.addi %parallel_loop3A_12, %parallel_loop3A_1694 : vector<16xi32>
      %parallel_loop3A_1696 = tpu.vector_load_idx %arg8[%parallel_loop3A_1695] : memref<16512xf32, #tpu.memory_space<vmem>>[vector<16xi32>], vector<16xf32>,
      %parallel_loop3A_1697 = arith.constant 72 : i32
      %parallel_loop3A_1698 = vector.broadcast %parallel_loop3A_1697 : i32 to vector<16xi32>
      %parallel_loop3A_1699 = arith.addi %parallel_loop3A_20, %parallel_loop3A_1698 : vector<16xi32>
      %parallel_loop3A_1700 = tpu.vector_load_idx %arg8[%parallel_loop3A_1699] : memref<16512xf32, #tpu.memory_space<vmem>>[vector<16xi32>], vector<16xf32>,
      %parallel_loop3A_1701 = arith.addf %parallel_loop3A_1696, %parallel_loop3A_1700 : vector<16xf32>
      %parallel_loop3A_1702 = arith.constant 72 : i32
      %parallel_loop3A_1703 = vector.broadcast %parallel_loop3A_1702 : i32 to vector<16xi32>
      %parallel_loop3A_1704 = arith.addi %parallel_loop3A_28, %parallel_loop3A_1703 : vector<16xi32>
      %parallel_loop3A_1705 = tpu.vector_load_idx %arg8[%parallel_loop3A_1704] : memref<16512xf32, #tpu.memory_space<vmem>>[vector<16xi32>], vector<16xf32>,
      %parallel_loop3A_1706 = arith.addf %parallel_loop3A_1701, %parallel_loop3A_1705 : vector<16xf32>
      %parallel_loop3A_1707 = arith.constant 72 : i32
      %parallel_loop3A_1708 = vector.broadcast %parallel_loop3A_1707 : i32 to vector<16xi32>
      %parallel_loop3A_1709 = arith.addi %parallel_loop3A_36, %parallel_loop3A_1708 : vector<16xi32>
      %parallel_loop3A_1710 = tpu.vector_load_idx %arg8[%parallel_loop3A_1709] : memref<16512xf32, #tpu.memory_space<vmem>>[vector<16xi32>], vector<16xf32>,
      %parallel_loop3A_1711 = arith.addf %parallel_loop3A_1706, %parallel_loop3A_1710 : vector<16xf32>
      %parallel_loop3A_1712 = arith.constant 72 : i32
      %parallel_loop3A_1713 = arith.index_cast %parallel_loop3A_1712 : i32 to index
      %parallel_loop3A_1714 = arith.index_cast %parallel_loop3A_7 : i32 to index
      %parallel_loop3A_1715 = tpu.vector_load %arg13[%parallel_loop3A_1713, %parallel_loop3A_1714] {strides = array<i32>} : memref<128x128xf32, #tpu.memory_space<vmem>>, vector<16xf32>,
      tpu.vector_store %arg13[%parallel_loop3A_1713, %parallel_loop3A_1714], %parallel_loop3A_1711 {strides = array<i32>} : memref<128x128xf32, #tpu.memory_space<vmem>>, vector<16xf32>,
      %parallel_loop3A_1716 = arith.constant 73 : i32
      %parallel_loop3A_1717 = vector.broadcast %parallel_loop3A_1716 : i32 to vector<16xi32>
      %parallel_loop3A_1718 = arith.addi %parallel_loop3A_12, %parallel_loop3A_1717 : vector<16xi32>
      %parallel_loop3A_1719 = tpu.vector_load_idx %arg8[%parallel_loop3A_1718] : memref<16512xf32, #tpu.memory_space<vmem>>[vector<16xi32>], vector<16xf32>,
      %parallel_loop3A_1720 = arith.constant 73 : i32
      %parallel_loop3A_1721 = vector.broadcast %parallel_loop3A_1720 : i32 to vector<16xi32>
      %parallel_loop3A_1722 = arith.addi %parallel_loop3A_20, %parallel_loop3A_1721 : vector<16xi32>
      %parallel_loop3A_1723 = tpu.vector_load_idx %arg8[%parallel_loop3A_1722] : memref<16512xf32, #tpu.memory_space<vmem>>[vector<16xi32>], vector<16xf32>,
      %parallel_loop3A_1724 = arith.addf %parallel_loop3A_1719, %parallel_loop3A_1723 : vector<16xf32>
      %parallel_loop3A_1725 = arith.constant 73 : i32
      %parallel_loop3A_1726 = vector.broadcast %parallel_loop3A_1725 : i32 to vector<16xi32>
      %parallel_loop3A_1727 = arith.addi %parallel_loop3A_28, %parallel_loop3A_1726 : vector<16xi32>
      %parallel_loop3A_1728 = tpu.vector_load_idx %arg8[%parallel_loop3A_1727] : memref<16512xf32, #tpu.memory_space<vmem>>[vector<16xi32>], vector<16xf32>,
      %parallel_loop3A_1729 = arith.addf %parallel_loop3A_1724, %parallel_loop3A_1728 : vector<16xf32>
      %parallel_loop3A_1730 = arith.constant 73 : i32
      %parallel_loop3A_1731 = vector.broadcast %parallel_loop3A_1730 : i32 to vector<16xi32>
      %parallel_loop3A_1732 = arith.addi %parallel_loop3A_36, %parallel_loop3A_1731 : vector<16xi32>
      %parallel_loop3A_1733 = tpu.vector_load_idx %arg8[%parallel_loop3A_1732] : memref<16512xf32, #tpu.memory_space<vmem>>[vector<16xi32>], vector<16xf32>,
      %parallel_loop3A_1734 = arith.addf %parallel_loop3A_1729, %parallel_loop3A_1733 : vector<16xf32>
      %parallel_loop3A_1735 = arith.constant 73 : i32
      %parallel_loop3A_1736 = arith.index_cast %parallel_loop3A_1735 : i32 to index
      %parallel_loop3A_1737 = arith.index_cast %parallel_loop3A_7 : i32 to index
      %parallel_loop3A_1738 = tpu.vector_load %arg13[%parallel_loop3A_1736, %parallel_loop3A_1737] {strides = array<i32>} : memref<128x128xf32, #tpu.memory_space<vmem>>, vector<16xf32>,
      tpu.vector_store %arg13[%parallel_loop3A_1736, %parallel_loop3A_1737], %parallel_loop3A_1734 {strides = array<i32>} : memref<128x128xf32, #tpu.memory_space<vmem>>, vector<16xf32>,
      %parallel_loop3A_1739 = arith.constant 74 : i32
      %parallel_loop3A_1740 = vector.broadcast %parallel_loop3A_1739 : i32 to vector<16xi32>
      %parallel_loop3A_1741 = arith.addi %parallel_loop3A_12, %parallel_loop3A_1740 : vector<16xi32>
      %parallel_loop3A_1742 = tpu.vector_load_idx %arg8[%parallel_loop3A_1741] : memref<16512xf32, #tpu.memory_space<vmem>>[vector<16xi32>], vector<16xf32>,
      %parallel_loop3A_1743 = arith.constant 74 : i32
      %parallel_loop3A_1744 = vector.broadcast %parallel_loop3A_1743 : i32 to vector<16xi32>
      %parallel_loop3A_1745 = arith.addi %parallel_loop3A_20, %parallel_loop3A_1744 : vector<16xi32>
      %parallel_loop3A_1746 = tpu.vector_load_idx %arg8[%parallel_loop3A_1745] : memref<16512xf32, #tpu.memory_space<vmem>>[vector<16xi32>], vector<16xf32>,
      %parallel_loop3A_1747 = arith.addf %parallel_loop3A_1742, %parallel_loop3A_1746 : vector<16xf32>
      %parallel_loop3A_1748 = arith.constant 74 : i32
      %parallel_loop3A_1749 = vector.broadcast %parallel_loop3A_1748 : i32 to vector<16xi32>
      %parallel_loop3A_1750 = arith.addi %parallel_loop3A_28, %parallel_loop3A_1749 : vector<16xi32>
      %parallel_loop3A_1751 = tpu.vector_load_idx %arg8[%parallel_loop3A_1750] : memref<16512xf32, #tpu.memory_space<vmem>>[vector<16xi32>], vector<16xf32>,
      %parallel_loop3A_1752 = arith.addf %parallel_loop3A_1747, %parallel_loop3A_1751 : vector<16xf32>
      %parallel_loop3A_1753 = arith.constant 74 : i32
      %parallel_loop3A_1754 = vector.broadcast %parallel_loop3A_1753 : i32 to vector<16xi32>
      %parallel_loop3A_1755 = arith.addi %parallel_loop3A_36, %parallel_loop3A_1754 : vector<16xi32>
      %parallel_loop3A_1756 = tpu.vector_load_idx %arg8[%parallel_loop3A_1755] : memref<16512xf32, #tpu.memory_space<vmem>>[vector<16xi32>], vector<16xf32>,
      %parallel_loop3A_1757 = arith.addf %parallel_loop3A_1752, %parallel_loop3A_1756 : vector<16xf32>
      %parallel_loop3A_1758 = arith.constant 74 : i32
      %parallel_loop3A_1759 = arith.index_cast %parallel_loop3A_1758 : i32 to index
      %parallel_loop3A_1760 = arith.index_cast %parallel_loop3A_7 : i32 to index
      %parallel_loop3A_1761 = tpu.vector_load %arg13[%parallel_loop3A_1759, %parallel_loop3A_1760] {strides = array<i32>} : memref<128x128xf32, #tpu.memory_space<vmem>>, vector<16xf32>,
      tpu.vector_store %arg13[%parallel_loop3A_1759, %parallel_loop3A_1760], %parallel_loop3A_1757 {strides = array<i32>} : memref<128x128xf32, #tpu.memory_space<vmem>>, vector<16xf32>,
      %parallel_loop3A_1762 = arith.constant 75 : i32
      %parallel_loop3A_1763 = vector.broadcast %parallel_loop3A_1762 : i32 to vector<16xi32>
      %parallel_loop3A_1764 = arith.addi %parallel_loop3A_12, %parallel_loop3A_1763 : vector<16xi32>
      %parallel_loop3A_1765 = tpu.vector_load_idx %arg8[%parallel_loop3A_1764] : memref<16512xf32, #tpu.memory_space<vmem>>[vector<16xi32>], vector<16xf32>,
      %parallel_loop3A_1766 = arith.constant 75 : i32
      %parallel_loop3A_1767 = vector.broadcast %parallel_loop3A_1766 : i32 to vector<16xi32>
      %parallel_loop3A_1768 = arith.addi %parallel_loop3A_20, %parallel_loop3A_1767 : vector<16xi32>
      %parallel_loop3A_1769 = tpu.vector_load_idx %arg8[%parallel_loop3A_1768] : memref<16512xf32, #tpu.memory_space<vmem>>[vector<16xi32>], vector<16xf32>,
      %parallel_loop3A_1770 = arith.addf %parallel_loop3A_1765, %parallel_loop3A_1769 : vector<16xf32>
      %parallel_loop3A_1771 = arith.constant 75 : i32
      %parallel_loop3A_1772 = vector.broadcast %parallel_loop3A_1771 : i32 to vector<16xi32>
      %parallel_loop3A_1773 = arith.addi %parallel_loop3A_28, %parallel_loop3A_1772 : vector<16xi32>
      %parallel_loop3A_1774 = tpu.vector_load_idx %arg8[%parallel_loop3A_1773] : memref<16512xf32, #tpu.memory_space<vmem>>[vector<16xi32>], vector<16xf32>,
      %parallel_loop3A_1775 = arith.addf %parallel_loop3A_1770, %parallel_loop3A_1774 : vector<16xf32>
      %parallel_loop3A_1776 = arith.constant 75 : i32
      %parallel_loop3A_1777 = vector.broadcast %parallel_loop3A_1776 : i32 to vector<16xi32>
      %parallel_loop3A_1778 = arith.addi %parallel_loop3A_36, %parallel_loop3A_1777 : vector<16xi32>
      %parallel_loop3A_1779 = tpu.vector_load_idx %arg8[%parallel_loop3A_1778] : memref<16512xf32, #tpu.memory_space<vmem>>[vector<16xi32>], vector<16xf32>,
      %parallel_loop3A_1780 = arith.addf %parallel_loop3A_1775, %parallel_loop3A_1779 : vector<16xf32>
      %parallel_loop3A_1781 = arith.constant 75 : i32
      %parallel_loop3A_1782 = arith.index_cast %parallel_loop3A_1781 : i32 to index
      %parallel_loop3A_1783 = arith.index_cast %parallel_loop3A_7 : i32 to index
      %parallel_loop3A_1784 = tpu.vector_load %arg13[%parallel_loop3A_1782, %parallel_loop3A_1783] {strides = array<i32>} : memref<128x128xf32, #tpu.memory_space<vmem>>, vector<16xf32>,
      tpu.vector_store %arg13[%parallel_loop3A_1782, %parallel_loop3A_1783], %parallel_loop3A_1780 {strides = array<i32>} : memref<128x128xf32, #tpu.memory_space<vmem>>, vector<16xf32>,
      %parallel_loop3A_1785 = arith.constant 76 : i32
      %parallel_loop3A_1786 = vector.broadcast %parallel_loop3A_1785 : i32 to vector<16xi32>
      %parallel_loop3A_1787 = arith.addi %parallel_loop3A_12, %parallel_loop3A_1786 : vector<16xi32>
      %parallel_loop3A_1788 = tpu.vector_load_idx %arg8[%parallel_loop3A_1787] : memref<16512xf32, #tpu.memory_space<vmem>>[vector<16xi32>], vector<16xf32>,
      %parallel_loop3A_1789 = arith.constant 76 : i32
      %parallel_loop3A_1790 = vector.broadcast %parallel_loop3A_1789 : i32 to vector<16xi32>
      %parallel_loop3A_1791 = arith.addi %parallel_loop3A_20, %parallel_loop3A_1790 : vector<16xi32>
      %parallel_loop3A_1792 = tpu.vector_load_idx %arg8[%parallel_loop3A_1791] : memref<16512xf32, #tpu.memory_space<vmem>>[vector<16xi32>], vector<16xf32>,
      %parallel_loop3A_1793 = arith.addf %parallel_loop3A_1788, %parallel_loop3A_1792 : vector<16xf32>
      %parallel_loop3A_1794 = arith.constant 76 : i32
      %parallel_loop3A_1795 = vector.broadcast %parallel_loop3A_1794 : i32 to vector<16xi32>
      %parallel_loop3A_1796 = arith.addi %parallel_loop3A_28, %parallel_loop3A_1795 : vector<16xi32>
      %parallel_loop3A_1797 = tpu.vector_load_idx %arg8[%parallel_loop3A_1796] : memref<16512xf32, #tpu.memory_space<vmem>>[vector<16xi32>], vector<16xf32>,
      %parallel_loop3A_1798 = arith.addf %parallel_loop3A_1793, %parallel_loop3A_1797 : vector<16xf32>
      %parallel_loop3A_1799 = arith.constant 76 : i32
      %parallel_loop3A_1800 = vector.broadcast %parallel_loop3A_1799 : i32 to vector<16xi32>
      %parallel_loop3A_1801 = arith.addi %parallel_loop3A_36, %parallel_loop3A_1800 : vector<16xi32>
      %parallel_loop3A_1802 = tpu.vector_load_idx %arg8[%parallel_loop3A_1801] : memref<16512xf32, #tpu.memory_space<vmem>>[vector<16xi32>], vector<16xf32>,
      %parallel_loop3A_1803 = arith.addf %parallel_loop3A_1798, %parallel_loop3A_1802 : vector<16xf32>
      %parallel_loop3A_1804 = arith.constant 76 : i32
      %parallel_loop3A_1805 = arith.index_cast %parallel_loop3A_1804 : i32 to index
      %parallel_loop3A_1806 = arith.index_cast %parallel_loop3A_7 : i32 to index
      %parallel_loop3A_1807 = tpu.vector_load %arg13[%parallel_loop3A_1805, %parallel_loop3A_1806] {strides = array<i32>} : memref<128x128xf32, #tpu.memory_space<vmem>>, vector<16xf32>,
      tpu.vector_store %arg13[%parallel_loop3A_1805, %parallel_loop3A_1806], %parallel_loop3A_1803 {strides = array<i32>} : memref<128x128xf32, #tpu.memory_space<vmem>>, vector<16xf32>,
      %parallel_loop3A_1808 = arith.constant 77 : i32
      %parallel_loop3A_1809 = vector.broadcast %parallel_loop3A_1808 : i32 to vector<16xi32>
      %parallel_loop3A_1810 = arith.addi %parallel_loop3A_12, %parallel_loop3A_1809 : vector<16xi32>
      %parallel_loop3A_1811 = tpu.vector_load_idx %arg8[%parallel_loop3A_1810] : memref<16512xf32, #tpu.memory_space<vmem>>[vector<16xi32>], vector<16xf32>,
      %parallel_loop3A_1812 = arith.constant 77 : i32
      %parallel_loop3A_1813 = vector.broadcast %parallel_loop3A_1812 : i32 to vector<16xi32>
      %parallel_loop3A_1814 = arith.addi %parallel_loop3A_20, %parallel_loop3A_1813 : vector<16xi32>
      %parallel_loop3A_1815 = tpu.vector_load_idx %arg8[%parallel_loop3A_1814] : memref<16512xf32, #tpu.memory_space<vmem>>[vector<16xi32>], vector<16xf32>,
      %parallel_loop3A_1816 = arith.addf %parallel_loop3A_1811, %parallel_loop3A_1815 : vector<16xf32>
      %parallel_loop3A_1817 = arith.constant 77 : i32
      %parallel_loop3A_1818 = vector.broadcast %parallel_loop3A_1817 : i32 to vector<16xi32>
      %parallel_loop3A_1819 = arith.addi %parallel_loop3A_28, %parallel_loop3A_1818 : vector<16xi32>
      %parallel_loop3A_1820 = tpu.vector_load_idx %arg8[%parallel_loop3A_1819] : memref<16512xf32, #tpu.memory_space<vmem>>[vector<16xi32>], vector<16xf32>,
      %parallel_loop3A_1821 = arith.addf %parallel_loop3A_1816, %parallel_loop3A_1820 : vector<16xf32>
      %parallel_loop3A_1822 = arith.constant 77 : i32
      %parallel_loop3A_1823 = vector.broadcast %parallel_loop3A_1822 : i32 to vector<16xi32>
      %parallel_loop3A_1824 = arith.addi %parallel_loop3A_36, %parallel_loop3A_1823 : vector<16xi32>
      %parallel_loop3A_1825 = tpu.vector_load_idx %arg8[%parallel_loop3A_1824] : memref<16512xf32, #tpu.memory_space<vmem>>[vector<16xi32>], vector<16xf32>,
      %parallel_loop3A_1826 = arith.addf %parallel_loop3A_1821, %parallel_loop3A_1825 : vector<16xf32>
      %parallel_loop3A_1827 = arith.constant 77 : i32
      %parallel_loop3A_1828 = arith.index_cast %parallel_loop3A_1827 : i32 to index
      %parallel_loop3A_1829 = arith.index_cast %parallel_loop3A_7 : i32 to index
      %parallel_loop3A_1830 = tpu.vector_load %arg13[%parallel_loop3A_1828, %parallel_loop3A_1829] {strides = array<i32>} : memref<128x128xf32, #tpu.memory_space<vmem>>, vector<16xf32>,
      tpu.vector_store %arg13[%parallel_loop3A_1828, %parallel_loop3A_1829], %parallel_loop3A_1826 {strides = array<i32>} : memref<128x128xf32, #tpu.memory_space<vmem>>, vector<16xf32>,
      %parallel_loop3A_1831 = arith.constant 78 : i32
      %parallel_loop3A_1832 = vector.broadcast %parallel_loop3A_1831 : i32 to vector<16xi32>
      %parallel_loop3A_1833 = arith.addi %parallel_loop3A_12, %parallel_loop3A_1832 : vector<16xi32>
      %parallel_loop3A_1834 = tpu.vector_load_idx %arg8[%parallel_loop3A_1833] : memref<16512xf32, #tpu.memory_space<vmem>>[vector<16xi32>], vector<16xf32>,
      %parallel_loop3A_1835 = arith.constant 78 : i32
      %parallel_loop3A_1836 = vector.broadcast %parallel_loop3A_1835 : i32 to vector<16xi32>
      %parallel_loop3A_1837 = arith.addi %parallel_loop3A_20, %parallel_loop3A_1836 : vector<16xi32>
      %parallel_loop3A_1838 = tpu.vector_load_idx %arg8[%parallel_loop3A_1837] : memref<16512xf32, #tpu.memory_space<vmem>>[vector<16xi32>], vector<16xf32>,
      %parallel_loop3A_1839 = arith.addf %parallel_loop3A_1834, %parallel_loop3A_1838 : vector<16xf32>
      %parallel_loop3A_1840 = arith.constant 78 : i32
      %parallel_loop3A_1841 = vector.broadcast %parallel_loop3A_1840 : i32 to vector<16xi32>
      %parallel_loop3A_1842 = arith.addi %parallel_loop3A_28, %parallel_loop3A_1841 : vector<16xi32>
      %parallel_loop3A_1843 = tpu.vector_load_idx %arg8[%parallel_loop3A_1842] : memref<16512xf32, #tpu.memory_space<vmem>>[vector<16xi32>], vector<16xf32>,
      %parallel_loop3A_1844 = arith.addf %parallel_loop3A_1839, %parallel_loop3A_1843 : vector<16xf32>
      %parallel_loop3A_1845 = arith.constant 78 : i32
      %parallel_loop3A_1846 = vector.broadcast %parallel_loop3A_1845 : i32 to vector<16xi32>
      %parallel_loop3A_1847 = arith.addi %parallel_loop3A_36, %parallel_loop3A_1846 : vector<16xi32>
      %parallel_loop3A_1848 = tpu.vector_load_idx %arg8[%parallel_loop3A_1847] : memref<16512xf32, #tpu.memory_space<vmem>>[vector<16xi32>], vector<16xf32>,
      %parallel_loop3A_1849 = arith.addf %parallel_loop3A_1844, %parallel_loop3A_1848 : vector<16xf32>
      %parallel_loop3A_1850 = arith.constant 78 : i32
      %parallel_loop3A_1851 = arith.index_cast %parallel_loop3A_1850 : i32 to index
      %parallel_loop3A_1852 = arith.index_cast %parallel_loop3A_7 : i32 to index
      %parallel_loop3A_1853 = tpu.vector_load %arg13[%parallel_loop3A_1851, %parallel_loop3A_1852] {strides = array<i32>} : memref<128x128xf32, #tpu.memory_space<vmem>>, vector<16xf32>,
      tpu.vector_store %arg13[%parallel_loop3A_1851, %parallel_loop3A_1852], %parallel_loop3A_1849 {strides = array<i32>} : memref<128x128xf32, #tpu.memory_space<vmem>>, vector<16xf32>,
      %parallel_loop3A_1854 = arith.constant 79 : i32
      %parallel_loop3A_1855 = vector.broadcast %parallel_loop3A_1854 : i32 to vector<16xi32>
      %parallel_loop3A_1856 = arith.addi %parallel_loop3A_12, %parallel_loop3A_1855 : vector<16xi32>
      %parallel_loop3A_1857 = tpu.vector_load_idx %arg8[%parallel_loop3A_1856] : memref<16512xf32, #tpu.memory_space<vmem>>[vector<16xi32>], vector<16xf32>,
      %parallel_loop3A_1858 = arith.constant 79 : i32
      %parallel_loop3A_1859 = vector.broadcast %parallel_loop3A_1858 : i32 to vector<16xi32>
      %parallel_loop3A_1860 = arith.addi %parallel_loop3A_20, %parallel_loop3A_1859 : vector<16xi32>
      %parallel_loop3A_1861 = tpu.vector_load_idx %arg8[%parallel_loop3A_1860] : memref<16512xf32, #tpu.memory_space<vmem>>[vector<16xi32>], vector<16xf32>,
      %parallel_loop3A_1862 = arith.addf %parallel_loop3A_1857, %parallel_loop3A_1861 : vector<16xf32>
      %parallel_loop3A_1863 = arith.constant 79 : i32
      %parallel_loop3A_1864 = vector.broadcast %parallel_loop3A_1863 : i32 to vector<16xi32>
      %parallel_loop3A_1865 = arith.addi %parallel_loop3A_28, %parallel_loop3A_1864 : vector<16xi32>
      %parallel_loop3A_1866 = tpu.vector_load_idx %arg8[%parallel_loop3A_1865] : memref<16512xf32, #tpu.memory_space<vmem>>[vector<16xi32>], vector<16xf32>,
      %parallel_loop3A_1867 = arith.addf %parallel_loop3A_1862, %parallel_loop3A_1866 : vector<16xf32>
      %parallel_loop3A_1868 = arith.constant 79 : i32
      %parallel_loop3A_1869 = vector.broadcast %parallel_loop3A_1868 : i32 to vector<16xi32>
      %parallel_loop3A_1870 = arith.addi %parallel_loop3A_36, %parallel_loop3A_1869 : vector<16xi32>
      %parallel_loop3A_1871 = tpu.vector_load_idx %arg8[%parallel_loop3A_1870] : memref<16512xf32, #tpu.memory_space<vmem>>[vector<16xi32>], vector<16xf32>,
      %parallel_loop3A_1872 = arith.addf %parallel_loop3A_1867, %parallel_loop3A_1871 : vector<16xf32>
      %parallel_loop3A_1873 = arith.constant 79 : i32
      %parallel_loop3A_1874 = arith.index_cast %parallel_loop3A_1873 : i32 to index
      %parallel_loop3A_1875 = arith.index_cast %parallel_loop3A_7 : i32 to index
      %parallel_loop3A_1876 = tpu.vector_load %arg13[%parallel_loop3A_1874, %parallel_loop3A_1875] {strides = array<i32>} : memref<128x128xf32, #tpu.memory_space<vmem>>, vector<16xf32>,
      tpu.vector_store %arg13[%parallel_loop3A_1874, %parallel_loop3A_1875], %parallel_loop3A_1872 {strides = array<i32>} : memref<128x128xf32, #tpu.memory_space<vmem>>, vector<16xf32>,
      %parallel_loop3A_1877 = arith.constant 80 : i32
      %parallel_loop3A_1878 = vector.broadcast %parallel_loop3A_1877 : i32 to vector<16xi32>
      %parallel_loop3A_1879 = arith.addi %parallel_loop3A_12, %parallel_loop3A_1878 : vector<16xi32>
      %parallel_loop3A_1880 = tpu.vector_load_idx %arg8[%parallel_loop3A_1879] : memref<16512xf32, #tpu.memory_space<vmem>>[vector<16xi32>], vector<16xf32>,
      %parallel_loop3A_1881 = arith.constant 80 : i32
      %parallel_loop3A_1882 = vector.broadcast %parallel_loop3A_1881 : i32 to vector<16xi32>
      %parallel_loop3A_1883 = arith.addi %parallel_loop3A_20, %parallel_loop3A_1882 : vector<16xi32>
      %parallel_loop3A_1884 = tpu.vector_load_idx %arg8[%parallel_loop3A_1883] : memref<16512xf32, #tpu.memory_space<vmem>>[vector<16xi32>], vector<16xf32>,
      %parallel_loop3A_1885 = arith.addf %parallel_loop3A_1880, %parallel_loop3A_1884 : vector<16xf32>
      %parallel_loop3A_1886 = arith.constant 80 : i32
      %parallel_loop3A_1887 = vector.broadcast %parallel_loop3A_1886 : i32 to vector<16xi32>
      %parallel_loop3A_1888 = arith.addi %parallel_loop3A_28, %parallel_loop3A_1887 : vector<16xi32>
      %parallel_loop3A_1889 = tpu.vector_load_idx %arg8[%parallel_loop3A_1888] : memref<16512xf32, #tpu.memory_space<vmem>>[vector<16xi32>], vector<16xf32>,
      %parallel_loop3A_1890 = arith.addf %parallel_loop3A_1885, %parallel_loop3A_1889 : vector<16xf32>
      %parallel_loop3A_1891 = arith.constant 80 : i32
      %parallel_loop3A_1892 = vector.broadcast %parallel_loop3A_1891 : i32 to vector<16xi32>
      %parallel_loop3A_1893 = arith.addi %parallel_loop3A_36, %parallel_loop3A_1892 : vector<16xi32>
      %parallel_loop3A_1894 = tpu.vector_load_idx %arg8[%parallel_loop3A_1893] : memref<16512xf32, #tpu.memory_space<vmem>>[vector<16xi32>], vector<16xf32>,
      %parallel_loop3A_1895 = arith.addf %parallel_loop3A_1890, %parallel_loop3A_1894 : vector<16xf32>
      %parallel_loop3A_1896 = arith.constant 80 : i32
      %parallel_loop3A_1897 = arith.index_cast %parallel_loop3A_1896 : i32 to index
      %parallel_loop3A_1898 = arith.index_cast %parallel_loop3A_7 : i32 to index
      %parallel_loop3A_1899 = tpu.vector_load %arg13[%parallel_loop3A_1897, %parallel_loop3A_1898] {strides = array<i32>} : memref<128x128xf32, #tpu.memory_space<vmem>>, vector<16xf32>,
      tpu.vector_store %arg13[%parallel_loop3A_1897, %parallel_loop3A_1898], %parallel_loop3A_1895 {strides = array<i32>} : memref<128x128xf32, #tpu.memory_space<vmem>>, vector<16xf32>,
      %parallel_loop3A_1900 = arith.constant 81 : i32
      %parallel_loop3A_1901 = vector.broadcast %parallel_loop3A_1900 : i32 to vector<16xi32>
      %parallel_loop3A_1902 = arith.addi %parallel_loop3A_12, %parallel_loop3A_1901 : vector<16xi32>
      %parallel_loop3A_1903 = tpu.vector_load_idx %arg8[%parallel_loop3A_1902] : memref<16512xf32, #tpu.memory_space<vmem>>[vector<16xi32>], vector<16xf32>,
      %parallel_loop3A_1904 = arith.constant 81 : i32
      %parallel_loop3A_1905 = vector.broadcast %parallel_loop3A_1904 : i32 to vector<16xi32>
      %parallel_loop3A_1906 = arith.addi %parallel_loop3A_20, %parallel_loop3A_1905 : vector<16xi32>
      %parallel_loop3A_1907 = tpu.vector_load_idx %arg8[%parallel_loop3A_1906] : memref<16512xf32, #tpu.memory_space<vmem>>[vector<16xi32>], vector<16xf32>,
      %parallel_loop3A_1908 = arith.addf %parallel_loop3A_1903, %parallel_loop3A_1907 : vector<16xf32>
      %parallel_loop3A_1909 = arith.constant 81 : i32
      %parallel_loop3A_1910 = vector.broadcast %parallel_loop3A_1909 : i32 to vector<16xi32>
      %parallel_loop3A_1911 = arith.addi %parallel_loop3A_28, %parallel_loop3A_1910 : vector<16xi32>
      %parallel_loop3A_1912 = tpu.vector_load_idx %arg8[%parallel_loop3A_1911] : memref<16512xf32, #tpu.memory_space<vmem>>[vector<16xi32>], vector<16xf32>,
      %parallel_loop3A_1913 = arith.addf %parallel_loop3A_1908, %parallel_loop3A_1912 : vector<16xf32>
      %parallel_loop3A_1914 = arith.constant 81 : i32
      %parallel_loop3A_1915 = vector.broadcast %parallel_loop3A_1914 : i32 to vector<16xi32>
      %parallel_loop3A_1916 = arith.addi %parallel_loop3A_36, %parallel_loop3A_1915 : vector<16xi32>
      %parallel_loop3A_1917 = tpu.vector_load_idx %arg8[%parallel_loop3A_1916] : memref<16512xf32, #tpu.memory_space<vmem>>[vector<16xi32>], vector<16xf32>,
      %parallel_loop3A_1918 = arith.addf %parallel_loop3A_1913, %parallel_loop3A_1917 : vector<16xf32>
      %parallel_loop3A_1919 = arith.constant 81 : i32
      %parallel_loop3A_1920 = arith.index_cast %parallel_loop3A_1919 : i32 to index
      %parallel_loop3A_1921 = arith.index_cast %parallel_loop3A_7 : i32 to index
      %parallel_loop3A_1922 = tpu.vector_load %arg13[%parallel_loop3A_1920, %parallel_loop3A_1921] {strides = array<i32>} : memref<128x128xf32, #tpu.memory_space<vmem>>, vector<16xf32>,
      tpu.vector_store %arg13[%parallel_loop3A_1920, %parallel_loop3A_1921], %parallel_loop3A_1918 {strides = array<i32>} : memref<128x128xf32, #tpu.memory_space<vmem>>, vector<16xf32>,
      %parallel_loop3A_1923 = arith.constant 82 : i32
      %parallel_loop3A_1924 = vector.broadcast %parallel_loop3A_1923 : i32 to vector<16xi32>
      %parallel_loop3A_1925 = arith.addi %parallel_loop3A_12, %parallel_loop3A_1924 : vector<16xi32>
      %parallel_loop3A_1926 = tpu.vector_load_idx %arg8[%parallel_loop3A_1925] : memref<16512xf32, #tpu.memory_space<vmem>>[vector<16xi32>], vector<16xf32>,
      %parallel_loop3A_1927 = arith.constant 82 : i32
      %parallel_loop3A_1928 = vector.broadcast %parallel_loop3A_1927 : i32 to vector<16xi32>
      %parallel_loop3A_1929 = arith.addi %parallel_loop3A_20, %parallel_loop3A_1928 : vector<16xi32>
      %parallel_loop3A_1930 = tpu.vector_load_idx %arg8[%parallel_loop3A_1929] : memref<16512xf32, #tpu.memory_space<vmem>>[vector<16xi32>], vector<16xf32>,
      %parallel_loop3A_1931 = arith.addf %parallel_loop3A_1926, %parallel_loop3A_1930 : vector<16xf32>
      %parallel_loop3A_1932 = arith.constant 82 : i32
      %parallel_loop3A_1933 = vector.broadcast %parallel_loop3A_1932 : i32 to vector<16xi32>
      %parallel_loop3A_1934 = arith.addi %parallel_loop3A_28, %parallel_loop3A_1933 : vector<16xi32>
      %parallel_loop3A_1935 = tpu.vector_load_idx %arg8[%parallel_loop3A_1934] : memref<16512xf32, #tpu.memory_space<vmem>>[vector<16xi32>], vector<16xf32>,
      %parallel_loop3A_1936 = arith.addf %parallel_loop3A_1931, %parallel_loop3A_1935 : vector<16xf32>
      %parallel_loop3A_1937 = arith.constant 82 : i32
      %parallel_loop3A_1938 = vector.broadcast %parallel_loop3A_1937 : i32 to vector<16xi32>
      %parallel_loop3A_1939 = arith.addi %parallel_loop3A_36, %parallel_loop3A_1938 : vector<16xi32>
      %parallel_loop3A_1940 = tpu.vector_load_idx %arg8[%parallel_loop3A_1939] : memref<16512xf32, #tpu.memory_space<vmem>>[vector<16xi32>], vector<16xf32>,
      %parallel_loop3A_1941 = arith.addf %parallel_loop3A_1936, %parallel_loop3A_1940 : vector<16xf32>
      %parallel_loop3A_1942 = arith.constant 82 : i32
      %parallel_loop3A_1943 = arith.index_cast %parallel_loop3A_1942 : i32 to index
      %parallel_loop3A_1944 = arith.index_cast %parallel_loop3A_7 : i32 to index
      %parallel_loop3A_1945 = tpu.vector_load %arg13[%parallel_loop3A_1943, %parallel_loop3A_1944] {strides = array<i32>} : memref<128x128xf32, #tpu.memory_space<vmem>>, vector<16xf32>,
      tpu.vector_store %arg13[%parallel_loop3A_1943, %parallel_loop3A_1944], %parallel_loop3A_1941 {strides = array<i32>} : memref<128x128xf32, #tpu.memory_space<vmem>>, vector<16xf32>,
      %parallel_loop3A_1946 = arith.constant 83 : i32
      %parallel_loop3A_1947 = vector.broadcast %parallel_loop3A_1946 : i32 to vector<16xi32>
      %parallel_loop3A_1948 = arith.addi %parallel_loop3A_12, %parallel_loop3A_1947 : vector<16xi32>
      %parallel_loop3A_1949 = tpu.vector_load_idx %arg8[%parallel_loop3A_1948] : memref<16512xf32, #tpu.memory_space<vmem>>[vector<16xi32>], vector<16xf32>,
      %parallel_loop3A_1950 = arith.constant 83 : i32
      %parallel_loop3A_1951 = vector.broadcast %parallel_loop3A_1950 : i32 to vector<16xi32>
      %parallel_loop3A_1952 = arith.addi %parallel_loop3A_20, %parallel_loop3A_1951 : vector<16xi32>
      %parallel_loop3A_1953 = tpu.vector_load_idx %arg8[%parallel_loop3A_1952] : memref<16512xf32, #tpu.memory_space<vmem>>[vector<16xi32>], vector<16xf32>,
      %parallel_loop3A_1954 = arith.addf %parallel_loop3A_1949, %parallel_loop3A_1953 : vector<16xf32>
      %parallel_loop3A_1955 = arith.constant 83 : i32
      %parallel_loop3A_1956 = vector.broadcast %parallel_loop3A_1955 : i32 to vector<16xi32>
      %parallel_loop3A_1957 = arith.addi %parallel_loop3A_28, %parallel_loop3A_1956 : vector<16xi32>
      %parallel_loop3A_1958 = tpu.vector_load_idx %arg8[%parallel_loop3A_1957] : memref<16512xf32, #tpu.memory_space<vmem>>[vector<16xi32>], vector<16xf32>,
      %parallel_loop3A_1959 = arith.addf %parallel_loop3A_1954, %parallel_loop3A_1958 : vector<16xf32>
      %parallel_loop3A_1960 = arith.constant 83 : i32
      %parallel_loop3A_1961 = vector.broadcast %parallel_loop3A_1960 : i32 to vector<16xi32>
      %parallel_loop3A_1962 = arith.addi %parallel_loop3A_36, %parallel_loop3A_1961 : vector<16xi32>
      %parallel_loop3A_1963 = tpu.vector_load_idx %arg8[%parallel_loop3A_1962] : memref<16512xf32, #tpu.memory_space<vmem>>[vector<16xi32>], vector<16xf32>,
      %parallel_loop3A_1964 = arith.addf %parallel_loop3A_1959, %parallel_loop3A_1963 : vector<16xf32>
      %parallel_loop3A_1965 = arith.constant 83 : i32
      %parallel_loop3A_1966 = arith.index_cast %parallel_loop3A_1965 : i32 to index
      %parallel_loop3A_1967 = arith.index_cast %parallel_loop3A_7 : i32 to index
      %parallel_loop3A_1968 = tpu.vector_load %arg13[%parallel_loop3A_1966, %parallel_loop3A_1967] {strides = array<i32>} : memref<128x128xf32, #tpu.memory_space<vmem>>, vector<16xf32>,
      tpu.vector_store %arg13[%parallel_loop3A_1966, %parallel_loop3A_1967], %parallel_loop3A_1964 {strides = array<i32>} : memref<128x128xf32, #tpu.memory_space<vmem>>, vector<16xf32>,
      %parallel_loop3A_1969 = arith.constant 84 : i32
      %parallel_loop3A_1970 = vector.broadcast %parallel_loop3A_1969 : i32 to vector<16xi32>
      %parallel_loop3A_1971 = arith.addi %parallel_loop3A_12, %parallel_loop3A_1970 : vector<16xi32>
      %parallel_loop3A_1972 = tpu.vector_load_idx %arg8[%parallel_loop3A_1971] : memref<16512xf32, #tpu.memory_space<vmem>>[vector<16xi32>], vector<16xf32>,
      %parallel_loop3A_1973 = arith.constant 84 : i32
      %parallel_loop3A_1974 = vector.broadcast %parallel_loop3A_1973 : i32 to vector<16xi32>
      %parallel_loop3A_1975 = arith.addi %parallel_loop3A_20, %parallel_loop3A_1974 : vector<16xi32>
      %parallel_loop3A_1976 = tpu.vector_load_idx %arg8[%parallel_loop3A_1975] : memref<16512xf32, #tpu.memory_space<vmem>>[vector<16xi32>], vector<16xf32>,
      %parallel_loop3A_1977 = arith.addf %parallel_loop3A_1972, %parallel_loop3A_1976 : vector<16xf32>
      %parallel_loop3A_1978 = arith.constant 84 : i32
      %parallel_loop3A_1979 = vector.broadcast %parallel_loop3A_1978 : i32 to vector<16xi32>
      %parallel_loop3A_1980 = arith.addi %parallel_loop3A_28, %parallel_loop3A_1979 : vector<16xi32>
      %parallel_loop3A_1981 = tpu.vector_load_idx %arg8[%parallel_loop3A_1980] : memref<16512xf32, #tpu.memory_space<vmem>>[vector<16xi32>], vector<16xf32>,
      %parallel_loop3A_1982 = arith.addf %parallel_loop3A_1977, %parallel_loop3A_1981 : vector<16xf32>
      %parallel_loop3A_1983 = arith.constant 84 : i32
      %parallel_loop3A_1984 = vector.broadcast %parallel_loop3A_1983 : i32 to vector<16xi32>
      %parallel_loop3A_1985 = arith.addi %parallel_loop3A_36, %parallel_loop3A_1984 : vector<16xi32>
      %parallel_loop3A_1986 = tpu.vector_load_idx %arg8[%parallel_loop3A_1985] : memref<16512xf32, #tpu.memory_space<vmem>>[vector<16xi32>], vector<16xf32>,
      %parallel_loop3A_1987 = arith.addf %parallel_loop3A_1982, %parallel_loop3A_1986 : vector<16xf32>
      %parallel_loop3A_1988 = arith.constant 84 : i32
      %parallel_loop3A_1989 = arith.index_cast %parallel_loop3A_1988 : i32 to index
      %parallel_loop3A_1990 = arith.index_cast %parallel_loop3A_7 : i32 to index
      %parallel_loop3A_1991 = tpu.vector_load %arg13[%parallel_loop3A_1989, %parallel_loop3A_1990] {strides = array<i32>} : memref<128x128xf32, #tpu.memory_space<vmem>>, vector<16xf32>,
      tpu.vector_store %arg13[%parallel_loop3A_1989, %parallel_loop3A_1990], %parallel_loop3A_1987 {strides = array<i32>} : memref<128x128xf32, #tpu.memory_space<vmem>>, vector<16xf32>,
      %parallel_loop3A_1992 = arith.constant 85 : i32
      %parallel_loop3A_1993 = vector.broadcast %parallel_loop3A_1992 : i32 to vector<16xi32>
      %parallel_loop3A_1994 = arith.addi %parallel_loop3A_12, %parallel_loop3A_1993 : vector<16xi32>
      %parallel_loop3A_1995 = tpu.vector_load_idx %arg8[%parallel_loop3A_1994] : memref<16512xf32, #tpu.memory_space<vmem>>[vector<16xi32>], vector<16xf32>,
      %parallel_loop3A_1996 = arith.constant 85 : i32
      %parallel_loop3A_1997 = vector.broadcast %parallel_loop3A_1996 : i32 to vector<16xi32>
      %parallel_loop3A_1998 = arith.addi %parallel_loop3A_20, %parallel_loop3A_1997 : vector<16xi32>
      %parallel_loop3A_1999 = tpu.vector_load_idx %arg8[%parallel_loop3A_1998] : memref<16512xf32, #tpu.memory_space<vmem>>[vector<16xi32>], vector<16xf32>,
      %parallel_loop3A_2000 = arith.addf %parallel_loop3A_1995, %parallel_loop3A_1999 : vector<16xf32>
      %parallel_loop3A_2001 = arith.constant 85 : i32
      %parallel_loop3A_2002 = vector.broadcast %parallel_loop3A_2001 : i32 to vector<16xi32>
      %parallel_loop3A_2003 = arith.addi %parallel_loop3A_28, %parallel_loop3A_2002 : vector<16xi32>
      %parallel_loop3A_2004 = tpu.vector_load_idx %arg8[%parallel_loop3A_2003] : memref<16512xf32, #tpu.memory_space<vmem>>[vector<16xi32>], vector<16xf32>,
      %parallel_loop3A_2005 = arith.addf %parallel_loop3A_2000, %parallel_loop3A_2004 : vector<16xf32>
      %parallel_loop3A_2006 = arith.constant 85 : i32
      %parallel_loop3A_2007 = vector.broadcast %parallel_loop3A_2006 : i32 to vector<16xi32>
      %parallel_loop3A_2008 = arith.addi %parallel_loop3A_36, %parallel_loop3A_2007 : vector<16xi32>
      %parallel_loop3A_2009 = tpu.vector_load_idx %arg8[%parallel_loop3A_2008] : memref<16512xf32, #tpu.memory_space<vmem>>[vector<16xi32>], vector<16xf32>,
      %parallel_loop3A_2010 = arith.addf %parallel_loop3A_2005, %parallel_loop3A_2009 : vector<16xf32>
      %parallel_loop3A_2011 = arith.constant 85 : i32
      %parallel_loop3A_2012 = arith.index_cast %parallel_loop3A_2011 : i32 to index
      %parallel_loop3A_2013 = arith.index_cast %parallel_loop3A_7 : i32 to index
      %parallel_loop3A_2014 = tpu.vector_load %arg13[%parallel_loop3A_2012, %parallel_loop3A_2013] {strides = array<i32>} : memref<128x128xf32, #tpu.memory_space<vmem>>, vector<16xf32>,
      tpu.vector_store %arg13[%parallel_loop3A_2012, %parallel_loop3A_2013], %parallel_loop3A_2010 {strides = array<i32>} : memref<128x128xf32, #tpu.memory_space<vmem>>, vector<16xf32>,
      %parallel_loop3A_2015 = arith.constant 86 : i32
      %parallel_loop3A_2016 = vector.broadcast %parallel_loop3A_2015 : i32 to vector<16xi32>
      %parallel_loop3A_2017 = arith.addi %parallel_loop3A_12, %parallel_loop3A_2016 : vector<16xi32>
      %parallel_loop3A_2018 = tpu.vector_load_idx %arg8[%parallel_loop3A_2017] : memref<16512xf32, #tpu.memory_space<vmem>>[vector<16xi32>], vector<16xf32>,
      %parallel_loop3A_2019 = arith.constant 86 : i32
      %parallel_loop3A_2020 = vector.broadcast %parallel_loop3A_2019 : i32 to vector<16xi32>
      %parallel_loop3A_2021 = arith.addi %parallel_loop3A_20, %parallel_loop3A_2020 : vector<16xi32>
      %parallel_loop3A_2022 = tpu.vector_load_idx %arg8[%parallel_loop3A_2021] : memref<16512xf32, #tpu.memory_space<vmem>>[vector<16xi32>], vector<16xf32>,
      %parallel_loop3A_2023 = arith.addf %parallel_loop3A_2018, %parallel_loop3A_2022 : vector<16xf32>
      %parallel_loop3A_2024 = arith.constant 86 : i32
      %parallel_loop3A_2025 = vector.broadcast %parallel_loop3A_2024 : i32 to vector<16xi32>
      %parallel_loop3A_2026 = arith.addi %parallel_loop3A_28, %parallel_loop3A_2025 : vector<16xi32>
      %parallel_loop3A_2027 = tpu.vector_load_idx %arg8[%parallel_loop3A_2026] : memref<16512xf32, #tpu.memory_space<vmem>>[vector<16xi32>], vector<16xf32>,
      %parallel_loop3A_2028 = arith.addf %parallel_loop3A_2023, %parallel_loop3A_2027 : vector<16xf32>
      %parallel_loop3A_2029 = arith.constant 86 : i32
      %parallel_loop3A_2030 = vector.broadcast %parallel_loop3A_2029 : i32 to vector<16xi32>
      %parallel_loop3A_2031 = arith.addi %parallel_loop3A_36, %parallel_loop3A_2030 : vector<16xi32>
      %parallel_loop3A_2032 = tpu.vector_load_idx %arg8[%parallel_loop3A_2031] : memref<16512xf32, #tpu.memory_space<vmem>>[vector<16xi32>], vector<16xf32>,
      %parallel_loop3A_2033 = arith.addf %parallel_loop3A_2028, %parallel_loop3A_2032 : vector<16xf32>
      %parallel_loop3A_2034 = arith.constant 86 : i32
      %parallel_loop3A_2035 = arith.index_cast %parallel_loop3A_2034 : i32 to index
      %parallel_loop3A_2036 = arith.index_cast %parallel_loop3A_7 : i32 to index
      %parallel_loop3A_2037 = tpu.vector_load %arg13[%parallel_loop3A_2035, %parallel_loop3A_2036] {strides = array<i32>} : memref<128x128xf32, #tpu.memory_space<vmem>>, vector<16xf32>,
      tpu.vector_store %arg13[%parallel_loop3A_2035, %parallel_loop3A_2036], %parallel_loop3A_2033 {strides = array<i32>} : memref<128x128xf32, #tpu.memory_space<vmem>>, vector<16xf32>,
      %parallel_loop3A_2038 = arith.constant 87 : i32
      %parallel_loop3A_2039 = vector.broadcast %parallel_loop3A_2038 : i32 to vector<16xi32>
      %parallel_loop3A_2040 = arith.addi %parallel_loop3A_12, %parallel_loop3A_2039 : vector<16xi32>
      %parallel_loop3A_2041 = tpu.vector_load_idx %arg8[%parallel_loop3A_2040] : memref<16512xf32, #tpu.memory_space<vmem>>[vector<16xi32>], vector<16xf32>,
      %parallel_loop3A_2042 = arith.constant 87 : i32
      %parallel_loop3A_2043 = vector.broadcast %parallel_loop3A_2042 : i32 to vector<16xi32>
      %parallel_loop3A_2044 = arith.addi %parallel_loop3A_20, %parallel_loop3A_2043 : vector<16xi32>
      %parallel_loop3A_2045 = tpu.vector_load_idx %arg8[%parallel_loop3A_2044] : memref<16512xf32, #tpu.memory_space<vmem>>[vector<16xi32>], vector<16xf32>,
      %parallel_loop3A_2046 = arith.addf %parallel_loop3A_2041, %parallel_loop3A_2045 : vector<16xf32>
      %parallel_loop3A_2047 = arith.constant 87 : i32
      %parallel_loop3A_2048 = vector.broadcast %parallel_loop3A_2047 : i32 to vector<16xi32>
      %parallel_loop3A_2049 = arith.addi %parallel_loop3A_28, %parallel_loop3A_2048 : vector<16xi32>
      %parallel_loop3A_2050 = tpu.vector_load_idx %arg8[%parallel_loop3A_2049] : memref<16512xf32, #tpu.memory_space<vmem>>[vector<16xi32>], vector<16xf32>,
      %parallel_loop3A_2051 = arith.addf %parallel_loop3A_2046, %parallel_loop3A_2050 : vector<16xf32>
      %parallel_loop3A_2052 = arith.constant 87 : i32
      %parallel_loop3A_2053 = vector.broadcast %parallel_loop3A_2052 : i32 to vector<16xi32>
      %parallel_loop3A_2054 = arith.addi %parallel_loop3A_36, %parallel_loop3A_2053 : vector<16xi32>
      %parallel_loop3A_2055 = tpu.vector_load_idx %arg8[%parallel_loop3A_2054] : memref<16512xf32, #tpu.memory_space<vmem>>[vector<16xi32>], vector<16xf32>,
      %parallel_loop3A_2056 = arith.addf %parallel_loop3A_2051, %parallel_loop3A_2055 : vector<16xf32>
      %parallel_loop3A_2057 = arith.constant 87 : i32
      %parallel_loop3A_2058 = arith.index_cast %parallel_loop3A_2057 : i32 to index
      %parallel_loop3A_2059 = arith.index_cast %parallel_loop3A_7 : i32 to index
      %parallel_loop3A_2060 = tpu.vector_load %arg13[%parallel_loop3A_2058, %parallel_loop3A_2059] {strides = array<i32>} : memref<128x128xf32, #tpu.memory_space<vmem>>, vector<16xf32>,
      tpu.vector_store %arg13[%parallel_loop3A_2058, %parallel_loop3A_2059], %parallel_loop3A_2056 {strides = array<i32>} : memref<128x128xf32, #tpu.memory_space<vmem>>, vector<16xf32>,
      %parallel_loop3A_2061 = arith.constant 88 : i32
      %parallel_loop3A_2062 = vector.broadcast %parallel_loop3A_2061 : i32 to vector<16xi32>
      %parallel_loop3A_2063 = arith.addi %parallel_loop3A_12, %parallel_loop3A_2062 : vector<16xi32>
      %parallel_loop3A_2064 = tpu.vector_load_idx %arg8[%parallel_loop3A_2063] : memref<16512xf32, #tpu.memory_space<vmem>>[vector<16xi32>], vector<16xf32>,
      %parallel_loop3A_2065 = arith.constant 88 : i32
      %parallel_loop3A_2066 = vector.broadcast %parallel_loop3A_2065 : i32 to vector<16xi32>
      %parallel_loop3A_2067 = arith.addi %parallel_loop3A_20, %parallel_loop3A_2066 : vector<16xi32>
      %parallel_loop3A_2068 = tpu.vector_load_idx %arg8[%parallel_loop3A_2067] : memref<16512xf32, #tpu.memory_space<vmem>>[vector<16xi32>], vector<16xf32>,
      %parallel_loop3A_2069 = arith.addf %parallel_loop3A_2064, %parallel_loop3A_2068 : vector<16xf32>
      %parallel_loop3A_2070 = arith.constant 88 : i32
      %parallel_loop3A_2071 = vector.broadcast %parallel_loop3A_2070 : i32 to vector<16xi32>
      %parallel_loop3A_2072 = arith.addi %parallel_loop3A_28, %parallel_loop3A_2071 : vector<16xi32>
      %parallel_loop3A_2073 = tpu.vector_load_idx %arg8[%parallel_loop3A_2072] : memref<16512xf32, #tpu.memory_space<vmem>>[vector<16xi32>], vector<16xf32>,
      %parallel_loop3A_2074 = arith.addf %parallel_loop3A_2069, %parallel_loop3A_2073 : vector<16xf32>
      %parallel_loop3A_2075 = arith.constant 88 : i32
      %parallel_loop3A_2076 = vector.broadcast %parallel_loop3A_2075 : i32 to vector<16xi32>
      %parallel_loop3A_2077 = arith.addi %parallel_loop3A_36, %parallel_loop3A_2076 : vector<16xi32>
      %parallel_loop3A_2078 = tpu.vector_load_idx %arg8[%parallel_loop3A_2077] : memref<16512xf32, #tpu.memory_space<vmem>>[vector<16xi32>], vector<16xf32>,
      %parallel_loop3A_2079 = arith.addf %parallel_loop3A_2074, %parallel_loop3A_2078 : vector<16xf32>
      %parallel_loop3A_2080 = arith.constant 88 : i32
      %parallel_loop3A_2081 = arith.index_cast %parallel_loop3A_2080 : i32 to index
      %parallel_loop3A_2082 = arith.index_cast %parallel_loop3A_7 : i32 to index
      %parallel_loop3A_2083 = tpu.vector_load %arg13[%parallel_loop3A_2081, %parallel_loop3A_2082] {strides = array<i32>} : memref<128x128xf32, #tpu.memory_space<vmem>>, vector<16xf32>,
      tpu.vector_store %arg13[%parallel_loop3A_2081, %parallel_loop3A_2082], %parallel_loop3A_2079 {strides = array<i32>} : memref<128x128xf32, #tpu.memory_space<vmem>>, vector<16xf32>,
      %parallel_loop3A_2084 = arith.constant 89 : i32
      %parallel_loop3A_2085 = vector.broadcast %parallel_loop3A_2084 : i32 to vector<16xi32>
      %parallel_loop3A_2086 = arith.addi %parallel_loop3A_12, %parallel_loop3A_2085 : vector<16xi32>
      %parallel_loop3A_2087 = tpu.vector_load_idx %arg8[%parallel_loop3A_2086] : memref<16512xf32, #tpu.memory_space<vmem>>[vector<16xi32>], vector<16xf32>,
      %parallel_loop3A_2088 = arith.constant 89 : i32
      %parallel_loop3A_2089 = vector.broadcast %parallel_loop3A_2088 : i32 to vector<16xi32>
      %parallel_loop3A_2090 = arith.addi %parallel_loop3A_20, %parallel_loop3A_2089 : vector<16xi32>
      %parallel_loop3A_2091 = tpu.vector_load_idx %arg8[%parallel_loop3A_2090] : memref<16512xf32, #tpu.memory_space<vmem>>[vector<16xi32>], vector<16xf32>,
      %parallel_loop3A_2092 = arith.addf %parallel_loop3A_2087, %parallel_loop3A_2091 : vector<16xf32>
      %parallel_loop3A_2093 = arith.constant 89 : i32
      %parallel_loop3A_2094 = vector.broadcast %parallel_loop3A_2093 : i32 to vector<16xi32>
      %parallel_loop3A_2095 = arith.addi %parallel_loop3A_28, %parallel_loop3A_2094 : vector<16xi32>
      %parallel_loop3A_2096 = tpu.vector_load_idx %arg8[%parallel_loop3A_2095] : memref<16512xf32, #tpu.memory_space<vmem>>[vector<16xi32>], vector<16xf32>,
      %parallel_loop3A_2097 = arith.addf %parallel_loop3A_2092, %parallel_loop3A_2096 : vector<16xf32>
      %parallel_loop3A_2098 = arith.constant 89 : i32
      %parallel_loop3A_2099 = vector.broadcast %parallel_loop3A_2098 : i32 to vector<16xi32>
      %parallel_loop3A_2100 = arith.addi %parallel_loop3A_36, %parallel_loop3A_2099 : vector<16xi32>
      %parallel_loop3A_2101 = tpu.vector_load_idx %arg8[%parallel_loop3A_2100] : memref<16512xf32, #tpu.memory_space<vmem>>[vector<16xi32>], vector<16xf32>,
      %parallel_loop3A_2102 = arith.addf %parallel_loop3A_2097, %parallel_loop3A_2101 : vector<16xf32>
      %parallel_loop3A_2103 = arith.constant 89 : i32
      %parallel_loop3A_2104 = arith.index_cast %parallel_loop3A_2103 : i32 to index
      %parallel_loop3A_2105 = arith.index_cast %parallel_loop3A_7 : i32 to index
      %parallel_loop3A_2106 = tpu.vector_load %arg13[%parallel_loop3A_2104, %parallel_loop3A_2105] {strides = array<i32>} : memref<128x128xf32, #tpu.memory_space<vmem>>, vector<16xf32>,
      tpu.vector_store %arg13[%parallel_loop3A_2104, %parallel_loop3A_2105], %parallel_loop3A_2102 {strides = array<i32>} : memref<128x128xf32, #tpu.memory_space<vmem>>, vector<16xf32>,
      %parallel_loop3A_2107 = arith.constant 90 : i32
      %parallel_loop3A_2108 = vector.broadcast %parallel_loop3A_2107 : i32 to vector<16xi32>
      %parallel_loop3A_2109 = arith.addi %parallel_loop3A_12, %parallel_loop3A_2108 : vector<16xi32>
      %parallel_loop3A_2110 = tpu.vector_load_idx %arg8[%parallel_loop3A_2109] : memref<16512xf32, #tpu.memory_space<vmem>>[vector<16xi32>], vector<16xf32>,
      %parallel_loop3A_2111 = arith.constant 90 : i32
      %parallel_loop3A_2112 = vector.broadcast %parallel_loop3A_2111 : i32 to vector<16xi32>
      %parallel_loop3A_2113 = arith.addi %parallel_loop3A_20, %parallel_loop3A_2112 : vector<16xi32>
      %parallel_loop3A_2114 = tpu.vector_load_idx %arg8[%parallel_loop3A_2113] : memref<16512xf32, #tpu.memory_space<vmem>>[vector<16xi32>], vector<16xf32>,
      %parallel_loop3A_2115 = arith.addf %parallel_loop3A_2110, %parallel_loop3A_2114 : vector<16xf32>
      %parallel_loop3A_2116 = arith.constant 90 : i32
      %parallel_loop3A_2117 = vector.broadcast %parallel_loop3A_2116 : i32 to vector<16xi32>
      %parallel_loop3A_2118 = arith.addi %parallel_loop3A_28, %parallel_loop3A_2117 : vector<16xi32>
      %parallel_loop3A_2119 = tpu.vector_load_idx %arg8[%parallel_loop3A_2118] : memref<16512xf32, #tpu.memory_space<vmem>>[vector<16xi32>], vector<16xf32>,
      %parallel_loop3A_2120 = arith.addf %parallel_loop3A_2115, %parallel_loop3A_2119 : vector<16xf32>
      %parallel_loop3A_2121 = arith.constant 90 : i32
      %parallel_loop3A_2122 = vector.broadcast %parallel_loop3A_2121 : i32 to vector<16xi32>
      %parallel_loop3A_2123 = arith.addi %parallel_loop3A_36, %parallel_loop3A_2122 : vector<16xi32>
      %parallel_loop3A_2124 = tpu.vector_load_idx %arg8[%parallel_loop3A_2123] : memref<16512xf32, #tpu.memory_space<vmem>>[vector<16xi32>], vector<16xf32>,
      %parallel_loop3A_2125 = arith.addf %parallel_loop3A_2120, %parallel_loop3A_2124 : vector<16xf32>
      %parallel_loop3A_2126 = arith.constant 90 : i32
      %parallel_loop3A_2127 = arith.index_cast %parallel_loop3A_2126 : i32 to index
      %parallel_loop3A_2128 = arith.index_cast %parallel_loop3A_7 : i32 to index
      %parallel_loop3A_2129 = tpu.vector_load %arg13[%parallel_loop3A_2127, %parallel_loop3A_2128] {strides = array<i32>} : memref<128x128xf32, #tpu.memory_space<vmem>>, vector<16xf32>,
      tpu.vector_store %arg13[%parallel_loop3A_2127, %parallel_loop3A_2128], %parallel_loop3A_2125 {strides = array<i32>} : memref<128x128xf32, #tpu.memory_space<vmem>>, vector<16xf32>,
      %parallel_loop3A_2130 = arith.constant 91 : i32
      %parallel_loop3A_2131 = vector.broadcast %parallel_loop3A_2130 : i32 to vector<16xi32>
      %parallel_loop3A_2132 = arith.addi %parallel_loop3A_12, %parallel_loop3A_2131 : vector<16xi32>
      %parallel_loop3A_2133 = tpu.vector_load_idx %arg8[%parallel_loop3A_2132] : memref<16512xf32, #tpu.memory_space<vmem>>[vector<16xi32>], vector<16xf32>,
      %parallel_loop3A_2134 = arith.constant 91 : i32
      %parallel_loop3A_2135 = vector.broadcast %parallel_loop3A_2134 : i32 to vector<16xi32>
      %parallel_loop3A_2136 = arith.addi %parallel_loop3A_20, %parallel_loop3A_2135 : vector<16xi32>
      %parallel_loop3A_2137 = tpu.vector_load_idx %arg8[%parallel_loop3A_2136] : memref<16512xf32, #tpu.memory_space<vmem>>[vector<16xi32>], vector<16xf32>,
      %parallel_loop3A_2138 = arith.addf %parallel_loop3A_2133, %parallel_loop3A_2137 : vector<16xf32>
      %parallel_loop3A_2139 = arith.constant 91 : i32
      %parallel_loop3A_2140 = vector.broadcast %parallel_loop3A_2139 : i32 to vector<16xi32>
      %parallel_loop3A_2141 = arith.addi %parallel_loop3A_28, %parallel_loop3A_2140 : vector<16xi32>
      %parallel_loop3A_2142 = tpu.vector_load_idx %arg8[%parallel_loop3A_2141] : memref<16512xf32, #tpu.memory_space<vmem>>[vector<16xi32>], vector<16xf32>,
      %parallel_loop3A_2143 = arith.addf %parallel_loop3A_2138, %parallel_loop3A_2142 : vector<16xf32>
      %parallel_loop3A_2144 = arith.constant 91 : i32
      %parallel_loop3A_2145 = vector.broadcast %parallel_loop3A_2144 : i32 to vector<16xi32>
      %parallel_loop3A_2146 = arith.addi %parallel_loop3A_36, %parallel_loop3A_2145 : vector<16xi32>
      %parallel_loop3A_2147 = tpu.vector_load_idx %arg8[%parallel_loop3A_2146] : memref<16512xf32, #tpu.memory_space<vmem>>[vector<16xi32>], vector<16xf32>,
      %parallel_loop3A_2148 = arith.addf %parallel_loop3A_2143, %parallel_loop3A_2147 : vector<16xf32>
      %parallel_loop3A_2149 = arith.constant 91 : i32
      %parallel_loop3A_2150 = arith.index_cast %parallel_loop3A_2149 : i32 to index
      %parallel_loop3A_2151 = arith.index_cast %parallel_loop3A_7 : i32 to index
      %parallel_loop3A_2152 = tpu.vector_load %arg13[%parallel_loop3A_2150, %parallel_loop3A_2151] {strides = array<i32>} : memref<128x128xf32, #tpu.memory_space<vmem>>, vector<16xf32>,
      tpu.vector_store %arg13[%parallel_loop3A_2150, %parallel_loop3A_2151], %parallel_loop3A_2148 {strides = array<i32>} : memref<128x128xf32, #tpu.memory_space<vmem>>, vector<16xf32>,
      %parallel_loop3A_2153 = arith.constant 92 : i32
      %parallel_loop3A_2154 = vector.broadcast %parallel_loop3A_2153 : i32 to vector<16xi32>
      %parallel_loop3A_2155 = arith.addi %parallel_loop3A_12, %parallel_loop3A_2154 : vector<16xi32>
      %parallel_loop3A_2156 = tpu.vector_load_idx %arg8[%parallel_loop3A_2155] : memref<16512xf32, #tpu.memory_space<vmem>>[vector<16xi32>], vector<16xf32>,
      %parallel_loop3A_2157 = arith.constant 92 : i32
      %parallel_loop3A_2158 = vector.broadcast %parallel_loop3A_2157 : i32 to vector<16xi32>
      %parallel_loop3A_2159 = arith.addi %parallel_loop3A_20, %parallel_loop3A_2158 : vector<16xi32>
      %parallel_loop3A_2160 = tpu.vector_load_idx %arg8[%parallel_loop3A_2159] : memref<16512xf32, #tpu.memory_space<vmem>>[vector<16xi32>], vector<16xf32>,
      %parallel_loop3A_2161 = arith.addf %parallel_loop3A_2156, %parallel_loop3A_2160 : vector<16xf32>
      %parallel_loop3A_2162 = arith.constant 92 : i32
      %parallel_loop3A_2163 = vector.broadcast %parallel_loop3A_2162 : i32 to vector<16xi32>
      %parallel_loop3A_2164 = arith.addi %parallel_loop3A_28, %parallel_loop3A_2163 : vector<16xi32>
      %parallel_loop3A_2165 = tpu.vector_load_idx %arg8[%parallel_loop3A_2164] : memref<16512xf32, #tpu.memory_space<vmem>>[vector<16xi32>], vector<16xf32>,
      %parallel_loop3A_2166 = arith.addf %parallel_loop3A_2161, %parallel_loop3A_2165 : vector<16xf32>
      %parallel_loop3A_2167 = arith.constant 92 : i32
      %parallel_loop3A_2168 = vector.broadcast %parallel_loop3A_2167 : i32 to vector<16xi32>
      %parallel_loop3A_2169 = arith.addi %parallel_loop3A_36, %parallel_loop3A_2168 : vector<16xi32>
      %parallel_loop3A_2170 = tpu.vector_load_idx %arg8[%parallel_loop3A_2169] : memref<16512xf32, #tpu.memory_space<vmem>>[vector<16xi32>], vector<16xf32>,
      %parallel_loop3A_2171 = arith.addf %parallel_loop3A_2166, %parallel_loop3A_2170 : vector<16xf32>
      %parallel_loop3A_2172 = arith.constant 92 : i32
      %parallel_loop3A_2173 = arith.index_cast %parallel_loop3A_2172 : i32 to index
      %parallel_loop3A_2174 = arith.index_cast %parallel_loop3A_7 : i32 to index
      %parallel_loop3A_2175 = tpu.vector_load %arg13[%parallel_loop3A_2173, %parallel_loop3A_2174] {strides = array<i32>} : memref<128x128xf32, #tpu.memory_space<vmem>>, vector<16xf32>,
      tpu.vector_store %arg13[%parallel_loop3A_2173, %parallel_loop3A_2174], %parallel_loop3A_2171 {strides = array<i32>} : memref<128x128xf32, #tpu.memory_space<vmem>>, vector<16xf32>,
      %parallel_loop3A_2176 = arith.constant 93 : i32
      %parallel_loop3A_2177 = vector.broadcast %parallel_loop3A_2176 : i32 to vector<16xi32>
      %parallel_loop3A_2178 = arith.addi %parallel_loop3A_12, %parallel_loop3A_2177 : vector<16xi32>
      %parallel_loop3A_2179 = tpu.vector_load_idx %arg8[%parallel_loop3A_2178] : memref<16512xf32, #tpu.memory_space<vmem>>[vector<16xi32>], vector<16xf32>,
      %parallel_loop3A_2180 = arith.constant 93 : i32
      %parallel_loop3A_2181 = vector.broadcast %parallel_loop3A_2180 : i32 to vector<16xi32>
      %parallel_loop3A_2182 = arith.addi %parallel_loop3A_20, %parallel_loop3A_2181 : vector<16xi32>
      %parallel_loop3A_2183 = tpu.vector_load_idx %arg8[%parallel_loop3A_2182] : memref<16512xf32, #tpu.memory_space<vmem>>[vector<16xi32>], vector<16xf32>,
      %parallel_loop3A_2184 = arith.addf %parallel_loop3A_2179, %parallel_loop3A_2183 : vector<16xf32>
      %parallel_loop3A_2185 = arith.constant 93 : i32
      %parallel_loop3A_2186 = vector.broadcast %parallel_loop3A_2185 : i32 to vector<16xi32>
      %parallel_loop3A_2187 = arith.addi %parallel_loop3A_28, %parallel_loop3A_2186 : vector<16xi32>
      %parallel_loop3A_2188 = tpu.vector_load_idx %arg8[%parallel_loop3A_2187] : memref<16512xf32, #tpu.memory_space<vmem>>[vector<16xi32>], vector<16xf32>,
      %parallel_loop3A_2189 = arith.addf %parallel_loop3A_2184, %parallel_loop3A_2188 : vector<16xf32>
      %parallel_loop3A_2190 = arith.constant 93 : i32
      %parallel_loop3A_2191 = vector.broadcast %parallel_loop3A_2190 : i32 to vector<16xi32>
      %parallel_loop3A_2192 = arith.addi %parallel_loop3A_36, %parallel_loop3A_2191 : vector<16xi32>
      %parallel_loop3A_2193 = tpu.vector_load_idx %arg8[%parallel_loop3A_2192] : memref<16512xf32, #tpu.memory_space<vmem>>[vector<16xi32>], vector<16xf32>,
      %parallel_loop3A_2194 = arith.addf %parallel_loop3A_2189, %parallel_loop3A_2193 : vector<16xf32>
      %parallel_loop3A_2195 = arith.constant 93 : i32
      %parallel_loop3A_2196 = arith.index_cast %parallel_loop3A_2195 : i32 to index
      %parallel_loop3A_2197 = arith.index_cast %parallel_loop3A_7 : i32 to index
      %parallel_loop3A_2198 = tpu.vector_load %arg13[%parallel_loop3A_2196, %parallel_loop3A_2197] {strides = array<i32>} : memref<128x128xf32, #tpu.memory_space<vmem>>, vector<16xf32>,
      tpu.vector_store %arg13[%parallel_loop3A_2196, %parallel_loop3A_2197], %parallel_loop3A_2194 {strides = array<i32>} : memref<128x128xf32, #tpu.memory_space<vmem>>, vector<16xf32>,
      %parallel_loop3A_2199 = arith.constant 94 : i32
      %parallel_loop3A_2200 = vector.broadcast %parallel_loop3A_2199 : i32 to vector<16xi32>
      %parallel_loop3A_2201 = arith.addi %parallel_loop3A_12, %parallel_loop3A_2200 : vector<16xi32>
      %parallel_loop3A_2202 = tpu.vector_load_idx %arg8[%parallel_loop3A_2201] : memref<16512xf32, #tpu.memory_space<vmem>>[vector<16xi32>], vector<16xf32>,
      %parallel_loop3A_2203 = arith.constant 94 : i32
      %parallel_loop3A_2204 = vector.broadcast %parallel_loop3A_2203 : i32 to vector<16xi32>
      %parallel_loop3A_2205 = arith.addi %parallel_loop3A_20, %parallel_loop3A_2204 : vector<16xi32>
      %parallel_loop3A_2206 = tpu.vector_load_idx %arg8[%parallel_loop3A_2205] : memref<16512xf32, #tpu.memory_space<vmem>>[vector<16xi32>], vector<16xf32>,
      %parallel_loop3A_2207 = arith.addf %parallel_loop3A_2202, %parallel_loop3A_2206 : vector<16xf32>
      %parallel_loop3A_2208 = arith.constant 94 : i32
      %parallel_loop3A_2209 = vector.broadcast %parallel_loop3A_2208 : i32 to vector<16xi32>
      %parallel_loop3A_2210 = arith.addi %parallel_loop3A_28, %parallel_loop3A_2209 : vector<16xi32>
      %parallel_loop3A_2211 = tpu.vector_load_idx %arg8[%parallel_loop3A_2210] : memref<16512xf32, #tpu.memory_space<vmem>>[vector<16xi32>], vector<16xf32>,
      %parallel_loop3A_2212 = arith.addf %parallel_loop3A_2207, %parallel_loop3A_2211 : vector<16xf32>
      %parallel_loop3A_2213 = arith.constant 94 : i32
      %parallel_loop3A_2214 = vector.broadcast %parallel_loop3A_2213 : i32 to vector<16xi32>
      %parallel_loop3A_2215 = arith.addi %parallel_loop3A_36, %parallel_loop3A_2214 : vector<16xi32>
      %parallel_loop3A_2216 = tpu.vector_load_idx %arg8[%parallel_loop3A_2215] : memref<16512xf32, #tpu.memory_space<vmem>>[vector<16xi32>], vector<16xf32>,
      %parallel_loop3A_2217 = arith.addf %parallel_loop3A_2212, %parallel_loop3A_2216 : vector<16xf32>
      %parallel_loop3A_2218 = arith.constant 94 : i32
      %parallel_loop3A_2219 = arith.index_cast %parallel_loop3A_2218 : i32 to index
      %parallel_loop3A_2220 = arith.index_cast %parallel_loop3A_7 : i32 to index
      %parallel_loop3A_2221 = tpu.vector_load %arg13[%parallel_loop3A_2219, %parallel_loop3A_2220] {strides = array<i32>} : memref<128x128xf32, #tpu.memory_space<vmem>>, vector<16xf32>,
      tpu.vector_store %arg13[%parallel_loop3A_2219, %parallel_loop3A_2220], %parallel_loop3A_2217 {strides = array<i32>} : memref<128x128xf32, #tpu.memory_space<vmem>>, vector<16xf32>,
      %parallel_loop3A_2222 = arith.constant 95 : i32
      %parallel_loop3A_2223 = vector.broadcast %parallel_loop3A_2222 : i32 to vector<16xi32>
      %parallel_loop3A_2224 = arith.addi %parallel_loop3A_12, %parallel_loop3A_2223 : vector<16xi32>
      %parallel_loop3A_2225 = tpu.vector_load_idx %arg8[%parallel_loop3A_2224] : memref<16512xf32, #tpu.memory_space<vmem>>[vector<16xi32>], vector<16xf32>,
      %parallel_loop3A_2226 = arith.constant 95 : i32
      %parallel_loop3A_2227 = vector.broadcast %parallel_loop3A_2226 : i32 to vector<16xi32>
      %parallel_loop3A_2228 = arith.addi %parallel_loop3A_20, %parallel_loop3A_2227 : vector<16xi32>
      %parallel_loop3A_2229 = tpu.vector_load_idx %arg8[%parallel_loop3A_2228] : memref<16512xf32, #tpu.memory_space<vmem>>[vector<16xi32>], vector<16xf32>,
      %parallel_loop3A_2230 = arith.addf %parallel_loop3A_2225, %parallel_loop3A_2229 : vector<16xf32>
      %parallel_loop3A_2231 = arith.constant 95 : i32
      %parallel_loop3A_2232 = vector.broadcast %parallel_loop3A_2231 : i32 to vector<16xi32>
      %parallel_loop3A_2233 = arith.addi %parallel_loop3A_28, %parallel_loop3A_2232 : vector<16xi32>
      %parallel_loop3A_2234 = tpu.vector_load_idx %arg8[%parallel_loop3A_2233] : memref<16512xf32, #tpu.memory_space<vmem>>[vector<16xi32>], vector<16xf32>,
      %parallel_loop3A_2235 = arith.addf %parallel_loop3A_2230, %parallel_loop3A_2234 : vector<16xf32>
      %parallel_loop3A_2236 = arith.constant 95 : i32
      %parallel_loop3A_2237 = vector.broadcast %parallel_loop3A_2236 : i32 to vector<16xi32>
      %parallel_loop3A_2238 = arith.addi %parallel_loop3A_36, %parallel_loop3A_2237 : vector<16xi32>
      %parallel_loop3A_2239 = tpu.vector_load_idx %arg8[%parallel_loop3A_2238] : memref<16512xf32, #tpu.memory_space<vmem>>[vector<16xi32>], vector<16xf32>,
      %parallel_loop3A_2240 = arith.addf %parallel_loop3A_2235, %parallel_loop3A_2239 : vector<16xf32>
      %parallel_loop3A_2241 = arith.constant 95 : i32
      %parallel_loop3A_2242 = arith.index_cast %parallel_loop3A_2241 : i32 to index
      %parallel_loop3A_2243 = arith.index_cast %parallel_loop3A_7 : i32 to index
      %parallel_loop3A_2244 = tpu.vector_load %arg13[%parallel_loop3A_2242, %parallel_loop3A_2243] {strides = array<i32>} : memref<128x128xf32, #tpu.memory_space<vmem>>, vector<16xf32>,
      tpu.vector_store %arg13[%parallel_loop3A_2242, %parallel_loop3A_2243], %parallel_loop3A_2240 {strides = array<i32>} : memref<128x128xf32, #tpu.memory_space<vmem>>, vector<16xf32>,
      %parallel_loop3A_2245 = arith.constant 96 : i32
      %parallel_loop3A_2246 = vector.broadcast %parallel_loop3A_2245 : i32 to vector<16xi32>
      %parallel_loop3A_2247 = arith.addi %parallel_loop3A_12, %parallel_loop3A_2246 : vector<16xi32>
      %parallel_loop3A_2248 = tpu.vector_load_idx %arg8[%parallel_loop3A_2247] : memref<16512xf32, #tpu.memory_space<vmem>>[vector<16xi32>], vector<16xf32>,
      %parallel_loop3A_2249 = arith.constant 96 : i32
      %parallel_loop3A_2250 = vector.broadcast %parallel_loop3A_2249 : i32 to vector<16xi32>
      %parallel_loop3A_2251 = arith.addi %parallel_loop3A_20, %parallel_loop3A_2250 : vector<16xi32>
      %parallel_loop3A_2252 = tpu.vector_load_idx %arg8[%parallel_loop3A_2251] : memref<16512xf32, #tpu.memory_space<vmem>>[vector<16xi32>], vector<16xf32>,
      %parallel_loop3A_2253 = arith.addf %parallel_loop3A_2248, %parallel_loop3A_2252 : vector<16xf32>
      %parallel_loop3A_2254 = arith.constant 96 : i32
      %parallel_loop3A_2255 = vector.broadcast %parallel_loop3A_2254 : i32 to vector<16xi32>
      %parallel_loop3A_2256 = arith.addi %parallel_loop3A_28, %parallel_loop3A_2255 : vector<16xi32>
      %parallel_loop3A_2257 = tpu.vector_load_idx %arg8[%parallel_loop3A_2256] : memref<16512xf32, #tpu.memory_space<vmem>>[vector<16xi32>], vector<16xf32>,
      %parallel_loop3A_2258 = arith.addf %parallel_loop3A_2253, %parallel_loop3A_2257 : vector<16xf32>
      %parallel_loop3A_2259 = arith.constant 96 : i32
      %parallel_loop3A_2260 = vector.broadcast %parallel_loop3A_2259 : i32 to vector<16xi32>
      %parallel_loop3A_2261 = arith.addi %parallel_loop3A_36, %parallel_loop3A_2260 : vector<16xi32>
      %parallel_loop3A_2262 = tpu.vector_load_idx %arg8[%parallel_loop3A_2261] : memref<16512xf32, #tpu.memory_space<vmem>>[vector<16xi32>], vector<16xf32>,
      %parallel_loop3A_2263 = arith.addf %parallel_loop3A_2258, %parallel_loop3A_2262 : vector<16xf32>
      %parallel_loop3A_2264 = arith.constant 96 : i32
      %parallel_loop3A_2265 = arith.index_cast %parallel_loop3A_2264 : i32 to index
      %parallel_loop3A_2266 = arith.index_cast %parallel_loop3A_7 : i32 to index
      %parallel_loop3A_2267 = tpu.vector_load %arg13[%parallel_loop3A_2265, %parallel_loop3A_2266] {strides = array<i32>} : memref<128x128xf32, #tpu.memory_space<vmem>>, vector<16xf32>,
      tpu.vector_store %arg13[%parallel_loop3A_2265, %parallel_loop3A_2266], %parallel_loop3A_2263 {strides = array<i32>} : memref<128x128xf32, #tpu.memory_space<vmem>>, vector<16xf32>,
      %parallel_loop3A_2268 = arith.constant 97 : i32
      %parallel_loop3A_2269 = vector.broadcast %parallel_loop3A_2268 : i32 to vector<16xi32>
      %parallel_loop3A_2270 = arith.addi %parallel_loop3A_12, %parallel_loop3A_2269 : vector<16xi32>
      %parallel_loop3A_2271 = tpu.vector_load_idx %arg8[%parallel_loop3A_2270] : memref<16512xf32, #tpu.memory_space<vmem>>[vector<16xi32>], vector<16xf32>,
      %parallel_loop3A_2272 = arith.constant 97 : i32
      %parallel_loop3A_2273 = vector.broadcast %parallel_loop3A_2272 : i32 to vector<16xi32>
      %parallel_loop3A_2274 = arith.addi %parallel_loop3A_20, %parallel_loop3A_2273 : vector<16xi32>
      %parallel_loop3A_2275 = tpu.vector_load_idx %arg8[%parallel_loop3A_2274] : memref<16512xf32, #tpu.memory_space<vmem>>[vector<16xi32>], vector<16xf32>,
      %parallel_loop3A_2276 = arith.addf %parallel_loop3A_2271, %parallel_loop3A_2275 : vector<16xf32>
      %parallel_loop3A_2277 = arith.constant 97 : i32
      %parallel_loop3A_2278 = vector.broadcast %parallel_loop3A_2277 : i32 to vector<16xi32>
      %parallel_loop3A_2279 = arith.addi %parallel_loop3A_28, %parallel_loop3A_2278 : vector<16xi32>
      %parallel_loop3A_2280 = tpu.vector_load_idx %arg8[%parallel_loop3A_2279] : memref<16512xf32, #tpu.memory_space<vmem>>[vector<16xi32>], vector<16xf32>,
      %parallel_loop3A_2281 = arith.addf %parallel_loop3A_2276, %parallel_loop3A_2280 : vector<16xf32>
      %parallel_loop3A_2282 = arith.constant 97 : i32
      %parallel_loop3A_2283 = vector.broadcast %parallel_loop3A_2282 : i32 to vector<16xi32>
      %parallel_loop3A_2284 = arith.addi %parallel_loop3A_36, %parallel_loop3A_2283 : vector<16xi32>
      %parallel_loop3A_2285 = tpu.vector_load_idx %arg8[%parallel_loop3A_2284] : memref<16512xf32, #tpu.memory_space<vmem>>[vector<16xi32>], vector<16xf32>,
      %parallel_loop3A_2286 = arith.addf %parallel_loop3A_2281, %parallel_loop3A_2285 : vector<16xf32>
      %parallel_loop3A_2287 = arith.constant 97 : i32
      %parallel_loop3A_2288 = arith.index_cast %parallel_loop3A_2287 : i32 to index
      %parallel_loop3A_2289 = arith.index_cast %parallel_loop3A_7 : i32 to index
      %parallel_loop3A_2290 = tpu.vector_load %arg13[%parallel_loop3A_2288, %parallel_loop3A_2289] {strides = array<i32>} : memref<128x128xf32, #tpu.memory_space<vmem>>, vector<16xf32>,
      tpu.vector_store %arg13[%parallel_loop3A_2288, %parallel_loop3A_2289], %parallel_loop3A_2286 {strides = array<i32>} : memref<128x128xf32, #tpu.memory_space<vmem>>, vector<16xf32>,
      %parallel_loop3A_2291 = arith.constant 98 : i32
      %parallel_loop3A_2292 = vector.broadcast %parallel_loop3A_2291 : i32 to vector<16xi32>
      %parallel_loop3A_2293 = arith.addi %parallel_loop3A_12, %parallel_loop3A_2292 : vector<16xi32>
      %parallel_loop3A_2294 = tpu.vector_load_idx %arg8[%parallel_loop3A_2293] : memref<16512xf32, #tpu.memory_space<vmem>>[vector<16xi32>], vector<16xf32>,
      %parallel_loop3A_2295 = arith.constant 98 : i32
      %parallel_loop3A_2296 = vector.broadcast %parallel_loop3A_2295 : i32 to vector<16xi32>
      %parallel_loop3A_2297 = arith.addi %parallel_loop3A_20, %parallel_loop3A_2296 : vector<16xi32>
      %parallel_loop3A_2298 = tpu.vector_load_idx %arg8[%parallel_loop3A_2297] : memref<16512xf32, #tpu.memory_space<vmem>>[vector<16xi32>], vector<16xf32>,
      %parallel_loop3A_2299 = arith.addf %parallel_loop3A_2294, %parallel_loop3A_2298 : vector<16xf32>
      %parallel_loop3A_2300 = arith.constant 98 : i32
      %parallel_loop3A_2301 = vector.broadcast %parallel_loop3A_2300 : i32 to vector<16xi32>
      %parallel_loop3A_2302 = arith.addi %parallel_loop3A_28, %parallel_loop3A_2301 : vector<16xi32>
      %parallel_loop3A_2303 = tpu.vector_load_idx %arg8[%parallel_loop3A_2302] : memref<16512xf32, #tpu.memory_space<vmem>>[vector<16xi32>], vector<16xf32>,
      %parallel_loop3A_2304 = arith.addf %parallel_loop3A_2299, %parallel_loop3A_2303 : vector<16xf32>
      %parallel_loop3A_2305 = arith.constant 98 : i32
      %parallel_loop3A_2306 = vector.broadcast %parallel_loop3A_2305 : i32 to vector<16xi32>
      %parallel_loop3A_2307 = arith.addi %parallel_loop3A_36, %parallel_loop3A_2306 : vector<16xi32>
      %parallel_loop3A_2308 = tpu.vector_load_idx %arg8[%parallel_loop3A_2307] : memref<16512xf32, #tpu.memory_space<vmem>>[vector<16xi32>], vector<16xf32>,
      %parallel_loop3A_2309 = arith.addf %parallel_loop3A_2304, %parallel_loop3A_2308 : vector<16xf32>
      %parallel_loop3A_2310 = arith.constant 98 : i32
      %parallel_loop3A_2311 = arith.index_cast %parallel_loop3A_2310 : i32 to index
      %parallel_loop3A_2312 = arith.index_cast %parallel_loop3A_7 : i32 to index
      %parallel_loop3A_2313 = tpu.vector_load %arg13[%parallel_loop3A_2311, %parallel_loop3A_2312] {strides = array<i32>} : memref<128x128xf32, #tpu.memory_space<vmem>>, vector<16xf32>,
      tpu.vector_store %arg13[%parallel_loop3A_2311, %parallel_loop3A_2312], %parallel_loop3A_2309 {strides = array<i32>} : memref<128x128xf32, #tpu.memory_space<vmem>>, vector<16xf32>,
      %parallel_loop3A_2314 = arith.constant 99 : i32
      %parallel_loop3A_2315 = vector.broadcast %parallel_loop3A_2314 : i32 to vector<16xi32>
      %parallel_loop3A_2316 = arith.addi %parallel_loop3A_12, %parallel_loop3A_2315 : vector<16xi32>
      %parallel_loop3A_2317 = tpu.vector_load_idx %arg8[%parallel_loop3A_2316] : memref<16512xf32, #tpu.memory_space<vmem>>[vector<16xi32>], vector<16xf32>,
      %parallel_loop3A_2318 = arith.constant 99 : i32
      %parallel_loop3A_2319 = vector.broadcast %parallel_loop3A_2318 : i32 to vector<16xi32>
      %parallel_loop3A_2320 = arith.addi %parallel_loop3A_20, %parallel_loop3A_2319 : vector<16xi32>
      %parallel_loop3A_2321 = tpu.vector_load_idx %arg8[%parallel_loop3A_2320] : memref<16512xf32, #tpu.memory_space<vmem>>[vector<16xi32>], vector<16xf32>,
      %parallel_loop3A_2322 = arith.addf %parallel_loop3A_2317, %parallel_loop3A_2321 : vector<16xf32>
      %parallel_loop3A_2323 = arith.constant 99 : i32
      %parallel_loop3A_2324 = vector.broadcast %parallel_loop3A_2323 : i32 to vector<16xi32>
      %parallel_loop3A_2325 = arith.addi %parallel_loop3A_28, %parallel_loop3A_2324 : vector<16xi32>
      %parallel_loop3A_2326 = tpu.vector_load_idx %arg8[%parallel_loop3A_2325] : memref<16512xf32, #tpu.memory_space<vmem>>[vector<16xi32>], vector<16xf32>,
      %parallel_loop3A_2327 = arith.addf %parallel_loop3A_2322, %parallel_loop3A_2326 : vector<16xf32>
      %parallel_loop3A_2328 = arith.constant 99 : i32
      %parallel_loop3A_2329 = vector.broadcast %parallel_loop3A_2328 : i32 to vector<16xi32>
      %parallel_loop3A_2330 = arith.addi %parallel_loop3A_36, %parallel_loop3A_2329 : vector<16xi32>
      %parallel_loop3A_2331 = tpu.vector_load_idx %arg8[%parallel_loop3A_2330] : memref<16512xf32, #tpu.memory_space<vmem>>[vector<16xi32>], vector<16xf32>,
      %parallel_loop3A_2332 = arith.addf %parallel_loop3A_2327, %parallel_loop3A_2331 : vector<16xf32>
      %parallel_loop3A_2333 = arith.constant 99 : i32
      %parallel_loop3A_2334 = arith.index_cast %parallel_loop3A_2333 : i32 to index
      %parallel_loop3A_2335 = arith.index_cast %parallel_loop3A_7 : i32 to index
      %parallel_loop3A_2336 = tpu.vector_load %arg13[%parallel_loop3A_2334, %parallel_loop3A_2335] {strides = array<i32>} : memref<128x128xf32, #tpu.memory_space<vmem>>, vector<16xf32>,
      tpu.vector_store %arg13[%parallel_loop3A_2334, %parallel_loop3A_2335], %parallel_loop3A_2332 {strides = array<i32>} : memref<128x128xf32, #tpu.memory_space<vmem>>, vector<16xf32>,
      %parallel_loop3A_2337 = arith.constant 100 : i32
      %parallel_loop3A_2338 = vector.broadcast %parallel_loop3A_2337 : i32 to vector<16xi32>
      %parallel_loop3A_2339 = arith.addi %parallel_loop3A_12, %parallel_loop3A_2338 : vector<16xi32>
      %parallel_loop3A_2340 = tpu.vector_load_idx %arg8[%parallel_loop3A_2339] : memref<16512xf32, #tpu.memory_space<vmem>>[vector<16xi32>], vector<16xf32>,
      %parallel_loop3A_2341 = arith.constant 100 : i32
      %parallel_loop3A_2342 = vector.broadcast %parallel_loop3A_2341 : i32 to vector<16xi32>
      %parallel_loop3A_2343 = arith.addi %parallel_loop3A_20, %parallel_loop3A_2342 : vector<16xi32>
      %parallel_loop3A_2344 = tpu.vector_load_idx %arg8[%parallel_loop3A_2343] : memref<16512xf32, #tpu.memory_space<vmem>>[vector<16xi32>], vector<16xf32>,
      %parallel_loop3A_2345 = arith.addf %parallel_loop3A_2340, %parallel_loop3A_2344 : vector<16xf32>
      %parallel_loop3A_2346 = arith.constant 100 : i32
      %parallel_loop3A_2347 = vector.broadcast %parallel_loop3A_2346 : i32 to vector<16xi32>
      %parallel_loop3A_2348 = arith.addi %parallel_loop3A_28, %parallel_loop3A_2347 : vector<16xi32>
      %parallel_loop3A_2349 = tpu.vector_load_idx %arg8[%parallel_loop3A_2348] : memref<16512xf32, #tpu.memory_space<vmem>>[vector<16xi32>], vector<16xf32>,
      %parallel_loop3A_2350 = arith.addf %parallel_loop3A_2345, %parallel_loop3A_2349 : vector<16xf32>
      %parallel_loop3A_2351 = arith.constant 100 : i32
      %parallel_loop3A_2352 = vector.broadcast %parallel_loop3A_2351 : i32 to vector<16xi32>
      %parallel_loop3A_2353 = arith.addi %parallel_loop3A_36, %parallel_loop3A_2352 : vector<16xi32>
      %parallel_loop3A_2354 = tpu.vector_load_idx %arg8[%parallel_loop3A_2353] : memref<16512xf32, #tpu.memory_space<vmem>>[vector<16xi32>], vector<16xf32>,
      %parallel_loop3A_2355 = arith.addf %parallel_loop3A_2350, %parallel_loop3A_2354 : vector<16xf32>
      %parallel_loop3A_2356 = arith.constant 100 : i32
      %parallel_loop3A_2357 = arith.index_cast %parallel_loop3A_2356 : i32 to index
      %parallel_loop3A_2358 = arith.index_cast %parallel_loop3A_7 : i32 to index
      %parallel_loop3A_2359 = tpu.vector_load %arg13[%parallel_loop3A_2357, %parallel_loop3A_2358] {strides = array<i32>} : memref<128x128xf32, #tpu.memory_space<vmem>>, vector<16xf32>,
      tpu.vector_store %arg13[%parallel_loop3A_2357, %parallel_loop3A_2358], %parallel_loop3A_2355 {strides = array<i32>} : memref<128x128xf32, #tpu.memory_space<vmem>>, vector<16xf32>,
      %parallel_loop3A_2360 = arith.constant 101 : i32
      %parallel_loop3A_2361 = vector.broadcast %parallel_loop3A_2360 : i32 to vector<16xi32>
      %parallel_loop3A_2362 = arith.addi %parallel_loop3A_12, %parallel_loop3A_2361 : vector<16xi32>
      %parallel_loop3A_2363 = tpu.vector_load_idx %arg8[%parallel_loop3A_2362] : memref<16512xf32, #tpu.memory_space<vmem>>[vector<16xi32>], vector<16xf32>,
      %parallel_loop3A_2364 = arith.constant 101 : i32
      %parallel_loop3A_2365 = vector.broadcast %parallel_loop3A_2364 : i32 to vector<16xi32>
      %parallel_loop3A_2366 = arith.addi %parallel_loop3A_20, %parallel_loop3A_2365 : vector<16xi32>
      %parallel_loop3A_2367 = tpu.vector_load_idx %arg8[%parallel_loop3A_2366] : memref<16512xf32, #tpu.memory_space<vmem>>[vector<16xi32>], vector<16xf32>,
      %parallel_loop3A_2368 = arith.addf %parallel_loop3A_2363, %parallel_loop3A_2367 : vector<16xf32>
      %parallel_loop3A_2369 = arith.constant 101 : i32
      %parallel_loop3A_2370 = vector.broadcast %parallel_loop3A_2369 : i32 to vector<16xi32>
      %parallel_loop3A_2371 = arith.addi %parallel_loop3A_28, %parallel_loop3A_2370 : vector<16xi32>
      %parallel_loop3A_2372 = tpu.vector_load_idx %arg8[%parallel_loop3A_2371] : memref<16512xf32, #tpu.memory_space<vmem>>[vector<16xi32>], vector<16xf32>,
      %parallel_loop3A_2373 = arith.addf %parallel_loop3A_2368, %parallel_loop3A_2372 : vector<16xf32>
      %parallel_loop3A_2374 = arith.constant 101 : i32
      %parallel_loop3A_2375 = vector.broadcast %parallel_loop3A_2374 : i32 to vector<16xi32>
      %parallel_loop3A_2376 = arith.addi %parallel_loop3A_36, %parallel_loop3A_2375 : vector<16xi32>
      %parallel_loop3A_2377 = tpu.vector_load_idx %arg8[%parallel_loop3A_2376] : memref<16512xf32, #tpu.memory_space<vmem>>[vector<16xi32>], vector<16xf32>,
      %parallel_loop3A_2378 = arith.addf %parallel_loop3A_2373, %parallel_loop3A_2377 : vector<16xf32>
      %parallel_loop3A_2379 = arith.constant 101 : i32
      %parallel_loop3A_2380 = arith.index_cast %parallel_loop3A_2379 : i32 to index
      %parallel_loop3A_2381 = arith.index_cast %parallel_loop3A_7 : i32 to index
      %parallel_loop3A_2382 = tpu.vector_load %arg13[%parallel_loop3A_2380, %parallel_loop3A_2381] {strides = array<i32>} : memref<128x128xf32, #tpu.memory_space<vmem>>, vector<16xf32>,
      tpu.vector_store %arg13[%parallel_loop3A_2380, %parallel_loop3A_2381], %parallel_loop3A_2378 {strides = array<i32>} : memref<128x128xf32, #tpu.memory_space<vmem>>, vector<16xf32>,
      %parallel_loop3A_2383 = arith.constant 102 : i32
      %parallel_loop3A_2384 = vector.broadcast %parallel_loop3A_2383 : i32 to vector<16xi32>
      %parallel_loop3A_2385 = arith.addi %parallel_loop3A_12, %parallel_loop3A_2384 : vector<16xi32>
      %parallel_loop3A_2386 = tpu.vector_load_idx %arg8[%parallel_loop3A_2385] : memref<16512xf32, #tpu.memory_space<vmem>>[vector<16xi32>], vector<16xf32>,
      %parallel_loop3A_2387 = arith.constant 102 : i32
      %parallel_loop3A_2388 = vector.broadcast %parallel_loop3A_2387 : i32 to vector<16xi32>
      %parallel_loop3A_2389 = arith.addi %parallel_loop3A_20, %parallel_loop3A_2388 : vector<16xi32>
      %parallel_loop3A_2390 = tpu.vector_load_idx %arg8[%parallel_loop3A_2389] : memref<16512xf32, #tpu.memory_space<vmem>>[vector<16xi32>], vector<16xf32>,
      %parallel_loop3A_2391 = arith.addf %parallel_loop3A_2386, %parallel_loop3A_2390 : vector<16xf32>
      %parallel_loop3A_2392 = arith.constant 102 : i32
      %parallel_loop3A_2393 = vector.broadcast %parallel_loop3A_2392 : i32 to vector<16xi32>
      %parallel_loop3A_2394 = arith.addi %parallel_loop3A_28, %parallel_loop3A_2393 : vector<16xi32>
      %parallel_loop3A_2395 = tpu.vector_load_idx %arg8[%parallel_loop3A_2394] : memref<16512xf32, #tpu.memory_space<vmem>>[vector<16xi32>], vector<16xf32>,
      %parallel_loop3A_2396 = arith.addf %parallel_loop3A_2391, %parallel_loop3A_2395 : vector<16xf32>
      %parallel_loop3A_2397 = arith.constant 102 : i32
      %parallel_loop3A_2398 = vector.broadcast %parallel_loop3A_2397 : i32 to vector<16xi32>
      %parallel_loop3A_2399 = arith.addi %parallel_loop3A_36, %parallel_loop3A_2398 : vector<16xi32>
      %parallel_loop3A_2400 = tpu.vector_load_idx %arg8[%parallel_loop3A_2399] : memref<16512xf32, #tpu.memory_space<vmem>>[vector<16xi32>], vector<16xf32>,
      %parallel_loop3A_2401 = arith.addf %parallel_loop3A_2396, %parallel_loop3A_2400 : vector<16xf32>
      %parallel_loop3A_2402 = arith.constant 102 : i32
      %parallel_loop3A_2403 = arith.index_cast %parallel_loop3A_2402 : i32 to index
      %parallel_loop3A_2404 = arith.index_cast %parallel_loop3A_7 : i32 to index
      %parallel_loop3A_2405 = tpu.vector_load %arg13[%parallel_loop3A_2403, %parallel_loop3A_2404] {strides = array<i32>} : memref<128x128xf32, #tpu.memory_space<vmem>>, vector<16xf32>,
      tpu.vector_store %arg13[%parallel_loop3A_2403, %parallel_loop3A_2404], %parallel_loop3A_2401 {strides = array<i32>} : memref<128x128xf32, #tpu.memory_space<vmem>>, vector<16xf32>,
      %parallel_loop3A_2406 = arith.constant 103 : i32
      %parallel_loop3A_2407 = vector.broadcast %parallel_loop3A_2406 : i32 to vector<16xi32>
      %parallel_loop3A_2408 = arith.addi %parallel_loop3A_12, %parallel_loop3A_2407 : vector<16xi32>
      %parallel_loop3A_2409 = tpu.vector_load_idx %arg8[%parallel_loop3A_2408] : memref<16512xf32, #tpu.memory_space<vmem>>[vector<16xi32>], vector<16xf32>,
      %parallel_loop3A_2410 = arith.constant 103 : i32
      %parallel_loop3A_2411 = vector.broadcast %parallel_loop3A_2410 : i32 to vector<16xi32>
      %parallel_loop3A_2412 = arith.addi %parallel_loop3A_20, %parallel_loop3A_2411 : vector<16xi32>
      %parallel_loop3A_2413 = tpu.vector_load_idx %arg8[%parallel_loop3A_2412] : memref<16512xf32, #tpu.memory_space<vmem>>[vector<16xi32>], vector<16xf32>,
      %parallel_loop3A_2414 = arith.addf %parallel_loop3A_2409, %parallel_loop3A_2413 : vector<16xf32>
      %parallel_loop3A_2415 = arith.constant 103 : i32
      %parallel_loop3A_2416 = vector.broadcast %parallel_loop3A_2415 : i32 to vector<16xi32>
      %parallel_loop3A_2417 = arith.addi %parallel_loop3A_28, %parallel_loop3A_2416 : vector<16xi32>
      %parallel_loop3A_2418 = tpu.vector_load_idx %arg8[%parallel_loop3A_2417] : memref<16512xf32, #tpu.memory_space<vmem>>[vector<16xi32>], vector<16xf32>,
      %parallel_loop3A_2419 = arith.addf %parallel_loop3A_2414, %parallel_loop3A_2418 : vector<16xf32>
      %parallel_loop3A_2420 = arith.constant 103 : i32
      %parallel_loop3A_2421 = vector.broadcast %parallel_loop3A_2420 : i32 to vector<16xi32>
      %parallel_loop3A_2422 = arith.addi %parallel_loop3A_36, %parallel_loop3A_2421 : vector<16xi32>
      %parallel_loop3A_2423 = tpu.vector_load_idx %arg8[%parallel_loop3A_2422] : memref<16512xf32, #tpu.memory_space<vmem>>[vector<16xi32>], vector<16xf32>,
      %parallel_loop3A_2424 = arith.addf %parallel_loop3A_2419, %parallel_loop3A_2423 : vector<16xf32>
      %parallel_loop3A_2425 = arith.constant 103 : i32
      %parallel_loop3A_2426 = arith.index_cast %parallel_loop3A_2425 : i32 to index
      %parallel_loop3A_2427 = arith.index_cast %parallel_loop3A_7 : i32 to index
      %parallel_loop3A_2428 = tpu.vector_load %arg13[%parallel_loop3A_2426, %parallel_loop3A_2427] {strides = array<i32>} : memref<128x128xf32, #tpu.memory_space<vmem>>, vector<16xf32>,
      tpu.vector_store %arg13[%parallel_loop3A_2426, %parallel_loop3A_2427], %parallel_loop3A_2424 {strides = array<i32>} : memref<128x128xf32, #tpu.memory_space<vmem>>, vector<16xf32>,
      %parallel_loop3A_2429 = arith.constant 104 : i32
      %parallel_loop3A_2430 = vector.broadcast %parallel_loop3A_2429 : i32 to vector<16xi32>
      %parallel_loop3A_2431 = arith.addi %parallel_loop3A_12, %parallel_loop3A_2430 : vector<16xi32>
      %parallel_loop3A_2432 = tpu.vector_load_idx %arg8[%parallel_loop3A_2431] : memref<16512xf32, #tpu.memory_space<vmem>>[vector<16xi32>], vector<16xf32>,
      %parallel_loop3A_2433 = arith.constant 104 : i32
      %parallel_loop3A_2434 = vector.broadcast %parallel_loop3A_2433 : i32 to vector<16xi32>
      %parallel_loop3A_2435 = arith.addi %parallel_loop3A_20, %parallel_loop3A_2434 : vector<16xi32>
      %parallel_loop3A_2436 = tpu.vector_load_idx %arg8[%parallel_loop3A_2435] : memref<16512xf32, #tpu.memory_space<vmem>>[vector<16xi32>], vector<16xf32>,
      %parallel_loop3A_2437 = arith.addf %parallel_loop3A_2432, %parallel_loop3A_2436 : vector<16xf32>
      %parallel_loop3A_2438 = arith.constant 104 : i32
      %parallel_loop3A_2439 = vector.broadcast %parallel_loop3A_2438 : i32 to vector<16xi32>
      %parallel_loop3A_2440 = arith.addi %parallel_loop3A_28, %parallel_loop3A_2439 : vector<16xi32>
      %parallel_loop3A_2441 = tpu.vector_load_idx %arg8[%parallel_loop3A_2440] : memref<16512xf32, #tpu.memory_space<vmem>>[vector<16xi32>], vector<16xf32>,
      %parallel_loop3A_2442 = arith.addf %parallel_loop3A_2437, %parallel_loop3A_2441 : vector<16xf32>
      %parallel_loop3A_2443 = arith.constant 104 : i32
      %parallel_loop3A_2444 = vector.broadcast %parallel_loop3A_2443 : i32 to vector<16xi32>
      %parallel_loop3A_2445 = arith.addi %parallel_loop3A_36, %parallel_loop3A_2444 : vector<16xi32>
      %parallel_loop3A_2446 = tpu.vector_load_idx %arg8[%parallel_loop3A_2445] : memref<16512xf32, #tpu.memory_space<vmem>>[vector<16xi32>], vector<16xf32>,
      %parallel_loop3A_2447 = arith.addf %parallel_loop3A_2442, %parallel_loop3A_2446 : vector<16xf32>
      %parallel_loop3A_2448 = arith.constant 104 : i32
      %parallel_loop3A_2449 = arith.index_cast %parallel_loop3A_2448 : i32 to index
      %parallel_loop3A_2450 = arith.index_cast %parallel_loop3A_7 : i32 to index
      %parallel_loop3A_2451 = tpu.vector_load %arg13[%parallel_loop3A_2449, %parallel_loop3A_2450] {strides = array<i32>} : memref<128x128xf32, #tpu.memory_space<vmem>>, vector<16xf32>,
      tpu.vector_store %arg13[%parallel_loop3A_2449, %parallel_loop3A_2450], %parallel_loop3A_2447 {strides = array<i32>} : memref<128x128xf32, #tpu.memory_space<vmem>>, vector<16xf32>,
      %parallel_loop3A_2452 = arith.constant 105 : i32
      %parallel_loop3A_2453 = vector.broadcast %parallel_loop3A_2452 : i32 to vector<16xi32>
      %parallel_loop3A_2454 = arith.addi %parallel_loop3A_12, %parallel_loop3A_2453 : vector<16xi32>
      %parallel_loop3A_2455 = tpu.vector_load_idx %arg8[%parallel_loop3A_2454] : memref<16512xf32, #tpu.memory_space<vmem>>[vector<16xi32>], vector<16xf32>,
      %parallel_loop3A_2456 = arith.constant 105 : i32
      %parallel_loop3A_2457 = vector.broadcast %parallel_loop3A_2456 : i32 to vector<16xi32>
      %parallel_loop3A_2458 = arith.addi %parallel_loop3A_20, %parallel_loop3A_2457 : vector<16xi32>
      %parallel_loop3A_2459 = tpu.vector_load_idx %arg8[%parallel_loop3A_2458] : memref<16512xf32, #tpu.memory_space<vmem>>[vector<16xi32>], vector<16xf32>,
      %parallel_loop3A_2460 = arith.addf %parallel_loop3A_2455, %parallel_loop3A_2459 : vector<16xf32>
      %parallel_loop3A_2461 = arith.constant 105 : i32
      %parallel_loop3A_2462 = vector.broadcast %parallel_loop3A_2461 : i32 to vector<16xi32>
      %parallel_loop3A_2463 = arith.addi %parallel_loop3A_28, %parallel_loop3A_2462 : vector<16xi32>
      %parallel_loop3A_2464 = tpu.vector_load_idx %arg8[%parallel_loop3A_2463] : memref<16512xf32, #tpu.memory_space<vmem>>[vector<16xi32>], vector<16xf32>,
      %parallel_loop3A_2465 = arith.addf %parallel_loop3A_2460, %parallel_loop3A_2464 : vector<16xf32>
      %parallel_loop3A_2466 = arith.constant 105 : i32
      %parallel_loop3A_2467 = vector.broadcast %parallel_loop3A_2466 : i32 to vector<16xi32>
      %parallel_loop3A_2468 = arith.addi %parallel_loop3A_36, %parallel_loop3A_2467 : vector<16xi32>
      %parallel_loop3A_2469 = tpu.vector_load_idx %arg8[%parallel_loop3A_2468] : memref<16512xf32, #tpu.memory_space<vmem>>[vector<16xi32>], vector<16xf32>,
      %parallel_loop3A_2470 = arith.addf %parallel_loop3A_2465, %parallel_loop3A_2469 : vector<16xf32>
      %parallel_loop3A_2471 = arith.constant 105 : i32
      %parallel_loop3A_2472 = arith.index_cast %parallel_loop3A_2471 : i32 to index
      %parallel_loop3A_2473 = arith.index_cast %parallel_loop3A_7 : i32 to index
      %parallel_loop3A_2474 = tpu.vector_load %arg13[%parallel_loop3A_2472, %parallel_loop3A_2473] {strides = array<i32>} : memref<128x128xf32, #tpu.memory_space<vmem>>, vector<16xf32>,
      tpu.vector_store %arg13[%parallel_loop3A_2472, %parallel_loop3A_2473], %parallel_loop3A_2470 {strides = array<i32>} : memref<128x128xf32, #tpu.memory_space<vmem>>, vector<16xf32>,
      %parallel_loop3A_2475 = arith.constant 106 : i32
      %parallel_loop3A_2476 = vector.broadcast %parallel_loop3A_2475 : i32 to vector<16xi32>
      %parallel_loop3A_2477 = arith.addi %parallel_loop3A_12, %parallel_loop3A_2476 : vector<16xi32>
      %parallel_loop3A_2478 = tpu.vector_load_idx %arg8[%parallel_loop3A_2477] : memref<16512xf32, #tpu.memory_space<vmem>>[vector<16xi32>], vector<16xf32>,
      %parallel_loop3A_2479 = arith.constant 106 : i32
      %parallel_loop3A_2480 = vector.broadcast %parallel_loop3A_2479 : i32 to vector<16xi32>
      %parallel_loop3A_2481 = arith.addi %parallel_loop3A_20, %parallel_loop3A_2480 : vector<16xi32>
      %parallel_loop3A_2482 = tpu.vector_load_idx %arg8[%parallel_loop3A_2481] : memref<16512xf32, #tpu.memory_space<vmem>>[vector<16xi32>], vector<16xf32>,
      %parallel_loop3A_2483 = arith.addf %parallel_loop3A_2478, %parallel_loop3A_2482 : vector<16xf32>
      %parallel_loop3A_2484 = arith.constant 106 : i32
      %parallel_loop3A_2485 = vector.broadcast %parallel_loop3A_2484 : i32 to vector<16xi32>
      %parallel_loop3A_2486 = arith.addi %parallel_loop3A_28, %parallel_loop3A_2485 : vector<16xi32>
      %parallel_loop3A_2487 = tpu.vector_load_idx %arg8[%parallel_loop3A_2486] : memref<16512xf32, #tpu.memory_space<vmem>>[vector<16xi32>], vector<16xf32>,
      %parallel_loop3A_2488 = arith.addf %parallel_loop3A_2483, %parallel_loop3A_2487 : vector<16xf32>
      %parallel_loop3A_2489 = arith.constant 106 : i32
      %parallel_loop3A_2490 = vector.broadcast %parallel_loop3A_2489 : i32 to vector<16xi32>
      %parallel_loop3A_2491 = arith.addi %parallel_loop3A_36, %parallel_loop3A_2490 : vector<16xi32>
      %parallel_loop3A_2492 = tpu.vector_load_idx %arg8[%parallel_loop3A_2491] : memref<16512xf32, #tpu.memory_space<vmem>>[vector<16xi32>], vector<16xf32>,
      %parallel_loop3A_2493 = arith.addf %parallel_loop3A_2488, %parallel_loop3A_2492 : vector<16xf32>
      %parallel_loop3A_2494 = arith.constant 106 : i32
      %parallel_loop3A_2495 = arith.index_cast %parallel_loop3A_2494 : i32 to index
      %parallel_loop3A_2496 = arith.index_cast %parallel_loop3A_7 : i32 to index
      %parallel_loop3A_2497 = tpu.vector_load %arg13[%parallel_loop3A_2495, %parallel_loop3A_2496] {strides = array<i32>} : memref<128x128xf32, #tpu.memory_space<vmem>>, vector<16xf32>,
      tpu.vector_store %arg13[%parallel_loop3A_2495, %parallel_loop3A_2496], %parallel_loop3A_2493 {strides = array<i32>} : memref<128x128xf32, #tpu.memory_space<vmem>>, vector<16xf32>,
      %parallel_loop3A_2498 = arith.constant 107 : i32
      %parallel_loop3A_2499 = vector.broadcast %parallel_loop3A_2498 : i32 to vector<16xi32>
      %parallel_loop3A_2500 = arith.addi %parallel_loop3A_12, %parallel_loop3A_2499 : vector<16xi32>
      %parallel_loop3A_2501 = tpu.vector_load_idx %arg8[%parallel_loop3A_2500] : memref<16512xf32, #tpu.memory_space<vmem>>[vector<16xi32>], vector<16xf32>,
      %parallel_loop3A_2502 = arith.constant 107 : i32
      %parallel_loop3A_2503 = vector.broadcast %parallel_loop3A_2502 : i32 to vector<16xi32>
      %parallel_loop3A_2504 = arith.addi %parallel_loop3A_20, %parallel_loop3A_2503 : vector<16xi32>
      %parallel_loop3A_2505 = tpu.vector_load_idx %arg8[%parallel_loop3A_2504] : memref<16512xf32, #tpu.memory_space<vmem>>[vector<16xi32>], vector<16xf32>,
      %parallel_loop3A_2506 = arith.addf %parallel_loop3A_2501, %parallel_loop3A_2505 : vector<16xf32>
      %parallel_loop3A_2507 = arith.constant 107 : i32
      %parallel_loop3A_2508 = vector.broadcast %parallel_loop3A_2507 : i32 to vector<16xi32>
      %parallel_loop3A_2509 = arith.addi %parallel_loop3A_28, %parallel_loop3A_2508 : vector<16xi32>
      %parallel_loop3A_2510 = tpu.vector_load_idx %arg8[%parallel_loop3A_2509] : memref<16512xf32, #tpu.memory_space<vmem>>[vector<16xi32>], vector<16xf32>,
      %parallel_loop3A_2511 = arith.addf %parallel_loop3A_2506, %parallel_loop3A_2510 : vector<16xf32>
      %parallel_loop3A_2512 = arith.constant 107 : i32
      %parallel_loop3A_2513 = vector.broadcast %parallel_loop3A_2512 : i32 to vector<16xi32>
      %parallel_loop3A_2514 = arith.addi %parallel_loop3A_36, %parallel_loop3A_2513 : vector<16xi32>
      %parallel_loop3A_2515 = tpu.vector_load_idx %arg8[%parallel_loop3A_2514] : memref<16512xf32, #tpu.memory_space<vmem>>[vector<16xi32>], vector<16xf32>,
      %parallel_loop3A_2516 = arith.addf %parallel_loop3A_2511, %parallel_loop3A_2515 : vector<16xf32>
      %parallel_loop3A_2517 = arith.constant 107 : i32
      %parallel_loop3A_2518 = arith.index_cast %parallel_loop3A_2517 : i32 to index
      %parallel_loop3A_2519 = arith.index_cast %parallel_loop3A_7 : i32 to index
      %parallel_loop3A_2520 = tpu.vector_load %arg13[%parallel_loop3A_2518, %parallel_loop3A_2519] {strides = array<i32>} : memref<128x128xf32, #tpu.memory_space<vmem>>, vector<16xf32>,
      tpu.vector_store %arg13[%parallel_loop3A_2518, %parallel_loop3A_2519], %parallel_loop3A_2516 {strides = array<i32>} : memref<128x128xf32, #tpu.memory_space<vmem>>, vector<16xf32>,
      %parallel_loop3A_2521 = arith.constant 108 : i32
      %parallel_loop3A_2522 = vector.broadcast %parallel_loop3A_2521 : i32 to vector<16xi32>
      %parallel_loop3A_2523 = arith.addi %parallel_loop3A_12, %parallel_loop3A_2522 : vector<16xi32>
      %parallel_loop3A_2524 = tpu.vector_load_idx %arg8[%parallel_loop3A_2523] : memref<16512xf32, #tpu.memory_space<vmem>>[vector<16xi32>], vector<16xf32>,
      %parallel_loop3A_2525 = arith.constant 108 : i32
      %parallel_loop3A_2526 = vector.broadcast %parallel_loop3A_2525 : i32 to vector<16xi32>
      %parallel_loop3A_2527 = arith.addi %parallel_loop3A_20, %parallel_loop3A_2526 : vector<16xi32>
      %parallel_loop3A_2528 = tpu.vector_load_idx %arg8[%parallel_loop3A_2527] : memref<16512xf32, #tpu.memory_space<vmem>>[vector<16xi32>], vector<16xf32>,
      %parallel_loop3A_2529 = arith.addf %parallel_loop3A_2524, %parallel_loop3A_2528 : vector<16xf32>
      %parallel_loop3A_2530 = arith.constant 108 : i32
      %parallel_loop3A_2531 = vector.broadcast %parallel_loop3A_2530 : i32 to vector<16xi32>
      %parallel_loop3A_2532 = arith.addi %parallel_loop3A_28, %parallel_loop3A_2531 : vector<16xi32>
      %parallel_loop3A_2533 = tpu.vector_load_idx %arg8[%parallel_loop3A_2532] : memref<16512xf32, #tpu.memory_space<vmem>>[vector<16xi32>], vector<16xf32>,
      %parallel_loop3A_2534 = arith.addf %parallel_loop3A_2529, %parallel_loop3A_2533 : vector<16xf32>
      %parallel_loop3A_2535 = arith.constant 108 : i32
      %parallel_loop3A_2536 = vector.broadcast %parallel_loop3A_2535 : i32 to vector<16xi32>
      %parallel_loop3A_2537 = arith.addi %parallel_loop3A_36, %parallel_loop3A_2536 : vector<16xi32>
      %parallel_loop3A_2538 = tpu.vector_load_idx %arg8[%parallel_loop3A_2537] : memref<16512xf32, #tpu.memory_space<vmem>>[vector<16xi32>], vector<16xf32>,
      %parallel_loop3A_2539 = arith.addf %parallel_loop3A_2534, %parallel_loop3A_2538 : vector<16xf32>
      %parallel_loop3A_2540 = arith.constant 108 : i32
      %parallel_loop3A_2541 = arith.index_cast %parallel_loop3A_2540 : i32 to index
      %parallel_loop3A_2542 = arith.index_cast %parallel_loop3A_7 : i32 to index
      %parallel_loop3A_2543 = tpu.vector_load %arg13[%parallel_loop3A_2541, %parallel_loop3A_2542] {strides = array<i32>} : memref<128x128xf32, #tpu.memory_space<vmem>>, vector<16xf32>,
      tpu.vector_store %arg13[%parallel_loop3A_2541, %parallel_loop3A_2542], %parallel_loop3A_2539 {strides = array<i32>} : memref<128x128xf32, #tpu.memory_space<vmem>>, vector<16xf32>,
      %parallel_loop3A_2544 = arith.constant 109 : i32
      %parallel_loop3A_2545 = vector.broadcast %parallel_loop3A_2544 : i32 to vector<16xi32>
      %parallel_loop3A_2546 = arith.addi %parallel_loop3A_12, %parallel_loop3A_2545 : vector<16xi32>
      %parallel_loop3A_2547 = tpu.vector_load_idx %arg8[%parallel_loop3A_2546] : memref<16512xf32, #tpu.memory_space<vmem>>[vector<16xi32>], vector<16xf32>,
      %parallel_loop3A_2548 = arith.constant 109 : i32
      %parallel_loop3A_2549 = vector.broadcast %parallel_loop3A_2548 : i32 to vector<16xi32>
      %parallel_loop3A_2550 = arith.addi %parallel_loop3A_20, %parallel_loop3A_2549 : vector<16xi32>
      %parallel_loop3A_2551 = tpu.vector_load_idx %arg8[%parallel_loop3A_2550] : memref<16512xf32, #tpu.memory_space<vmem>>[vector<16xi32>], vector<16xf32>,
      %parallel_loop3A_2552 = arith.addf %parallel_loop3A_2547, %parallel_loop3A_2551 : vector<16xf32>
      %parallel_loop3A_2553 = arith.constant 109 : i32
      %parallel_loop3A_2554 = vector.broadcast %parallel_loop3A_2553 : i32 to vector<16xi32>
      %parallel_loop3A_2555 = arith.addi %parallel_loop3A_28, %parallel_loop3A_2554 : vector<16xi32>
      %parallel_loop3A_2556 = tpu.vector_load_idx %arg8[%parallel_loop3A_2555] : memref<16512xf32, #tpu.memory_space<vmem>>[vector<16xi32>], vector<16xf32>,
      %parallel_loop3A_2557 = arith.addf %parallel_loop3A_2552, %parallel_loop3A_2556 : vector<16xf32>
      %parallel_loop3A_2558 = arith.constant 109 : i32
      %parallel_loop3A_2559 = vector.broadcast %parallel_loop3A_2558 : i32 to vector<16xi32>
      %parallel_loop3A_2560 = arith.addi %parallel_loop3A_36, %parallel_loop3A_2559 : vector<16xi32>
      %parallel_loop3A_2561 = tpu.vector_load_idx %arg8[%parallel_loop3A_2560] : memref<16512xf32, #tpu.memory_space<vmem>>[vector<16xi32>], vector<16xf32>,
      %parallel_loop3A_2562 = arith.addf %parallel_loop3A_2557, %parallel_loop3A_2561 : vector<16xf32>
      %parallel_loop3A_2563 = arith.constant 109 : i32
      %parallel_loop3A_2564 = arith.index_cast %parallel_loop3A_2563 : i32 to index
      %parallel_loop3A_2565 = arith.index_cast %parallel_loop3A_7 : i32 to index
      %parallel_loop3A_2566 = tpu.vector_load %arg13[%parallel_loop3A_2564, %parallel_loop3A_2565] {strides = array<i32>} : memref<128x128xf32, #tpu.memory_space<vmem>>, vector<16xf32>,
      tpu.vector_store %arg13[%parallel_loop3A_2564, %parallel_loop3A_2565], %parallel_loop3A_2562 {strides = array<i32>} : memref<128x128xf32, #tpu.memory_space<vmem>>, vector<16xf32>,
      %parallel_loop3A_2567 = arith.constant 110 : i32
      %parallel_loop3A_2568 = vector.broadcast %parallel_loop3A_2567 : i32 to vector<16xi32>
      %parallel_loop3A_2569 = arith.addi %parallel_loop3A_12, %parallel_loop3A_2568 : vector<16xi32>
      %parallel_loop3A_2570 = tpu.vector_load_idx %arg8[%parallel_loop3A_2569] : memref<16512xf32, #tpu.memory_space<vmem>>[vector<16xi32>], vector<16xf32>,
      %parallel_loop3A_2571 = arith.constant 110 : i32
      %parallel_loop3A_2572 = vector.broadcast %parallel_loop3A_2571 : i32 to vector<16xi32>
      %parallel_loop3A_2573 = arith.addi %parallel_loop3A_20, %parallel_loop3A_2572 : vector<16xi32>
      %parallel_loop3A_2574 = tpu.vector_load_idx %arg8[%parallel_loop3A_2573] : memref<16512xf32, #tpu.memory_space<vmem>>[vector<16xi32>], vector<16xf32>,
      %parallel_loop3A_2575 = arith.addf %parallel_loop3A_2570, %parallel_loop3A_2574 : vector<16xf32>
      %parallel_loop3A_2576 = arith.constant 110 : i32
      %parallel_loop3A_2577 = vector.broadcast %parallel_loop3A_2576 : i32 to vector<16xi32>
      %parallel_loop3A_2578 = arith.addi %parallel_loop3A_28, %parallel_loop3A_2577 : vector<16xi32>
      %parallel_loop3A_2579 = tpu.vector_load_idx %arg8[%parallel_loop3A_2578] : memref<16512xf32, #tpu.memory_space<vmem>>[vector<16xi32>], vector<16xf32>,
      %parallel_loop3A_2580 = arith.addf %parallel_loop3A_2575, %parallel_loop3A_2579 : vector<16xf32>
      %parallel_loop3A_2581 = arith.constant 110 : i32
      %parallel_loop3A_2582 = vector.broadcast %parallel_loop3A_2581 : i32 to vector<16xi32>
      %parallel_loop3A_2583 = arith.addi %parallel_loop3A_36, %parallel_loop3A_2582 : vector<16xi32>
      %parallel_loop3A_2584 = tpu.vector_load_idx %arg8[%parallel_loop3A_2583] : memref<16512xf32, #tpu.memory_space<vmem>>[vector<16xi32>], vector<16xf32>,
      %parallel_loop3A_2585 = arith.addf %parallel_loop3A_2580, %parallel_loop3A_2584 : vector<16xf32>
      %parallel_loop3A_2586 = arith.constant 110 : i32
      %parallel_loop3A_2587 = arith.index_cast %parallel_loop3A_2586 : i32 to index
      %parallel_loop3A_2588 = arith.index_cast %parallel_loop3A_7 : i32 to index
      %parallel_loop3A_2589 = tpu.vector_load %arg13[%parallel_loop3A_2587, %parallel_loop3A_2588] {strides = array<i32>} : memref<128x128xf32, #tpu.memory_space<vmem>>, vector<16xf32>,
      tpu.vector_store %arg13[%parallel_loop3A_2587, %parallel_loop3A_2588], %parallel_loop3A_2585 {strides = array<i32>} : memref<128x128xf32, #tpu.memory_space<vmem>>, vector<16xf32>,
      %parallel_loop3A_2590 = arith.constant 111 : i32
      %parallel_loop3A_2591 = vector.broadcast %parallel_loop3A_2590 : i32 to vector<16xi32>
      %parallel_loop3A_2592 = arith.addi %parallel_loop3A_12, %parallel_loop3A_2591 : vector<16xi32>
      %parallel_loop3A_2593 = tpu.vector_load_idx %arg8[%parallel_loop3A_2592] : memref<16512xf32, #tpu.memory_space<vmem>>[vector<16xi32>], vector<16xf32>,
      %parallel_loop3A_2594 = arith.constant 111 : i32
      %parallel_loop3A_2595 = vector.broadcast %parallel_loop3A_2594 : i32 to vector<16xi32>
      %parallel_loop3A_2596 = arith.addi %parallel_loop3A_20, %parallel_loop3A_2595 : vector<16xi32>
      %parallel_loop3A_2597 = tpu.vector_load_idx %arg8[%parallel_loop3A_2596] : memref<16512xf32, #tpu.memory_space<vmem>>[vector<16xi32>], vector<16xf32>,
      %parallel_loop3A_2598 = arith.addf %parallel_loop3A_2593, %parallel_loop3A_2597 : vector<16xf32>
      %parallel_loop3A_2599 = arith.constant 111 : i32
      %parallel_loop3A_2600 = vector.broadcast %parallel_loop3A_2599 : i32 to vector<16xi32>
      %parallel_loop3A_2601 = arith.addi %parallel_loop3A_28, %parallel_loop3A_2600 : vector<16xi32>
      %parallel_loop3A_2602 = tpu.vector_load_idx %arg8[%parallel_loop3A_2601] : memref<16512xf32, #tpu.memory_space<vmem>>[vector<16xi32>], vector<16xf32>,
      %parallel_loop3A_2603 = arith.addf %parallel_loop3A_2598, %parallel_loop3A_2602 : vector<16xf32>
      %parallel_loop3A_2604 = arith.constant 111 : i32
      %parallel_loop3A_2605 = vector.broadcast %parallel_loop3A_2604 : i32 to vector<16xi32>
      %parallel_loop3A_2606 = arith.addi %parallel_loop3A_36, %parallel_loop3A_2605 : vector<16xi32>
      %parallel_loop3A_2607 = tpu.vector_load_idx %arg8[%parallel_loop3A_2606] : memref<16512xf32, #tpu.memory_space<vmem>>[vector<16xi32>], vector<16xf32>,
      %parallel_loop3A_2608 = arith.addf %parallel_loop3A_2603, %parallel_loop3A_2607 : vector<16xf32>
      %parallel_loop3A_2609 = arith.constant 111 : i32
      %parallel_loop3A_2610 = arith.index_cast %parallel_loop3A_2609 : i32 to index
      %parallel_loop3A_2611 = arith.index_cast %parallel_loop3A_7 : i32 to index
      %parallel_loop3A_2612 = tpu.vector_load %arg13[%parallel_loop3A_2610, %parallel_loop3A_2611] {strides = array<i32>} : memref<128x128xf32, #tpu.memory_space<vmem>>, vector<16xf32>,
      tpu.vector_store %arg13[%parallel_loop3A_2610, %parallel_loop3A_2611], %parallel_loop3A_2608 {strides = array<i32>} : memref<128x128xf32, #tpu.memory_space<vmem>>, vector<16xf32>,
      %parallel_loop3A_2613 = arith.constant 112 : i32
      %parallel_loop3A_2614 = vector.broadcast %parallel_loop3A_2613 : i32 to vector<16xi32>
      %parallel_loop3A_2615 = arith.addi %parallel_loop3A_12, %parallel_loop3A_2614 : vector<16xi32>
      %parallel_loop3A_2616 = tpu.vector_load_idx %arg8[%parallel_loop3A_2615] : memref<16512xf32, #tpu.memory_space<vmem>>[vector<16xi32>], vector<16xf32>,
      %parallel_loop3A_2617 = arith.constant 112 : i32
      %parallel_loop3A_2618 = vector.broadcast %parallel_loop3A_2617 : i32 to vector<16xi32>
      %parallel_loop3A_2619 = arith.addi %parallel_loop3A_20, %parallel_loop3A_2618 : vector<16xi32>
      %parallel_loop3A_2620 = tpu.vector_load_idx %arg8[%parallel_loop3A_2619] : memref<16512xf32, #tpu.memory_space<vmem>>[vector<16xi32>], vector<16xf32>,
      %parallel_loop3A_2621 = arith.addf %parallel_loop3A_2616, %parallel_loop3A_2620 : vector<16xf32>
      %parallel_loop3A_2622 = arith.constant 112 : i32
      %parallel_loop3A_2623 = vector.broadcast %parallel_loop3A_2622 : i32 to vector<16xi32>
      %parallel_loop3A_2624 = arith.addi %parallel_loop3A_28, %parallel_loop3A_2623 : vector<16xi32>
      %parallel_loop3A_2625 = tpu.vector_load_idx %arg8[%parallel_loop3A_2624] : memref<16512xf32, #tpu.memory_space<vmem>>[vector<16xi32>], vector<16xf32>,
      %parallel_loop3A_2626 = arith.addf %parallel_loop3A_2621, %parallel_loop3A_2625 : vector<16xf32>
      %parallel_loop3A_2627 = arith.constant 112 : i32
      %parallel_loop3A_2628 = vector.broadcast %parallel_loop3A_2627 : i32 to vector<16xi32>
      %parallel_loop3A_2629 = arith.addi %parallel_loop3A_36, %parallel_loop3A_2628 : vector<16xi32>
      %parallel_loop3A_2630 = tpu.vector_load_idx %arg8[%parallel_loop3A_2629] : memref<16512xf32, #tpu.memory_space<vmem>>[vector<16xi32>], vector<16xf32>,
      %parallel_loop3A_2631 = arith.addf %parallel_loop3A_2626, %parallel_loop3A_2630 : vector<16xf32>
      %parallel_loop3A_2632 = arith.constant 112 : i32
      %parallel_loop3A_2633 = arith.index_cast %parallel_loop3A_2632 : i32 to index
      %parallel_loop3A_2634 = arith.index_cast %parallel_loop3A_7 : i32 to index
      %parallel_loop3A_2635 = tpu.vector_load %arg13[%parallel_loop3A_2633, %parallel_loop3A_2634] {strides = array<i32>} : memref<128x128xf32, #tpu.memory_space<vmem>>, vector<16xf32>,
      tpu.vector_store %arg13[%parallel_loop3A_2633, %parallel_loop3A_2634], %parallel_loop3A_2631 {strides = array<i32>} : memref<128x128xf32, #tpu.memory_space<vmem>>, vector<16xf32>,
      %parallel_loop3A_2636 = arith.constant 113 : i32
      %parallel_loop3A_2637 = vector.broadcast %parallel_loop3A_2636 : i32 to vector<16xi32>
      %parallel_loop3A_2638 = arith.addi %parallel_loop3A_12, %parallel_loop3A_2637 : vector<16xi32>
      %parallel_loop3A_2639 = tpu.vector_load_idx %arg8[%parallel_loop3A_2638] : memref<16512xf32, #tpu.memory_space<vmem>>[vector<16xi32>], vector<16xf32>,
      %parallel_loop3A_2640 = arith.constant 113 : i32
      %parallel_loop3A_2641 = vector.broadcast %parallel_loop3A_2640 : i32 to vector<16xi32>
      %parallel_loop3A_2642 = arith.addi %parallel_loop3A_20, %parallel_loop3A_2641 : vector<16xi32>
      %parallel_loop3A_2643 = tpu.vector_load_idx %arg8[%parallel_loop3A_2642] : memref<16512xf32, #tpu.memory_space<vmem>>[vector<16xi32>], vector<16xf32>,
      %parallel_loop3A_2644 = arith.addf %parallel_loop3A_2639, %parallel_loop3A_2643 : vector<16xf32>
      %parallel_loop3A_2645 = arith.constant 113 : i32
      %parallel_loop3A_2646 = vector.broadcast %parallel_loop3A_2645 : i32 to vector<16xi32>
      %parallel_loop3A_2647 = arith.addi %parallel_loop3A_28, %parallel_loop3A_2646 : vector<16xi32>
      %parallel_loop3A_2648 = tpu.vector_load_idx %arg8[%parallel_loop3A_2647] : memref<16512xf32, #tpu.memory_space<vmem>>[vector<16xi32>], vector<16xf32>,
      %parallel_loop3A_2649 = arith.addf %parallel_loop3A_2644, %parallel_loop3A_2648 : vector<16xf32>
      %parallel_loop3A_2650 = arith.constant 113 : i32
      %parallel_loop3A_2651 = vector.broadcast %parallel_loop3A_2650 : i32 to vector<16xi32>
      %parallel_loop3A_2652 = arith.addi %parallel_loop3A_36, %parallel_loop3A_2651 : vector<16xi32>
      %parallel_loop3A_2653 = tpu.vector_load_idx %arg8[%parallel_loop3A_2652] : memref<16512xf32, #tpu.memory_space<vmem>>[vector<16xi32>], vector<16xf32>,
      %parallel_loop3A_2654 = arith.addf %parallel_loop3A_2649, %parallel_loop3A_2653 : vector<16xf32>
      %parallel_loop3A_2655 = arith.constant 113 : i32
      %parallel_loop3A_2656 = arith.index_cast %parallel_loop3A_2655 : i32 to index
      %parallel_loop3A_2657 = arith.index_cast %parallel_loop3A_7 : i32 to index
      %parallel_loop3A_2658 = tpu.vector_load %arg13[%parallel_loop3A_2656, %parallel_loop3A_2657] {strides = array<i32>} : memref<128x128xf32, #tpu.memory_space<vmem>>, vector<16xf32>,
      tpu.vector_store %arg13[%parallel_loop3A_2656, %parallel_loop3A_2657], %parallel_loop3A_2654 {strides = array<i32>} : memref<128x128xf32, #tpu.memory_space<vmem>>, vector<16xf32>,
      %parallel_loop3A_2659 = arith.constant 114 : i32
      %parallel_loop3A_2660 = vector.broadcast %parallel_loop3A_2659 : i32 to vector<16xi32>
      %parallel_loop3A_2661 = arith.addi %parallel_loop3A_12, %parallel_loop3A_2660 : vector<16xi32>
      %parallel_loop3A_2662 = tpu.vector_load_idx %arg8[%parallel_loop3A_2661] : memref<16512xf32, #tpu.memory_space<vmem>>[vector<16xi32>], vector<16xf32>,
      %parallel_loop3A_2663 = arith.constant 114 : i32
      %parallel_loop3A_2664 = vector.broadcast %parallel_loop3A_2663 : i32 to vector<16xi32>
      %parallel_loop3A_2665 = arith.addi %parallel_loop3A_20, %parallel_loop3A_2664 : vector<16xi32>
      %parallel_loop3A_2666 = tpu.vector_load_idx %arg8[%parallel_loop3A_2665] : memref<16512xf32, #tpu.memory_space<vmem>>[vector<16xi32>], vector<16xf32>,
      %parallel_loop3A_2667 = arith.addf %parallel_loop3A_2662, %parallel_loop3A_2666 : vector<16xf32>
      %parallel_loop3A_2668 = arith.constant 114 : i32
      %parallel_loop3A_2669 = vector.broadcast %parallel_loop3A_2668 : i32 to vector<16xi32>
      %parallel_loop3A_2670 = arith.addi %parallel_loop3A_28, %parallel_loop3A_2669 : vector<16xi32>
      %parallel_loop3A_2671 = tpu.vector_load_idx %arg8[%parallel_loop3A_2670] : memref<16512xf32, #tpu.memory_space<vmem>>[vector<16xi32>], vector<16xf32>,
      %parallel_loop3A_2672 = arith.addf %parallel_loop3A_2667, %parallel_loop3A_2671 : vector<16xf32>
      %parallel_loop3A_2673 = arith.constant 114 : i32
      %parallel_loop3A_2674 = vector.broadcast %parallel_loop3A_2673 : i32 to vector<16xi32>
      %parallel_loop3A_2675 = arith.addi %parallel_loop3A_36, %parallel_loop3A_2674 : vector<16xi32>
      %parallel_loop3A_2676 = tpu.vector_load_idx %arg8[%parallel_loop3A_2675] : memref<16512xf32, #tpu.memory_space<vmem>>[vector<16xi32>], vector<16xf32>,
      %parallel_loop3A_2677 = arith.addf %parallel_loop3A_2672, %parallel_loop3A_2676 : vector<16xf32>
      %parallel_loop3A_2678 = arith.constant 114 : i32
      %parallel_loop3A_2679 = arith.index_cast %parallel_loop3A_2678 : i32 to index
      %parallel_loop3A_2680 = arith.index_cast %parallel_loop3A_7 : i32 to index
      %parallel_loop3A_2681 = tpu.vector_load %arg13[%parallel_loop3A_2679, %parallel_loop3A_2680] {strides = array<i32>} : memref<128x128xf32, #tpu.memory_space<vmem>>, vector<16xf32>,
      tpu.vector_store %arg13[%parallel_loop3A_2679, %parallel_loop3A_2680], %parallel_loop3A_2677 {strides = array<i32>} : memref<128x128xf32, #tpu.memory_space<vmem>>, vector<16xf32>,
      %parallel_loop3A_2682 = arith.constant 115 : i32
      %parallel_loop3A_2683 = vector.broadcast %parallel_loop3A_2682 : i32 to vector<16xi32>
      %parallel_loop3A_2684 = arith.addi %parallel_loop3A_12, %parallel_loop3A_2683 : vector<16xi32>
      %parallel_loop3A_2685 = tpu.vector_load_idx %arg8[%parallel_loop3A_2684] : memref<16512xf32, #tpu.memory_space<vmem>>[vector<16xi32>], vector<16xf32>,
      %parallel_loop3A_2686 = arith.constant 115 : i32
      %parallel_loop3A_2687 = vector.broadcast %parallel_loop3A_2686 : i32 to vector<16xi32>
      %parallel_loop3A_2688 = arith.addi %parallel_loop3A_20, %parallel_loop3A_2687 : vector<16xi32>
      %parallel_loop3A_2689 = tpu.vector_load_idx %arg8[%parallel_loop3A_2688] : memref<16512xf32, #tpu.memory_space<vmem>>[vector<16xi32>], vector<16xf32>,
      %parallel_loop3A_2690 = arith.addf %parallel_loop3A_2685, %parallel_loop3A_2689 : vector<16xf32>
      %parallel_loop3A_2691 = arith.constant 115 : i32
      %parallel_loop3A_2692 = vector.broadcast %parallel_loop3A_2691 : i32 to vector<16xi32>
      %parallel_loop3A_2693 = arith.addi %parallel_loop3A_28, %parallel_loop3A_2692 : vector<16xi32>
      %parallel_loop3A_2694 = tpu.vector_load_idx %arg8[%parallel_loop3A_2693] : memref<16512xf32, #tpu.memory_space<vmem>>[vector<16xi32>], vector<16xf32>,
      %parallel_loop3A_2695 = arith.addf %parallel_loop3A_2690, %parallel_loop3A_2694 : vector<16xf32>
      %parallel_loop3A_2696 = arith.constant 115 : i32
      %parallel_loop3A_2697 = vector.broadcast %parallel_loop3A_2696 : i32 to vector<16xi32>
      %parallel_loop3A_2698 = arith.addi %parallel_loop3A_36, %parallel_loop3A_2697 : vector<16xi32>
      %parallel_loop3A_2699 = tpu.vector_load_idx %arg8[%parallel_loop3A_2698] : memref<16512xf32, #tpu.memory_space<vmem>>[vector<16xi32>], vector<16xf32>,
      %parallel_loop3A_2700 = arith.addf %parallel_loop3A_2695, %parallel_loop3A_2699 : vector<16xf32>
      %parallel_loop3A_2701 = arith.constant 115 : i32
      %parallel_loop3A_2702 = arith.index_cast %parallel_loop3A_2701 : i32 to index
      %parallel_loop3A_2703 = arith.index_cast %parallel_loop3A_7 : i32 to index
      %parallel_loop3A_2704 = tpu.vector_load %arg13[%parallel_loop3A_2702, %parallel_loop3A_2703] {strides = array<i32>} : memref<128x128xf32, #tpu.memory_space<vmem>>, vector<16xf32>,
      tpu.vector_store %arg13[%parallel_loop3A_2702, %parallel_loop3A_2703], %parallel_loop3A_2700 {strides = array<i32>} : memref<128x128xf32, #tpu.memory_space<vmem>>, vector<16xf32>,
      %parallel_loop3A_2705 = arith.constant 116 : i32
      %parallel_loop3A_2706 = vector.broadcast %parallel_loop3A_2705 : i32 to vector<16xi32>
      %parallel_loop3A_2707 = arith.addi %parallel_loop3A_12, %parallel_loop3A_2706 : vector<16xi32>
      %parallel_loop3A_2708 = tpu.vector_load_idx %arg8[%parallel_loop3A_2707] : memref<16512xf32, #tpu.memory_space<vmem>>[vector<16xi32>], vector<16xf32>,
      %parallel_loop3A_2709 = arith.constant 116 : i32
      %parallel_loop3A_2710 = vector.broadcast %parallel_loop3A_2709 : i32 to vector<16xi32>
      %parallel_loop3A_2711 = arith.addi %parallel_loop3A_20, %parallel_loop3A_2710 : vector<16xi32>
      %parallel_loop3A_2712 = tpu.vector_load_idx %arg8[%parallel_loop3A_2711] : memref<16512xf32, #tpu.memory_space<vmem>>[vector<16xi32>], vector<16xf32>,
      %parallel_loop3A_2713 = arith.addf %parallel_loop3A_2708, %parallel_loop3A_2712 : vector<16xf32>
      %parallel_loop3A_2714 = arith.constant 116 : i32
      %parallel_loop3A_2715 = vector.broadcast %parallel_loop3A_2714 : i32 to vector<16xi32>
      %parallel_loop3A_2716 = arith.addi %parallel_loop3A_28, %parallel_loop3A_2715 : vector<16xi32>
      %parallel_loop3A_2717 = tpu.vector_load_idx %arg8[%parallel_loop3A_2716] : memref<16512xf32, #tpu.memory_space<vmem>>[vector<16xi32>], vector<16xf32>,
      %parallel_loop3A_2718 = arith.addf %parallel_loop3A_2713, %parallel_loop3A_2717 : vector<16xf32>
      %parallel_loop3A_2719 = arith.constant 116 : i32
      %parallel_loop3A_2720 = vector.broadcast %parallel_loop3A_2719 : i32 to vector<16xi32>
      %parallel_loop3A_2721 = arith.addi %parallel_loop3A_36, %parallel_loop3A_2720 : vector<16xi32>
      %parallel_loop3A_2722 = tpu.vector_load_idx %arg8[%parallel_loop3A_2721] : memref<16512xf32, #tpu.memory_space<vmem>>[vector<16xi32>], vector<16xf32>,
      %parallel_loop3A_2723 = arith.addf %parallel_loop3A_2718, %parallel_loop3A_2722 : vector<16xf32>
      %parallel_loop3A_2724 = arith.constant 116 : i32
      %parallel_loop3A_2725 = arith.index_cast %parallel_loop3A_2724 : i32 to index
      %parallel_loop3A_2726 = arith.index_cast %parallel_loop3A_7 : i32 to index
      %parallel_loop3A_2727 = tpu.vector_load %arg13[%parallel_loop3A_2725, %parallel_loop3A_2726] {strides = array<i32>} : memref<128x128xf32, #tpu.memory_space<vmem>>, vector<16xf32>,
      tpu.vector_store %arg13[%parallel_loop3A_2725, %parallel_loop3A_2726], %parallel_loop3A_2723 {strides = array<i32>} : memref<128x128xf32, #tpu.memory_space<vmem>>, vector<16xf32>,
      %parallel_loop3A_2728 = arith.constant 117 : i32
      %parallel_loop3A_2729 = vector.broadcast %parallel_loop3A_2728 : i32 to vector<16xi32>
      %parallel_loop3A_2730 = arith.addi %parallel_loop3A_12, %parallel_loop3A_2729 : vector<16xi32>
      %parallel_loop3A_2731 = tpu.vector_load_idx %arg8[%parallel_loop3A_2730] : memref<16512xf32, #tpu.memory_space<vmem>>[vector<16xi32>], vector<16xf32>,
      %parallel_loop3A_2732 = arith.constant 117 : i32
      %parallel_loop3A_2733 = vector.broadcast %parallel_loop3A_2732 : i32 to vector<16xi32>
      %parallel_loop3A_2734 = arith.addi %parallel_loop3A_20, %parallel_loop3A_2733 : vector<16xi32>
      %parallel_loop3A_2735 = tpu.vector_load_idx %arg8[%parallel_loop3A_2734] : memref<16512xf32, #tpu.memory_space<vmem>>[vector<16xi32>], vector<16xf32>,
      %parallel_loop3A_2736 = arith.addf %parallel_loop3A_2731, %parallel_loop3A_2735 : vector<16xf32>
      %parallel_loop3A_2737 = arith.constant 117 : i32
      %parallel_loop3A_2738 = vector.broadcast %parallel_loop3A_2737 : i32 to vector<16xi32>
      %parallel_loop3A_2739 = arith.addi %parallel_loop3A_28, %parallel_loop3A_2738 : vector<16xi32>
      %parallel_loop3A_2740 = tpu.vector_load_idx %arg8[%parallel_loop3A_2739] : memref<16512xf32, #tpu.memory_space<vmem>>[vector<16xi32>], vector<16xf32>,
      %parallel_loop3A_2741 = arith.addf %parallel_loop3A_2736, %parallel_loop3A_2740 : vector<16xf32>
      %parallel_loop3A_2742 = arith.constant 117 : i32
      %parallel_loop3A_2743 = vector.broadcast %parallel_loop3A_2742 : i32 to vector<16xi32>
      %parallel_loop3A_2744 = arith.addi %parallel_loop3A_36, %parallel_loop3A_2743 : vector<16xi32>
      %parallel_loop3A_2745 = tpu.vector_load_idx %arg8[%parallel_loop3A_2744] : memref<16512xf32, #tpu.memory_space<vmem>>[vector<16xi32>], vector<16xf32>,
      %parallel_loop3A_2746 = arith.addf %parallel_loop3A_2741, %parallel_loop3A_2745 : vector<16xf32>
      %parallel_loop3A_2747 = arith.constant 117 : i32
      %parallel_loop3A_2748 = arith.index_cast %parallel_loop3A_2747 : i32 to index
      %parallel_loop3A_2749 = arith.index_cast %parallel_loop3A_7 : i32 to index
      %parallel_loop3A_2750 = tpu.vector_load %arg13[%parallel_loop3A_2748, %parallel_loop3A_2749] {strides = array<i32>} : memref<128x128xf32, #tpu.memory_space<vmem>>, vector<16xf32>,
      tpu.vector_store %arg13[%parallel_loop3A_2748, %parallel_loop3A_2749], %parallel_loop3A_2746 {strides = array<i32>} : memref<128x128xf32, #tpu.memory_space<vmem>>, vector<16xf32>,
      %parallel_loop3A_2751 = arith.constant 118 : i32
      %parallel_loop3A_2752 = vector.broadcast %parallel_loop3A_2751 : i32 to vector<16xi32>
      %parallel_loop3A_2753 = arith.addi %parallel_loop3A_12, %parallel_loop3A_2752 : vector<16xi32>
      %parallel_loop3A_2754 = tpu.vector_load_idx %arg8[%parallel_loop3A_2753] : memref<16512xf32, #tpu.memory_space<vmem>>[vector<16xi32>], vector<16xf32>,
      %parallel_loop3A_2755 = arith.constant 118 : i32
      %parallel_loop3A_2756 = vector.broadcast %parallel_loop3A_2755 : i32 to vector<16xi32>
      %parallel_loop3A_2757 = arith.addi %parallel_loop3A_20, %parallel_loop3A_2756 : vector<16xi32>
      %parallel_loop3A_2758 = tpu.vector_load_idx %arg8[%parallel_loop3A_2757] : memref<16512xf32, #tpu.memory_space<vmem>>[vector<16xi32>], vector<16xf32>,
      %parallel_loop3A_2759 = arith.addf %parallel_loop3A_2754, %parallel_loop3A_2758 : vector<16xf32>
      %parallel_loop3A_2760 = arith.constant 118 : i32
      %parallel_loop3A_2761 = vector.broadcast %parallel_loop3A_2760 : i32 to vector<16xi32>
      %parallel_loop3A_2762 = arith.addi %parallel_loop3A_28, %parallel_loop3A_2761 : vector<16xi32>
      %parallel_loop3A_2763 = tpu.vector_load_idx %arg8[%parallel_loop3A_2762] : memref<16512xf32, #tpu.memory_space<vmem>>[vector<16xi32>], vector<16xf32>,
      %parallel_loop3A_2764 = arith.addf %parallel_loop3A_2759, %parallel_loop3A_2763 : vector<16xf32>
      %parallel_loop3A_2765 = arith.constant 118 : i32
      %parallel_loop3A_2766 = vector.broadcast %parallel_loop3A_2765 : i32 to vector<16xi32>
      %parallel_loop3A_2767 = arith.addi %parallel_loop3A_36, %parallel_loop3A_2766 : vector<16xi32>
      %parallel_loop3A_2768 = tpu.vector_load_idx %arg8[%parallel_loop3A_2767] : memref<16512xf32, #tpu.memory_space<vmem>>[vector<16xi32>], vector<16xf32>,
      %parallel_loop3A_2769 = arith.addf %parallel_loop3A_2764, %parallel_loop3A_2768 : vector<16xf32>
      %parallel_loop3A_2770 = arith.constant 118 : i32
      %parallel_loop3A_2771 = arith.index_cast %parallel_loop3A_2770 : i32 to index
      %parallel_loop3A_2772 = arith.index_cast %parallel_loop3A_7 : i32 to index
      %parallel_loop3A_2773 = tpu.vector_load %arg13[%parallel_loop3A_2771, %parallel_loop3A_2772] {strides = array<i32>} : memref<128x128xf32, #tpu.memory_space<vmem>>, vector<16xf32>,
      tpu.vector_store %arg13[%parallel_loop3A_2771, %parallel_loop3A_2772], %parallel_loop3A_2769 {strides = array<i32>} : memref<128x128xf32, #tpu.memory_space<vmem>>, vector<16xf32>,
      %parallel_loop3A_2774 = arith.constant 119 : i32
      %parallel_loop3A_2775 = vector.broadcast %parallel_loop3A_2774 : i32 to vector<16xi32>
      %parallel_loop3A_2776 = arith.addi %parallel_loop3A_12, %parallel_loop3A_2775 : vector<16xi32>
      %parallel_loop3A_2777 = tpu.vector_load_idx %arg8[%parallel_loop3A_2776] : memref<16512xf32, #tpu.memory_space<vmem>>[vector<16xi32>], vector<16xf32>,
      %parallel_loop3A_2778 = arith.constant 119 : i32
      %parallel_loop3A_2779 = vector.broadcast %parallel_loop3A_2778 : i32 to vector<16xi32>
      %parallel_loop3A_2780 = arith.addi %parallel_loop3A_20, %parallel_loop3A_2779 : vector<16xi32>
      %parallel_loop3A_2781 = tpu.vector_load_idx %arg8[%parallel_loop3A_2780] : memref<16512xf32, #tpu.memory_space<vmem>>[vector<16xi32>], vector<16xf32>,
      %parallel_loop3A_2782 = arith.addf %parallel_loop3A_2777, %parallel_loop3A_2781 : vector<16xf32>
      %parallel_loop3A_2783 = arith.constant 119 : i32
      %parallel_loop3A_2784 = vector.broadcast %parallel_loop3A_2783 : i32 to vector<16xi32>
      %parallel_loop3A_2785 = arith.addi %parallel_loop3A_28, %parallel_loop3A_2784 : vector<16xi32>
      %parallel_loop3A_2786 = tpu.vector_load_idx %arg8[%parallel_loop3A_2785] : memref<16512xf32, #tpu.memory_space<vmem>>[vector<16xi32>], vector<16xf32>,
      %parallel_loop3A_2787 = arith.addf %parallel_loop3A_2782, %parallel_loop3A_2786 : vector<16xf32>
      %parallel_loop3A_2788 = arith.constant 119 : i32
      %parallel_loop3A_2789 = vector.broadcast %parallel_loop3A_2788 : i32 to vector<16xi32>
      %parallel_loop3A_2790 = arith.addi %parallel_loop3A_36, %parallel_loop3A_2789 : vector<16xi32>
      %parallel_loop3A_2791 = tpu.vector_load_idx %arg8[%parallel_loop3A_2790] : memref<16512xf32, #tpu.memory_space<vmem>>[vector<16xi32>], vector<16xf32>,
      %parallel_loop3A_2792 = arith.addf %parallel_loop3A_2787, %parallel_loop3A_2791 : vector<16xf32>
      %parallel_loop3A_2793 = arith.constant 119 : i32
      %parallel_loop3A_2794 = arith.index_cast %parallel_loop3A_2793 : i32 to index
      %parallel_loop3A_2795 = arith.index_cast %parallel_loop3A_7 : i32 to index
      %parallel_loop3A_2796 = tpu.vector_load %arg13[%parallel_loop3A_2794, %parallel_loop3A_2795] {strides = array<i32>} : memref<128x128xf32, #tpu.memory_space<vmem>>, vector<16xf32>,
      tpu.vector_store %arg13[%parallel_loop3A_2794, %parallel_loop3A_2795], %parallel_loop3A_2792 {strides = array<i32>} : memref<128x128xf32, #tpu.memory_space<vmem>>, vector<16xf32>,
      %parallel_loop3A_2797 = arith.constant 120 : i32
      %parallel_loop3A_2798 = vector.broadcast %parallel_loop3A_2797 : i32 to vector<16xi32>
      %parallel_loop3A_2799 = arith.addi %parallel_loop3A_12, %parallel_loop3A_2798 : vector<16xi32>
      %parallel_loop3A_2800 = tpu.vector_load_idx %arg8[%parallel_loop3A_2799] : memref<16512xf32, #tpu.memory_space<vmem>>[vector<16xi32>], vector<16xf32>,
      %parallel_loop3A_2801 = arith.constant 120 : i32
      %parallel_loop3A_2802 = vector.broadcast %parallel_loop3A_2801 : i32 to vector<16xi32>
      %parallel_loop3A_2803 = arith.addi %parallel_loop3A_20, %parallel_loop3A_2802 : vector<16xi32>
      %parallel_loop3A_2804 = tpu.vector_load_idx %arg8[%parallel_loop3A_2803] : memref<16512xf32, #tpu.memory_space<vmem>>[vector<16xi32>], vector<16xf32>,
      %parallel_loop3A_2805 = arith.addf %parallel_loop3A_2800, %parallel_loop3A_2804 : vector<16xf32>
      %parallel_loop3A_2806 = arith.constant 120 : i32
      %parallel_loop3A_2807 = vector.broadcast %parallel_loop3A_2806 : i32 to vector<16xi32>
      %parallel_loop3A_2808 = arith.addi %parallel_loop3A_28, %parallel_loop3A_2807 : vector<16xi32>
      %parallel_loop3A_2809 = tpu.vector_load_idx %arg8[%parallel_loop3A_2808] : memref<16512xf32, #tpu.memory_space<vmem>>[vector<16xi32>], vector<16xf32>,
      %parallel_loop3A_2810 = arith.addf %parallel_loop3A_2805, %parallel_loop3A_2809 : vector<16xf32>
      %parallel_loop3A_2811 = arith.constant 120 : i32
      %parallel_loop3A_2812 = vector.broadcast %parallel_loop3A_2811 : i32 to vector<16xi32>
      %parallel_loop3A_2813 = arith.addi %parallel_loop3A_36, %parallel_loop3A_2812 : vector<16xi32>
      %parallel_loop3A_2814 = tpu.vector_load_idx %arg8[%parallel_loop3A_2813] : memref<16512xf32, #tpu.memory_space<vmem>>[vector<16xi32>], vector<16xf32>,
      %parallel_loop3A_2815 = arith.addf %parallel_loop3A_2810, %parallel_loop3A_2814 : vector<16xf32>
      %parallel_loop3A_2816 = arith.constant 120 : i32
      %parallel_loop3A_2817 = arith.index_cast %parallel_loop3A_2816 : i32 to index
      %parallel_loop3A_2818 = arith.index_cast %parallel_loop3A_7 : i32 to index
      %parallel_loop3A_2819 = tpu.vector_load %arg13[%parallel_loop3A_2817, %parallel_loop3A_2818] {strides = array<i32>} : memref<128x128xf32, #tpu.memory_space<vmem>>, vector<16xf32>,
      tpu.vector_store %arg13[%parallel_loop3A_2817, %parallel_loop3A_2818], %parallel_loop3A_2815 {strides = array<i32>} : memref<128x128xf32, #tpu.memory_space<vmem>>, vector<16xf32>,
      %parallel_loop3A_2820 = arith.constant 121 : i32
      %parallel_loop3A_2821 = vector.broadcast %parallel_loop3A_2820 : i32 to vector<16xi32>
      %parallel_loop3A_2822 = arith.addi %parallel_loop3A_12, %parallel_loop3A_2821 : vector<16xi32>
      %parallel_loop3A_2823 = tpu.vector_load_idx %arg8[%parallel_loop3A_2822] : memref<16512xf32, #tpu.memory_space<vmem>>[vector<16xi32>], vector<16xf32>,
      %parallel_loop3A_2824 = arith.constant 121 : i32
      %parallel_loop3A_2825 = vector.broadcast %parallel_loop3A_2824 : i32 to vector<16xi32>
      %parallel_loop3A_2826 = arith.addi %parallel_loop3A_20, %parallel_loop3A_2825 : vector<16xi32>
      %parallel_loop3A_2827 = tpu.vector_load_idx %arg8[%parallel_loop3A_2826] : memref<16512xf32, #tpu.memory_space<vmem>>[vector<16xi32>], vector<16xf32>,
      %parallel_loop3A_2828 = arith.addf %parallel_loop3A_2823, %parallel_loop3A_2827 : vector<16xf32>
      %parallel_loop3A_2829 = arith.constant 121 : i32
      %parallel_loop3A_2830 = vector.broadcast %parallel_loop3A_2829 : i32 to vector<16xi32>
      %parallel_loop3A_2831 = arith.addi %parallel_loop3A_28, %parallel_loop3A_2830 : vector<16xi32>
      %parallel_loop3A_2832 = tpu.vector_load_idx %arg8[%parallel_loop3A_2831] : memref<16512xf32, #tpu.memory_space<vmem>>[vector<16xi32>], vector<16xf32>,
      %parallel_loop3A_2833 = arith.addf %parallel_loop3A_2828, %parallel_loop3A_2832 : vector<16xf32>
      %parallel_loop3A_2834 = arith.constant 121 : i32
      %parallel_loop3A_2835 = vector.broadcast %parallel_loop3A_2834 : i32 to vector<16xi32>
      %parallel_loop3A_2836 = arith.addi %parallel_loop3A_36, %parallel_loop3A_2835 : vector<16xi32>
      %parallel_loop3A_2837 = tpu.vector_load_idx %arg8[%parallel_loop3A_2836] : memref<16512xf32, #tpu.memory_space<vmem>>[vector<16xi32>], vector<16xf32>,
      %parallel_loop3A_2838 = arith.addf %parallel_loop3A_2833, %parallel_loop3A_2837 : vector<16xf32>
      %parallel_loop3A_2839 = arith.constant 121 : i32
      %parallel_loop3A_2840 = arith.index_cast %parallel_loop3A_2839 : i32 to index
      %parallel_loop3A_2841 = arith.index_cast %parallel_loop3A_7 : i32 to index
      %parallel_loop3A_2842 = tpu.vector_load %arg13[%parallel_loop3A_2840, %parallel_loop3A_2841] {strides = array<i32>} : memref<128x128xf32, #tpu.memory_space<vmem>>, vector<16xf32>,
      tpu.vector_store %arg13[%parallel_loop3A_2840, %parallel_loop3A_2841], %parallel_loop3A_2838 {strides = array<i32>} : memref<128x128xf32, #tpu.memory_space<vmem>>, vector<16xf32>,
      %parallel_loop3A_2843 = arith.constant 122 : i32
      %parallel_loop3A_2844 = vector.broadcast %parallel_loop3A_2843 : i32 to vector<16xi32>
      %parallel_loop3A_2845 = arith.addi %parallel_loop3A_12, %parallel_loop3A_2844 : vector<16xi32>
      %parallel_loop3A_2846 = tpu.vector_load_idx %arg8[%parallel_loop3A_2845] : memref<16512xf32, #tpu.memory_space<vmem>>[vector<16xi32>], vector<16xf32>,
      %parallel_loop3A_2847 = arith.constant 122 : i32
      %parallel_loop3A_2848 = vector.broadcast %parallel_loop3A_2847 : i32 to vector<16xi32>
      %parallel_loop3A_2849 = arith.addi %parallel_loop3A_20, %parallel_loop3A_2848 : vector<16xi32>
      %parallel_loop3A_2850 = tpu.vector_load_idx %arg8[%parallel_loop3A_2849] : memref<16512xf32, #tpu.memory_space<vmem>>[vector<16xi32>], vector<16xf32>,
      %parallel_loop3A_2851 = arith.addf %parallel_loop3A_2846, %parallel_loop3A_2850 : vector<16xf32>
      %parallel_loop3A_2852 = arith.constant 122 : i32
      %parallel_loop3A_2853 = vector.broadcast %parallel_loop3A_2852 : i32 to vector<16xi32>
      %parallel_loop3A_2854 = arith.addi %parallel_loop3A_28, %parallel_loop3A_2853 : vector<16xi32>
      %parallel_loop3A_2855 = tpu.vector_load_idx %arg8[%parallel_loop3A_2854] : memref<16512xf32, #tpu.memory_space<vmem>>[vector<16xi32>], vector<16xf32>,
      %parallel_loop3A_2856 = arith.addf %parallel_loop3A_2851, %parallel_loop3A_2855 : vector<16xf32>
      %parallel_loop3A_2857 = arith.constant 122 : i32
      %parallel_loop3A_2858 = vector.broadcast %parallel_loop3A_2857 : i32 to vector<16xi32>
      %parallel_loop3A_2859 = arith.addi %parallel_loop3A_36, %parallel_loop3A_2858 : vector<16xi32>
      %parallel_loop3A_2860 = tpu.vector_load_idx %arg8[%parallel_loop3A_2859] : memref<16512xf32, #tpu.memory_space<vmem>>[vector<16xi32>], vector<16xf32>,
      %parallel_loop3A_2861 = arith.addf %parallel_loop3A_2856, %parallel_loop3A_2860 : vector<16xf32>
      %parallel_loop3A_2862 = arith.constant 122 : i32
      %parallel_loop3A_2863 = arith.index_cast %parallel_loop3A_2862 : i32 to index
      %parallel_loop3A_2864 = arith.index_cast %parallel_loop3A_7 : i32 to index
      %parallel_loop3A_2865 = tpu.vector_load %arg13[%parallel_loop3A_2863, %parallel_loop3A_2864] {strides = array<i32>} : memref<128x128xf32, #tpu.memory_space<vmem>>, vector<16xf32>,
      tpu.vector_store %arg13[%parallel_loop3A_2863, %parallel_loop3A_2864], %parallel_loop3A_2861 {strides = array<i32>} : memref<128x128xf32, #tpu.memory_space<vmem>>, vector<16xf32>,
      %parallel_loop3A_2866 = arith.constant 123 : i32
      %parallel_loop3A_2867 = vector.broadcast %parallel_loop3A_2866 : i32 to vector<16xi32>
      %parallel_loop3A_2868 = arith.addi %parallel_loop3A_12, %parallel_loop3A_2867 : vector<16xi32>
      %parallel_loop3A_2869 = tpu.vector_load_idx %arg8[%parallel_loop3A_2868] : memref<16512xf32, #tpu.memory_space<vmem>>[vector<16xi32>], vector<16xf32>,
      %parallel_loop3A_2870 = arith.constant 123 : i32
      %parallel_loop3A_2871 = vector.broadcast %parallel_loop3A_2870 : i32 to vector<16xi32>
      %parallel_loop3A_2872 = arith.addi %parallel_loop3A_20, %parallel_loop3A_2871 : vector<16xi32>
      %parallel_loop3A_2873 = tpu.vector_load_idx %arg8[%parallel_loop3A_2872] : memref<16512xf32, #tpu.memory_space<vmem>>[vector<16xi32>], vector<16xf32>,
      %parallel_loop3A_2874 = arith.addf %parallel_loop3A_2869, %parallel_loop3A_2873 : vector<16xf32>
      %parallel_loop3A_2875 = arith.constant 123 : i32
      %parallel_loop3A_2876 = vector.broadcast %parallel_loop3A_2875 : i32 to vector<16xi32>
      %parallel_loop3A_2877 = arith.addi %parallel_loop3A_28, %parallel_loop3A_2876 : vector<16xi32>
      %parallel_loop3A_2878 = tpu.vector_load_idx %arg8[%parallel_loop3A_2877] : memref<16512xf32, #tpu.memory_space<vmem>>[vector<16xi32>], vector<16xf32>,
      %parallel_loop3A_2879 = arith.addf %parallel_loop3A_2874, %parallel_loop3A_2878 : vector<16xf32>
      %parallel_loop3A_2880 = arith.constant 123 : i32
      %parallel_loop3A_2881 = vector.broadcast %parallel_loop3A_2880 : i32 to vector<16xi32>
      %parallel_loop3A_2882 = arith.addi %parallel_loop3A_36, %parallel_loop3A_2881 : vector<16xi32>
      %parallel_loop3A_2883 = tpu.vector_load_idx %arg8[%parallel_loop3A_2882] : memref<16512xf32, #tpu.memory_space<vmem>>[vector<16xi32>], vector<16xf32>,
      %parallel_loop3A_2884 = arith.addf %parallel_loop3A_2879, %parallel_loop3A_2883 : vector<16xf32>
      %parallel_loop3A_2885 = arith.constant 123 : i32
      %parallel_loop3A_2886 = arith.index_cast %parallel_loop3A_2885 : i32 to index
      %parallel_loop3A_2887 = arith.index_cast %parallel_loop3A_7 : i32 to index
      %parallel_loop3A_2888 = tpu.vector_load %arg13[%parallel_loop3A_2886, %parallel_loop3A_2887] {strides = array<i32>} : memref<128x128xf32, #tpu.memory_space<vmem>>, vector<16xf32>,
      tpu.vector_store %arg13[%parallel_loop3A_2886, %parallel_loop3A_2887], %parallel_loop3A_2884 {strides = array<i32>} : memref<128x128xf32, #tpu.memory_space<vmem>>, vector<16xf32>,
      %parallel_loop3A_2889 = arith.constant 124 : i32
      %parallel_loop3A_2890 = vector.broadcast %parallel_loop3A_2889 : i32 to vector<16xi32>
      %parallel_loop3A_2891 = arith.addi %parallel_loop3A_12, %parallel_loop3A_2890 : vector<16xi32>
      %parallel_loop3A_2892 = tpu.vector_load_idx %arg8[%parallel_loop3A_2891] : memref<16512xf32, #tpu.memory_space<vmem>>[vector<16xi32>], vector<16xf32>,
      %parallel_loop3A_2893 = arith.constant 124 : i32
      %parallel_loop3A_2894 = vector.broadcast %parallel_loop3A_2893 : i32 to vector<16xi32>
      %parallel_loop3A_2895 = arith.addi %parallel_loop3A_20, %parallel_loop3A_2894 : vector<16xi32>
      %parallel_loop3A_2896 = tpu.vector_load_idx %arg8[%parallel_loop3A_2895] : memref<16512xf32, #tpu.memory_space<vmem>>[vector<16xi32>], vector<16xf32>,
      %parallel_loop3A_2897 = arith.addf %parallel_loop3A_2892, %parallel_loop3A_2896 : vector<16xf32>
      %parallel_loop3A_2898 = arith.constant 124 : i32
      %parallel_loop3A_2899 = vector.broadcast %parallel_loop3A_2898 : i32 to vector<16xi32>
      %parallel_loop3A_2900 = arith.addi %parallel_loop3A_28, %parallel_loop3A_2899 : vector<16xi32>
      %parallel_loop3A_2901 = tpu.vector_load_idx %arg8[%parallel_loop3A_2900] : memref<16512xf32, #tpu.memory_space<vmem>>[vector<16xi32>], vector<16xf32>,
      %parallel_loop3A_2902 = arith.addf %parallel_loop3A_2897, %parallel_loop3A_2901 : vector<16xf32>
      %parallel_loop3A_2903 = arith.constant 124 : i32
      %parallel_loop3A_2904 = vector.broadcast %parallel_loop3A_2903 : i32 to vector<16xi32>
      %parallel_loop3A_2905 = arith.addi %parallel_loop3A_36, %parallel_loop3A_2904 : vector<16xi32>
      %parallel_loop3A_2906 = tpu.vector_load_idx %arg8[%parallel_loop3A_2905] : memref<16512xf32, #tpu.memory_space<vmem>>[vector<16xi32>], vector<16xf32>,
      %parallel_loop3A_2907 = arith.addf %parallel_loop3A_2902, %parallel_loop3A_2906 : vector<16xf32>
      %parallel_loop3A_2908 = arith.constant 124 : i32
      %parallel_loop3A_2909 = arith.index_cast %parallel_loop3A_2908 : i32 to index
      %parallel_loop3A_2910 = arith.index_cast %parallel_loop3A_7 : i32 to index
      %parallel_loop3A_2911 = tpu.vector_load %arg13[%parallel_loop3A_2909, %parallel_loop3A_2910] {strides = array<i32>} : memref<128x128xf32, #tpu.memory_space<vmem>>, vector<16xf32>,
      tpu.vector_store %arg13[%parallel_loop3A_2909, %parallel_loop3A_2910], %parallel_loop3A_2907 {strides = array<i32>} : memref<128x128xf32, #tpu.memory_space<vmem>>, vector<16xf32>,
      %parallel_loop3A_2912 = arith.constant 125 : i32
      %parallel_loop3A_2913 = vector.broadcast %parallel_loop3A_2912 : i32 to vector<16xi32>
      %parallel_loop3A_2914 = arith.addi %parallel_loop3A_12, %parallel_loop3A_2913 : vector<16xi32>
      %parallel_loop3A_2915 = tpu.vector_load_idx %arg8[%parallel_loop3A_2914] : memref<16512xf32, #tpu.memory_space<vmem>>[vector<16xi32>], vector<16xf32>,
      %parallel_loop3A_2916 = arith.constant 125 : i32
      %parallel_loop3A_2917 = vector.broadcast %parallel_loop3A_2916 : i32 to vector<16xi32>
      %parallel_loop3A_2918 = arith.addi %parallel_loop3A_20, %parallel_loop3A_2917 : vector<16xi32>
      %parallel_loop3A_2919 = tpu.vector_load_idx %arg8[%parallel_loop3A_2918] : memref<16512xf32, #tpu.memory_space<vmem>>[vector<16xi32>], vector<16xf32>,
      %parallel_loop3A_2920 = arith.addf %parallel_loop3A_2915, %parallel_loop3A_2919 : vector<16xf32>
      %parallel_loop3A_2921 = arith.constant 125 : i32
      %parallel_loop3A_2922 = vector.broadcast %parallel_loop3A_2921 : i32 to vector<16xi32>
      %parallel_loop3A_2923 = arith.addi %parallel_loop3A_28, %parallel_loop3A_2922 : vector<16xi32>
      %parallel_loop3A_2924 = tpu.vector_load_idx %arg8[%parallel_loop3A_2923] : memref<16512xf32, #tpu.memory_space<vmem>>[vector<16xi32>], vector<16xf32>,
      %parallel_loop3A_2925 = arith.addf %parallel_loop3A_2920, %parallel_loop3A_2924 : vector<16xf32>
      %parallel_loop3A_2926 = arith.constant 125 : i32
      %parallel_loop3A_2927 = vector.broadcast %parallel_loop3A_2926 : i32 to vector<16xi32>
      %parallel_loop3A_2928 = arith.addi %parallel_loop3A_36, %parallel_loop3A_2927 : vector<16xi32>
      %parallel_loop3A_2929 = tpu.vector_load_idx %arg8[%parallel_loop3A_2928] : memref<16512xf32, #tpu.memory_space<vmem>>[vector<16xi32>], vector<16xf32>,
      %parallel_loop3A_2930 = arith.addf %parallel_loop3A_2925, %parallel_loop3A_2929 : vector<16xf32>
      %parallel_loop3A_2931 = arith.constant 125 : i32
      %parallel_loop3A_2932 = arith.index_cast %parallel_loop3A_2931 : i32 to index
      %parallel_loop3A_2933 = arith.index_cast %parallel_loop3A_7 : i32 to index
      %parallel_loop3A_2934 = tpu.vector_load %arg13[%parallel_loop3A_2932, %parallel_loop3A_2933] {strides = array<i32>} : memref<128x128xf32, #tpu.memory_space<vmem>>, vector<16xf32>,
      tpu.vector_store %arg13[%parallel_loop3A_2932, %parallel_loop3A_2933], %parallel_loop3A_2930 {strides = array<i32>} : memref<128x128xf32, #tpu.memory_space<vmem>>, vector<16xf32>,
      %parallel_loop3A_2935 = arith.constant 126 : i32
      %parallel_loop3A_2936 = vector.broadcast %parallel_loop3A_2935 : i32 to vector<16xi32>
      %parallel_loop3A_2937 = arith.addi %parallel_loop3A_12, %parallel_loop3A_2936 : vector<16xi32>
      %parallel_loop3A_2938 = tpu.vector_load_idx %arg8[%parallel_loop3A_2937] : memref<16512xf32, #tpu.memory_space<vmem>>[vector<16xi32>], vector<16xf32>,
      %parallel_loop3A_2939 = arith.constant 126 : i32
      %parallel_loop3A_2940 = vector.broadcast %parallel_loop3A_2939 : i32 to vector<16xi32>
      %parallel_loop3A_2941 = arith.addi %parallel_loop3A_20, %parallel_loop3A_2940 : vector<16xi32>
      %parallel_loop3A_2942 = tpu.vector_load_idx %arg8[%parallel_loop3A_2941] : memref<16512xf32, #tpu.memory_space<vmem>>[vector<16xi32>], vector<16xf32>,
      %parallel_loop3A_2943 = arith.addf %parallel_loop3A_2938, %parallel_loop3A_2942 : vector<16xf32>
      %parallel_loop3A_2944 = arith.constant 126 : i32
      %parallel_loop3A_2945 = vector.broadcast %parallel_loop3A_2944 : i32 to vector<16xi32>
      %parallel_loop3A_2946 = arith.addi %parallel_loop3A_28, %parallel_loop3A_2945 : vector<16xi32>
      %parallel_loop3A_2947 = tpu.vector_load_idx %arg8[%parallel_loop3A_2946] : memref<16512xf32, #tpu.memory_space<vmem>>[vector<16xi32>], vector<16xf32>,
      %parallel_loop3A_2948 = arith.addf %parallel_loop3A_2943, %parallel_loop3A_2947 : vector<16xf32>
      %parallel_loop3A_2949 = arith.constant 126 : i32
      %parallel_loop3A_2950 = vector.broadcast %parallel_loop3A_2949 : i32 to vector<16xi32>
      %parallel_loop3A_2951 = arith.addi %parallel_loop3A_36, %parallel_loop3A_2950 : vector<16xi32>
      %parallel_loop3A_2952 = tpu.vector_load_idx %arg8[%parallel_loop3A_2951] : memref<16512xf32, #tpu.memory_space<vmem>>[vector<16xi32>], vector<16xf32>,
      %parallel_loop3A_2953 = arith.addf %parallel_loop3A_2948, %parallel_loop3A_2952 : vector<16xf32>
      %parallel_loop3A_2954 = arith.constant 126 : i32
      %parallel_loop3A_2955 = arith.index_cast %parallel_loop3A_2954 : i32 to index
      %parallel_loop3A_2956 = arith.index_cast %parallel_loop3A_7 : i32 to index
      %parallel_loop3A_2957 = tpu.vector_load %arg13[%parallel_loop3A_2955, %parallel_loop3A_2956] {strides = array<i32>} : memref<128x128xf32, #tpu.memory_space<vmem>>, vector<16xf32>,
      tpu.vector_store %arg13[%parallel_loop3A_2955, %parallel_loop3A_2956], %parallel_loop3A_2953 {strides = array<i32>} : memref<128x128xf32, #tpu.memory_space<vmem>>, vector<16xf32>,
      %parallel_loop3A_2958 = arith.constant 127 : i32
      %parallel_loop3A_2959 = vector.broadcast %parallel_loop3A_2958 : i32 to vector<16xi32>
      %parallel_loop3A_2960 = arith.addi %parallel_loop3A_12, %parallel_loop3A_2959 : vector<16xi32>
      %parallel_loop3A_2961 = tpu.vector_load_idx %arg8[%parallel_loop3A_2960] : memref<16512xf32, #tpu.memory_space<vmem>>[vector<16xi32>], vector<16xf32>,
      %parallel_loop3A_2962 = arith.constant 127 : i32
      %parallel_loop3A_2963 = vector.broadcast %parallel_loop3A_2962 : i32 to vector<16xi32>
      %parallel_loop3A_2964 = arith.addi %parallel_loop3A_20, %parallel_loop3A_2963 : vector<16xi32>
      %parallel_loop3A_2965 = tpu.vector_load_idx %arg8[%parallel_loop3A_2964] : memref<16512xf32, #tpu.memory_space<vmem>>[vector<16xi32>], vector<16xf32>,
      %parallel_loop3A_2966 = arith.addf %parallel_loop3A_2961, %parallel_loop3A_2965 : vector<16xf32>
      %parallel_loop3A_2967 = arith.constant 127 : i32
      %parallel_loop3A_2968 = vector.broadcast %parallel_loop3A_2967 : i32 to vector<16xi32>
      %parallel_loop3A_2969 = arith.addi %parallel_loop3A_28, %parallel_loop3A_2968 : vector<16xi32>
      %parallel_loop3A_2970 = tpu.vector_load_idx %arg8[%parallel_loop3A_2969] : memref<16512xf32, #tpu.memory_space<vmem>>[vector<16xi32>], vector<16xf32>,
      %parallel_loop3A_2971 = arith.addf %parallel_loop3A_2966, %parallel_loop3A_2970 : vector<16xf32>
      %parallel_loop3A_2972 = arith.constant 127 : i32
      %parallel_loop3A_2973 = vector.broadcast %parallel_loop3A_2972 : i32 to vector<16xi32>
      %parallel_loop3A_2974 = arith.addi %parallel_loop3A_36, %parallel_loop3A_2973 : vector<16xi32>
      %parallel_loop3A_2975 = tpu.vector_load_idx %arg8[%parallel_loop3A_2974] : memref<16512xf32, #tpu.memory_space<vmem>>[vector<16xi32>], vector<16xf32>,
      %parallel_loop3A_2976 = arith.addf %parallel_loop3A_2971, %parallel_loop3A_2975 : vector<16xf32>
      %parallel_loop3A_2977 = arith.constant 127 : i32
      %parallel_loop3A_2978 = arith.index_cast %parallel_loop3A_2977 : i32 to index
      %parallel_loop3A_2979 = arith.index_cast %parallel_loop3A_7 : i32 to index
      %parallel_loop3A_2980 = tpu.vector_load %arg13[%parallel_loop3A_2978, %parallel_loop3A_2979] {strides = array<i32>} : memref<128x128xf32, #tpu.memory_space<vmem>>, vector<16xf32>,
      tpu.vector_store %arg13[%parallel_loop3A_2978, %parallel_loop3A_2979], %parallel_loop3A_2976 {strides = array<i32>} : memref<128x128xf32, #tpu.memory_space<vmem>>, vector<16xf32>,
    } {sc.loop_unroll_factor = 1 : i64, sc.parallel_access}
    "tpu.region"() ({
      %run_scoped3A = tpu.sem_alloc : memref<!tpu.dma_semaphore, #tpu.memory_space<semaphore_mem>>
      %dma_start3A = arith.constant 0 : i32
      %dma_start3A_5 = tpu.memref_slice %arg7[%dma_start3A, %mul3A_2] : memref<128x4096xf32, #tpu.memory_space<hbm>> -> memref<128x128xf32, #tpu.memory_space<hbm>>
      %dma_start3A_6 = arith.constant 0 : i32
      %dma_start3A_7 = tpu.memref_slice %arg7[%dma_start3A_6, %mul3A_2] : memref<128x4096xf32, #tpu.memory_space<hbm>> -> memref<128x128xf32, #tpu.memory_space<hbm>>
      tpu.enqueue_dma source(%arg13 : memref<128x128xf32, #tpu.memory_space<vmem>>) target(%dma_start3A_7 : memref<128x128xf32, #tpu.memory_space<hbm>>) target_semaphore(%run_scoped3A : memref<!tpu.dma_semaphore, #tpu.memory_space<semaphore_mem>>)
      %dma_wait3A = arith.constant 0 : i32
      %dma_wait3A_8 = tpu.memref_slice %arg7[%dma_wait3A, %mul3A_2] : memref<128x4096xf32, #tpu.memory_space<hbm>> -> memref<128x128xf32, #tpu.memory_space<hbm>>
      %dma_wait3A_9 = arith.constant 0 : i32
      %dma_wait3A_10 = tpu.memref_slice %arg7[%dma_wait3A_9, %mul3A_2] : memref<128x4096xf32, #tpu.memory_space<hbm>> -> memref<128x128xf32, #tpu.memory_space<hbm>>
      tpu.wait_dma2 semaphore(%run_scoped3A : memref<!tpu.dma_semaphore, #tpu.memory_space<semaphore_mem>>) src(%arg13 : memref<128x128xf32, #tpu.memory_space<vmem>>) dst(%dma_wait3A_10 : memref<128x128xf32, #tpu.memory_space<hbm>>)
      tpu.yield
    }) : () -> ()
    return
  }
}

module attributes {stable_mosaic.version = 14 : i64} {
  func.func @_mlp_body(%arg0: i32, %arg1: memref<128x4096xf32, #tpu.memory_space<vmem>>, %arg2: memref<128x64xf32, #tpu.memory_space<vmem>>, %arg3: memref<64x1xf32, #tpu.memory_space<vmem>>, %arg4: memref<64x32xf32, #tpu.memory_space<vmem>>, %arg5: memref<32x1xf32, #tpu.memory_space<vmem>>, %arg6: memref<32x1xf32, #tpu.memory_space<vmem>>, %arg7: memref<1x1xf32, #tpu.memory_space<vmem>>, %arg8: memref<1x4096xf32, #tpu.memory_space<vmem>>) attributes {dimension_semantics = [#tpu.dimension_semantics<arbitrary>], iteration_bounds = array<i64: 1>, scalar_prefetch = 0 : i64, scratch_operands = 0 : i64, tpu.core_type = #tpu.core_type<tc>, window_params = [{pipeline_mode = #tpu.pipeline_mode<synchronous>, transform_indices = @transform_0, window_bounds = array<i64: 128, 4096>}, {pipeline_mode = #tpu.pipeline_mode<synchronous>, transform_indices = @transform_1, window_bounds = array<i64: 128, 64>}, {pipeline_mode = #tpu.pipeline_mode<synchronous>, transform_indices = @transform_2, window_bounds = array<i64: 64, 1>}, {pipeline_mode = #tpu.pipeline_mode<synchronous>, transform_indices = @transform_3, window_bounds = array<i64: 64, 32>}, {pipeline_mode = #tpu.pipeline_mode<synchronous>, transform_indices = @transform_4, window_bounds = array<i64: 32, 1>}, {pipeline_mode = #tpu.pipeline_mode<synchronous>, transform_indices = @transform_5, window_bounds = array<i64: 32, 1>}, {pipeline_mode = #tpu.pipeline_mode<synchronous>, transform_indices = @transform_6, window_bounds = array<i64: 1, 1>}, {pipeline_mode = #tpu.pipeline_mode<synchronous>, transform_indices = @transform_7, window_bounds = array<i64: 1, 4096>}]} {
    %get3A = arith.constant 0 : index
    %get3A_0 = arith.constant 0 : index
    %get3A_1 = vector.load %arg1[%get3A, %get3A_0] : memref<128x4096xf32, #tpu.memory_space<vmem>>, vector<128x4096xf32>
    %get3A_2 = arith.constant 0 : index
    %get3A_3 = arith.constant 0 : index
    %get3A_4 = vector.load %arg2[%get3A_2, %get3A_3] : memref<128x64xf32, #tpu.memory_space<vmem>>, vector<128x64xf32>
    %dot_general3A = arith.constant dense<0.000000e+00> : vector<64x4096xf32>
    %dot_general3A_5 = tpu.matmul %get3A_4, %get3A_1, %dot_general3A {dimension_numbers = #tpu.dot_dimension_numbers<[0], [0], [1], [1], [0, 1, 1, 1], [], []>, transpose_lhs_hint = false} : vector<128x64xf32>, vector<128x4096xf32>, vector<64x4096xf32> -> vector<64x4096xf32>
    %get3A_6 = arith.constant 0 : index
    %get3A_7 = arith.constant 0 : index
    %get3A_8 = vector.load %arg3[%get3A_6, %get3A_7] : memref<64x1xf32, #tpu.memory_space<vmem>>, vector<64x1xf32>
    %add3A = vector.broadcast %get3A_8 : vector<64x1xf32> to vector<64x4096xf32>
    %add3A_9 = arith.addf %dot_general3A_5, %add3A : vector<64x4096xf32>
    %max3A = arith.constant 0.000000e+00 : f32
    %max3A_10 = vector.broadcast %max3A : f32 to vector<64x4096xf32>
    %max3A_11 = arith.maximumf %add3A_9, %max3A_10 : vector<64x4096xf32>
    %get3A_12 = arith.constant 0 : index
    %get3A_13 = arith.constant 0 : index
    %get3A_14 = vector.load %arg4[%get3A_12, %get3A_13] : memref<64x32xf32, #tpu.memory_space<vmem>>, vector<64x32xf32>
    %dot_general3A_15 = arith.constant dense<0.000000e+00> : vector<32x4096xf32>
    %dot_general3A_16 = tpu.matmul %get3A_14, %max3A_11, %dot_general3A_15 {dimension_numbers = #tpu.dot_dimension_numbers<[0], [0], [1], [1], [0, 1, 1, 1], [], []>, transpose_lhs_hint = false} : vector<64x32xf32>, vector<64x4096xf32>, vector<32x4096xf32> -> vector<32x4096xf32>
    %get3A_17 = arith.constant 0 : index
    %get3A_18 = arith.constant 0 : index
    %get3A_19 = vector.load %arg5[%get3A_17, %get3A_18] : memref<32x1xf32, #tpu.memory_space<vmem>>, vector<32x1xf32>
    %add3A_20 = vector.broadcast %get3A_19 : vector<32x1xf32> to vector<32x4096xf32>
    %add3A_21 = arith.addf %dot_general3A_16, %add3A_20 : vector<32x4096xf32>
    %max3A_22 = arith.constant 0.000000e+00 : f32
    %max3A_23 = vector.broadcast %max3A_22 : f32 to vector<32x4096xf32>
    %max3A_24 = arith.maximumf %add3A_21, %max3A_23 : vector<32x4096xf32>
    %get3A_25 = arith.constant 0 : index
    %get3A_26 = arith.constant 0 : index
    %get3A_27 = vector.load %arg6[%get3A_25, %get3A_26] : memref<32x1xf32, #tpu.memory_space<vmem>>, vector<32x1xf32>
    %dot_general3A_28 = arith.constant dense<0.000000e+00> : vector<1x4096xf32>
    %dot_general3A_29 = tpu.matmul %get3A_27, %max3A_24, %dot_general3A_28 {dimension_numbers = #tpu.dot_dimension_numbers<[0], [0], [1], [1], [0, 1, 1, 1], [], []>, transpose_lhs_hint = false} : vector<32x1xf32>, vector<32x4096xf32>, vector<1x4096xf32> -> vector<1x4096xf32>
    %get3A_30 = arith.constant 0 : index
    %get3A_31 = arith.constant 0 : index
    %get3A_32 = vector.load %arg7[%get3A_30, %get3A_31] : memref<1x1xf32, #tpu.memory_space<vmem>>, vector<1x1xf32>
    %add3A_33 = vector.broadcast %get3A_32 : vector<1x1xf32> to vector<1x4096xf32>
    %add3A_34 = arith.addf %dot_general3A_29, %add3A_33 : vector<1x4096xf32>
    %max3A_35 = arith.constant 0.000000e+00 : f32
    %max3A_36 = vector.broadcast %max3A_35 : f32 to vector<1x4096xf32>
    %max3A_37 = arith.maximumf %add3A_34, %max3A_36 : vector<1x4096xf32>
    %swap3A = arith.constant 0 : index
    %swap3A_38 = arith.constant 0 : index
    %swap3A_39 = vector.load %arg8[%swap3A, %swap3A_38] : memref<1x4096xf32, #tpu.memory_space<vmem>>, vector<1x4096xf32>
    tpu.vector_store %arg8[%swap3A, %swap3A_38], %max3A_37 {strides = array<i32>} : memref<1x4096xf32, #tpu.memory_space<vmem>>, vector<1x4096xf32>,
    return
  }
  func.func @transform_0(%arg0: i32) -> (i32, i32) {
    %c0_i32 = arith.constant 0 : i32
    %c0_i32_0 = arith.constant 0 : i32
    %c0_i32_1 = arith.constant 0 : i32
    return %c0_i32, %c0_i32_0 : i32, i32
  }
  func.func @transform_1(%arg0: i32) -> (i32, i32) {
    %c0_i32 = arith.constant 0 : i32
    %c0_i32_0 = arith.constant 0 : i32
    %c0_i32_1 = arith.constant 0 : i32
    return %c0_i32, %c0_i32_0 : i32, i32
  }
  func.func @transform_2(%arg0: i32) -> (i32, i32) {
    %c0_i32 = arith.constant 0 : i32
    %c0_i32_0 = arith.constant 0 : i32
    %c0_i32_1 = arith.constant 0 : i32
    return %c0_i32, %c0_i32_0 : i32, i32
  }
  func.func @transform_3(%arg0: i32) -> (i32, i32) {
    %c0_i32 = arith.constant 0 : i32
    %c0_i32_0 = arith.constant 0 : i32
    %c0_i32_1 = arith.constant 0 : i32
    return %c0_i32, %c0_i32_0 : i32, i32
  }
  func.func @transform_4(%arg0: i32) -> (i32, i32) {
    %c0_i32 = arith.constant 0 : i32
    %c0_i32_0 = arith.constant 0 : i32
    %c0_i32_1 = arith.constant 0 : i32
    return %c0_i32, %c0_i32_0 : i32, i32
  }
  func.func @transform_5(%arg0: i32) -> (i32, i32) {
    %c0_i32 = arith.constant 0 : i32
    %c0_i32_0 = arith.constant 0 : i32
    %c0_i32_1 = arith.constant 0 : i32
    return %c0_i32, %c0_i32_0 : i32, i32
  }
  func.func @transform_6(%arg0: i32) -> (i32, i32) {
    %c0_i32 = arith.constant 0 : i32
    %c0_i32_0 = arith.constant 0 : i32
    %c0_i32_1 = arith.constant 0 : i32
    return %c0_i32, %c0_i32_0 : i32, i32
  }
  func.func @transform_7(%arg0: i32) -> (i32, i32) {
    %c0_i32 = arith.constant 0 : i32
    %c0_i32_0 = arith.constant 0 : i32
    %c0_i32_1 = arith.constant 0 : i32
    return %c0_i32, %c0_i32_0 : i32, i32
  }
}

module attributes {stable_mosaic.version = 14 : i64} {
  func.func @_hot_body(%arg0: i32, %arg1: memref<1x1x4096xi32, #tpu.memory_space<vmem>>, %arg2: memref<1x1x4096xi32, #tpu.memory_space<vmem>>, %arg3: memref<1x1x4096xi32, #tpu.memory_space<vmem>>, %arg4: memref<1x1x4096xi32, #tpu.memory_space<vmem>>, %arg5: memref<128x128xf32, #tpu.memory_space<vmem>>, %arg6: memref<128x64xf32, #tpu.memory_space<vmem>>, %arg7: memref<64x1xf32, #tpu.memory_space<vmem>>, %arg8: memref<64x32xf32, #tpu.memory_space<vmem>>, %arg9: memref<32x1xf32, #tpu.memory_space<vmem>>, %arg10: memref<32x1xf32, #tpu.memory_space<vmem>>, %arg11: memref<1x1xf32, #tpu.memory_space<vmem>>, %arg12: memref<1x1x4096xf32, #tpu.memory_space<vmem>>) attributes {dimension_semantics = [#tpu.dimension_semantics<arbitrary>], iteration_bounds = array<i64: 3>, scalar_prefetch = 0 : i64, scratch_operands = 0 : i64, tpu.core_type = #tpu.core_type<tc>, window_params = [{transform_indices = @transform_0, window_bounds = array<i64: 1, 1, 4096>}, {transform_indices = @transform_1, window_bounds = array<i64: 1, 1, 4096>}, {transform_indices = @transform_2, window_bounds = array<i64: 1, 1, 4096>}, {transform_indices = @transform_3, window_bounds = array<i64: 1, 1, 4096>}, {pipeline_mode = #tpu.pipeline_mode<synchronous>, transform_indices = @transform_4, window_bounds = array<i64: 128, 128>}, {pipeline_mode = #tpu.pipeline_mode<synchronous>, transform_indices = @transform_5, window_bounds = array<i64: 128, 64>}, {pipeline_mode = #tpu.pipeline_mode<synchronous>, transform_indices = @transform_6, window_bounds = array<i64: 64, 1>}, {pipeline_mode = #tpu.pipeline_mode<synchronous>, transform_indices = @transform_7, window_bounds = array<i64: 64, 32>}, {pipeline_mode = #tpu.pipeline_mode<synchronous>, transform_indices = @transform_8, window_bounds = array<i64: 32, 1>}, {pipeline_mode = #tpu.pipeline_mode<synchronous>, transform_indices = @transform_9, window_bounds = array<i64: 32, 1>}, {pipeline_mode = #tpu.pipeline_mode<synchronous>, transform_indices = @transform_10, window_bounds = array<i64: 1, 1>}, {transform_indices = @transform_11, window_bounds = array<i64: 1, 1, 4096>}]} {
    %get3A = arith.constant 0 : index
    %get3A_0 = arith.constant 0 : index
    %get3A_1 = arith.constant 0 : index
    %get3A_2 = vector.load %arg1[%get3A, %get3A_0, %get3A_1] : memref<1x1x4096xi32, #tpu.memory_space<vmem>>, vector<1x1x4096xi32>
    %get3A_3 = vector.shape_cast %get3A_2 : vector<1x1x4096xi32> to vector<1x4096xi32>
    %get3A_4 = arith.constant 0 : index
    %get3A_5 = arith.constant 0 : index
    %get3A_6 = arith.constant 0 : index
    %get3A_7 = vector.load %arg2[%get3A_4, %get3A_5, %get3A_6] : memref<1x1x4096xi32, #tpu.memory_space<vmem>>, vector<1x1x4096xi32>
    %get3A_8 = vector.shape_cast %get3A_7 : vector<1x1x4096xi32> to vector<1x4096xi32>
    %get3A_9 = arith.constant 0 : index
    %get3A_10 = arith.constant 0 : index
    %get3A_11 = arith.constant 0 : index
    %get3A_12 = vector.load %arg3[%get3A_9, %get3A_10, %get3A_11] : memref<1x1x4096xi32, #tpu.memory_space<vmem>>, vector<1x1x4096xi32>
    %get3A_13 = vector.shape_cast %get3A_12 : vector<1x1x4096xi32> to vector<1x4096xi32>
    %get3A_14 = arith.constant 0 : index
    %get3A_15 = arith.constant 0 : index
    %get3A_16 = arith.constant 0 : index
    %get3A_17 = vector.load %arg4[%get3A_14, %get3A_15, %get3A_16] : memref<1x1x4096xi32, #tpu.memory_space<vmem>>, vector<1x1x4096xi32>
    %get3A_18 = vector.shape_cast %get3A_17 : vector<1x1x4096xi32> to vector<1x4096xi32>
    %iota3A = tpu.iota {dimensions = array<i32: 0>} : vector<128x4096xi32>
    %eq3A = vector.broadcast %get3A_3 : vector<1x4096xi32> to vector<128x4096xi32>
    %eq3A_19 = arith.cmpi eq, %iota3A, %eq3A : vector<128x4096xi32>
    %add3A = arith.constant 13 : i32
    %add3A_20 = vector.broadcast %add3A : i32 to vector<1x4096xi32>
    %add3A_21 = arith.addi %get3A_8, %add3A_20 : vector<1x4096xi32>
    %eq3A_22 = vector.broadcast %add3A_21 : vector<1x4096xi32> to vector<128x4096xi32>
    %eq3A_23 = arith.cmpi eq, %iota3A, %eq3A_22 : vector<128x4096xi32>
    %or3A = arith.ori %eq3A_19, %eq3A_23 : vector<128x4096xi1>
    %add3A_24 = arith.constant 45 : i32
    %add3A_25 = vector.broadcast %add3A_24 : i32 to vector<1x4096xi32>
    %add3A_26 = arith.addi %get3A_13, %add3A_25 : vector<1x4096xi32>
    %eq3A_27 = vector.broadcast %add3A_26 : vector<1x4096xi32> to vector<128x4096xi32>
    %eq3A_28 = arith.cmpi eq, %iota3A, %eq3A_27 : vector<128x4096xi32>
    %or3A_29 = arith.ori %or3A, %eq3A_28 : vector<128x4096xi1>
    %add3A_30 = arith.constant 52 : i32
    %add3A_31 = vector.broadcast %add3A_30 : i32 to vector<1x4096xi32>
    %add3A_32 = arith.addi %get3A_18, %add3A_31 : vector<1x4096xi32>
    %eq3A_33 = vector.broadcast %add3A_32 : vector<1x4096xi32> to vector<128x4096xi32>
    %eq3A_34 = arith.cmpi eq, %iota3A, %eq3A_33 : vector<128x4096xi32>
    %or3A_35 = arith.ori %or3A_29, %eq3A_34 : vector<128x4096xi1>
    %jit3A = arith.constant 1.000000e+00 : f32
    %jit3A_36 = arith.constant 0.000000e+00 : f32
    %broadcast_in_dim3A = vector.broadcast %jit3A : f32 to vector<128x4096xf32>
    %broadcast_in_dim3A_37 = vector.broadcast %jit3A_36 : f32 to vector<128x4096xf32>
    %select_n3A = arith.select %or3A_35, %broadcast_in_dim3A, %broadcast_in_dim3A_37 : vector<128x4096xi1>, vector<128x4096xf32>
    %get3A_38 = arith.constant 0 : index
    %get3A_39 = arith.constant 0 : index
    %get3A_40 = vector.load %arg5[%get3A_38, %get3A_39] : memref<128x128xf32, #tpu.memory_space<vmem>>, vector<128x128xf32>
    %convert_element_type3A = arith.truncf %get3A_40 : vector<128x128xf32> to vector<128x128xbf16>
    %convert_element_type3A_41 = arith.extf %convert_element_type3A : vector<128x128xbf16> to vector<128x128xf32>
    %sub3A = arith.subf %get3A_40, %convert_element_type3A_41 : vector<128x128xf32>
    %dot_general3A = arith.constant dense<0.000000e+00> : vector<128x4096xf32>
    %dot_general3A_42 = tpu.matmul %convert_element_type3A_41, %select_n3A, %dot_general3A {dimension_numbers = #tpu.dot_dimension_numbers<[0], [0], [1], [1], [0, 1, 1, 1], [], []>, transpose_lhs_hint = false} : vector<128x128xf32>, vector<128x4096xf32>, vector<128x4096xf32> -> vector<128x4096xf32>
    %dot_general3A_43 = arith.constant dense<0.000000e+00> : vector<128x4096xf32>
    %dot_general3A_44 = tpu.matmul %sub3A, %select_n3A, %dot_general3A_43 {dimension_numbers = #tpu.dot_dimension_numbers<[0], [0], [1], [1], [0, 1, 1, 1], [], []>, transpose_lhs_hint = false} : vector<128x128xf32>, vector<128x4096xf32>, vector<128x4096xf32> -> vector<128x4096xf32>
    %add3A_45 = arith.addf %dot_general3A_42, %dot_general3A_44 : vector<128x4096xf32>
    %get3A_46 = arith.constant 0 : index
    %get3A_47 = arith.constant 0 : index
    %get3A_48 = vector.load %arg6[%get3A_46, %get3A_47] : memref<128x64xf32, #tpu.memory_space<vmem>>, vector<128x64xf32>
    %dot_general3A_49 = arith.constant dense<0.000000e+00> : vector<64x4096xf32>
    %dot_general3A_50 = tpu.matmul %get3A_48, %add3A_45, %dot_general3A_49 {dimension_numbers = #tpu.dot_dimension_numbers<[0], [0], [1], [1], [0, 1, 1, 1], [], []>, transpose_lhs_hint = false} : vector<128x64xf32>, vector<128x4096xf32>, vector<64x4096xf32> -> vector<64x4096xf32>
    %get3A_51 = arith.constant 0 : index
    %get3A_52 = arith.constant 0 : index
    %get3A_53 = vector.load %arg7[%get3A_51, %get3A_52] : memref<64x1xf32, #tpu.memory_space<vmem>>, vector<64x1xf32>
    %add3A_54 = vector.broadcast %get3A_53 : vector<64x1xf32> to vector<64x4096xf32>
    %add3A_55 = arith.addf %dot_general3A_50, %add3A_54 : vector<64x4096xf32>
    %max3A = arith.constant 0.000000e+00 : f32
    %max3A_56 = vector.broadcast %max3A : f32 to vector<64x4096xf32>
    %max3A_57 = arith.maximumf %add3A_55, %max3A_56 : vector<64x4096xf32>
    %get3A_58 = arith.constant 0 : index
    %get3A_59 = arith.constant 0 : index
    %get3A_60 = vector.load %arg8[%get3A_58, %get3A_59] : memref<64x32xf32, #tpu.memory_space<vmem>>, vector<64x32xf32>
    %dot_general3A_61 = arith.constant dense<0.000000e+00> : vector<32x4096xf32>
    %dot_general3A_62 = tpu.matmul %get3A_60, %max3A_57, %dot_general3A_61 {dimension_numbers = #tpu.dot_dimension_numbers<[0], [0], [1], [1], [0, 1, 1, 1], [], []>, transpose_lhs_hint = false} : vector<64x32xf32>, vector<64x4096xf32>, vector<32x4096xf32> -> vector<32x4096xf32>
    %get3A_63 = arith.constant 0 : index
    %get3A_64 = arith.constant 0 : index
    %get3A_65 = vector.load %arg9[%get3A_63, %get3A_64] : memref<32x1xf32, #tpu.memory_space<vmem>>, vector<32x1xf32>
    %add3A_66 = vector.broadcast %get3A_65 : vector<32x1xf32> to vector<32x4096xf32>
    %add3A_67 = arith.addf %dot_general3A_62, %add3A_66 : vector<32x4096xf32>
    %max3A_68 = arith.constant 0.000000e+00 : f32
    %max3A_69 = vector.broadcast %max3A_68 : f32 to vector<32x4096xf32>
    %max3A_70 = arith.maximumf %add3A_67, %max3A_69 : vector<32x4096xf32>
    %get3A_71 = arith.constant 0 : index
    %get3A_72 = arith.constant 0 : index
    %get3A_73 = vector.load %arg10[%get3A_71, %get3A_72] : memref<32x1xf32, #tpu.memory_space<vmem>>, vector<32x1xf32>
    %dot_general3A_74 = arith.constant dense<0.000000e+00> : vector<1x4096xf32>
    %dot_general3A_75 = tpu.matmul %get3A_73, %max3A_70, %dot_general3A_74 {dimension_numbers = #tpu.dot_dimension_numbers<[0], [0], [1], [1], [0, 1, 1, 1], [], []>, transpose_lhs_hint = false} : vector<32x1xf32>, vector<32x4096xf32>, vector<1x4096xf32> -> vector<1x4096xf32>
    %get3A_76 = arith.constant 0 : index
    %get3A_77 = arith.constant 0 : index
    %get3A_78 = vector.load %arg11[%get3A_76, %get3A_77] : memref<1x1xf32, #tpu.memory_space<vmem>>, vector<1x1xf32>
    %add3A_79 = vector.broadcast %get3A_78 : vector<1x1xf32> to vector<1x4096xf32>
    %add3A_80 = arith.addf %dot_general3A_75, %add3A_79 : vector<1x4096xf32>
    %max3A_81 = arith.constant 0.000000e+00 : f32
    %max3A_82 = vector.broadcast %max3A_81 : f32 to vector<1x4096xf32>
    %max3A_83 = arith.maximumf %add3A_80, %max3A_82 : vector<1x4096xf32>
    %reshape3A = vector.shape_cast %max3A_83 : vector<1x4096xf32> to vector<1x1x4096xf32>
    %swap3A = arith.constant 0 : index
    %swap3A_84 = arith.constant 0 : index
    %swap3A_85 = arith.constant 0 : index
    %swap3A_86 = vector.load %arg12[%swap3A, %swap3A_84, %swap3A_85] : memref<1x1x4096xf32, #tpu.memory_space<vmem>>, vector<1x1x4096xf32>
    tpu.vector_store %arg12[%swap3A, %swap3A_84, %swap3A_85], %reshape3A {strides = array<i32>} : memref<1x1x4096xf32, #tpu.memory_space<vmem>>, vector<1x1x4096xf32>,
    return
  }
  func.func @transform_0(%arg0: i32) -> (i32, i32, i32) {
    %c0_i32 = arith.constant 0 : i32
    %c0_i32_0 = arith.constant 0 : i32
    %c0_i32_1 = arith.constant 0 : i32
    return %arg0, %c0_i32, %c0_i32_0 : i32, i32, i32
  }
  func.func @transform_1(%arg0: i32) -> (i32, i32, i32) {
    %c0_i32 = arith.constant 0 : i32
    %c0_i32_0 = arith.constant 0 : i32
    %c0_i32_1 = arith.constant 0 : i32
    return %arg0, %c0_i32, %c0_i32_0 : i32, i32, i32
  }
  func.func @transform_2(%arg0: i32) -> (i32, i32, i32) {
    %c0_i32 = arith.constant 0 : i32
    %c0_i32_0 = arith.constant 0 : i32
    %c0_i32_1 = arith.constant 0 : i32
    return %arg0, %c0_i32, %c0_i32_0 : i32, i32, i32
  }
  func.func @transform_3(%arg0: i32) -> (i32, i32, i32) {
    %c0_i32 = arith.constant 0 : i32
    %c0_i32_0 = arith.constant 0 : i32
    %c0_i32_1 = arith.constant 0 : i32
    return %arg0, %c0_i32, %c0_i32_0 : i32, i32, i32
  }
  func.func @transform_4(%arg0: i32) -> (i32, i32) {
    %c0_i32 = arith.constant 0 : i32
    %c0_i32_0 = arith.constant 0 : i32
    %c0_i32_1 = arith.constant 0 : i32
    return %c0_i32, %c0_i32_0 : i32, i32
  }
  func.func @transform_5(%arg0: i32) -> (i32, i32) {
    %c0_i32 = arith.constant 0 : i32
    %c0_i32_0 = arith.constant 0 : i32
    %c0_i32_1 = arith.constant 0 : i32
    return %c0_i32, %c0_i32_0 : i32, i32
  }
  func.func @transform_6(%arg0: i32) -> (i32, i32) {
    %c0_i32 = arith.constant 0 : i32
    %c0_i32_0 = arith.constant 0 : i32
    %c0_i32_1 = arith.constant 0 : i32
    return %c0_i32, %c0_i32_0 : i32, i32
  }
  func.func @transform_7(%arg0: i32) -> (i32, i32) {
    %c0_i32 = arith.constant 0 : i32
    %c0_i32_0 = arith.constant 0 : i32
    %c0_i32_1 = arith.constant 0 : i32
    return %c0_i32, %c0_i32_0 : i32, i32
  }
  func.func @transform_8(%arg0: i32) -> (i32, i32) {
    %c0_i32 = arith.constant 0 : i32
    %c0_i32_0 = arith.constant 0 : i32
    %c0_i32_1 = arith.constant 0 : i32
    return %c0_i32, %c0_i32_0 : i32, i32
  }
  func.func @transform_9(%arg0: i32) -> (i32, i32) {
    %c0_i32 = arith.constant 0 : i32
    %c0_i32_0 = arith.constant 0 : i32
    %c0_i32_1 = arith.constant 0 : i32
    return %c0_i32, %c0_i32_0 : i32, i32
  }
  func.func @transform_10(%arg0: i32) -> (i32, i32) {
    %c0_i32 = arith.constant 0 : i32
    %c0_i32_0 = arith.constant 0 : i32
    %c0_i32_1 = arith.constant 0 : i32
    return %c0_i32, %c0_i32_0 : i32, i32
  }
  func.func @transform_11(%arg0: i32) -> (i32, i32, i32) {
    %c0_i32 = arith.constant 0 : i32
    %c0_i32_0 = arith.constant 0 : i32
    %c0_i32_1 = arith.constant 0 : i32
    return %arg0, %c0_i32, %c0_i32_0 : i32, i32, i32
  }
}

</mosaic_0001>

<sc_bundles>
// kernel: kernel.5.cloned.1.call-start
scs
__scs_entry_jumppad:
0x0: {  	(pc) =	sbr.rel $0x88, $3  }
0x1: {  	(tag) =	ssettag $0x0;
	lr =	simm.s32 $0x1  }
0x2: {  	[smem:$0x3F93] =	sst lr;
	_ =	strace $0xD0000000  }
0x3: {  	_ = 	snop  }
0x4: {  	_ = 	snop  }
0x5: {  	_ = 	snop  }
0x6: {  	_ = 	snop  }
0x7: {  	_ = 	snop  }
__scs_overlays_trampoline_lowered:
0x8: {  	[smem:$0x3FA2] =	sst s0  }
0x9: {  	[smem:$0x3FA3] =	sst s1  }
0xa: {  	[smem:$0x3FA4] =	sst s2  }
0xb: {  	[smem:$0x3FA5] =	sst s3  }
0xc: {  	[smem:$0x3FA6] =	sst s4  }
0xd: {  	[smem:$0x3FA7] =	sst s5  }
0xe: {  	[smem:$0x3FA8] =	sst s6  }
0xf: {  	[smem:$0x3FA9] =	sst s7  }
0x10: {  	[smem:$0x3FAA] =	sst s8  }
0x11: {  	[smem:$0x3FAB] =	sst s9;
	s0 =	simm.s32 @!p0 $0x0  }
0x12: {  	s1 =	sld [smem:$0x3F91];
	s0 =	simm.s32 @p0 $0x1  }
0x13: {  	[smem:$0x3FAC] =	sst s0;
	s0 =	simm.s32 @!p1 $0x0  }
0x14: {  	s2 =	sld [smem:$0x3F90];
	s0 =	simm.s32 @p1 $0x1  }
0x15: {  	[smem:$0x3FAD] =	sst s0;
	s0 =	simm.s32 @!p2 $0x0  }
0x16: {  	s3 =	sld [smem:$0x3FDB];
	s0 =	simm.s32 @p2 $0x1  }
0x17: {  	s4 =	simm.s32 $0x1BF5;
	[smem:$0x3FAF] =	sst s0  }
0x18: {  	s0 =	sld [smem:$0x3F92];
	_ =	swait.ge [sflag:s4], $0x0  }
0x19: {  	s7 =	sld [smem:$0x3F93]  }
0x1a: {  	s8 =	sadd.s32 $0xFFFFE003, lr  }
0x1b: {  	s9 =	sadd.s32 $0xFFFFFEF7, lr;
	s5 =	simm.s32 $0xFFFFFFFF;
	p2 =	slt.u32 s8, $0xFFFFF086  }
0x1c: {  	p1 =	slt.u32 s9, $0xF7A;
	s5 =	simm.s32 @!p2 $0x0  }
0x1d: {  	s5 =	simm.s32 @p1 $0x1;
	p0 =	seq.s32 s7, s2  }
0x1e: {  	s7 =	smul.u32 @!p0 $0xF7A, s2;
	p2 =	seq.s32 @!p0 s5, $0x0  }
0x1f: {  	s9 =	smul.u32 $0xF7A, s1;
	s8 =	simm.s32 @!p0 $0x1BF5;
	p2 =	por !p2, p0  }
0x20: {  	[sflag:s8] =	ssyncset.s32 @!p0 $0xFFFFF086;
	s6 =	sadd.s32 @!p0 s3, s7;
	s7 =	simm.s32 @!p0 $0x108  }
0x21: {  	s3 =	sadd.s32 s3, s9;
	s6 =	sadd.s32 @!p0 $0x88, s6;
	s7 =	simm.s32 @p2 $0x1082  }
0x22: {  	[simem:s7], [sflag:s8] =	dma.local @!p0 [hbm:s6], $0xF7A  }
0x23: {  	s9 =	sor.u32 $0xD0000000, s2;
	s6 =	simm.s32 $0x108;
	_ =	swait.ge @!p0 [sflag:s8], $0x0  }
0x24: {  	s3 =	sadd.s32 $0x88, s3;
	s6 =	simm.s32 @!p1 $0x1082;
	[sflag:s4] =	ssyncset.s32 $0xFFFFF086  }
0x25: {  	[simem:s6], [sflag:s4] =	dma.local [hbm:s3], $0xF7A  }
0x26: {  	[smem:$0x3F93] =	sst s1;
	(tag) =	ssettag s2;
	_ =	strace s9  }
0x27: {  	s1 =	sld [smem:$0x3FA3]  }
0x28: {  	s2 =	sld [smem:$0x3FA4]  }
0x29: {  	s4 =	sld [smem:$0x3FA6]  }
0x2a: {  	p0 =	seq.s32 s5, $0x0;
	s5 =	sld [smem:$0x3FA7]  }
0x2b: {  	s6 =	sld [smem:$0x3FA8]  }
0x2c: {  	s7 =	sld [smem:$0x3FA9]  }
0x2d: {  	s3 =	simm.s32 $0x108;
	s8 =	sld [smem:$0x3FAA]  }
0x2e: {  	s3 =	simm.s32 @!p0 $0x1082;
	s9 =	sld [smem:$0x3FAB]  }
0x2f: {  	lr =	sadd.s32 s0, s3;
	s0 =	sld [smem:$0x3FA2]  }
0x30: {  	s3 =	sld [smem:$0x3FA5]  }
0x31: {  	[smem:$0x3FAE] =	sst s10  }
0x32: {  	s10 =	sld [smem:$0x3FAC];
	_ =	sdelay $0x3  }
0x33: {  	p0 =	seq.s32 s10, $0x1;
	s10 =	sld [smem:$0x3FAE];
	_ =	sdelay $0x3  }
0x34: {  	[smem:$0x3FAE] =	sst s10  }
0x35: {  	s10 =	sld [smem:$0x3FAD];
	_ =	sdelay $0x3  }
0x36: {  	p1 =	seq.s32 s10, $0x1;
	s10 =	sld [smem:$0x3FAE];
	_ =	sdelay $0x3  }
0x37: {  	[smem:$0x3FAE] =	sst s10  }
0x38: {  	s10 =	sld [smem:$0x3FAF]  }
0x39: {  	_ = 	snop;
	(pc) =	sbr.ind lr, $3  }
0x3a: {  	_ = 	snop  }
0x3b: {  	_ = 	snop  }
0x3c: {  	p2 =	seq.s32 s10, $0x1;
	s10 =	sld [smem:$0x3FAE]  }
0x3d: {  	_ =	shalt  }
0x3e: {  	_ =	shalt  }
0x3f: {  	_ =	shalt  }
0x40: {  	_ =	shalt  }
0x41: {  	_ =	shalt  }
0x42: {  	_ =	shalt  }
0x43: {  	_ =	shalt  }
0x44: {  	_ =	shalt  }
0x45: {  	_ =	shalt  }
0x46: {  	_ =	shalt  }
0x47: {  	_ =	shalt  }
0x48: {  	_ =	shalt  }
0x49: {  	_ =	shalt  }
0x4a: {  	_ =	shalt  }
0x4b: {  	_ =	shalt  }
0x4c: {  	_ =	shalt  }
0x4d: {  	_ =	shalt  }
0x4e: {  	_ =	shalt  }
0x4f: {  	_ =	shalt  }
0x50: {  	_ =	shalt  }
0x51: {  	_ =	shalt  }
0x52: {  	_ =	shalt  }
0x53: {  	_ =	shalt  }
0x54: {  	_ =	shalt  }
0x55: {  	_ =	shalt  }
0x56: {  	_ =	shalt  }
0x57: {  	_ =	shalt  }
0x58: {  	_ =	shalt  }
0x59: {  	_ =	shalt  }
0x5a: {  	_ =	shalt  }
0x5b: {  	_ =	shalt  }
0x5c: {  	_ =	shalt  }
0x5d: {  	_ =	shalt  }
0x5e: {  	_ =	shalt  }
0x5f: {  	_ =	shalt  }
0x60: {  	_ =	shalt  }
0x61: {  	_ =	shalt  }
0x62: {  	_ =	shalt  }
0x63: {  	_ =	shalt  }
0x64: {  	_ =	shalt  }
0x65: {  	_ =	shalt  }
0x66: {  	_ =	shalt  }
0x67: {  	_ =	shalt  }
0x68: {  	_ =	shalt  }
0x69: {  	_ =	shalt  }
0x6a: {  	_ =	shalt  }
0x6b: {  	_ =	shalt  }
0x6c: {  	_ =	shalt  }
0x6d: {  	_ =	shalt  }
0x6e: {  	_ =	shalt  }
0x6f: {  	_ =	shalt  }
0x70: {  	_ =	shalt  }
0x71: {  	_ =	shalt  }
0x72: {  	_ =	shalt  }
0x73: {  	_ =	shalt  }
0x74: {  	_ =	shalt  }
0x75: {  	_ =	shalt  }
0x76: {  	_ =	shalt  }
0x77: {  	_ =	shalt  }
0x78: {  	_ =	shalt  }
0x79: {  	_ =	shalt  }
0x7a: {  	_ =	shalt  }
0x7b: {  	_ =	shalt  }
0x7c: {  	_ =	shalt  }
0x7d: {  	_ =	shalt  }
0x7e: {  	_ =	shalt  }
0x7f: {  	_ =	shalt  }
0x80: {  	_ =	shalt  }
0x81: {  	_ =	shalt  }
0x82: {  	_ =	shalt  }
0x83: {  	_ =	shalt  }
0x84: {  	_ =	shalt  }
0x85: {  	_ =	shalt  }
0x86: {  	_ =	shalt  }
0x87: {  	_ =	shalt  }
.Lfunc_end0:
.L_simem_size_0:
called_computation_lowered:
.L_overlay_start_0:
0x88: {  	s2 =	sld [smem:$0x3FD9]  }
0x89: {  	s3 =	sld [smem:$0x3FFE];
	_ =	sdelay $0x1  }
0x8a: {  	s1 =	srdreg.scid  }
0x8b: {  	s0 =	sand.u32 $0x1, s1  }
0x8c: {  	s17 =	sshll.u32 s0, $0xA;
	s2 =	sadd.s32 s3, s2  }
0x8d: {  	s2 =	sadd.s32 s2, s17  }
0x8e: {  	[smem:$0x3FBA] =	sst s2  }
0x8f: {  	_ = 	snop  }
0x90: {  	s2 =	sld [smem:$0x3FD0];
	(tm) =	ssettm $0x1  }
0x91: {  	s18 =	sld [smem:$0x3FFB];
	_ =	sdelay $0x3  }
0x92: {  	_ =	strace s18  }
0x93: {  	s3 =	sld [smem:$0x3FFC];
	_ =	sdelay $0x3  }
0x94: {  	_ =	strace s3  }
0x95: {  	s3 =	sld [smem:$0x3FFD];
	_ =	sdelay $0x3  }
0x96: {  	_ =	strace s3  }
0x97: {  	_ =	strace $0x8FFFFFFF  }
0x98: {  	s19 =	sld [smem:$0x3FDB];
	_ =	sdelay $0x1  }
0x99: {  	s4 =	simm.s32 $_scs_section_size  }
0x9a: {  	s5 =	simm.s32 $_size__tile_overlayer_lowered;
	s6 =	simm.s32 $_tile_overlayer_lowered  }
0x9b: {  	s22 =	simm.s32 $0x1BFF;
	s21 =	sshll.u32 s6, $0x1;
	s3 =	sadd.s32 s4, s19  }
0x9c: {  	s7 =	simm.s32 $0x0;
	s20 =	sshll.u32 s5, $0x1;
	s5 =	sadd.s32 s21, s3  }
0x9d: {  	[timem:s7], [sflag:s22] =	dma.local [hbm:s5], s20  }
0x9e: {  	_ =	swait.ge [sflag:s22], s20  }
0x9f: {  	s4 =	ssub.s32 $0x0, s20;
	[sflag:s22] =	ssyncset.done $0x0  }
0xa0: {  	[sflag:s22] =	ssyncadd.s32 s4;
	_ =	sdelay $0x1  }
0xa1: {  	s23 =	simm.s32 $0x1B8B  }
0xa2: {  	_ =	swait.ge [sflag:s23], $0x1  }
0xa3: {  	[sflag:s23] =	ssyncset.done $0x0  }
0xa4: {  	s25 =	simm.s32 $0x1B8E;
	s24 =	sld [smem:$0x3FFE];
	[sflag:s23] =	ssyncadd.s32 $0xFFFFFFFF  }
0xa5: {  	s26 =	simm.s32 $execute0_lowered;
	[smem:$0x3FD2] =	sst s25  }
0xa6: {  	s5 =	sshll.u32 s26, $0x1;
	_ =	strace $0x80000046;
	[dreg:$0x1] =	wrdreg $0xFFFFFFFF  }
0xa7: {  	s28 =	simm.s32 $_size_execute0_lowered;
	s3 =	sadd.s32 s3, s5;
	[dreg:$0x0] =	wrdreg $0x0  }
0xa8: {  	s5 =	sshll.u32 s28, $0x1;
	[dreg:$0x2] =	wrdreg s3  }
0xa9: {  	[dreg:$0x3] =	wrdreg s5  }
0xaa: {  	[dreg:$0x4] =	wrdreg $0xC0  }
0xab: {  	_ =	task [dreg:s7], $0x5FFFF  }
0xac: {  	[dreg:$0x1] =	wrdreg $0xFFFFFFFF  }
0xad: {  	[dreg:$0x0] =	wrdreg $0x60  }
0xae: {  	[dreg:$0x2] =	wrdreg s24  }
0xaf: {  	[dreg:$0x3] =	wrdreg s2  }
0xb0: {  	[dreg:$0x4] =	wrdreg $0x9  }
0xb1: {  	_ =	task.clear_ibuf [dreg:s7], $0x5FFFF;
	_ =	strace $0x90000046  }
0xb2: {  	s29 =	simm.s32 $0x9;
	_ =	strace $0x80000048  }
0xb3: {  	_ =	swait.ge [sflag:s29], $0x1  }
0xb4: {  	[sflag:s29] =	ssyncadd.s32 $0xFFFFFFFF  }
0xb5: {  	_ =	strace $0x90000048  }
0xb6: {  	_ =	sfence  }
0xb7: {  	s30 =	sld [smem:$0x0];
	_ =	sdelay $0x2  }
0xb8: {  	s31 =	sshll.u32 s1, $0xD;
	s1 =	sshrl.u32 s1, $0x2  }
0xb9: {  	s3 =	sand.u32 $0x4000, s31;
	s1 =	sadd.s32 s1, s30  }
0xba: {  	s0 =	sor.u32 s3, s0;
	s1 =	sshll.u32 s1, $0x11  }
0xbb: {  	s0 =	sor.u32 s1, s0  }
0xbc: {  	s0 =	sadd.s32 $0x8F2B, s0  }
0xbd: {  	[sflag:s0] =	ssyncadd.remote.s32 $0x1  }
0xbe: {  	_ =	sfence.sel $0xFFFF  }
0xbf: {  	[dreg:$0x0] =	wrdreg $0xFFFFFFFF;
	(pc) =	sbr.abs _section_cstart, $3  }
0xc0: {  	[dreg:$0x1] =	wrdreg $0xFFFFFFFF  }
0xc1: {  	_ =	task.clear_ibuf [dreg:s7], $0x2FFFF;
	_ =	strace $0x9FFFFFFF  }
0xc2: {  	(tm) =	ssettm $0x7FFFFFFF  }
0xc3: {  	_ =	shalt  }
tec
execute0_lowered:
.L_overlay_start_1:
0x0: {  	(tag) =	ssettag $0x1  }
0x1: {  	s4 =	rddreg [dreg:$0x0]  }
0x2: {  	s5 =	rddreg [dreg:$0x1]  }
0x3: {  	s0 =	rddreg [dreg:$0x2];
	s2 =	simm.s32 $0x0  }
0x4: {  	s3 =	srdreg.scid;
	s1 =	stileid.u32;
	s12 =	simm.s32 $0x4100  }
0x5: {  	s13 =	simm.s32 $0x4180;
	s14 =	simm.s32 $0x4200;
	s15 =	simm.s32 $0x400  }
0x6: {  	s16 =	simm.s32 $0x8000;
	s17 =	simm.s32 $0x4280;
	s18 =	simm.s32 $0x0  }
0x7: {  	[smem:$0x7FF] =	sst s2;
	s6 =	sand.u32 $0x1, s3;
	s7 =	sshll.u32 s1, $0x1  }
0x8: {  	s3 =	sadd.s32 $0x1800, s4;
	_ =	strace $0x80000047;
	s7 =	sor.u32 s6, s7  }
0x9: {  	s6 =	ssub.s32 $0x2, s6;
	s8 =	sshll.u32 s7, $0x4;
	s7 =	sshll.u32 s7, $0x7  }
0xa: {  	s9 =	sshrl.u32 s6, $0x1;
	s10 =	sadd.s32 s8, s4;
	s11 =	sadd.s32 s7, s4  }
0xb: {  	s9 =	ssub.s32 s6, s9;
	s4 =	sadd.s32 s5, s8;
	s5 =	sadd.s32 $0x2600, s10  }
0xc: {  	s6 =	sadd.s32 $0x2200, s10;
	s7 =	sadd.s32 $0x2400, s10;
	s8 =	sadd.s32 $0x2800, s11  }
0xd: {  	s9 =	smax.u32 s9, $0x1;
	s10 =	simm.s32 $0x1;
	s11 =	simm.s32 $0x4080  }
.LBB2_1:
0xe: {  	[tilespmem:s2], [sflag:$0x1] =	stream.linear.gather [hbm4b:s3+s2], $0x4080, $0x38;
	[tilespmem:$0x8280] =	vst v63  }
0xf: {  	_ =	swait.ge [sflag:s10], $0x4080  }
0x10: {  	[sflag:s10] =	ssyncset.done $0x0  }
0x11: {  	[sflag:s10] =	ssyncadd.s32 $0xFFFFBF80  }
0x12: {  	[tilespmem:s11], [sflag:$0x1] =	stream.linear.gather [hbm4b:s4+s2], $0x80, $0x38;
	[tilespmem:$0x8280] =	vst v63  }
0x13: {  	_ =	swait.ge [sflag:s10], $0x80  }
0x14: {  	[sflag:s10] =	ssyncset.done $0x0  }
0x15: {  	[sflag:s10] =	ssyncadd.s32 $0xFFFFFF80  }
0x16: {  	[tilespmem:s12], [sflag:$0x1] =	stream.linear.gather [hbm4b:s5+s2], $0x80, $0x38;
	[tilespmem:$0x8280] =	vst v63  }
0x17: {  	_ =	swait.ge [sflag:s10], $0x80  }
0x18: {  	[sflag:s10] =	ssyncset.done $0x0  }
0x19: {  	[sflag:s10] =	ssyncadd.s32 $0xFFFFFF80  }
0x1a: {  	[tilespmem:s13], [sflag:$0x1] =	stream.linear.gather [hbm4b:s6+s2], $0x80, $0x38;
	[tilespmem:$0x8280] =	vst v63  }
0x1b: {  	_ =	swait.ge [sflag:s10], $0x80  }
0x1c: {  	[sflag:s10] =	ssyncset.done $0x0  }
0x1d: {  	[sflag:s10] =	ssyncadd.s32 $0xFFFFFF80  }
0x1e: {  	[tilespmem:s14], [sflag:$0x1] =	stream.linear.gather [hbm4b:s7+s2], $0x80, $0x38;
	[tilespmem:$0x8280] =	vst v63  }
0x1f: {  	_ =	swait.ge [sflag:s10], $0x80  }
0x20: {  	[sflag:s10] =	ssyncset.done $0x0  }
0x21: {  	s19 =	simm.s32 $0x0;
	[sflag:s10] =	ssyncadd.s32 $0xFFFFFF80  }
.LBB2_2:
0x22: {  	s20 =	sshra.s32 s19, $0x2  }
0x23: {  	v0 =	vld [tilespmem:s20+$0x4080]  }
0x24: {  	v2 =	vld [tilespmem:s20+$0x4100];
	_ =	sdelay $0x1  }
0x25: {  	v3 =	vld [tilespmem:s20+$0x4180];
	_ =	sdelay $0x1  }
0x26: {  	v4 =	vld [tilespmem:s20+$0x4200]  }
0x27: {  	v1 =	vmul.u32 $0x81, v0;
	v2 =	vmul.u32 $0x81, v2;
	_ =	sdelay $0x1  }
0x28: {  	v3 =	vmul.u32 $0x81, v3;
	v5 =	vadd.s32 $0x68D, v2;
	_ =	sdelay $0x1  }
0x29: {  	v0 =	vmul.u32 $0x81, v4;
	v6 =	vadd.s32 $0x16AD, v3;
	_ =	sdelay $0x1  }
0x2a: {  	v4 =	vadd.s32 $0x1A34, v0;
	v7 =	vld.idx.msk [tilespmem:v1+s2+$0x0], $0xffff  }
0x2b: {  	v5 =	vld.idx.msk [tilespmem:v5+s2+$0x0], $0xffff;
	_ =	sdelay $0x1  }
0x2c: {  	v6 =	vld.idx.msk [tilespmem:v6+s2+$0x0], $0xffff;
	_ =	sdelay $0x1  }
0x2d: {  	v4 =	vld.idx.msk [tilespmem:v4+s2+$0x0], $0xffff  }
0x2e: {  	v5 =	vadd.f32 v5, v7;
	_ =	sdelay $0x1  }
0x2f: {  	v55 =	vadd.s32 $0x1, v1;
	v5 =	vadd.f32 v6, v5  }
0x30: {  	v56 =	vadd.s32 $0x68E, v2  }
0x31: {  	v4 =	vadd.f32 v4, v5  }
0x32: {  	v57 =	vadd.s32 $0x16AE, v3  }
0x33: {  	[tilespmem:s20+$0x4280] =	vst v4  }
0x34: {  	v58 =	vadd.s32 $0x1A35, v0;
	v4 =	vld.idx.msk [tilespmem:v55+s2+$0x0], $0xffff  }
0x35: {  	v7 =	vld.idx.msk [tilespmem:v56+s2+$0x0], $0xffff;
	_ =	sdelay $0x1  }
0x36: {  	v5 =	vld.idx.msk [tilespmem:v57+s2+$0x0], $0xffff;
	_ =	sdelay $0x1  }
0x37: {  	v6 =	vld.idx.msk [tilespmem:v58+s2+$0x0], $0xffff  }
0x38: {  	v4 =	vadd.f32 v7, v4;
	_ =	sdelay $0x1  }
0x39: {  	v59 =	vadd.s32 $0x2, v1;
	v4 =	vadd.f32 v5, v4  }
0x3a: {  	v60 =	vadd.s32 $0x68F, v2  }
0x3b: {  	v4 =	vadd.f32 v6, v4  }
0x3c: {  	v61 =	vadd.s32 $0x16AF, v3  }
0x3d: {  	[tilespmem:s20+$0x4300] =	vst v4  }
0x3e: {  	v62 =	vadd.s32 $0x1A36, v0;
	v4 =	vld.idx.msk [tilespmem:v59+s2+$0x0], $0xffff  }
0x3f: {  	v7 =	vld.idx.msk [tilespmem:v60+s2+$0x0], $0xffff;
	_ =	sdelay $0x1  }
0x40: {  	v6 =	vld.idx.msk [tilespmem:v61+s2+$0x0], $0xffff;
	_ =	sdelay $0x1  }
0x41: {  	v5 =	vld.idx.msk [tilespmem:v62+s2+$0x0], $0xffff  }
0x42: {  	v4 =	vadd.f32 v7, v4;
	_ =	sdelay $0x1  }
0x43: {  	v63 =	vadd.s32 $0x3, v1;
	v4 =	vadd.f32 v6, v4  }
0x44: {  	v9 =	vadd.s32 $0x690, v2  }
0x45: {  	v4 =	vadd.f32 v5, v4  }
0x46: {  	v10 =	vadd.s32 $0x16B0, v3  }
0x47: {  	[tilespmem:s20+$0x4380] =	vst v4  }
0x48: {  	v11 =	vadd.s32 $0x1A37, v0;
	v4 =	vld.idx.msk [tilespmem:v63+s2+$0x0], $0xffff  }
0x49: {  	v7 =	vld.idx.msk [tilespmem:v9+s2+$0x0], $0xffff;
	_ =	sdelay $0x1  }
0x4a: {  	v5 =	vld.idx.msk [tilespmem:v10+s2+$0x0], $0xffff;
	_ =	sdelay $0x1  }
0x4b: {  	v6 =	vld.idx.msk [tilespmem:v11+s2+$0x0], $0xffff  }
0x4c: {  	v4 =	vadd.f32 v7, v4;
	_ =	sdelay $0x1  }
0x4d: {  	v12 =	vadd.s32 $0x4, v1;
	v4 =	vadd.f32 v5, v4  }
0x4e: {  	v13 =	vadd.s32 $0x691, v2  }
0x4f: {  	v4 =	vadd.f32 v6, v4  }
0x50: {  	v14 =	vadd.s32 $0x16B1, v3  }
0x51: {  	[tilespmem:s20+$0x4400] =	vst v4  }
0x52: {  	v15 =	vadd.s32 $0x1A38, v0;
	v4 =	vld.idx.msk [tilespmem:v12+s2+$0x0], $0xffff  }
0x53: {  	v7 =	vld.idx.msk [tilespmem:v13+s2+$0x0], $0xffff;
	_ =	sdelay $0x1  }
0x54: {  	v6 =	vld.idx.msk [tilespmem:v14+s2+$0x0], $0xffff;
	_ =	sdelay $0x1  }
0x55: {  	v5 =	vld.idx.msk [tilespmem:v15+s2+$0x0], $0xffff  }
0x56: {  	v4 =	vadd.f32 v7, v4;
	_ =	sdelay $0x1  }
0x57: {  	v16 =	vadd.s32 $0x5, v1;
	v4 =	vadd.f32 v6, v4  }
0x58: {  	v17 =	vadd.s32 $0x692, v2  }
0x59: {  	v4 =	vadd.f32 v5, v4  }
0x5a: {  	v18 =	vadd.s32 $0x16B2, v3  }
0x5b: {  	[tilespmem:s20+$0x4480] =	vst v4  }
0x5c: {  	v19 =	vadd.s32 $0x1A39, v0;
	v4 =	vld.idx.msk [tilespmem:v16+s2+$0x0], $0xffff  }
0x5d: {  	v7 =	vld.idx.msk [tilespmem:v17+s2+$0x0], $0xffff;
	_ =	sdelay $0x1  }
0x5e: {  	v5 =	vld.idx.msk [tilespmem:v18+s2+$0x0], $0xffff;
	_ =	sdelay $0x1  }
0x5f: {  	v6 =	vld.idx.msk [tilespmem:v19+s2+$0x0], $0xffff  }
0x60: {  	v4 =	vadd.f32 v7, v4;
	_ =	sdelay $0x1  }
0x61: {  	v20 =	vadd.s32 $0x6, v1;
	v4 =	vadd.f32 v5, v4  }
0x62: {  	v21 =	vadd.s32 $0x693, v2  }
0x63: {  	v4 =	vadd.f32 v6, v4  }
0x64: {  	v22 =	vadd.s32 $0x16B3, v3  }
0x65: {  	[tilespmem:s20+$0x4500] =	vst v4  }
0x66: {  	v23 =	vadd.s32 $0x1A3A, v0;
	v4 =	vld.idx.msk [tilespmem:v20+s2+$0x0], $0xffff  }
0x67: {  	v7 =	vld.idx.msk [tilespmem:v21+s2+$0x0], $0xffff;
	_ =	sdelay $0x1  }
0x68: {  	v6 =	vld.idx.msk [tilespmem:v22+s2+$0x0], $0xffff;
	_ =	sdelay $0x1  }
0x69: {  	v5 =	vld.idx.msk [tilespmem:v23+s2+$0x0], $0xffff  }
0x6a: {  	v4 =	vadd.f32 v7, v4;
	_ =	sdelay $0x1  }
0x6b: {  	v24 =	vadd.s32 $0x7, v1;
	v4 =	vadd.f32 v6, v4  }
0x6c: {  	v25 =	vadd.s32 $0x694, v2  }
0x6d: {  	v4 =	vadd.f32 v5, v4  }
0x6e: {  	v26 =	vadd.s32 $0x16B4, v3  }
0x6f: {  	[tilespmem:s20+$0x4580] =	vst v4  }
0x70: {  	v27 =	vadd.s32 $0x1A3B, v0;
	v4 =	vld.idx.msk [tilespmem:v24+s2+$0x0], $0xffff  }
0x71: {  	v7 =	vld.idx.msk [tilespmem:v25+s2+$0x0], $0xffff;
	_ =	sdelay $0x1  }
0x72: {  	v5 =	vld.idx.msk [tilespmem:v26+s2+$0x0], $0xffff;
	_ =	sdelay $0x1  }
0x73: {  	v6 =	vld.idx.msk [tilespmem:v27+s2+$0x0], $0xffff  }
0x74: {  	v4 =	vadd.f32 v7, v4;
	_ =	sdelay $0x1  }
0x75: {  	v28 =	vadd.s32 $0x8, v1;
	v4 =	vadd.f32 v5, v4  }
0x76: {  	v29 =	vadd.s32 $0x695, v2  }
0x77: {  	v4 =	vadd.f32 v6, v4  }
0x78: {  	v30 =	vadd.s32 $0x16B5, v3  }
0x79: {  	[tilespmem:s20+$0x4600] =	vst v4  }
0x7a: {  	v31 =	vadd.s32 $0x1A3C, v0;
	v4 =	vld.idx.msk [tilespmem:v28+s2+$0x0], $0xffff  }
0x7b: {  	v7 =	vld.idx.msk [tilespmem:v29+s2+$0x0], $0xffff;
	_ =	sdelay $0x1  }
0x7c: {  	v6 =	vld.idx.msk [tilespmem:v30+s2+$0x0], $0xffff;
	_ =	sdelay $0x1  }
0x7d: {  	v5 =	vld.idx.msk [tilespmem:v31+s2+$0x0], $0xffff  }
0x7e: {  	v4 =	vadd.f32 v7, v4;
	_ =	sdelay $0x1  }
0x7f: {  	v32 =	vadd.s32 $0x9, v1;
	v4 =	vadd.f32 v6, v4  }
0x80: {  	v33 =	vadd.s32 $0x696, v2  }
0x81: {  	v4 =	vadd.f32 v5, v4  }
0x82: {  	v34 =	vadd.s32 $0x16B6, v3  }
0x83: {  	[tilespmem:s20+$0x4680] =	vst v4  }
0x84: {  	v35 =	vadd.s32 $0x1A3D, v0;
	v4 =	vld.idx.msk [tilespmem:v32+s2+$0x0], $0xffff  }
0x85: {  	v7 =	vld.idx.msk [tilespmem:v33+s2+$0x0], $0xffff;
	_ =	sdelay $0x1  }
0x86: {  	v5 =	vld.idx.msk [tilespmem:v34+s2+$0x0], $0xffff;
	_ =	sdelay $0x1  }
0x87: {  	v6 =	vld.idx.msk [tilespmem:v35+s2+$0x0], $0xffff  }
0x88: {  	v4 =	vadd.f32 v7, v4;
	_ =	sdelay $0x1  }
0x89: {  	v36 =	vadd.s32 $0xA, v1;
	v4 =	vadd.f32 v5, v4  }
0x8a: {  	v37 =	vadd.s32 $0x697, v2  }
0x8b: {  	v4 =	vadd.f32 v6, v4  }
0x8c: {  	v38 =	vadd.s32 $0x16B7, v3  }
0x8d: {  	[tilespmem:s20+$0x4700] =	vst v4  }
0x8e: {  	v39 =	vadd.s32 $0x1A3E, v0;
	v4 =	vld.idx.msk [tilespmem:v36+s2+$0x0], $0xffff  }
0x8f: {  	v7 =	vld.idx.msk [tilespmem:v37+s2+$0x0], $0xffff;
	_ =	sdelay $0x1  }
0x90: {  	v6 =	vld.idx.msk [tilespmem:v38+s2+$0x0], $0xffff;
	_ =	sdelay $0x1  }
0x91: {  	v5 =	vld.idx.msk [tilespmem:v39+s2+$0x0], $0xffff  }
0x92: {  	v4 =	vadd.f32 v7, v4;
	_ =	sdelay $0x1  }
0x93: {  	v40 =	vadd.s32 $0xB, v1;
	v4 =	vadd.f32 v6, v4  }
0x94: {  	v41 =	vadd.s32 $0x698, v2  }
0x95: {  	v4 =	vadd.f32 v5, v4  }
0x96: {  	v42 =	vadd.s32 $0x16B8, v3  }
0x97: {  	[tilespmem:s20+$0x4780] =	vst v4  }
0x98: {  	v43 =	vadd.s32 $0x1A3F, v0;
	v4 =	vld.idx.msk [tilespmem:v40+s2+$0x0], $0xffff  }
0x99: {  	v7 =	vld.idx.msk [tilespmem:v41+s2+$0x0], $0xffff;
	_ =	sdelay $0x1  }
0x9a: {  	v5 =	vld.idx.msk [tilespmem:v42+s2+$0x0], $0xffff;
	_ =	sdelay $0x1  }
0x9b: {  	v6 =	vld.idx.msk [tilespmem:v43+s2+$0x0], $0xffff  }
0x9c: {  	v4 =	vadd.f32 v7, v4;
	_ =	sdelay $0x1  }
0x9d: {  	v44 =	vadd.s32 $0xC, v1;
	v4 =	vadd.f32 v5, v4  }
0x9e: {  	v45 =	vadd.s32 $0x699, v2  }
0x9f: {  	v4 =	vadd.f32 v6, v4  }
0xa0: {  	v46 =	vadd.s32 $0x16B9, v3  }
0xa1: {  	[tilespmem:s20+$0x4800] =	vst v4  }
0xa2: {  	v47 =	vadd.s32 $0x1A40, v0;
	v4 =	vld.idx.msk [tilespmem:v44+s2+$0x0], $0xffff  }
0xa3: {  	v7 =	vld.idx.msk [tilespmem:v45+s2+$0x0], $0xffff;
	_ =	sdelay $0x1  }
0xa4: {  	v6 =	vld.idx.msk [tilespmem:v46+s2+$0x0], $0xffff;
	_ =	sdelay $0x1  }
0xa5: {  	v5 =	vld.idx.msk [tilespmem:v47+s2+$0x0], $0xffff  }
0xa6: {  	v4 =	vadd.f32 v7, v4;
	_ =	sdelay $0x1  }
0xa7: {  	v48 =	vadd.s32 $0xD, v1;
	v4 =	vadd.f32 v6, v4  }
0xa8: {  	v49 =	vadd.s32 $0x69A, v2  }
0xa9: {  	v4 =	vadd.f32 v5, v4  }
0xaa: {  	v50 =	vadd.s32 $0x16BA, v3  }
0xab: {  	[tilespmem:s20+$0x4880] =	vst v4  }
0xac: {  	v51 =	vadd.s32 $0x1A41, v0;
	v4 =	vld.idx.msk [tilespmem:v48+s2+$0x0], $0xffff  }
0xad: {  	v7 =	vld.idx.msk [tilespmem:v49+s2+$0x0], $0xffff;
	_ =	sdelay $0x1  }
0xae: {  	v5 =	vld.idx.msk [tilespmem:v50+s2+$0x0], $0xffff;
	_ =	sdelay $0x1  }
0xaf: {  	v6 =	vld.idx.msk [tilespmem:v51+s2+$0x0], $0xffff  }
0xb0: {  	v4 =	vadd.f32 v7, v4;
	_ =	sdelay $0x1  }
0xb1: {  	v52 =	vadd.s32 $0xE, v1;
	v4 =	vadd.f32 v5, v4  }
0xb2: {  	v53 =	vadd.s32 $0x69B, v2  }
0xb3: {  	v4 =	vadd.f32 v6, v4  }
0xb4: {  	v54 =	vadd.s32 $0x16BB, v3  }
0xb5: {  	[tilespmem:s20+$0x4900] =	vst v4  }
0xb6: {  	v55 =	vadd.s32 $0x1A42, v0;
	v4 =	vld.idx.msk [tilespmem:v52+s2+$0x0], $0xffff  }
0xb7: {  	v7 =	vld.idx.msk [tilespmem:v53+s2+$0x0], $0xffff;
	_ =	sdelay $0x1  }
0xb8: {  	v6 =	vld.idx.msk [tilespmem:v54+s2+$0x0], $0xffff;
	_ =	sdelay $0x1  }
0xb9: {  	v5 =	vld.idx.msk [tilespmem:v55+s2+$0x0], $0xffff  }
0xba: {  	v4 =	vadd.f32 v7, v4;
	_ =	sdelay $0x1  }
0xbb: {  	v56 =	vadd.s32 $0xF, v1;
	v4 =	vadd.f32 v6, v4  }
0xbc: {  	v57 =	vadd.s32 $0x69C, v2  }
0xbd: {  	v4 =	vadd.f32 v5, v4  }
0xbe: {  	v58 =	vadd.s32 $0x16BC, v3  }
0xbf: {  	[tilespmem:s20+$0x4980] =	vst v4  }
0xc0: {  	v59 =	vadd.s32 $0x1A43, v0;
	v4 =	vld.idx.msk [tilespmem:v56+s2+$0x0], $0xffff  }
0xc1: {  	v7 =	vld.idx.msk [tilespmem:v57+s2+$0x0], $0xffff;
	_ =	sdelay $0x1  }
0xc2: {  	v5 =	vld.idx.msk [tilespmem:v58+s2+$0x0], $0xffff;
	_ =	sdelay $0x1  }
0xc3: {  	v6 =	vld.idx.msk [tilespmem:v59+s2+$0x0], $0xffff  }
0xc4: {  	v4 =	vadd.f32 v7, v4;
	_ =	sdelay $0x1  }
0xc5: {  	v60 =	vadd.s32 $0x10, v1;
	v4 =	vadd.f32 v5, v4  }
0xc6: {  	v61 =	vadd.s32 $0x69D, v2  }
0xc7: {  	v4 =	vadd.f32 v6, v4  }
0xc8: {  	v62 =	vadd.s32 $0x16BD, v3  }
0xc9: {  	[tilespmem:s20+$0x4A00] =	vst v4  }
0xca: {  	v63 =	vadd.s32 $0x1A44, v0;
	v4 =	vld.idx.msk [tilespmem:v60+s2+$0x0], $0xffff  }
0xcb: {  	v7 =	vld.idx.msk [tilespmem:v61+s2+$0x0], $0xffff;
	_ =	sdelay $0x1  }
0xcc: {  	v6 =	vld.idx.msk [tilespmem:v62+s2+$0x0], $0xffff;
	_ =	sdelay $0x1  }
0xcd: {  	v5 =	vld.idx.msk [tilespmem:v63+s2+$0x0], $0xffff  }
0xce: {  	v4 =	vadd.f32 v7, v4;
	_ =	sdelay $0x1  }
0xcf: {  	v9 =	vadd.s32 $0x11, v1;
	v4 =	vadd.f32 v6, v4  }
0xd0: {  	v10 =	vadd.s32 $0x69E, v2  }
0xd1: {  	v4 =	vadd.f32 v5, v4  }
0xd2: {  	v11 =	vadd.s32 $0x16BE, v3  }
0xd3: {  	[tilespmem:s20+$0x4A80] =	vst v4  }
0xd4: {  	v12 =	vadd.s32 $0x1A45, v0;
	v4 =	vld.idx.msk [tilespmem:v9+s2+$0x0], $0xffff  }
0xd5: {  	v7 =	vld.idx.msk [tilespmem:v10+s2+$0x0], $0xffff;
	_ =	sdelay $0x1  }
0xd6: {  	v5 =	vld.idx.msk [tilespmem:v11+s2+$0x0], $0xffff;
	_ =	sdelay $0x1  }
0xd7: {  	v6 =	vld.idx.msk [tilespmem:v12+s2+$0x0], $0xffff  }
0xd8: {  	v4 =	vadd.f32 v7, v4;
	_ =	sdelay $0x1  }
0xd9: {  	v13 =	vadd.s32 $0x12, v1;
	v4 =	vadd.f32 v5, v4  }
0xda: {  	v14 =	vadd.s32 $0x69F, v2  }
0xdb: {  	v4 =	vadd.f32 v6, v4  }
0xdc: {  	v15 =	vadd.s32 $0x16BF, v3  }
0xdd: {  	[tilespmem:s20+$0x4B00] =	vst v4  }
0xde: {  	v16 =	vadd.s32 $0x1A46, v0;
	v4 =	vld.idx.msk [tilespmem:v13+s2+$0x0], $0xffff  }
0xdf: {  	v7 =	vld.idx.msk [tilespmem:v14+s2+$0x0], $0xffff;
	_ =	sdelay $0x1  }
0xe0: {  	v6 =	vld.idx.msk [tilespmem:v15+s2+$0x0], $0xffff;
	_ =	sdelay $0x1  }
0xe1: {  	v5 =	vld.idx.msk [tilespmem:v16+s2+$0x0], $0xffff  }
0xe2: {  	v4 =	vadd.f32 v7, v4;
	_ =	sdelay $0x1  }
0xe3: {  	v17 =	vadd.s32 $0x13, v1;
	v4 =	vadd.f32 v6, v4  }
0xe4: {  	v18 =	vadd.s32 $0x6A0, v2  }
0xe5: {  	v4 =	vadd.f32 v5, v4  }
0xe6: {  	v19 =	vadd.s32 $0x16C0, v3  }
0xe7: {  	[tilespmem:s20+$0x4B80] =	vst v4  }
0xe8: {  	v20 =	vadd.s32 $0x1A47, v0;
	v4 =	vld.idx.msk [tilespmem:v17+s2+$0x0], $0xffff  }
0xe9: {  	v7 =	vld.idx.msk [tilespmem:v18+s2+$0x0], $0xffff;
	_ =	sdelay $0x1  }
0xea: {  	v5 =	vld.idx.msk [tilespmem:v19+s2+$0x0], $0xffff;
	_ =	sdelay $0x1  }
0xeb: {  	v6 =	vld.idx.msk [tilespmem:v20+s2+$0x0], $0xffff  }
0xec: {  	v4 =	vadd.f32 v7, v4;
	_ =	sdelay $0x1  }
0xed: {  	v21 =	vadd.s32 $0x14, v1;
	v4 =	vadd.f32 v5, v4  }
0xee: {  	v22 =	vadd.s32 $0x6A1, v2  }
0xef: {  	v4 =	vadd.f32 v6, v4  }
0xf0: {  	v23 =	vadd.s32 $0x16C1, v3  }
0xf1: {  	[tilespmem:s20+$0x4C00] =	vst v4  }
0xf2: {  	v24 =	vadd.s32 $0x1A48, v0;
	v4 =	vld.idx.msk [tilespmem:v21+s2+$0x0], $0xffff  }
0xf3: {  	v7 =	vld.idx.msk [tilespmem:v22+s2+$0x0], $0xffff;
	_ =	sdelay $0x1  }
0xf4: {  	v6 =	vld.idx.msk [tilespmem:v23+s2+$0x0], $0xffff;
	_ =	sdelay $0x1  }
0xf5: {  	v5 =	vld.idx.msk [tilespmem:v24+s2+$0x0], $0xffff  }
0xf6: {  	v4 =	vadd.f32 v7, v4;
	_ =	sdelay $0x1  }
0xf7: {  	v25 =	vadd.s32 $0x15, v1;
	v4 =	vadd.f32 v6, v4  }
0xf8: {  	v26 =	vadd.s32 $0x6A2, v2  }
0xf9: {  	v4 =	vadd.f32 v5, v4  }
0xfa: {  	v27 =	vadd.s32 $0x16C2, v3  }
0xfb: {  	[tilespmem:s20+$0x4C80] =	vst v4  }
0xfc: {  	v28 =	vadd.s32 $0x1A49, v0;
	v4 =	vld.idx.msk [tilespmem:v25+s2+$0x0], $0xffff  }
0xfd: {  	v7 =	vld.idx.msk [tilespmem:v26+s2+$0x0], $0xffff;
	_ =	sdelay $0x1  }
0xfe: {  	v5 =	vld.idx.msk [tilespmem:v27+s2+$0x0], $0xffff;
	_ =	sdelay $0x1  }
0xff: {  	v6 =	vld.idx.msk [tilespmem:v28+s2+$0x0], $0xffff  }
0x100: {  	v4 =	vadd.f32 v7, v4;
	_ =	sdelay $0x1  }
0x101: {  	v29 =	vadd.s32 $0x16, v1;
	v4 =	vadd.f32 v5, v4  }
0x102: {  	v30 =	vadd.s32 $0x6A3, v2  }
0x103: {  	v4 =	vadd.f32 v6, v4  }
0x104: {  	v31 =	vadd.s32 $0x16C3, v3  }
0x105: {  	[tilespmem:s20+$0x4D00] =	vst v4  }
0x106: {  	v32 =	vadd.s32 $0x1A4A, v0;
	v4 =	vld.idx.msk [tilespmem:v29+s2+$0x0], $0xffff  }
0x107: {  	v7 =	vld.idx.msk [tilespmem:v30+s2+$0x0], $0xffff;
	_ =	sdelay $0x1  }
0x108: {  	v6 =	vld.idx.msk [tilespmem:v31+s2+$0x0], $0xffff;
	_ =	sdelay $0x1  }
0x109: {  	v5 =	vld.idx.msk [tilespmem:v32+s2+$0x0], $0xffff  }
0x10a: {  	v4 =	vadd.f32 v7, v4;
	_ =	sdelay $0x1  }
0x10b: {  	v33 =	vadd.s32 $0x17, v1;
	v4 =	vadd.f32 v6, v4  }
0x10c: {  	v34 =	vadd.s32 $0x6A4, v2  }
0x10d: {  	v4 =	vadd.f32 v5, v4  }
0x10e: {  	v35 =	vadd.s32 $0x16C4, v3  }
0x10f: {  	[tilespmem:s20+$0x4D80] =	vst v4  }
0x110: {  	v36 =	vadd.s32 $0x1A4B, v0;
	v4 =	vld.idx.msk [tilespmem:v33+s2+$0x0], $0xffff  }
0x111: {  	v7 =	vld.idx.msk [tilespmem:v34+s2+$0x0], $0xffff;
	_ =	sdelay $0x1  }
0x112: {  	v5 =	vld.idx.msk [tilespmem:v35+s2+$0x0], $0xffff;
	_ =	sdelay $0x1  }
0x113: {  	v6 =	vld.idx.msk [tilespmem:v36+s2+$0x0], $0xffff  }
0x114: {  	v4 =	vadd.f32 v7, v4;
	_ =	sdelay $0x1  }
0x115: {  	v37 =	vadd.s32 $0x18, v1;
	v4 =	vadd.f32 v5, v4  }
0x116: {  	v38 =	vadd.s32 $0x6A5, v2  }
0x117: {  	v4 =	vadd.f32 v6, v4  }
0x118: {  	v39 =	vadd.s32 $0x16C5, v3  }
0x119: {  	[tilespmem:s20+$0x4E00] =	vst v4  }
0x11a: {  	v40 =	vadd.s32 $0x1A4C, v0;
	v4 =	vld.idx.msk [tilespmem:v37+s2+$0x0], $0xffff  }
0x11b: {  	v7 =	vld.idx.msk [tilespmem:v38+s2+$0x0], $0xffff;
	_ =	sdelay $0x1  }
0x11c: {  	v6 =	vld.idx.msk [tilespmem:v39+s2+$0x0], $0xffff;
	_ =	sdelay $0x1  }
0x11d: {  	v5 =	vld.idx.msk [tilespmem:v40+s2+$0x0], $0xffff  }
0x11e: {  	v4 =	vadd.f32 v7, v4;
	_ =	sdelay $0x1  }
0x11f: {  	v41 =	vadd.s32 $0x19, v1;
	v4 =	vadd.f32 v6, v4  }
0x120: {  	v42 =	vadd.s32 $0x6A6, v2  }
0x121: {  	v4 =	vadd.f32 v5, v4  }
0x122: {  	v43 =	vadd.s32 $0x16C6, v3  }
0x123: {  	[tilespmem:s20+$0x4E80] =	vst v4  }
0x124: {  	v44 =	vadd.s32 $0x1A4D, v0;
	v4 =	vld.idx.msk [tilespmem:v41+s2+$0x0], $0xffff  }
0x125: {  	v7 =	vld.idx.msk [tilespmem:v42+s2+$0x0], $0xffff;
	_ =	sdelay $0x1  }
0x126: {  	v5 =	vld.idx.msk [tilespmem:v43+s2+$0x0], $0xffff;
	_ =	sdelay $0x1  }
0x127: {  	v6 =	vld.idx.msk [tilespmem:v44+s2+$0x0], $0xffff  }
0x128: {  	v4 =	vadd.f32 v7, v4;
	_ =	sdelay $0x1  }
0x129: {  	v45 =	vadd.s32 $0x1A, v1;
	v4 =	vadd.f32 v5, v4  }
0x12a: {  	v46 =	vadd.s32 $0x6A7, v2  }
0x12b: {  	v4 =	vadd.f32 v6, v4  }
0x12c: {  	v47 =	vadd.s32 $0x16C7, v3  }
0x12d: {  	[tilespmem:s20+$0x4F00] =	vst v4  }
0x12e: {  	v48 =	vadd.s32 $0x1A4E, v0;
	v4 =	vld.idx.msk [tilespmem:v45+s2+$0x0], $0xffff  }
0x12f: {  	v7 =	vld.idx.msk [tilespmem:v46+s2+$0x0], $0xffff;
	_ =	sdelay $0x1  }
0x130: {  	v6 =	vld.idx.msk [tilespmem:v47+s2+$0x0], $0xffff;
	_ =	sdelay $0x1  }
0x131: {  	v5 =	vld.idx.msk [tilespmem:v48+s2+$0x0], $0xffff  }
0x132: {  	v4 =	vadd.f32 v7, v4;
	_ =	sdelay $0x1  }
0x133: {  	v49 =	vadd.s32 $0x1B, v1;
	v4 =	vadd.f32 v6, v4  }
0x134: {  	v50 =	vadd.s32 $0x6A8, v2  }
0x135: {  	v4 =	vadd.f32 v5, v4  }
0x136: {  	v51 =	vadd.s32 $0x16C8, v3  }
0x137: {  	[tilespmem:s20+$0x4F80] =	vst v4  }
0x138: {  	v52 =	vadd.s32 $0x1A4F, v0;
	v4 =	vld.idx.msk [tilespmem:v49+s2+$0x0], $0xffff  }
0x139: {  	v7 =	vld.idx.msk [tilespmem:v50+s2+$0x0], $0xffff;
	_ =	sdelay $0x1  }
0x13a: {  	v5 =	vld.idx.msk [tilespmem:v51+s2+$0x0], $0xffff;
	_ =	sdelay $0x1  }
0x13b: {  	v6 =	vld.idx.msk [tilespmem:v52+s2+$0x0], $0xffff  }
0x13c: {  	v4 =	vadd.f32 v7, v4;
	_ =	sdelay $0x1  }
0x13d: {  	v53 =	vadd.s32 $0x1C, v1;
	v4 =	vadd.f32 v5, v4  }
0x13e: {  	v54 =	vadd.s32 $0x6A9, v2  }
0x13f: {  	v4 =	vadd.f32 v6, v4  }
0x140: {  	v55 =	vadd.s32 $0x16C9, v3  }
0x141: {  	[tilespmem:s20+$0x5000] =	vst v4  }
0x142: {  	v56 =	vadd.s32 $0x1A50, v0;
	v4 =	vld.idx.msk [tilespmem:v53+s2+$0x0], $0xffff  }
0x143: {  	v7 =	vld.idx.msk [tilespmem:v54+s2+$0x0], $0xffff;
	_ =	sdelay $0x1  }
0x144: {  	v6 =	vld.idx.msk [tilespmem:v55+s2+$0x0], $0xffff;
	_ =	sdelay $0x1  }
0x145: {  	v5 =	vld.idx.msk [tilespmem:v56+s2+$0x0], $0xffff  }
0x146: {  	v4 =	vadd.f32 v7, v4;
	_ =	sdelay $0x1  }
0x147: {  	v57 =	vadd.s32 $0x1D, v1;
	v4 =	vadd.f32 v6, v4  }
0x148: {  	v58 =	vadd.s32 $0x6AA, v2  }
0x149: {  	v4 =	vadd.f32 v5, v4  }
0x14a: {  	v59 =	vadd.s32 $0x16CA, v3  }
0x14b: {  	[tilespmem:s20+$0x5080] =	vst v4  }
0x14c: {  	v60 =	vadd.s32 $0x1A51, v0;
	v4 =	vld.idx.msk [tilespmem:v57+s2+$0x0], $0xffff  }
0x14d: {  	v7 =	vld.idx.msk [tilespmem:v58+s2+$0x0], $0xffff;
	_ =	sdelay $0x1  }
0x14e: {  	v5 =	vld.idx.msk [tilespmem:v59+s2+$0x0], $0xffff;
	_ =	sdelay $0x1  }
0x14f: {  	v6 =	vld.idx.msk [tilespmem:v60+s2+$0x0], $0xffff  }
0x150: {  	v4 =	vadd.f32 v7, v4;
	_ =	sdelay $0x1  }
0x151: {  	v61 =	vadd.s32 $0x1E, v1;
	v4 =	vadd.f32 v5, v4  }
0x152: {  	v62 =	vadd.s32 $0x6AB, v2  }
0x153: {  	v4 =	vadd.f32 v6, v4  }
0x154: {  	v63 =	vadd.s32 $0x16CB, v3  }
0x155: {  	[tilespmem:s20+$0x5100] =	vst v4  }
0x156: {  	v9 =	vadd.s32 $0x1A52, v0;
	v4 =	vld.idx.msk [tilespmem:v61+s2+$0x0], $0xffff  }
0x157: {  	v7 =	vld.idx.msk [tilespmem:v62+s2+$0x0], $0xffff;
	_ =	sdelay $0x1  }
0x158: {  	v6 =	vld.idx.msk [tilespmem:v63+s2+$0x0], $0xffff;
	_ =	sdelay $0x1  }
0x159: {  	v5 =	vld.idx.msk [tilespmem:v9+s2+$0x0], $0xffff  }
0x15a: {  	v4 =	vadd.f32 v7, v4;
	_ =	sdelay $0x1  }
0x15b: {  	v10 =	vadd.s32 $0x1F, v1;
	v4 =	vadd.f32 v6, v4  }
0x15c: {  	v11 =	vadd.s32 $0x6AC, v2  }
0x15d: {  	v4 =	vadd.f32 v5, v4  }
0x15e: {  	v12 =	vadd.s32 $0x16CC, v3  }
0x15f: {  	[tilespmem:s20+$0x5180] =	vst v4  }
0x160: {  	v13 =	vadd.s32 $0x1A53, v0;
	v4 =	vld.idx.msk [tilespmem:v10+s2+$0x0], $0xffff  }
0x161: {  	v7 =	vld.idx.msk [tilespmem:v11+s2+$0x0], $0xffff;
	_ =	sdelay $0x1  }
0x162: {  	v5 =	vld.idx.msk [tilespmem:v12+s2+$0x0], $0xffff;
	_ =	sdelay $0x1  }
0x163: {  	v6 =	vld.idx.msk [tilespmem:v13+s2+$0x0], $0xffff  }
0x164: {  	v4 =	vadd.f32 v7, v4;
	_ =	sdelay $0x1  }
0x165: {  	v14 =	vadd.s32 $0x20, v1;
	v4 =	vadd.f32 v5, v4  }
0x166: {  	v15 =	vadd.s32 $0x6AD, v2  }
0x167: {  	v4 =	vadd.f32 v6, v4  }
0x168: {  	v16 =	vadd.s32 $0x16CD, v3  }
0x169: {  	[tilespmem:s20+$0x5200] =	vst v4  }
0x16a: {  	v17 =	vadd.s32 $0x1A54, v0;
	v4 =	vld.idx.msk [tilespmem:v14+s2+$0x0], $0xffff  }
0x16b: {  	v7 =	vld.idx.msk [tilespmem:v15+s2+$0x0], $0xffff;
	_ =	sdelay $0x1  }
0x16c: {  	v6 =	vld.idx.msk [tilespmem:v16+s2+$0x0], $0xffff;
	_ =	sdelay $0x1  }
0x16d: {  	v5 =	vld.idx.msk [tilespmem:v17+s2+$0x0], $0xffff  }
0x16e: {  	v4 =	vadd.f32 v7, v4;
	_ =	sdelay $0x1  }
0x16f: {  	v18 =	vadd.s32 $0x21, v1;
	v4 =	vadd.f32 v6, v4  }
0x170: {  	v19 =	vadd.s32 $0x6AE, v2  }
0x171: {  	v4 =	vadd.f32 v5, v4  }
0x172: {  	v20 =	vadd.s32 $0x16CE, v3  }
0x173: {  	[tilespmem:s20+$0x5280] =	vst v4  }
0x174: {  	v21 =	vadd.s32 $0x1A55, v0;
	v4 =	vld.idx.msk [tilespmem:v18+s2+$0x0], $0xffff  }
0x175: {  	v7 =	vld.idx.msk [tilespmem:v19+s2+$0x0], $0xffff;
	_ =	sdelay $0x1  }
0x176: {  	v5 =	vld.idx.msk [tilespmem:v20+s2+$0x0], $0xffff;
	_ =	sdelay $0x1  }
0x177: {  	v6 =	vld.idx.msk [tilespmem:v21+s2+$0x0], $0xffff  }
0x178: {  	v4 =	vadd.f32 v7, v4;
	_ =	sdelay $0x1  }
0x179: {  	v22 =	vadd.s32 $0x22, v1;
	v4 =	vadd.f32 v5, v4  }
0x17a: {  	v23 =	vadd.s32 $0x6AF, v2  }
0x17b: {  	v4 =	vadd.f32 v6, v4  }
0x17c: {  	v24 =	vadd.s32 $0x16CF, v3  }
0x17d: {  	[tilespmem:s20+$0x5300] =	vst v4  }
0x17e: {  	v25 =	vadd.s32 $0x1A56, v0;
	v4 =	vld.idx.msk [tilespmem:v22+s2+$0x0], $0xffff  }
0x17f: {  	v7 =	vld.idx.msk [tilespmem:v23+s2+$0x0], $0xffff;
	_ =	sdelay $0x1  }
0x180: {  	v6 =	vld.idx.msk [tilespmem:v24+s2+$0x0], $0xffff;
	_ =	sdelay $0x1  }
0x181: {  	v5 =	vld.idx.msk [tilespmem:v25+s2+$0x0], $0xffff  }
0x182: {  	v4 =	vadd.f32 v7, v4;
	_ =	sdelay $0x1  }
0x183: {  	v26 =	vadd.s32 $0x23, v1;
	v4 =	vadd.f32 v6, v4  }
0x184: {  	v27 =	vadd.s32 $0x6B0, v2  }
0x185: {  	v4 =	vadd.f32 v5, v4  }
0x186: {  	v28 =	vadd.s32 $0x16D0, v3  }
0x187: {  	[tilespmem:s20+$0x5380] =	vst v4  }
0x188: {  	v29 =	vadd.s32 $0x1A57, v0;
	v4 =	vld.idx.msk [tilespmem:v26+s2+$0x0], $0xffff  }
0x189: {  	v7 =	vld.idx.msk [tilespmem:v27+s2+$0x0], $0xffff;
	_ =	sdelay $0x1  }
0x18a: {  	v5 =	vld.idx.msk [tilespmem:v28+s2+$0x0], $0xffff;
	_ =	sdelay $0x1  }
0x18b: {  	v6 =	vld.idx.msk [tilespmem:v29+s2+$0x0], $0xffff  }
0x18c: {  	v4 =	vadd.f32 v7, v4;
	_ =	sdelay $0x1  }
0x18d: {  	v30 =	vadd.s32 $0x24, v1;
	v4 =	vadd.f32 v5, v4  }
0x18e: {  	v31 =	vadd.s32 $0x6B1, v2  }
0x18f: {  	v4 =	vadd.f32 v6, v4  }
0x190: {  	v32 =	vadd.s32 $0x16D1, v3  }
0x191: {  	[tilespmem:s20+$0x5400] =	vst v4  }
0x192: {  	v33 =	vadd.s32 $0x1A58, v0;
	v4 =	vld.idx.msk [tilespmem:v30+s2+$0x0], $0xffff  }
0x193: {  	v7 =	vld.idx.msk [tilespmem:v31+s2+$0x0], $0xffff;
	_ =	sdelay $0x1  }
0x194: {  	v6 =	vld.idx.msk [tilespmem:v32+s2+$0x0], $0xffff;
	_ =	sdelay $0x1  }
0x195: {  	v5 =	vld.idx.msk [tilespmem:v33+s2+$0x0], $0xffff  }
0x196: {  	v4 =	vadd.f32 v7, v4;
	_ =	sdelay $0x1  }
0x197: {  	v34 =	vadd.s32 $0x25, v1;
	v4 =	vadd.f32 v6, v4  }
0x198: {  	v35 =	vadd.s32 $0x6B2, v2  }
0x199: {  	v4 =	vadd.f32 v5, v4  }
0x19a: {  	v36 =	vadd.s32 $0x16D2, v3  }
0x19b: {  	[tilespmem:s20+$0x5480] =	vst v4  }
0x19c: {  	v37 =	vadd.s32 $0x1A59, v0;
	v4 =	vld.idx.msk [tilespmem:v34+s2+$0x0], $0xffff  }
0x19d: {  	v7 =	vld.idx.msk [tilespmem:v35+s2+$0x0], $0xffff;
	_ =	sdelay $0x1  }
0x19e: {  	v5 =	vld.idx.msk [tilespmem:v36+s2+$0x0], $0xffff;
	_ =	sdelay $0x1  }
0x19f: {  	v6 =	vld.idx.msk [tilespmem:v37+s2+$0x0], $0xffff  }
0x1a0: {  	v4 =	vadd.f32 v7, v4;
	_ =	sdelay $0x1  }
0x1a1: {  	v38 =	vadd.s32 $0x26, v1;
	v4 =	vadd.f32 v5, v4  }
0x1a2: {  	v39 =	vadd.s32 $0x6B3, v2  }
0x1a3: {  	v4 =	vadd.f32 v6, v4  }
0x1a4: {  	v40 =	vadd.s32 $0x16D3, v3  }
0x1a5: {  	[tilespmem:s20+$0x5500] =	vst v4  }
0x1a6: {  	v41 =	vadd.s32 $0x1A5A, v0;
	v4 =	vld.idx.msk [tilespmem:v38+s2+$0x0], $0xffff  }
0x1a7: {  	v7 =	vld.idx.msk [tilespmem:v39+s2+$0x0], $0xffff;
	_ =	sdelay $0x1  }
0x1a8: {  	v6 =	vld.idx.msk [tilespmem:v40+s2+$0x0], $0xffff;
	_ =	sdelay $0x1  }
0x1a9: {  	v5 =	vld.idx.msk [tilespmem:v41+s2+$0x0], $0xffff  }
0x1aa: {  	v4 =	vadd.f32 v7, v4;
	_ =	sdelay $0x1  }
0x1ab: {  	v42 =	vadd.s32 $0x27, v1;
	v4 =	vadd.f32 v6, v4  }
0x1ac: {  	v43 =	vadd.s32 $0x6B4, v2  }
0x1ad: {  	v4 =	vadd.f32 v5, v4  }
0x1ae: {  	v44 =	vadd.s32 $0x16D4, v3  }
0x1af: {  	[tilespmem:s20+$0x5580] =	vst v4  }
0x1b0: {  	v45 =	vadd.s32 $0x1A5B, v0;
	v4 =	vld.idx.msk [tilespmem:v42+s2+$0x0], $0xffff  }
0x1b1: {  	v7 =	vld.idx.msk [tilespmem:v43+s2+$0x0], $0xffff;
	_ =	sdelay $0x1  }
0x1b2: {  	v5 =	vld.idx.msk [tilespmem:v44+s2+$0x0], $0xffff;
	_ =	sdelay $0x1  }
0x1b3: {  	v6 =	vld.idx.msk [tilespmem:v45+s2+$0x0], $0xffff  }
0x1b4: {  	v4 =	vadd.f32 v7, v4;
	_ =	sdelay $0x1  }
0x1b5: {  	v46 =	vadd.s32 $0x28, v1;
	v4 =	vadd.f32 v5, v4  }
0x1b6: {  	v47 =	vadd.s32 $0x6B5, v2  }
0x1b7: {  	v4 =	vadd.f32 v6, v4  }
0x1b8: {  	v48 =	vadd.s32 $0x16D5, v3  }
0x1b9: {  	[tilespmem:s20+$0x5600] =	vst v4  }
0x1ba: {  	v49 =	vadd.s32 $0x1A5C, v0;
	v4 =	vld.idx.msk [tilespmem:v46+s2+$0x0], $0xffff  }
0x1bb: {  	v7 =	vld.idx.msk [tilespmem:v47+s2+$0x0], $0xffff;
	_ =	sdelay $0x1  }
0x1bc: {  	v6 =	vld.idx.msk [tilespmem:v48+s2+$0x0], $0xffff;
	_ =	sdelay $0x1  }
0x1bd: {  	v5 =	vld.idx.msk [tilespmem:v49+s2+$0x0], $0xffff  }
0x1be: {  	v4 =	vadd.f32 v7, v4;
	_ =	sdelay $0x1  }
0x1bf: {  	v50 =	vadd.s32 $0x29, v1;
	v4 =	vadd.f32 v6, v4  }
0x1c0: {  	v51 =	vadd.s32 $0x6B6, v2  }
0x1c1: {  	v4 =	vadd.f32 v5, v4  }
0x1c2: {  	v52 =	vadd.s32 $0x16D6, v3  }
0x1c3: {  	[tilespmem:s20+$0x5680] =	vst v4  }
0x1c4: {  	v53 =	vadd.s32 $0x1A5D, v0;
	v4 =	vld.idx.msk [tilespmem:v50+s2+$0x0], $0xffff  }
0x1c5: {  	v7 =	vld.idx.msk [tilespmem:v51+s2+$0x0], $0xffff;
	_ =	sdelay $0x1  }
0x1c6: {  	v5 =	vld.idx.msk [tilespmem:v52+s2+$0x0], $0xffff;
	_ =	sdelay $0x1  }
0x1c7: {  	v6 =	vld.idx.msk [tilespmem:v53+s2+$0x0], $0xffff  }
0x1c8: {  	v4 =	vadd.f32 v7, v4;
	_ =	sdelay $0x1  }
0x1c9: {  	v54 =	vadd.s32 $0x2A, v1;
	v4 =	vadd.f32 v5, v4  }
0x1ca: {  	v55 =	vadd.s32 $0x6B7, v2  }
0x1cb: {  	v4 =	vadd.f32 v6, v4  }
0x1cc: {  	v56 =	vadd.s32 $0x16D7, v3  }
0x1cd: {  	[tilespmem:s20+$0x5700] =	vst v4  }
0x1ce: {  	v57 =	vadd.s32 $0x1A5E, v0;
	v4 =	vld.idx.msk [tilespmem:v54+s2+$0x0], $0xffff  }
0x1cf: {  	v7 =	vld.idx.msk [tilespmem:v55+s2+$0x0], $0xffff;
	_ =	sdelay $0x1  }
0x1d0: {  	v6 =	vld.idx.msk [tilespmem:v56+s2+$0x0], $0xffff;
	_ =	sdelay $0x1  }
0x1d1: {  	v5 =	vld.idx.msk [tilespmem:v57+s2+$0x0], $0xffff  }
0x1d2: {  	v4 =	vadd.f32 v7, v4;
	_ =	sdelay $0x1  }
0x1d3: {  	v58 =	vadd.s32 $0x2B, v1;
	v4 =	vadd.f32 v6, v4  }
0x1d4: {  	v59 =	vadd.s32 $0x6B8, v2  }
0x1d5: {  	v4 =	vadd.f32 v5, v4  }
0x1d6: {  	v60 =	vadd.s32 $0x16D8, v3  }
0x1d7: {  	[tilespmem:s20+$0x5780] =	vst v4  }
0x1d8: {  	v61 =	vadd.s32 $0x1A5F, v0;
	v4 =	vld.idx.msk [tilespmem:v58+s2+$0x0], $0xffff  }
0x1d9: {  	v7 =	vld.idx.msk [tilespmem:v59+s2+$0x0], $0xffff;
	_ =	sdelay $0x1  }
0x1da: {  	v5 =	vld.idx.msk [tilespmem:v60+s2+$0x0], $0xffff;
	_ =	sdelay $0x1  }
0x1db: {  	v6 =	vld.idx.msk [tilespmem:v61+s2+$0x0], $0xffff  }
0x1dc: {  	v4 =	vadd.f32 v7, v4;
	_ =	sdelay $0x1  }
0x1dd: {  	v62 =	vadd.s32 $0x2C, v1;
	v4 =	vadd.f32 v5, v4  }
0x1de: {  	v63 =	vadd.s32 $0x6B9, v2  }
0x1df: {  	v4 =	vadd.f32 v6, v4  }
0x1e0: {  	v9 =	vadd.s32 $0x16D9, v3  }
0x1e1: {  	[tilespmem:s20+$0x5800] =	vst v4  }
0x1e2: {  	v10 =	vadd.s32 $0x1A60, v0;
	v4 =	vld.idx.msk [tilespmem:v62+s2+$0x0], $0xffff  }
0x1e3: {  	v7 =	vld.idx.msk [tilespmem:v63+s2+$0x0], $0xffff;
	_ =	sdelay $0x1  }
0x1e4: {  	v6 =	vld.idx.msk [tilespmem:v9+s2+$0x0], $0xffff;
	_ =	sdelay $0x1  }
0x1e5: {  	v5 =	vld.idx.msk [tilespmem:v10+s2+$0x0], $0xffff  }
0x1e6: {  	v4 =	vadd.f32 v7, v4;
	_ =	sdelay $0x1  }
0x1e7: {  	v11 =	vadd.s32 $0x2D, v1;
	v4 =	vadd.f32 v6, v4  }
0x1e8: {  	v12 =	vadd.s32 $0x6BA, v2  }
0x1e9: {  	v4 =	vadd.f32 v5, v4  }
0x1ea: {  	v13 =	vadd.s32 $0x16DA, v3  }
0x1eb: {  	[tilespmem:s20+$0x5880] =	vst v4  }
0x1ec: {  	v14 =	vadd.s32 $0x1A61, v0;
	v4 =	vld.idx.msk [tilespmem:v11+s2+$0x0], $0xffff  }
0x1ed: {  	v7 =	vld.idx.msk [tilespmem:v12+s2+$0x0], $0xffff;
	_ =	sdelay $0x1  }
0x1ee: {  	v5 =	vld.idx.msk [tilespmem:v13+s2+$0x0], $0xffff;
	_ =	sdelay $0x1  }
0x1ef: {  	v6 =	vld.idx.msk [tilespmem:v14+s2+$0x0], $0xffff  }
0x1f0: {  	v4 =	vadd.f32 v7, v4;
	_ =	sdelay $0x1  }
0x1f1: {  	v15 =	vadd.s32 $0x2E, v1;
	v4 =	vadd.f32 v5, v4  }
0x1f2: {  	v16 =	vadd.s32 $0x6BB, v2  }
0x1f3: {  	v4 =	vadd.f32 v6, v4  }
0x1f4: {  	v17 =	vadd.s32 $0x16DB, v3  }
0x1f5: {  	[tilespmem:s20+$0x5900] =	vst v4  }
0x1f6: {  	v18 =	vadd.s32 $0x1A62, v0;
	v4 =	vld.idx.msk [tilespmem:v15+s2+$0x0], $0xffff  }
0x1f7: {  	v7 =	vld.idx.msk [tilespmem:v16+s2+$0x0], $0xffff;
	_ =	sdelay $0x1  }
0x1f8: {  	v6 =	vld.idx.msk [tilespmem:v17+s2+$0x0], $0xffff;
	_ =	sdelay $0x1  }
0x1f9: {  	v5 =	vld.idx.msk [tilespmem:v18+s2+$0x0], $0xffff  }
0x1fa: {  	v4 =	vadd.f32 v7, v4;
	_ =	sdelay $0x1  }
0x1fb: {  	v19 =	vadd.s32 $0x2F, v1;
	v4 =	vadd.f32 v6, v4  }
0x1fc: {  	v20 =	vadd.s32 $0x6BC, v2  }
0x1fd: {  	v4 =	vadd.f32 v5, v4  }
0x1fe: {  	v21 =	vadd.s32 $0x16DC, v3  }
0x1ff: {  	[tilespmem:s20+$0x5980] =	vst v4  }
0x200: {  	v22 =	vadd.s32 $0x1A63, v0;
	v4 =	vld.idx.msk [tilespmem:v19+s2+$0x0], $0xffff  }
0x201: {  	v7 =	vld.idx.msk [tilespmem:v20+s2+$0x0], $0xffff;
	_ =	sdelay $0x1  }
0x202: {  	v5 =	vld.idx.msk [tilespmem:v21+s2+$0x0], $0xffff;
	_ =	sdelay $0x1  }
0x203: {  	v6 =	vld.idx.msk [tilespmem:v22+s2+$0x0], $0xffff  }
0x204: {  	v4 =	vadd.f32 v7, v4;
	_ =	sdelay $0x1  }
0x205: {  	v23 =	vadd.s32 $0x30, v1;
	v4 =	vadd.f32 v5, v4  }
0x206: {  	v24 =	vadd.s32 $0x6BD, v2  }
0x207: {  	v4 =	vadd.f32 v6, v4  }
0x208: {  	v25 =	vadd.s32 $0x16DD, v3  }
0x209: {  	[tilespmem:s20+$0x5A00] =	vst v4  }
0x20a: {  	v26 =	vadd.s32 $0x1A64, v0;
	v4 =	vld.idx.msk [tilespmem:v23+s2+$0x0], $0xffff  }
0x20b: {  	v7 =	vld.idx.msk [tilespmem:v24+s2+$0x0], $0xffff;
	_ =	sdelay $0x1  }
0x20c: {  	v6 =	vld.idx.msk [tilespmem:v25+s2+$0x0], $0xffff;
	_ =	sdelay $0x1  }
0x20d: {  	v5 =	vld.idx.msk [tilespmem:v26+s2+$0x0], $0xffff  }
0x20e: {  	v4 =	vadd.f32 v7, v4;
	_ =	sdelay $0x1  }
0x20f: {  	v27 =	vadd.s32 $0x31, v1;
	v4 =	vadd.f32 v6, v4  }
0x210: {  	v28 =	vadd.s32 $0x6BE, v2  }
0x211: {  	v4 =	vadd.f32 v5, v4  }
0x212: {  	v29 =	vadd.s32 $0x16DE, v3  }
0x213: {  	[tilespmem:s20+$0x5A80] =	vst v4  }
0x214: {  	v30 =	vadd.s32 $0x1A65, v0;
	v4 =	vld.idx.msk [tilespmem:v27+s2+$0x0], $0xffff  }
0x215: {  	v7 =	vld.idx.msk [tilespmem:v28+s2+$0x0], $0xffff;
	_ =	sdelay $0x1  }
0x216: {  	v5 =	vld.idx.msk [tilespmem:v29+s2+$0x0], $0xffff;
	_ =	sdelay $0x1  }
0x217: {  	v6 =	vld.idx.msk [tilespmem:v30+s2+$0x0], $0xffff  }
0x218: {  	v4 =	vadd.f32 v7, v4;
	_ =	sdelay $0x1  }
0x219: {  	v31 =	vadd.s32 $0x32, v1;
	v4 =	vadd.f32 v5, v4  }
0x21a: {  	v32 =	vadd.s32 $0x6BF, v2  }
0x21b: {  	v4 =	vadd.f32 v6, v4  }
0x21c: {  	v33 =	vadd.s32 $0x16DF, v3  }
0x21d: {  	[tilespmem:s20+$0x5B00] =	vst v4  }
0x21e: {  	v34 =	vadd.s32 $0x1A66, v0;
	v4 =	vld.idx.msk [tilespmem:v31+s2+$0x0], $0xffff  }
0x21f: {  	v7 =	vld.idx.msk [tilespmem:v32+s2+$0x0], $0xffff;
	_ =	sdelay $0x1  }
0x220: {  	v6 =	vld.idx.msk [tilespmem:v33+s2+$0x0], $0xffff;
	_ =	sdelay $0x1  }
0x221: {  	v5 =	vld.idx.msk [tilespmem:v34+s2+$0x0], $0xffff  }
0x222: {  	v4 =	vadd.f32 v7, v4;
	_ =	sdelay $0x1  }
0x223: {  	v35 =	vadd.s32 $0x33, v1;
	v4 =	vadd.f32 v6, v4  }
0x224: {  	v36 =	vadd.s32 $0x6C0, v2  }
0x225: {  	v4 =	vadd.f32 v5, v4  }
0x226: {  	v37 =	vadd.s32 $0x16E0, v3  }
0x227: {  	[tilespmem:s20+$0x5B80] =	vst v4  }
0x228: {  	v38 =	vadd.s32 $0x1A67, v0;
	v4 =	vld.idx.msk [tilespmem:v35+s2+$0x0], $0xffff  }
0x229: {  	v7 =	vld.idx.msk [tilespmem:v36+s2+$0x0], $0xffff;
	_ =	sdelay $0x1  }
0x22a: {  	v5 =	vld.idx.msk [tilespmem:v37+s2+$0x0], $0xffff;
	_ =	sdelay $0x1  }
0x22b: {  	v6 =	vld.idx.msk [tilespmem:v38+s2+$0x0], $0xffff  }
0x22c: {  	v4 =	vadd.f32 v7, v4;
	_ =	sdelay $0x1  }
0x22d: {  	v39 =	vadd.s32 $0x34, v1;
	v4 =	vadd.f32 v5, v4  }
0x22e: {  	v40 =	vadd.s32 $0x6C1, v2  }
0x22f: {  	v4 =	vadd.f32 v6, v4  }
0x230: {  	v41 =	vadd.s32 $0x16E1, v3  }
0x231: {  	[tilespmem:s20+$0x5C00] =	vst v4  }
0x232: {  	v42 =	vadd.s32 $0x1A68, v0;
	v4 =	vld.idx.msk [tilespmem:v39+s2+$0x0], $0xffff  }
0x233: {  	v7 =	vld.idx.msk [tilespmem:v40+s2+$0x0], $0xffff;
	_ =	sdelay $0x1  }
0x234: {  	v6 =	vld.idx.msk [tilespmem:v41+s2+$0x0], $0xffff;
	_ =	sdelay $0x1  }
0x235: {  	v5 =	vld.idx.msk [tilespmem:v42+s2+$0x0], $0xffff  }
0x236: {  	v4 =	vadd.f32 v7, v4;
	_ =	sdelay $0x1  }
0x237: {  	v43 =	vadd.s32 $0x35, v1;
	v4 =	vadd.f32 v6, v4  }
0x238: {  	v44 =	vadd.s32 $0x6C2, v2  }
0x239: {  	v4 =	vadd.f32 v5, v4  }
0x23a: {  	v45 =	vadd.s32 $0x16E2, v3  }
0x23b: {  	[tilespmem:s20+$0x5C80] =	vst v4  }
0x23c: {  	v46 =	vadd.s32 $0x1A69, v0;
	v4 =	vld.idx.msk [tilespmem:v43+s2+$0x0], $0xffff  }
0x23d: {  	v7 =	vld.idx.msk [tilespmem:v44+s2+$0x0], $0xffff;
	_ =	sdelay $0x1  }
0x23e: {  	v5 =	vld.idx.msk [tilespmem:v45+s2+$0x0], $0xffff;
	_ =	sdelay $0x1  }
0x23f: {  	v6 =	vld.idx.msk [tilespmem:v46+s2+$0x0], $0xffff  }
0x240: {  	v4 =	vadd.f32 v7, v4;
	_ =	sdelay $0x1  }
0x241: {  	v47 =	vadd.s32 $0x36, v1;
	v4 =	vadd.f32 v5, v4  }
0x242: {  	v48 =	vadd.s32 $0x6C3, v2  }
0x243: {  	v4 =	vadd.f32 v6, v4  }
0x244: {  	v49 =	vadd.s32 $0x16E3, v3  }
0x245: {  	[tilespmem:s20+$0x5D00] =	vst v4  }
0x246: {  	v50 =	vadd.s32 $0x1A6A, v0;
	v4 =	vld.idx.msk [tilespmem:v47+s2+$0x0], $0xffff  }
0x247: {  	v7 =	vld.idx.msk [tilespmem:v48+s2+$0x0], $0xffff;
	_ =	sdelay $0x1  }
0x248: {  	v6 =	vld.idx.msk [tilespmem:v49+s2+$0x0], $0xffff;
	_ =	sdelay $0x1  }
0x249: {  	v5 =	vld.idx.msk [tilespmem:v50+s2+$0x0], $0xffff  }
0x24a: {  	v4 =	vadd.f32 v7, v4;
	_ =	sdelay $0x1  }
0x24b: {  	v51 =	vadd.s32 $0x37, v1;
	v4 =	vadd.f32 v6, v4  }
0x24c: {  	v52 =	vadd.s32 $0x6C4, v2  }
0x24d: {  	v4 =	vadd.f32 v5, v4  }
0x24e: {  	v53 =	vadd.s32 $0x16E4, v3  }
0x24f: {  	[tilespmem:s20+$0x5D80] =	vst v4  }
0x250: {  	v54 =	vadd.s32 $0x1A6B, v0;
	v4 =	vld.idx.msk [tilespmem:v51+s2+$0x0], $0xffff  }
0x251: {  	v7 =	vld.idx.msk [tilespmem:v52+s2+$0x0], $0xffff;
	_ =	sdelay $0x1  }
0x252: {  	v5 =	vld.idx.msk [tilespmem:v53+s2+$0x0], $0xffff;
	_ =	sdelay $0x1  }
0x253: {  	v6 =	vld.idx.msk [tilespmem:v54+s2+$0x0], $0xffff  }
0x254: {  	v4 =	vadd.f32 v7, v4;
	_ =	sdelay $0x1  }
0x255: {  	v55 =	vadd.s32 $0x38, v1;
	v4 =	vadd.f32 v5, v4  }
0x256: {  	v56 =	vadd.s32 $0x6C5, v2  }
0x257: {  	v4 =	vadd.f32 v6, v4  }
0x258: {  	v57 =	vadd.s32 $0x16E5, v3  }
0x259: {  	[tilespmem:s20+$0x5E00] =	vst v4  }
0x25a: {  	v58 =	vadd.s32 $0x1A6C, v0;
	v4 =	vld.idx.msk [tilespmem:v55+s2+$0x0], $0xffff  }
0x25b: {  	v7 =	vld.idx.msk [tilespmem:v56+s2+$0x0], $0xffff;
	_ =	sdelay $0x1  }
0x25c: {  	v6 =	vld.idx.msk [tilespmem:v57+s2+$0x0], $0xffff;
	_ =	sdelay $0x1  }
0x25d: {  	v5 =	vld.idx.msk [tilespmem:v58+s2+$0x0], $0xffff  }
0x25e: {  	v4 =	vadd.f32 v7, v4;
	_ =	sdelay $0x1  }
0x25f: {  	v59 =	vadd.s32 $0x39, v1;
	v4 =	vadd.f32 v6, v4  }
0x260: {  	v60 =	vadd.s32 $0x6C6, v2  }
0x261: {  	v4 =	vadd.f32 v5, v4  }
0x262: {  	v61 =	vadd.s32 $0x16E6, v3  }
0x263: {  	[tilespmem:s20+$0x5E80] =	vst v4  }
0x264: {  	v62 =	vadd.s32 $0x1A6D, v0;
	v4 =	vld.idx.msk [tilespmem:v59+s2+$0x0], $0xffff  }
0x265: {  	v7 =	vld.idx.msk [tilespmem:v60+s2+$0x0], $0xffff;
	_ =	sdelay $0x1  }
0x266: {  	v5 =	vld.idx.msk [tilespmem:v61+s2+$0x0], $0xffff;
	_ =	sdelay $0x1  }
0x267: {  	v6 =	vld.idx.msk [tilespmem:v62+s2+$0x0], $0xffff  }
0x268: {  	v4 =	vadd.f32 v7, v4;
	_ =	sdelay $0x1  }
0x269: {  	v63 =	vadd.s32 $0x3A, v1;
	v4 =	vadd.f32 v5, v4  }
0x26a: {  	v9 =	vadd.s32 $0x6C7, v2  }
0x26b: {  	v4 =	vadd.f32 v6, v4  }
0x26c: {  	v10 =	vadd.s32 $0x16E7, v3  }
0x26d: {  	[tilespmem:s20+$0x5F00] =	vst v4  }
0x26e: {  	v11 =	vadd.s32 $0x1A6E, v0;
	v4 =	vld.idx.msk [tilespmem:v63+s2+$0x0], $0xffff  }
0x26f: {  	v7 =	vld.idx.msk [tilespmem:v9+s2+$0x0], $0xffff;
	_ =	sdelay $0x1  }
0x270: {  	v6 =	vld.idx.msk [tilespmem:v10+s2+$0x0], $0xffff;
	_ =	sdelay $0x1  }
0x271: {  	v5 =	vld.idx.msk [tilespmem:v11+s2+$0x0], $0xffff  }
0x272: {  	v4 =	vadd.f32 v7, v4;
	_ =	sdelay $0x1  }
0x273: {  	v12 =	vadd.s32 $0x3B, v1;
	v4 =	vadd.f32 v6, v4  }
0x274: {  	v13 =	vadd.s32 $0x6C8, v2  }
0x275: {  	v4 =	vadd.f32 v5, v4  }
0x276: {  	v14 =	vadd.s32 $0x16E8, v3  }
0x277: {  	[tilespmem:s20+$0x5F80] =	vst v4  }
0x278: {  	v15 =	vadd.s32 $0x1A6F, v0;
	v4 =	vld.idx.msk [tilespmem:v12+s2+$0x0], $0xffff  }
0x279: {  	v7 =	vld.idx.msk [tilespmem:v13+s2+$0x0], $0xffff;
	_ =	sdelay $0x1  }
0x27a: {  	v5 =	vld.idx.msk [tilespmem:v14+s2+$0x0], $0xffff;
	_ =	sdelay $0x1  }
0x27b: {  	v6 =	vld.idx.msk [tilespmem:v15+s2+$0x0], $0xffff  }
0x27c: {  	v4 =	vadd.f32 v7, v4;
	_ =	sdelay $0x1  }
0x27d: {  	v16 =	vadd.s32 $0x3C, v1;
	v4 =	vadd.f32 v5, v4  }
0x27e: {  	v17 =	vadd.s32 $0x6C9, v2  }
0x27f: {  	v4 =	vadd.f32 v6, v4  }
0x280: {  	v18 =	vadd.s32 $0x16E9, v3  }
0x281: {  	[tilespmem:s20+$0x6000] =	vst v4  }
0x282: {  	v19 =	vadd.s32 $0x1A70, v0;
	v4 =	vld.idx.msk [tilespmem:v16+s2+$0x0], $0xffff  }
0x283: {  	v7 =	vld.idx.msk [tilespmem:v17+s2+$0x0], $0xffff;
	_ =	sdelay $0x1  }
0x284: {  	v6 =	vld.idx.msk [tilespmem:v18+s2+$0x0], $0xffff;
	_ =	sdelay $0x1  }
0x285: {  	v5 =	vld.idx.msk [tilespmem:v19+s2+$0x0], $0xffff  }
0x286: {  	v4 =	vadd.f32 v7, v4;
	_ =	sdelay $0x1  }
0x287: {  	v20 =	vadd.s32 $0x3D, v1;
	v4 =	vadd.f32 v6, v4  }
0x288: {  	v21 =	vadd.s32 $0x6CA, v2  }
0x289: {  	v4 =	vadd.f32 v5, v4  }
0x28a: {  	v22 =	vadd.s32 $0x16EA, v3  }
0x28b: {  	[tilespmem:s20+$0x6080] =	vst v4  }
0x28c: {  	v23 =	vadd.s32 $0x1A71, v0;
	v4 =	vld.idx.msk [tilespmem:v20+s2+$0x0], $0xffff  }
0x28d: {  	v7 =	vld.idx.msk [tilespmem:v21+s2+$0x0], $0xffff;
	_ =	sdelay $0x1  }
0x28e: {  	v5 =	vld.idx.msk [tilespmem:v22+s2+$0x0], $0xffff;
	_ =	sdelay $0x1  }
0x28f: {  	v6 =	vld.idx.msk [tilespmem:v23+s2+$0x0], $0xffff  }
0x290: {  	v4 =	vadd.f32 v7, v4;
	_ =	sdelay $0x1  }
0x291: {  	v24 =	vadd.s32 $0x3E, v1;
	v4 =	vadd.f32 v5, v4  }
0x292: {  	v25 =	vadd.s32 $0x6CB, v2  }
0x293: {  	v4 =	vadd.f32 v6, v4  }
0x294: {  	v26 =	vadd.s32 $0x16EB, v3  }
0x295: {  	[tilespmem:s20+$0x6100] =	vst v4  }
0x296: {  	v27 =	vadd.s32 $0x1A72, v0;
	v4 =	vld.idx.msk [tilespmem:v24+s2+$0x0], $0xffff  }
0x297: {  	v7 =	vld.idx.msk [tilespmem:v25+s2+$0x0], $0xffff;
	_ =	sdelay $0x1  }
0x298: {  	v6 =	vld.idx.msk [tilespmem:v26+s2+$0x0], $0xffff;
	_ =	sdelay $0x1  }
0x299: {  	v5 =	vld.idx.msk [tilespmem:v27+s2+$0x0], $0xffff  }
0x29a: {  	v4 =	vadd.f32 v7, v4;
	_ =	sdelay $0x1  }
0x29b: {  	v28 =	vadd.s32 $0x3F, v1;
	v4 =	vadd.f32 v6, v4  }
0x29c: {  	v29 =	vadd.s32 $0x6CC, v2  }
0x29d: {  	v4 =	vadd.f32 v5, v4  }
0x29e: {  	v30 =	vadd.s32 $0x16EC, v3  }
0x29f: {  	[tilespmem:s20+$0x6180] =	vst v4  }
0x2a0: {  	v31 =	vadd.s32 $0x1A73, v0;
	v4 =	vld.idx.msk [tilespmem:v28+s2+$0x0], $0xffff  }
0x2a1: {  	v7 =	vld.idx.msk [tilespmem:v29+s2+$0x0], $0xffff;
	_ =	sdelay $0x1  }
0x2a2: {  	v5 =	vld.idx.msk [tilespmem:v30+s2+$0x0], $0xffff;
	_ =	sdelay $0x1  }
0x2a3: {  	v6 =	vld.idx.msk [tilespmem:v31+s2+$0x0], $0xffff  }
0x2a4: {  	v4 =	vadd.f32 v7, v4;
	_ =	sdelay $0x1  }
0x2a5: {  	v32 =	vadd.s32 $0x40, v1;
	v4 =	vadd.f32 v5, v4  }
0x2a6: {  	v33 =	vadd.s32 $0x6CD, v2  }
0x2a7: {  	v4 =	vadd.f32 v6, v4  }
0x2a8: {  	v34 =	vadd.s32 $0x16ED, v3  }
0x2a9: {  	[tilespmem:s20+$0x6200] =	vst v4  }
0x2aa: {  	v35 =	vadd.s32 $0x1A74, v0;
	v4 =	vld.idx.msk [tilespmem:v32+s2+$0x0], $0xffff  }
0x2ab: {  	v7 =	vld.idx.msk [tilespmem:v33+s2+$0x0], $0xffff;
	_ =	sdelay $0x1  }
0x2ac: {  	v6 =	vld.idx.msk [tilespmem:v34+s2+$0x0], $0xffff;
	_ =	sdelay $0x1  }
0x2ad: {  	v5 =	vld.idx.msk [tilespmem:v35+s2+$0x0], $0xffff  }
0x2ae: {  	v4 =	vadd.f32 v7, v4;
	_ =	sdelay $0x1  }
0x2af: {  	v36 =	vadd.s32 $0x41, v1;
	v4 =	vadd.f32 v6, v4  }
0x2b0: {  	v37 =	vadd.s32 $0x6CE, v2  }
0x2b1: {  	v4 =	vadd.f32 v5, v4  }
0x2b2: {  	v38 =	vadd.s32 $0x16EE, v3  }
0x2b3: {  	[tilespmem:s20+$0x6280] =	vst v4  }
0x2b4: {  	v39 =	vadd.s32 $0x1A75, v0;
	v4 =	vld.idx.msk [tilespmem:v36+s2+$0x0], $0xffff  }
0x2b5: {  	v7 =	vld.idx.msk [tilespmem:v37+s2+$0x0], $0xffff;
	_ =	sdelay $0x1  }
0x2b6: {  	v5 =	vld.idx.msk [tilespmem:v38+s2+$0x0], $0xffff;
	_ =	sdelay $0x1  }
0x2b7: {  	v6 =	vld.idx.msk [tilespmem:v39+s2+$0x0], $0xffff  }
0x2b8: {  	v4 =	vadd.f32 v7, v4;
	_ =	sdelay $0x1  }
0x2b9: {  	v40 =	vadd.s32 $0x42, v1;
	v4 =	vadd.f32 v5, v4  }
0x2ba: {  	v41 =	vadd.s32 $0x6CF, v2  }
0x2bb: {  	v4 =	vadd.f32 v6, v4  }
0x2bc: {  	v42 =	vadd.s32 $0x16EF, v3  }
0x2bd: {  	[tilespmem:s20+$0x6300] =	vst v4  }
0x2be: {  	v43 =	vadd.s32 $0x1A76, v0;
	v4 =	vld.idx.msk [tilespmem:v40+s2+$0x0], $0xffff  }
0x2bf: {  	v7 =	vld.idx.msk [tilespmem:v41+s2+$0x0], $0xffff;
	_ =	sdelay $0x1  }
0x2c0: {  	v6 =	vld.idx.msk [tilespmem:v42+s2+$0x0], $0xffff;
	_ =	sdelay $0x1  }
0x2c1: {  	v5 =	vld.idx.msk [tilespmem:v43+s2+$0x0], $0xffff  }
0x2c2: {  	v4 =	vadd.f32 v7, v4;
	_ =	sdelay $0x1  }
0x2c3: {  	v44 =	vadd.s32 $0x43, v1;
	v4 =	vadd.f32 v6, v4  }
0x2c4: {  	v45 =	vadd.s32 $0x6D0, v2  }
0x2c5: {  	v4 =	vadd.f32 v5, v4  }
0x2c6: {  	v46 =	vadd.s32 $0x16F0, v3  }
0x2c7: {  	[tilespmem:s20+$0x6380] =	vst v4  }
0x2c8: {  	v47 =	vadd.s32 $0x1A77, v0;
	v4 =	vld.idx.msk [tilespmem:v44+s2+$0x0], $0xffff  }
0x2c9: {  	v7 =	vld.idx.msk [tilespmem:v45+s2+$0x0], $0xffff;
	_ =	sdelay $0x1  }
0x2ca: {  	v5 =	vld.idx.msk [tilespmem:v46+s2+$0x0], $0xffff;
	_ =	sdelay $0x1  }
0x2cb: {  	v6 =	vld.idx.msk [tilespmem:v47+s2+$0x0], $0xffff  }
0x2cc: {  	v4 =	vadd.f32 v7, v4;
	_ =	sdelay $0x1  }
0x2cd: {  	v48 =	vadd.s32 $0x44, v1;
	v4 =	vadd.f32 v5, v4  }
0x2ce: {  	v49 =	vadd.s32 $0x6D1, v2  }
0x2cf: {  	v4 =	vadd.f32 v6, v4  }
0x2d0: {  	v50 =	vadd.s32 $0x16F1, v3  }
0x2d1: {  	[tilespmem:s20+$0x6400] =	vst v4  }
0x2d2: {  	v51 =	vadd.s32 $0x1A78, v0;
	v4 =	vld.idx.msk [tilespmem:v48+s2+$0x0], $0xffff  }
0x2d3: {  	v7 =	vld.idx.msk [tilespmem:v49+s2+$0x0], $0xffff;
	_ =	sdelay $0x1  }
0x2d4: {  	v6 =	vld.idx.msk [tilespmem:v50+s2+$0x0], $0xffff;
	_ =	sdelay $0x1  }
0x2d5: {  	v5 =	vld.idx.msk [tilespmem:v51+s2+$0x0], $0xffff  }
0x2d6: {  	v4 =	vadd.f32 v7, v4;
	_ =	sdelay $0x1  }
0x2d7: {  	v52 =	vadd.s32 $0x45, v1;
	v4 =	vadd.f32 v6, v4  }
0x2d8: {  	v53 =	vadd.s32 $0x6D2, v2  }
0x2d9: {  	v4 =	vadd.f32 v5, v4  }
0x2da: {  	v54 =	vadd.s32 $0x16F2, v3  }
0x2db: {  	[tilespmem:s20+$0x6480] =	vst v4  }
0x2dc: {  	v55 =	vadd.s32 $0x1A79, v0;
	v4 =	vld.idx.msk [tilespmem:v52+s2+$0x0], $0xffff  }
0x2dd: {  	v7 =	vld.idx.msk [tilespmem:v53+s2+$0x0], $0xffff;
	_ =	sdelay $0x1  }
0x2de: {  	v5 =	vld.idx.msk [tilespmem:v54+s2+$0x0], $0xffff;
	_ =	sdelay $0x1  }
0x2df: {  	v6 =	vld.idx.msk [tilespmem:v55+s2+$0x0], $0xffff  }
0x2e0: {  	v4 =	vadd.f32 v7, v4;
	_ =	sdelay $0x1  }
0x2e1: {  	v56 =	vadd.s32 $0x46, v1;
	v4 =	vadd.f32 v5, v4  }
0x2e2: {  	v57 =	vadd.s32 $0x6D3, v2  }
0x2e3: {  	v4 =	vadd.f32 v6, v4  }
0x2e4: {  	v58 =	vadd.s32 $0x16F3, v3  }
0x2e5: {  	[tilespmem:s20+$0x6500] =	vst v4  }
0x2e6: {  	v59 =	vadd.s32 $0x1A7A, v0;
	v4 =	vld.idx.msk [tilespmem:v56+s2+$0x0], $0xffff  }
0x2e7: {  	v7 =	vld.idx.msk [tilespmem:v57+s2+$0x0], $0xffff;
	_ =	sdelay $0x1  }
0x2e8: {  	v6 =	vld.idx.msk [tilespmem:v58+s2+$0x0], $0xffff;
	_ =	sdelay $0x1  }
0x2e9: {  	v5 =	vld.idx.msk [tilespmem:v59+s2+$0x0], $0xffff  }
0x2ea: {  	v4 =	vadd.f32 v7, v4;
	_ =	sdelay $0x1  }
0x2eb: {  	v60 =	vadd.s32 $0x47, v1;
	v4 =	vadd.f32 v6, v4  }
0x2ec: {  	v61 =	vadd.s32 $0x6D4, v2  }
0x2ed: {  	v4 =	vadd.f32 v5, v4  }
0x2ee: {  	v62 =	vadd.s32 $0x16F4, v3  }
0x2ef: {  	[tilespmem:s20+$0x6580] =	vst v4  }
0x2f0: {  	v63 =	vadd.s32 $0x1A7B, v0;
	v4 =	vld.idx.msk [tilespmem:v60+s2+$0x0], $0xffff  }
0x2f1: {  	v7 =	vld.idx.msk [tilespmem:v61+s2+$0x0], $0xffff;
	_ =	sdelay $0x1  }
0x2f2: {  	v5 =	vld.idx.msk [tilespmem:v62+s2+$0x0], $0xffff;
	_ =	sdelay $0x1  }
0x2f3: {  	v6 =	vld.idx.msk [tilespmem:v63+s2+$0x0], $0xffff  }
0x2f4: {  	v4 =	vadd.f32 v7, v4;
	_ =	sdelay $0x1  }
0x2f5: {  	v9 =	vadd.s32 $0x48, v1;
	v4 =	vadd.f32 v5, v4  }
0x2f6: {  	v10 =	vadd.s32 $0x6D5, v2  }
0x2f7: {  	v4 =	vadd.f32 v6, v4  }
0x2f8: {  	v11 =	vadd.s32 $0x16F5, v3  }
0x2f9: {  	[tilespmem:s20+$0x6600] =	vst v4  }
0x2fa: {  	v12 =	vadd.s32 $0x1A7C, v0;
	v4 =	vld.idx.msk [tilespmem:v9+s2+$0x0], $0xffff  }
0x2fb: {  	v7 =	vld.idx.msk [tilespmem:v10+s2+$0x0], $0xffff;
	_ =	sdelay $0x1  }
0x2fc: {  	v6 =	vld.idx.msk [tilespmem:v11+s2+$0x0], $0xffff;
	_ =	sdelay $0x1  }
0x2fd: {  	v5 =	vld.idx.msk [tilespmem:v12+s2+$0x0], $0xffff  }
0x2fe: {  	v4 =	vadd.f32 v7, v4;
	_ =	sdelay $0x1  }
0x2ff: {  	v13 =	vadd.s32 $0x49, v1;
	v4 =	vadd.f32 v6, v4  }
0x300: {  	v14 =	vadd.s32 $0x6D6, v2  }
0x301: {  	v4 =	vadd.f32 v5, v4  }
0x302: {  	v15 =	vadd.s32 $0x16F6, v3  }
0x303: {  	[tilespmem:s20+$0x6680] =	vst v4  }
0x304: {  	v16 =	vadd.s32 $0x1A7D, v0;
	v4 =	vld.idx.msk [tilespmem:v13+s2+$0x0], $0xffff  }
0x305: {  	v7 =	vld.idx.msk [tilespmem:v14+s2+$0x0], $0xffff;
	_ =	sdelay $0x1  }
0x306: {  	v5 =	vld.idx.msk [tilespmem:v15+s2+$0x0], $0xffff;
	_ =	sdelay $0x1  }
0x307: {  	v6 =	vld.idx.msk [tilespmem:v16+s2+$0x0], $0xffff  }
0x308: {  	v4 =	vadd.f32 v7, v4;
	_ =	sdelay $0x1  }
0x309: {  	v17 =	vadd.s32 $0x4A, v1;
	v4 =	vadd.f32 v5, v4  }
0x30a: {  	v18 =	vadd.s32 $0x6D7, v2  }
0x30b: {  	v4 =	vadd.f32 v6, v4  }
0x30c: {  	v19 =	vadd.s32 $0x16F7, v3  }
0x30d: {  	[tilespmem:s20+$0x6700] =	vst v4  }
0x30e: {  	v20 =	vadd.s32 $0x1A7E, v0;
	v4 =	vld.idx.msk [tilespmem:v17+s2+$0x0], $0xffff  }
0x30f: {  	v7 =	vld.idx.msk [tilespmem:v18+s2+$0x0], $0xffff;
	_ =	sdelay $0x1  }
0x310: {  	v6 =	vld.idx.msk [tilespmem:v19+s2+$0x0], $0xffff;
	_ =	sdelay $0x1  }
0x311: {  	v5 =	vld.idx.msk [tilespmem:v20+s2+$0x0], $0xffff  }
0x312: {  	v4 =	vadd.f32 v7, v4;
	_ =	sdelay $0x1  }
0x313: {  	v21 =	vadd.s32 $0x4B, v1;
	v4 =	vadd.f32 v6, v4  }
0x314: {  	v22 =	vadd.s32 $0x6D8, v2  }
0x315: {  	v4 =	vadd.f32 v5, v4  }
0x316: {  	v23 =	vadd.s32 $0x16F8, v3  }
0x317: {  	[tilespmem:s20+$0x6780] =	vst v4  }
0x318: {  	v24 =	vadd.s32 $0x1A7F, v0;
	v4 =	vld.idx.msk [tilespmem:v21+s2+$0x0], $0xffff  }
0x319: {  	v7 =	vld.idx.msk [tilespmem:v22+s2+$0x0], $0xffff;
	_ =	sdelay $0x1  }
0x31a: {  	v5 =	vld.idx.msk [tilespmem:v23+s2+$0x0], $0xffff;
	_ =	sdelay $0x1  }
0x31b: {  	v6 =	vld.idx.msk [tilespmem:v24+s2+$0x0], $0xffff  }
0x31c: {  	v4 =	vadd.f32 v7, v4;
	_ =	sdelay $0x1  }
0x31d: {  	v25 =	vadd.s32 $0x4C, v1;
	v4 =	vadd.f32 v5, v4  }
0x31e: {  	v26 =	vadd.s32 $0x6D9, v2  }
0x31f: {  	v4 =	vadd.f32 v6, v4  }
0x320: {  	v27 =	vadd.s32 $0x16F9, v3  }
0x321: {  	[tilespmem:s20+$0x6800] =	vst v4  }
0x322: {  	v28 =	vadd.s32 $0x1A80, v0;
	v4 =	vld.idx.msk [tilespmem:v25+s2+$0x0], $0xffff  }
0x323: {  	v7 =	vld.idx.msk [tilespmem:v26+s2+$0x0], $0xffff;
	_ =	sdelay $0x1  }
0x324: {  	v6 =	vld.idx.msk [tilespmem:v27+s2+$0x0], $0xffff;
	_ =	sdelay $0x1  }
0x325: {  	v5 =	vld.idx.msk [tilespmem:v28+s2+$0x0], $0xffff  }
0x326: {  	v4 =	vadd.f32 v7, v4;
	_ =	sdelay $0x1  }
0x327: {  	v29 =	vadd.s32 $0x4D, v1;
	v4 =	vadd.f32 v6, v4  }
0x328: {  	v30 =	vadd.s32 $0x6DA, v2  }
0x329: {  	v4 =	vadd.f32 v5, v4  }
0x32a: {  	v31 =	vadd.s32 $0x16FA, v3  }
0x32b: {  	[tilespmem:s20+$0x6880] =	vst v4  }
0x32c: {  	v32 =	vadd.s32 $0x1A81, v0;
	v4 =	vld.idx.msk [tilespmem:v29+s2+$0x0], $0xffff  }
0x32d: {  	v7 =	vld.idx.msk [tilespmem:v30+s2+$0x0], $0xffff;
	_ =	sdelay $0x1  }
0x32e: {  	v5 =	vld.idx.msk [tilespmem:v31+s2+$0x0], $0xffff;
	_ =	sdelay $0x1  }
0x32f: {  	v6 =	vld.idx.msk [tilespmem:v32+s2+$0x0], $0xffff  }
0x330: {  	v4 =	vadd.f32 v7, v4;
	_ =	sdelay $0x1  }
0x331: {  	v33 =	vadd.s32 $0x4E, v1;
	v4 =	vadd.f32 v5, v4  }
0x332: {  	v34 =	vadd.s32 $0x6DB, v2  }
0x333: {  	v4 =	vadd.f32 v6, v4  }
0x334: {  	v35 =	vadd.s32 $0x16FB, v3  }
0x335: {  	[tilespmem:s20+$0x6900] =	vst v4  }
0x336: {  	v36 =	vadd.s32 $0x1A82, v0;
	v4 =	vld.idx.msk [tilespmem:v33+s2+$0x0], $0xffff  }
0x337: {  	v7 =	vld.idx.msk [tilespmem:v34+s2+$0x0], $0xffff;
	_ =	sdelay $0x1  }
0x338: {  	v6 =	vld.idx.msk [tilespmem:v35+s2+$0x0], $0xffff;
	_ =	sdelay $0x1  }
0x339: {  	v5 =	vld.idx.msk [tilespmem:v36+s2+$0x0], $0xffff  }
0x33a: {  	v4 =	vadd.f32 v7, v4;
	_ =	sdelay $0x1  }
0x33b: {  	v37 =	vadd.s32 $0x4F, v1;
	v4 =	vadd.f32 v6, v4  }
0x33c: {  	v38 =	vadd.s32 $0x6DC, v2  }
0x33d: {  	v4 =	vadd.f32 v5, v4  }
0x33e: {  	v39 =	vadd.s32 $0x16FC, v3  }
0x33f: {  	[tilespmem:s20+$0x6980] =	vst v4  }
0x340: {  	v40 =	vadd.s32 $0x1A83, v0;
	v4 =	vld.idx.msk [tilespmem:v37+s2+$0x0], $0xffff  }
0x341: {  	v7 =	vld.idx.msk [tilespmem:v38+s2+$0x0], $0xffff;
	_ =	sdelay $0x1  }
0x342: {  	v5 =	vld.idx.msk [tilespmem:v39+s2+$0x0], $0xffff;
	_ =	sdelay $0x1  }
0x343: {  	v6 =	vld.idx.msk [tilespmem:v40+s2+$0x0], $0xffff  }
0x344: {  	v4 =	vadd.f32 v7, v4;
	_ =	sdelay $0x1  }
0x345: {  	v41 =	vadd.s32 $0x50, v1;
	v4 =	vadd.f32 v5, v4  }
0x346: {  	v42 =	vadd.s32 $0x6DD, v2  }
0x347: {  	v4 =	vadd.f32 v6, v4  }
0x348: {  	v43 =	vadd.s32 $0x16FD, v3  }
0x349: {  	[tilespmem:s20+$0x6A00] =	vst v4  }
0x34a: {  	v44 =	vadd.s32 $0x1A84, v0;
	v4 =	vld.idx.msk [tilespmem:v41+s2+$0x0], $0xffff  }
0x34b: {  	v7 =	vld.idx.msk [tilespmem:v42+s2+$0x0], $0xffff;
	_ =	sdelay $0x1  }
0x34c: {  	v6 =	vld.idx.msk [tilespmem:v43+s2+$0x0], $0xffff;
	_ =	sdelay $0x1  }
0x34d: {  	v5 =	vld.idx.msk [tilespmem:v44+s2+$0x0], $0xffff  }
0x34e: {  	v4 =	vadd.f32 v7, v4;
	_ =	sdelay $0x1  }
0x34f: {  	v45 =	vadd.s32 $0x51, v1;
	v4 =	vadd.f32 v6, v4  }
0x350: {  	v46 =	vadd.s32 $0x6DE, v2  }
0x351: {  	v4 =	vadd.f32 v5, v4  }
0x352: {  	v47 =	vadd.s32 $0x16FE, v3  }
0x353: {  	[tilespmem:s20+$0x6A80] =	vst v4  }
0x354: {  	v48 =	vadd.s32 $0x1A85, v0;
	v4 =	vld.idx.msk [tilespmem:v45+s2+$0x0], $0xffff  }
0x355: {  	v7 =	vld.idx.msk [tilespmem:v46+s2+$0x0], $0xffff;
	_ =	sdelay $0x1  }
0x356: {  	v5 =	vld.idx.msk [tilespmem:v47+s2+$0x0], $0xffff;
	_ =	sdelay $0x1  }
0x357: {  	v6 =	vld.idx.msk [tilespmem:v48+s2+$0x0], $0xffff  }
0x358: {  	v4 =	vadd.f32 v7, v4;
	_ =	sdelay $0x1  }
0x359: {  	v49 =	vadd.s32 $0x52, v1;
	v4 =	vadd.f32 v5, v4  }
0x35a: {  	v50 =	vadd.s32 $0x6DF, v2  }
0x35b: {  	v4 =	vadd.f32 v6, v4  }
0x35c: {  	v51 =	vadd.s32 $0x16FF, v3  }
0x35d: {  	[tilespmem:s20+$0x6B00] =	vst v4  }
0x35e: {  	v52 =	vadd.s32 $0x1A86, v0;
	v4 =	vld.idx.msk [tilespmem:v49+s2+$0x0], $0xffff  }
0x35f: {  	v7 =	vld.idx.msk [tilespmem:v50+s2+$0x0], $0xffff;
	_ =	sdelay $0x1  }
0x360: {  	v6 =	vld.idx.msk [tilespmem:v51+s2+$0x0], $0xffff;
	_ =	sdelay $0x1  }
0x361: {  	v5 =	vld.idx.msk [tilespmem:v52+s2+$0x0], $0xffff  }
0x362: {  	v4 =	vadd.f32 v7, v4;
	_ =	sdelay $0x1  }
0x363: {  	v53 =	vadd.s32 $0x53, v1;
	v4 =	vadd.f32 v6, v4  }
0x364: {  	v54 =	vadd.s32 $0x6E0, v2  }
0x365: {  	v4 =	vadd.f32 v5, v4  }
0x366: {  	v55 =	vadd.s32 $0x1700, v3  }
0x367: {  	[tilespmem:s20+$0x6B80] =	vst v4  }
0x368: {  	v56 =	vadd.s32 $0x1A87, v0;
	v4 =	vld.idx.msk [tilespmem:v53+s2+$0x0], $0xffff  }
0x369: {  	v7 =	vld.idx.msk [tilespmem:v54+s2+$0x0], $0xffff;
	_ =	sdelay $0x1  }
0x36a: {  	v5 =	vld.idx.msk [tilespmem:v55+s2+$0x0], $0xffff;
	_ =	sdelay $0x1  }
0x36b: {  	v6 =	vld.idx.msk [tilespmem:v56+s2+$0x0], $0xffff  }
0x36c: {  	v4 =	vadd.f32 v7, v4;
	_ =	sdelay $0x1  }
0x36d: {  	v57 =	vadd.s32 $0x54, v1;
	v4 =	vadd.f32 v5, v4  }
0x36e: {  	v58 =	vadd.s32 $0x6E1, v2  }
0x36f: {  	v4 =	vadd.f32 v6, v4  }
0x370: {  	v59 =	vadd.s32 $0x1701, v3  }
0x371: {  	[tilespmem:s20+$0x6C00] =	vst v4  }
0x372: {  	v60 =	vadd.s32 $0x1A88, v0;
	v4 =	vld.idx.msk [tilespmem:v57+s2+$0x0], $0xffff  }
0x373: {  	v7 =	vld.idx.msk [tilespmem:v58+s2+$0x0], $0xffff;
	_ =	sdelay $0x1  }
0x374: {  	v6 =	vld.idx.msk [tilespmem:v59+s2+$0x0], $0xffff;
	_ =	sdelay $0x1  }
0x375: {  	v5 =	vld.idx.msk [tilespmem:v60+s2+$0x0], $0xffff  }
0x376: {  	v4 =	vadd.f32 v7, v4;
	_ =	sdelay $0x1  }
0x377: {  	v61 =	vadd.s32 $0x55, v1;
	v4 =	vadd.f32 v6, v4  }
0x378: {  	v62 =	vadd.s32 $0x6E2, v2  }
0x379: {  	v4 =	vadd.f32 v5, v4  }
0x37a: {  	v63 =	vadd.s32 $0x1702, v3  }
0x37b: {  	[tilespmem:s20+$0x6C80] =	vst v4  }
0x37c: {  	v9 =	vadd.s32 $0x1A89, v0;
	v4 =	vld.idx.msk [tilespmem:v61+s2+$0x0], $0xffff  }
0x37d: {  	v7 =	vld.idx.msk [tilespmem:v62+s2+$0x0], $0xffff;
	_ =	sdelay $0x1  }
0x37e: {  	v5 =	vld.idx.msk [tilespmem:v63+s2+$0x0], $0xffff;
	_ =	sdelay $0x1  }
0x37f: {  	v6 =	vld.idx.msk [tilespmem:v9+s2+$0x0], $0xffff  }
0x380: {  	v4 =	vadd.f32 v7, v4;
	_ =	sdelay $0x1  }
0x381: {  	v10 =	vadd.s32 $0x56, v1;
	v4 =	vadd.f32 v5, v4  }
0x382: {  	v11 =	vadd.s32 $0x6E3, v2  }
0x383: {  	v4 =	vadd.f32 v6, v4  }
0x384: {  	v12 =	vadd.s32 $0x1703, v3  }
0x385: {  	[tilespmem:s20+$0x6D00] =	vst v4  }
0x386: {  	v13 =	vadd.s32 $0x1A8A, v0;
	v4 =	vld.idx.msk [tilespmem:v10+s2+$0x0], $0xffff  }
0x387: {  	v7 =	vld.idx.msk [tilespmem:v11+s2+$0x0], $0xffff;
	_ =	sdelay $0x1  }
0x388: {  	v6 =	vld.idx.msk [tilespmem:v12+s2+$0x0], $0xffff;
	_ =	sdelay $0x1  }
0x389: {  	v5 =	vld.idx.msk [tilespmem:v13+s2+$0x0], $0xffff  }
0x38a: {  	v4 =	vadd.f32 v7, v4;
	_ =	sdelay $0x1  }
0x38b: {  	v14 =	vadd.s32 $0x57, v1;
	v4 =	vadd.f32 v6, v4  }
0x38c: {  	v15 =	vadd.s32 $0x6E4, v2  }
0x38d: {  	v4 =	vadd.f32 v5, v4  }
0x38e: {  	v16 =	vadd.s32 $0x1704, v3  }
0x38f: {  	[tilespmem:s20+$0x6D80] =	vst v4  }
0x390: {  	v17 =	vadd.s32 $0x1A8B, v0;
	v4 =	vld.idx.msk [tilespmem:v14+s2+$0x0], $0xffff  }
0x391: {  	v7 =	vld.idx.msk [tilespmem:v15+s2+$0x0], $0xffff;
	_ =	sdelay $0x1  }
0x392: {  	v5 =	vld.idx.msk [tilespmem:v16+s2+$0x0], $0xffff;
	_ =	sdelay $0x1  }
0x393: {  	v6 =	vld.idx.msk [tilespmem:v17+s2+$0x0], $0xffff  }
0x394: {  	v4 =	vadd.f32 v7, v4;
	_ =	sdelay $0x1  }
0x395: {  	v18 =	vadd.s32 $0x58, v1;
	v4 =	vadd.f32 v5, v4  }
0x396: {  	v19 =	vadd.s32 $0x6E5, v2  }
0x397: {  	v4 =	vadd.f32 v6, v4  }
0x398: {  	v20 =	vadd.s32 $0x1705, v3  }
0x399: {  	[tilespmem:s20+$0x6E00] =	vst v4  }
0x39a: {  	v21 =	vadd.s32 $0x1A8C, v0;
	v4 =	vld.idx.msk [tilespmem:v18+s2+$0x0], $0xffff  }
0x39b: {  	v7 =	vld.idx.msk [tilespmem:v19+s2+$0x0], $0xffff;
	_ =	sdelay $0x1  }
0x39c: {  	v6 =	vld.idx.msk [tilespmem:v20+s2+$0x0], $0xffff;
	_ =	sdelay $0x1  }
0x39d: {  	v5 =	vld.idx.msk [tilespmem:v21+s2+$0x0], $0xffff  }
0x39e: {  	v4 =	vadd.f32 v7, v4;
	_ =	sdelay $0x1  }
0x39f: {  	v22 =	vadd.s32 $0x59, v1;
	v4 =	vadd.f32 v6, v4  }
0x3a0: {  	v23 =	vadd.s32 $0x6E6, v2  }
0x3a1: {  	v4 =	vadd.f32 v5, v4  }
0x3a2: {  	v24 =	vadd.s32 $0x1706, v3  }
0x3a3: {  	[tilespmem:s20+$0x6E80] =	vst v4  }
0x3a4: {  	v25 =	vadd.s32 $0x1A8D, v0;
	v4 =	vld.idx.msk [tilespmem:v22+s2+$0x0], $0xffff  }
0x3a5: {  	v7 =	vld.idx.msk [tilespmem:v23+s2+$0x0], $0xffff;
	_ =	sdelay $0x1  }
0x3a6: {  	v5 =	vld.idx.msk [tilespmem:v24+s2+$0x0], $0xffff;
	_ =	sdelay $0x1  }
0x3a7: {  	v6 =	vld.idx.msk [tilespmem:v25+s2+$0x0], $0xffff  }
0x3a8: {  	v4 =	vadd.f32 v7, v4;
	_ =	sdelay $0x1  }
0x3a9: {  	v26 =	vadd.s32 $0x5A, v1;
	v4 =	vadd.f32 v5, v4  }
0x3aa: {  	v27 =	vadd.s32 $0x6E7, v2  }
0x3ab: {  	v4 =	vadd.f32 v6, v4  }
0x3ac: {  	v28 =	vadd.s32 $0x1707, v3  }
0x3ad: {  	[tilespmem:s20+$0x6F00] =	vst v4  }
0x3ae: {  	v29 =	vadd.s32 $0x1A8E, v0;
	v4 =	vld.idx.msk [tilespmem:v26+s2+$0x0], $0xffff  }
0x3af: {  	v7 =	vld.idx.msk [tilespmem:v27+s2+$0x0], $0xffff;
	_ =	sdelay $0x1  }
0x3b0: {  	v6 =	vld.idx.msk [tilespmem:v28+s2+$0x0], $0xffff;
	_ =	sdelay $0x1  }
0x3b1: {  	v5 =	vld.idx.msk [tilespmem:v29+s2+$0x0], $0xffff  }
0x3b2: {  	v4 =	vadd.f32 v7, v4;
	_ =	sdelay $0x1  }
0x3b3: {  	v30 =	vadd.s32 $0x5B, v1;
	v4 =	vadd.f32 v6, v4  }
0x3b4: {  	v31 =	vadd.s32 $0x6E8, v2  }
0x3b5: {  	v4 =	vadd.f32 v5, v4  }
0x3b6: {  	v32 =	vadd.s32 $0x1708, v3  }
0x3b7: {  	[tilespmem:s20+$0x6F80] =	vst v4  }
0x3b8: {  	v33 =	vadd.s32 $0x1A8F, v0;
	v4 =	vld.idx.msk [tilespmem:v30+s2+$0x0], $0xffff  }
0x3b9: {  	v7 =	vld.idx.msk [tilespmem:v31+s2+$0x0], $0xffff;
	_ =	sdelay $0x1  }
0x3ba: {  	v5 =	vld.idx.msk [tilespmem:v32+s2+$0x0], $0xffff;
	_ =	sdelay $0x1  }
0x3bb: {  	v6 =	vld.idx.msk [tilespmem:v33+s2+$0x0], $0xffff  }
0x3bc: {  	v4 =	vadd.f32 v7, v4;
	_ =	sdelay $0x1  }
0x3bd: {  	v34 =	vadd.s32 $0x5C, v1;
	v4 =	vadd.f32 v5, v4  }
0x3be: {  	v35 =	vadd.s32 $0x6E9, v2  }
0x3bf: {  	v4 =	vadd.f32 v6, v4  }
0x3c0: {  	v36 =	vadd.s32 $0x1709, v3  }
0x3c1: {  	[tilespmem:s20+$0x7000] =	vst v4  }
0x3c2: {  	v37 =	vadd.s32 $0x1A90, v0;
	v4 =	vld.idx.msk [tilespmem:v34+s2+$0x0], $0xffff  }
0x3c3: {  	v7 =	vld.idx.msk [tilespmem:v35+s2+$0x0], $0xffff;
	_ =	sdelay $0x1  }
0x3c4: {  	v6 =	vld.idx.msk [tilespmem:v36+s2+$0x0], $0xffff;
	_ =	sdelay $0x1  }
0x3c5: {  	v5 =	vld.idx.msk [tilespmem:v37+s2+$0x0], $0xffff  }
0x3c6: {  	v4 =	vadd.f32 v7, v4;
	_ =	sdelay $0x1  }
0x3c7: {  	v38 =	vadd.s32 $0x5D, v1;
	v4 =	vadd.f32 v6, v4  }
0x3c8: {  	v39 =	vadd.s32 $0x6EA, v2  }
0x3c9: {  	v4 =	vadd.f32 v5, v4  }
0x3ca: {  	v40 =	vadd.s32 $0x170A, v3  }
0x3cb: {  	[tilespmem:s20+$0x7080] =	vst v4  }
0x3cc: {  	v41 =	vadd.s32 $0x1A91, v0;
	v4 =	vld.idx.msk [tilespmem:v38+s2+$0x0], $0xffff  }
0x3cd: {  	v7 =	vld.idx.msk [tilespmem:v39+s2+$0x0], $0xffff;
	_ =	sdelay $0x1  }
0x3ce: {  	v5 =	vld.idx.msk [tilespmem:v40+s2+$0x0], $0xffff;
	_ =	sdelay $0x1  }
0x3cf: {  	v6 =	vld.idx.msk [tilespmem:v41+s2+$0x0], $0xffff  }
0x3d0: {  	v4 =	vadd.f32 v7, v4;
	_ =	sdelay $0x1  }
0x3d1: {  	v42 =	vadd.s32 $0x5E, v1;
	v4 =	vadd.f32 v5, v4  }
0x3d2: {  	v43 =	vadd.s32 $0x6EB, v2  }
0x3d3: {  	v4 =	vadd.f32 v6, v4  }
0x3d4: {  	v44 =	vadd.s32 $0x170B, v3  }
0x3d5: {  	[tilespmem:s20+$0x7100] =	vst v4  }
0x3d6: {  	v45 =	vadd.s32 $0x1A92, v0;
	v4 =	vld.idx.msk [tilespmem:v42+s2+$0x0], $0xffff  }
0x3d7: {  	v7 =	vld.idx.msk [tilespmem:v43+s2+$0x0], $0xffff;
	_ =	sdelay $0x1  }
0x3d8: {  	v6 =	vld.idx.msk [tilespmem:v44+s2+$0x0], $0xffff;
	_ =	sdelay $0x1  }
0x3d9: {  	v5 =	vld.idx.msk [tilespmem:v45+s2+$0x0], $0xffff  }
0x3da: {  	v4 =	vadd.f32 v7, v4;
	_ =	sdelay $0x1  }
0x3db: {  	v46 =	vadd.s32 $0x5F, v1;
	v4 =	vadd.f32 v6, v4  }
0x3dc: {  	v47 =	vadd.s32 $0x6EC, v2  }
0x3dd: {  	v4 =	vadd.f32 v5, v4  }
0x3de: {  	v48 =	vadd.s32 $0x170C, v3  }
0x3df: {  	[tilespmem:s20+$0x7180] =	vst v4  }
0x3e0: {  	v49 =	vadd.s32 $0x1A93, v0;
	v4 =	vld.idx.msk [tilespmem:v46+s2+$0x0], $0xffff  }
0x3e1: {  	v7 =	vld.idx.msk [tilespmem:v47+s2+$0x0], $0xffff;
	_ =	sdelay $0x1  }
0x3e2: {  	v5 =	vld.idx.msk [tilespmem:v48+s2+$0x0], $0xffff;
	_ =	sdelay $0x1  }
0x3e3: {  	v6 =	vld.idx.msk [tilespmem:v49+s2+$0x0], $0xffff  }
0x3e4: {  	v4 =	vadd.f32 v7, v4;
	_ =	sdelay $0x1  }
0x3e5: {  	v50 =	vadd.s32 $0x60, v1;
	v4 =	vadd.f32 v5, v4  }
0x3e6: {  	v51 =	vadd.s32 $0x6ED, v2  }
0x3e7: {  	v4 =	vadd.f32 v6, v4  }
0x3e8: {  	v52 =	vadd.s32 $0x170D, v3  }
0x3e9: {  	[tilespmem:s20+$0x7200] =	vst v4  }
0x3ea: {  	v53 =	vadd.s32 $0x1A94, v0;
	v4 =	vld.idx.msk [tilespmem:v50+s2+$0x0], $0xffff  }
0x3eb: {  	v7 =	vld.idx.msk [tilespmem:v51+s2+$0x0], $0xffff;
	_ =	sdelay $0x1  }
0x3ec: {  	v6 =	vld.idx.msk [tilespmem:v52+s2+$0x0], $0xffff;
	_ =	sdelay $0x1  }
0x3ed: {  	v5 =	vld.idx.msk [tilespmem:v53+s2+$0x0], $0xffff  }
0x3ee: {  	v4 =	vadd.f32 v7, v4;
	_ =	sdelay $0x1  }
0x3ef: {  	v54 =	vadd.s32 $0x61, v1;
	v4 =	vadd.f32 v6, v4  }
0x3f0: {  	v55 =	vadd.s32 $0x6EE, v2  }
0x3f1: {  	v4 =	vadd.f32 v5, v4  }
0x3f2: {  	v56 =	vadd.s32 $0x170E, v3  }
0x3f3: {  	[tilespmem:s20+$0x7280] =	vst v4  }
0x3f4: {  	v57 =	vadd.s32 $0x1A95, v0;
	v4 =	vld.idx.msk [tilespmem:v54+s2+$0x0], $0xffff  }
0x3f5: {  	v7 =	vld.idx.msk [tilespmem:v55+s2+$0x0], $0xffff;
	_ =	sdelay $0x1  }
0x3f6: {  	v5 =	vld.idx.msk [tilespmem:v56+s2+$0x0], $0xffff;
	_ =	sdelay $0x1  }
0x3f7: {  	v6 =	vld.idx.msk [tilespmem:v57+s2+$0x0], $0xffff  }
0x3f8: {  	v4 =	vadd.f32 v7, v4;
	_ =	sdelay $0x1  }
0x3f9: {  	v58 =	vadd.s32 $0x62, v1;
	v4 =	vadd.f32 v5, v4  }
0x3fa: {  	v59 =	vadd.s32 $0x6EF, v2  }
0x3fb: {  	v4 =	vadd.f32 v6, v4  }
0x3fc: {  	v60 =	vadd.s32 $0x170F, v3  }
0x3fd: {  	[tilespmem:s20+$0x7300] =	vst v4  }
0x3fe: {  	v61 =	vadd.s32 $0x1A96, v0;
	v4 =	vld.idx.msk [tilespmem:v58+s2+$0x0], $0xffff  }
0x3ff: {  	v7 =	vld.idx.msk [tilespmem:v59+s2+$0x0], $0xffff;
	_ =	sdelay $0x1  }
0x400: {  	v6 =	vld.idx.msk [tilespmem:v60+s2+$0x0], $0xffff;
	_ =	sdelay $0x1  }
0x401: {  	v5 =	vld.idx.msk [tilespmem:v61+s2+$0x0], $0xffff  }
0x402: {  	v4 =	vadd.f32 v7, v4;
	_ =	sdelay $0x1  }
0x403: {  	v62 =	vadd.s32 $0x63, v1;
	v4 =	vadd.f32 v6, v4  }
0x404: {  	v63 =	vadd.s32 $0x6F0, v2  }
0x405: {  	v4 =	vadd.f32 v5, v4  }
0x406: {  	v9 =	vadd.s32 $0x1710, v3  }
0x407: {  	[tilespmem:s20+$0x7380] =	vst v4  }
0x408: {  	v10 =	vadd.s32 $0x1A97, v0;
	v4 =	vld.idx.msk [tilespmem:v62+s2+$0x0], $0xffff  }
0x409: {  	v7 =	vld.idx.msk [tilespmem:v63+s2+$0x0], $0xffff;
	_ =	sdelay $0x1  }
0x40a: {  	v5 =	vld.idx.msk [tilespmem:v9+s2+$0x0], $0xffff;
	_ =	sdelay $0x1  }
0x40b: {  	v6 =	vld.idx.msk [tilespmem:v10+s2+$0x0], $0xffff  }
0x40c: {  	v4 =	vadd.f32 v7, v4;
	_ =	sdelay $0x1  }
0x40d: {  	v11 =	vadd.s32 $0x64, v1;
	v4 =	vadd.f32 v5, v4  }
0x40e: {  	v12 =	vadd.s32 $0x6F1, v2  }
0x40f: {  	v4 =	vadd.f32 v6, v4  }
0x410: {  	v13 =	vadd.s32 $0x1711, v3  }
0x411: {  	[tilespmem:s20+$0x7400] =	vst v4  }
0x412: {  	v14 =	vadd.s32 $0x1A98, v0;
	v4 =	vld.idx.msk [tilespmem:v11+s2+$0x0], $0xffff  }
0x413: {  	v7 =	vld.idx.msk [tilespmem:v12+s2+$0x0], $0xffff;
	_ =	sdelay $0x1  }
0x414: {  	v6 =	vld.idx.msk [tilespmem:v13+s2+$0x0], $0xffff;
	_ =	sdelay $0x1  }
0x415: {  	v5 =	vld.idx.msk [tilespmem:v14+s2+$0x0], $0xffff  }
0x416: {  	v4 =	vadd.f32 v7, v4;
	_ =	sdelay $0x1  }
0x417: {  	v15 =	vadd.s32 $0x65, v1;
	v4 =	vadd.f32 v6, v4  }
0x418: {  	v16 =	vadd.s32 $0x6F2, v2  }
0x419: {  	v4 =	vadd.f32 v5, v4  }
0x41a: {  	v17 =	vadd.s32 $0x1712, v3  }
0x41b: {  	[tilespmem:s20+$0x7480] =	vst v4  }
0x41c: {  	v18 =	vadd.s32 $0x1A99, v0;
	v4 =	vld.idx.msk [tilespmem:v15+s2+$0x0], $0xffff  }
0x41d: {  	v7 =	vld.idx.msk [tilespmem:v16+s2+$0x0], $0xffff;
	_ =	sdelay $0x1  }
0x41e: {  	v5 =	vld.idx.msk [tilespmem:v17+s2+$0x0], $0xffff;
	_ =	sdelay $0x1  }
0x41f: {  	v6 =	vld.idx.msk [tilespmem:v18+s2+$0x0], $0xffff  }
0x420: {  	v4 =	vadd.f32 v7, v4;
	_ =	sdelay $0x1  }
0x421: {  	v19 =	vadd.s32 $0x66, v1;
	v4 =	vadd.f32 v5, v4  }
0x422: {  	v20 =	vadd.s32 $0x6F3, v2  }
0x423: {  	v4 =	vadd.f32 v6, v4  }
0x424: {  	v21 =	vadd.s32 $0x1713, v3  }
0x425: {  	[tilespmem:s20+$0x7500] =	vst v4  }
0x426: {  	v22 =	vadd.s32 $0x1A9A, v0;
	v4 =	vld.idx.msk [tilespmem:v19+s2+$0x0], $0xffff  }
0x427: {  	v7 =	vld.idx.msk [tilespmem:v20+s2+$0x0], $0xffff;
	_ =	sdelay $0x1  }
0x428: {  	v6 =	vld.idx.msk [tilespmem:v21+s2+$0x0], $0xffff;
	_ =	sdelay $0x1  }
0x429: {  	v5 =	vld.idx.msk [tilespmem:v22+s2+$0x0], $0xffff  }
0x42a: {  	v4 =	vadd.f32 v7, v4;
	_ =	sdelay $0x1  }
0x42b: {  	v23 =	vadd.s32 $0x67, v1;
	v4 =	vadd.f32 v6, v4  }
0x42c: {  	v24 =	vadd.s32 $0x6F4, v2  }
0x42d: {  	v4 =	vadd.f32 v5, v4  }
0x42e: {  	v25 =	vadd.s32 $0x1714, v3  }
0x42f: {  	[tilespmem:s20+$0x7580] =	vst v4  }
0x430: {  	v26 =	vadd.s32 $0x1A9B, v0;
	v4 =	vld.idx.msk [tilespmem:v23+s2+$0x0], $0xffff  }
0x431: {  	v7 =	vld.idx.msk [tilespmem:v24+s2+$0x0], $0xffff;
	_ =	sdelay $0x1  }
0x432: {  	v5 =	vld.idx.msk [tilespmem:v25+s2+$0x0], $0xffff;
	_ =	sdelay $0x1  }
0x433: {  	v6 =	vld.idx.msk [tilespmem:v26+s2+$0x0], $0xffff  }
0x434: {  	v4 =	vadd.f32 v7, v4;
	_ =	sdelay $0x1  }
0x435: {  	v27 =	vadd.s32 $0x68, v1;
	v4 =	vadd.f32 v5, v4  }
0x436: {  	v28 =	vadd.s32 $0x6F5, v2  }
0x437: {  	v4 =	vadd.f32 v6, v4  }
0x438: {  	v29 =	vadd.s32 $0x1715, v3  }
0x439: {  	[tilespmem:s20+$0x7600] =	vst v4  }
0x43a: {  	v30 =	vadd.s32 $0x1A9C, v0;
	v4 =	vld.idx.msk [tilespmem:v27+s2+$0x0], $0xffff  }
0x43b: {  	v7 =	vld.idx.msk [tilespmem:v28+s2+$0x0], $0xffff;
	_ =	sdelay $0x1  }
0x43c: {  	v6 =	vld.idx.msk [tilespmem:v29+s2+$0x0], $0xffff;
	_ =	sdelay $0x1  }
0x43d: {  	v5 =	vld.idx.msk [tilespmem:v30+s2+$0x0], $0xffff  }
0x43e: {  	v4 =	vadd.f32 v7, v4;
	_ =	sdelay $0x1  }
0x43f: {  	v31 =	vadd.s32 $0x69, v1;
	v4 =	vadd.f32 v6, v4  }
0x440: {  	v32 =	vadd.s32 $0x6F6, v2  }
0x441: {  	v4 =	vadd.f32 v5, v4  }
0x442: {  	v33 =	vadd.s32 $0x1716, v3  }
0x443: {  	[tilespmem:s20+$0x7680] =	vst v4  }
0x444: {  	v34 =	vadd.s32 $0x1A9D, v0;
	v4 =	vld.idx.msk [tilespmem:v31+s2+$0x0], $0xffff  }
0x445: {  	v7 =	vld.idx.msk [tilespmem:v32+s2+$0x0], $0xffff;
	_ =	sdelay $0x1  }
0x446: {  	v5 =	vld.idx.msk [tilespmem:v33+s2+$0x0], $0xffff;
	_ =	sdelay $0x1  }
0x447: {  	v6 =	vld.idx.msk [tilespmem:v34+s2+$0x0], $0xffff  }
0x448: {  	v4 =	vadd.f32 v7, v4;
	_ =	sdelay $0x1  }
0x449: {  	v35 =	vadd.s32 $0x6A, v1;
	v4 =	vadd.f32 v5, v4  }
0x44a: {  	v36 =	vadd.s32 $0x6F7, v2  }
0x44b: {  	v4 =	vadd.f32 v6, v4  }
0x44c: {  	v37 =	vadd.s32 $0x1717, v3  }
0x44d: {  	[tilespmem:s20+$0x7700] =	vst v4  }
0x44e: {  	v38 =	vadd.s32 $0x1A9E, v0;
	v4 =	vld.idx.msk [tilespmem:v35+s2+$0x0], $0xffff  }
0x44f: {  	v7 =	vld.idx.msk [tilespmem:v36+s2+$0x0], $0xffff;
	_ =	sdelay $0x1  }
0x450: {  	v6 =	vld.idx.msk [tilespmem:v37+s2+$0x0], $0xffff;
	_ =	sdelay $0x1  }
0x451: {  	v5 =	vld.idx.msk [tilespmem:v38+s2+$0x0], $0xffff  }
0x452: {  	v4 =	vadd.f32 v7, v4;
	_ =	sdelay $0x1  }
0x453: {  	v39 =	vadd.s32 $0x6B, v1;
	v4 =	vadd.f32 v6, v4  }
0x454: {  	v40 =	vadd.s32 $0x6F8, v2  }
0x455: {  	v4 =	vadd.f32 v5, v4  }
0x456: {  	v41 =	vadd.s32 $0x1718, v3  }
0x457: {  	[tilespmem:s20+$0x7780] =	vst v4  }
0x458: {  	v42 =	vadd.s32 $0x1A9F, v0;
	v4 =	vld.idx.msk [tilespmem:v39+s2+$0x0], $0xffff  }
0x459: {  	v7 =	vld.idx.msk [tilespmem:v40+s2+$0x0], $0xffff;
	_ =	sdelay $0x1  }
0x45a: {  	v5 =	vld.idx.msk [tilespmem:v41+s2+$0x0], $0xffff;
	_ =	sdelay $0x1  }
0x45b: {  	v6 =	vld.idx.msk [tilespmem:v42+s2+$0x0], $0xffff  }
0x45c: {  	v4 =	vadd.f32 v7, v4;
	_ =	sdelay $0x1  }
0x45d: {  	v43 =	vadd.s32 $0x6C, v1;
	v4 =	vadd.f32 v5, v4  }
0x45e: {  	v44 =	vadd.s32 $0x6F9, v2  }
0x45f: {  	v4 =	vadd.f32 v6, v4  }
0x460: {  	v45 =	vadd.s32 $0x1719, v3  }
0x461: {  	[tilespmem:s20+$0x7800] =	vst v4  }
0x462: {  	v46 =	vadd.s32 $0x1AA0, v0;
	v4 =	vld.idx.msk [tilespmem:v43+s2+$0x0], $0xffff  }
0x463: {  	v7 =	vld.idx.msk [tilespmem:v44+s2+$0x0], $0xffff;
	_ =	sdelay $0x1  }
0x464: {  	v6 =	vld.idx.msk [tilespmem:v45+s2+$0x0], $0xffff;
	_ =	sdelay $0x1  }
0x465: {  	v5 =	vld.idx.msk [tilespmem:v46+s2+$0x0], $0xffff  }
0x466: {  	v4 =	vadd.f32 v7, v4;
	_ =	sdelay $0x1  }
0x467: {  	v47 =	vadd.s32 $0x6D, v1;
	v4 =	vadd.f32 v6, v4  }
0x468: {  	v48 =	vadd.s32 $0x6FA, v2  }
0x469: {  	v4 =	vadd.f32 v5, v4  }
0x46a: {  	v49 =	vadd.s32 $0x171A, v3  }
0x46b: {  	[tilespmem:s20+$0x7880] =	vst v4  }
0x46c: {  	v50 =	vadd.s32 $0x1AA1, v0;
	v4 =	vld.idx.msk [tilespmem:v47+s2+$0x0], $0xffff  }
0x46d: {  	v7 =	vld.idx.msk [tilespmem:v48+s2+$0x0], $0xffff;
	_ =	sdelay $0x1  }
0x46e: {  	v5 =	vld.idx.msk [tilespmem:v49+s2+$0x0], $0xffff;
	_ =	sdelay $0x1  }
0x46f: {  	v6 =	vld.idx.msk [tilespmem:v50+s2+$0x0], $0xffff  }
0x470: {  	v4 =	vadd.f32 v7, v4;
	_ =	sdelay $0x1  }
0x471: {  	v51 =	vadd.s32 $0x6E, v1;
	v4 =	vadd.f32 v5, v4  }
0x472: {  	v52 =	vadd.s32 $0x6FB, v2  }
0x473: {  	v4 =	vadd.f32 v6, v4  }
0x474: {  	v53 =	vadd.s32 $0x171B, v3  }
0x475: {  	[tilespmem:s20+$0x7900] =	vst v4  }
0x476: {  	v54 =	vadd.s32 $0x1AA2, v0;
	v4 =	vld.idx.msk [tilespmem:v51+s2+$0x0], $0xffff  }
0x477: {  	v7 =	vld.idx.msk [tilespmem:v52+s2+$0x0], $0xffff;
	_ =	sdelay $0x1  }
0x478: {  	v6 =	vld.idx.msk [tilespmem:v53+s2+$0x0], $0xffff;
	_ =	sdelay $0x1  }
0x479: {  	v5 =	vld.idx.msk [tilespmem:v54+s2+$0x0], $0xffff  }
0x47a: {  	v4 =	vadd.f32 v7, v4;
	_ =	sdelay $0x1  }
0x47b: {  	v55 =	vadd.s32 $0x6F, v1;
	v4 =	vadd.f32 v6, v4  }
0x47c: {  	v56 =	vadd.s32 $0x6FC, v2  }
0x47d: {  	v4 =	vadd.f32 v5, v4  }
0x47e: {  	v57 =	vadd.s32 $0x171C, v3  }
0x47f: {  	[tilespmem:s20+$0x7980] =	vst v4  }
0x480: {  	v58 =	vadd.s32 $0x1AA3, v0;
	v4 =	vld.idx.msk [tilespmem:v55+s2+$0x0], $0xffff  }
0x481: {  	v7 =	vld.idx.msk [tilespmem:v56+s2+$0x0], $0xffff;
	_ =	sdelay $0x1  }
0x482: {  	v5 =	vld.idx.msk [tilespmem:v57+s2+$0x0], $0xffff;
	_ =	sdelay $0x1  }
0x483: {  	v6 =	vld.idx.msk [tilespmem:v58+s2+$0x0], $0xffff  }
0x484: {  	v4 =	vadd.f32 v7, v4;
	_ =	sdelay $0x1  }
0x485: {  	v59 =	vadd.s32 $0x70, v1;
	v4 =	vadd.f32 v5, v4  }
0x486: {  	v60 =	vadd.s32 $0x6FD, v2  }
0x487: {  	v4 =	vadd.f32 v6, v4  }
0x488: {  	v61 =	vadd.s32 $0x171D, v3  }
0x489: {  	[tilespmem:s20+$0x7A00] =	vst v4  }
0x48a: {  	v62 =	vadd.s32 $0x1AA4, v0;
	v4 =	vld.idx.msk [tilespmem:v59+s2+$0x0], $0xffff  }
0x48b: {  	v7 =	vld.idx.msk [tilespmem:v60+s2+$0x0], $0xffff;
	_ =	sdelay $0x1  }
0x48c: {  	v6 =	vld.idx.msk [tilespmem:v61+s2+$0x0], $0xffff;
	_ =	sdelay $0x1  }
0x48d: {  	v5 =	vld.idx.msk [tilespmem:v62+s2+$0x0], $0xffff  }
0x48e: {  	v4 =	vadd.f32 v7, v4;
	_ =	sdelay $0x1  }
0x48f: {  	v63 =	vadd.s32 $0x71, v1;
	v4 =	vadd.f32 v6, v4  }
0x490: {  	v9 =	vadd.s32 $0x6FE, v2  }
0x491: {  	v4 =	vadd.f32 v5, v4  }
0x492: {  	v10 =	vadd.s32 $0x171E, v3  }
0x493: {  	[tilespmem:s20+$0x7A80] =	vst v4  }
0x494: {  	v11 =	vadd.s32 $0x1AA5, v0;
	v4 =	vld.idx.msk [tilespmem:v63+s2+$0x0], $0xffff  }
0x495: {  	v7 =	vld.idx.msk [tilespmem:v9+s2+$0x0], $0xffff;
	_ =	sdelay $0x1  }
0x496: {  	v5 =	vld.idx.msk [tilespmem:v10+s2+$0x0], $0xffff;
	_ =	sdelay $0x1  }
0x497: {  	v6 =	vld.idx.msk [tilespmem:v11+s2+$0x0], $0xffff  }
0x498: {  	v4 =	vadd.f32 v7, v4;
	_ =	sdelay $0x1  }
0x499: {  	v12 =	vadd.s32 $0x72, v1;
	v4 =	vadd.f32 v5, v4  }
0x49a: {  	v13 =	vadd.s32 $0x6FF, v2  }
0x49b: {  	v4 =	vadd.f32 v6, v4  }
0x49c: {  	v14 =	vadd.s32 $0x171F, v3  }
0x49d: {  	[tilespmem:s20+$0x7B00] =	vst v4  }
0x49e: {  	v15 =	vadd.s32 $0x1AA6, v0;
	v4 =	vld.idx.msk [tilespmem:v12+s2+$0x0], $0xffff  }
0x49f: {  	v7 =	vld.idx.msk [tilespmem:v13+s2+$0x0], $0xffff;
	_ =	sdelay $0x1  }
0x4a0: {  	v6 =	vld.idx.msk [tilespmem:v14+s2+$0x0], $0xffff;
	_ =	sdelay $0x1  }
0x4a1: {  	v5 =	vld.idx.msk [tilespmem:v15+s2+$0x0], $0xffff  }
0x4a2: {  	v4 =	vadd.f32 v7, v4;
	_ =	sdelay $0x1  }
0x4a3: {  	v16 =	vadd.s32 $0x73, v1;
	v4 =	vadd.f32 v6, v4  }
0x4a4: {  	v17 =	vadd.s32 $0x700, v2  }
0x4a5: {  	v4 =	vadd.f32 v5, v4  }
0x4a6: {  	v18 =	vadd.s32 $0x1720, v3  }
0x4a7: {  	[tilespmem:s20+$0x7B80] =	vst v4  }
0x4a8: {  	v19 =	vadd.s32 $0x1AA7, v0;
	v4 =	vld.idx.msk [tilespmem:v16+s2+$0x0], $0xffff  }
0x4a9: {  	v7 =	vld.idx.msk [tilespmem:v17+s2+$0x0], $0xffff;
	_ =	sdelay $0x1  }
0x4aa: {  	v5 =	vld.idx.msk [tilespmem:v18+s2+$0x0], $0xffff;
	_ =	sdelay $0x1  }
0x4ab: {  	v6 =	vld.idx.msk [tilespmem:v19+s2+$0x0], $0xffff  }
0x4ac: {  	v4 =	vadd.f32 v7, v4;
	_ =	sdelay $0x1  }
0x4ad: {  	v20 =	vadd.s32 $0x74, v1;
	v4 =	vadd.f32 v5, v4  }
0x4ae: {  	v21 =	vadd.s32 $0x701, v2  }
0x4af: {  	v4 =	vadd.f32 v6, v4  }
0x4b0: {  	v22 =	vadd.s32 $0x1721, v3  }
0x4b1: {  	[tilespmem:s20+$0x7C00] =	vst v4  }
0x4b2: {  	v23 =	vadd.s32 $0x1AA8, v0;
	v4 =	vld.idx.msk [tilespmem:v20+s2+$0x0], $0xffff  }
0x4b3: {  	v7 =	vld.idx.msk [tilespmem:v21+s2+$0x0], $0xffff;
	_ =	sdelay $0x1  }
0x4b4: {  	v6 =	vld.idx.msk [tilespmem:v22+s2+$0x0], $0xffff;
	_ =	sdelay $0x1  }
0x4b5: {  	v5 =	vld.idx.msk [tilespmem:v23+s2+$0x0], $0xffff  }
0x4b6: {  	v4 =	vadd.f32 v7, v4;
	_ =	sdelay $0x1  }
0x4b7: {  	v24 =	vadd.s32 $0x75, v1;
	v4 =	vadd.f32 v6, v4  }
0x4b8: {  	v25 =	vadd.s32 $0x702, v2  }
0x4b9: {  	v4 =	vadd.f32 v5, v4  }
0x4ba: {  	v26 =	vadd.s32 $0x1722, v3  }
0x4bb: {  	[tilespmem:s20+$0x7C80] =	vst v4  }
0x4bc: {  	v27 =	vadd.s32 $0x1AA9, v0;
	v4 =	vld.idx.msk [tilespmem:v24+s2+$0x0], $0xffff  }
0x4bd: {  	v7 =	vld.idx.msk [tilespmem:v25+s2+$0x0], $0xffff;
	_ =	sdelay $0x1  }
0x4be: {  	v5 =	vld.idx.msk [tilespmem:v26+s2+$0x0], $0xffff;
	_ =	sdelay $0x1  }
0x4bf: {  	v6 =	vld.idx.msk [tilespmem:v27+s2+$0x0], $0xffff  }
0x4c0: {  	v4 =	vadd.f32 v7, v4;
	_ =	sdelay $0x1  }
0x4c1: {  	v28 =	vadd.s32 $0x76, v1;
	v4 =	vadd.f32 v5, v4  }
0x4c2: {  	v29 =	vadd.s32 $0x703, v2  }
0x4c3: {  	v4 =	vadd.f32 v6, v4  }
0x4c4: {  	v30 =	vadd.s32 $0x1723, v3  }
0x4c5: {  	[tilespmem:s20+$0x7D00] =	vst v4  }
0x4c6: {  	v31 =	vadd.s32 $0x1AAA, v0;
	v4 =	vld.idx.msk [tilespmem:v28+s2+$0x0], $0xffff  }
0x4c7: {  	v7 =	vld.idx.msk [tilespmem:v29+s2+$0x0], $0xffff;
	_ =	sdelay $0x1  }
0x4c8: {  	v6 =	vld.idx.msk [tilespmem:v30+s2+$0x0], $0xffff;
	_ =	sdelay $0x1  }
0x4c9: {  	v5 =	vld.idx.msk [tilespmem:v31+s2+$0x0], $0xffff  }
0x4ca: {  	v4 =	vadd.f32 v7, v4;
	_ =	sdelay $0x1  }
0x4cb: {  	v32 =	vadd.s32 $0x77, v1;
	v4 =	vadd.f32 v6, v4  }
0x4cc: {  	v33 =	vadd.s32 $0x704, v2  }
0x4cd: {  	v4 =	vadd.f32 v5, v4  }
0x4ce: {  	v34 =	vadd.s32 $0x1724, v3  }
0x4cf: {  	[tilespmem:s20+$0x7D80] =	vst v4  }
0x4d0: {  	v35 =	vadd.s32 $0x1AAB, v0;
	v4 =	vld.idx.msk [tilespmem:v32+s2+$0x0], $0xffff  }
0x4d1: {  	v7 =	vld.idx.msk [tilespmem:v33+s2+$0x0], $0xffff;
	_ =	sdelay $0x1  }
0x4d2: {  	v5 =	vld.idx.msk [tilespmem:v34+s2+$0x0], $0xffff;
	_ =	sdelay $0x1  }
0x4d3: {  	v6 =	vld.idx.msk [tilespmem:v35+s2+$0x0], $0xffff  }
0x4d4: {  	v4 =	vadd.f32 v7, v4;
	_ =	sdelay $0x1  }
0x4d5: {  	v36 =	vadd.s32 $0x78, v1;
	v4 =	vadd.f32 v5, v4  }
0x4d6: {  	v37 =	vadd.s32 $0x705, v2  }
0x4d7: {  	v4 =	vadd.f32 v6, v4  }
0x4d8: {  	v38 =	vadd.s32 $0x1725, v3  }
0x4d9: {  	[tilespmem:s20+$0x7E00] =	vst v4  }
0x4da: {  	v39 =	vadd.s32 $0x1AAC, v0;
	v4 =	vld.idx.msk [tilespmem:v36+s2+$0x0], $0xffff  }
0x4db: {  	v7 =	vld.idx.msk [tilespmem:v37+s2+$0x0], $0xffff;
	_ =	sdelay $0x1  }
0x4dc: {  	v6 =	vld.idx.msk [tilespmem:v38+s2+$0x0], $0xffff;
	_ =	sdelay $0x1  }
0x4dd: {  	v5 =	vld.idx.msk [tilespmem:v39+s2+$0x0], $0xffff  }
0x4de: {  	v4 =	vadd.f32 v7, v4;
	_ =	sdelay $0x1  }
0x4df: {  	v40 =	vadd.s32 $0x79, v1;
	v4 =	vadd.f32 v6, v4  }
0x4e0: {  	v41 =	vadd.s32 $0x706, v2  }
0x4e1: {  	v4 =	vadd.f32 v5, v4  }
0x4e2: {  	v42 =	vadd.s32 $0x1726, v3  }
0x4e3: {  	[tilespmem:s20+$0x7E80] =	vst v4  }
0x4e4: {  	v43 =	vadd.s32 $0x1AAD, v0;
	v4 =	vld.idx.msk [tilespmem:v40+s2+$0x0], $0xffff  }
0x4e5: {  	v7 =	vld.idx.msk [tilespmem:v41+s2+$0x0], $0xffff;
	_ =	sdelay $0x1  }
0x4e6: {  	v5 =	vld.idx.msk [tilespmem:v42+s2+$0x0], $0xffff;
	_ =	sdelay $0x1  }
0x4e7: {  	v6 =	vld.idx.msk [tilespmem:v43+s2+$0x0], $0xffff  }
0x4e8: {  	v4 =	vadd.f32 v7, v4;
	_ =	sdelay $0x1  }
0x4e9: {  	v44 =	vadd.s32 $0x7A, v1;
	v4 =	vadd.f32 v5, v4  }
0x4ea: {  	v45 =	vadd.s32 $0x707, v2  }
0x4eb: {  	v4 =	vadd.f32 v6, v4  }
0x4ec: {  	v46 =	vadd.s32 $0x1727, v3  }
0x4ed: {  	[tilespmem:s20+$0x7F00] =	vst v4  }
0x4ee: {  	v47 =	vadd.s32 $0x1AAE, v0;
	v4 =	vld.idx.msk [tilespmem:v44+s2+$0x0], $0xffff  }
0x4ef: {  	v7 =	vld.idx.msk [tilespmem:v45+s2+$0x0], $0xffff;
	_ =	sdelay $0x1  }
0x4f0: {  	v6 =	vld.idx.msk [tilespmem:v46+s2+$0x0], $0xffff;
	_ =	sdelay $0x1  }
0x4f1: {  	v5 =	vld.idx.msk [tilespmem:v47+s2+$0x0], $0xffff  }
0x4f2: {  	v4 =	vadd.f32 v7, v4;
	_ =	sdelay $0x1  }
0x4f3: {  	v48 =	vadd.s32 $0x7B, v1;
	v4 =	vadd.f32 v6, v4  }
0x4f4: {  	v49 =	vadd.s32 $0x708, v2  }
0x4f5: {  	v4 =	vadd.f32 v5, v4  }
0x4f6: {  	v50 =	vadd.s32 $0x1728, v3  }
0x4f7: {  	[tilespmem:s20+$0x7F80] =	vst v4  }
0x4f8: {  	v51 =	vadd.s32 $0x1AAF, v0;
	v4 =	vld.idx.msk [tilespmem:v48+s2+$0x0], $0xffff  }
0x4f9: {  	v7 =	vld.idx.msk [tilespmem:v49+s2+$0x0], $0xffff;
	_ =	sdelay $0x1  }
0x4fa: {  	v5 =	vld.idx.msk [tilespmem:v50+s2+$0x0], $0xffff;
	_ =	sdelay $0x1  }
0x4fb: {  	v6 =	vld.idx.msk [tilespmem:v51+s2+$0x0], $0xffff  }
0x4fc: {  	v4 =	vadd.f32 v7, v4;
	_ =	sdelay $0x1  }
0x4fd: {  	v52 =	vadd.s32 $0x7C, v1;
	v4 =	vadd.f32 v5, v4  }
0x4fe: {  	v53 =	vadd.s32 $0x709, v2  }
0x4ff: {  	v4 =	vadd.f32 v6, v4  }
0x500: {  	v54 =	vadd.s32 $0x1729, v3  }
0x501: {  	[tilespmem:s20+$0x8000] =	vst v4  }
0x502: {  	v55 =	vadd.s32 $0x1AB0, v0;
	v4 =	vld.idx.msk [tilespmem:v52+s2+$0x0], $0xffff  }
0x503: {  	v7 =	vld.idx.msk [tilespmem:v53+s2+$0x0], $0xffff;
	_ =	sdelay $0x1  }
0x504: {  	v6 =	vld.idx.msk [tilespmem:v54+s2+$0x0], $0xffff;
	_ =	sdelay $0x1  }
0x505: {  	v5 =	vld.idx.msk [tilespmem:v55+s2+$0x0], $0xffff  }
0x506: {  	v4 =	vadd.f32 v7, v4;
	_ =	sdelay $0x1  }
0x507: {  	v56 =	vadd.s32 $0x7D, v1;
	v4 =	vadd.f32 v6, v4  }
0x508: {  	v57 =	vadd.s32 $0x70A, v2  }
0x509: {  	v4 =	vadd.f32 v5, v4  }
0x50a: {  	v58 =	vadd.s32 $0x172A, v3  }
0x50b: {  	[tilespmem:s20+$0x8080] =	vst v4  }
0x50c: {  	v59 =	vadd.s32 $0x1AB1, v0;
	v4 =	vld.idx.msk [tilespmem:v56+s2+$0x0], $0xffff  }
0x50d: {  	v7 =	vld.idx.msk [tilespmem:v57+s2+$0x0], $0xffff;
	_ =	sdelay $0x1  }
0x50e: {  	v5 =	vld.idx.msk [tilespmem:v58+s2+$0x0], $0xffff;
	_ =	sdelay $0x1  }
0x50f: {  	v6 =	vld.idx.msk [tilespmem:v59+s2+$0x0], $0xffff  }
0x510: {  	v4 =	vadd.f32 v7, v4;
	_ =	sdelay $0x1  }
0x511: {  	v60 =	vadd.s32 $0x7E, v1;
	v4 =	vadd.f32 v5, v4  }
0x512: {  	v61 =	vadd.s32 $0x70B, v2  }
0x513: {  	v4 =	vadd.f32 v6, v4  }
0x514: {  	v62 =	vadd.s32 $0x172B, v3  }
0x515: {  	[tilespmem:s20+$0x8100] =	vst v4  }
0x516: {  	v63 =	vadd.s32 $0x1AB2, v0;
	v4 =	vld.idx.msk [tilespmem:v60+s2+$0x0], $0xffff  }
0x517: {  	v7 =	vld.idx.msk [tilespmem:v61+s2+$0x0], $0xffff;
	_ =	sdelay $0x1  }
0x518: {  	v6 =	vld.idx.msk [tilespmem:v62+s2+$0x0], $0xffff;
	_ =	sdelay $0x1  }
0x519: {  	v5 =	vld.idx.msk [tilespmem:v63+s2+$0x0], $0xffff  }
0x51a: {  	v4 =	vadd.f32 v7, v4;
	_ =	sdelay $0x1  }
0x51b: {  	v1 =	vadd.s32 $0x7F, v1;
	v4 =	vadd.f32 v6, v4  }
0x51c: {  	v2 =	vadd.s32 $0x70C, v2  }
0x51d: {  	v4 =	vadd.f32 v5, v4  }
0x51e: {  	v3 =	vadd.s32 $0x172C, v3  }
0x51f: {  	[tilespmem:s20+$0x8180] =	vst v4  }
0x520: {  	v0 =	vadd.s32 $0x1AB3, v0;
	v1 =	vld.idx.msk [tilespmem:v1+s2+$0x0], $0xffff  }
0x521: {  	v2 =	vld.idx.msk [tilespmem:v2+s2+$0x0], $0xffff;
	_ =	sdelay $0x1  }
0x522: {  	v3 =	vld.idx.msk [tilespmem:v3+s2+$0x0], $0xffff;
	_ =	sdelay $0x1  }
0x523: {  	v0 =	vld.idx.msk [tilespmem:v0+s2+$0x0], $0xffff  }
0x524: {  	v1 =	vadd.f32 v2, v1  }
0x525: {  	p0 =	sne.s32 s19, $0x1C0  }
.Ltmp0:
0x526: {  	v1 =	vadd.f32 v3, v1;
	(pc) =	sbr.rel @p0 .LBB2_2-.Ltmp0, $3  }
0x527: {  	_ = 	snop  }
0x528: {  	v0 =	vadd.f32 v0, v1;
	_ =	sdelay $0x1  }
0x529: {  	s19 =	sadd.s32 $0x40, s19;
	[tilespmem:s20+$0x8200] =	vst v0  }
0x52a: {  	s18 =	sadd.s32 $0x1, s18  }
0x52b: {  	p0 =	sne.s32 s18, s9  }
.Ltmp1:
0x52c: {  	_ = 	snop;
	(pc) =	sbr.rel @p0 .LBB2_1-.Ltmp1, $4  }
0x52d: {  	[hbm4b:s8+s15] =	stream.strided.scatter [tilespmem:s17], [sflag:$0x1], $0x4000, s16, s15, $0x38;
	[tilespmem:$0x8280] =	vst v63  }
0x52e: {  	_ =	swait.ge [sflag:s10], $0x4000  }
0x52f: {  	[sflag:s10] =	ssyncset.done $0x0  }
0x530: {  	[sflag:s10] =	ssyncadd.s32 $0xFFFFC000  }
0x531: {  	_ =	sfence.sel $0x180000  }
0x532: {  	[bflag:$0x0] =	sbarrier.arrive $0xFFFF  }
0x533: {  	p0 =	sne.s32 s1, $0x0;
	_ =	strace $0x90000047  }
0x534: {  	s0 =	sadd.s32 @!p0 $0x100000, s0;
	[bflag:$0x2] =	sbarrier.arrive $0xFFFF  }
0x535: {  	[sflag:s0] =	ssyncadd.tile.s32 @!p0 $0x1;
	_ =	shalt  }
.Lfunc_end2:
_tile_overlayer_lowered:
.L_overlay_start_2:
0x536: {  	(tag) =	ssettag $0x2  }
0x537: {  	s0 =	rddreg [dreg:$0x0];
	s2 =	stileid.u32  }
0x538: {  	s1 =	rddreg [dreg:$0x1];
	p0 =	sne.s32 s2, $0x0  }
0x539: {  	s3 =	rddreg [dreg:$0x2];
	[bflag:$0x3] =	sbarrier.arrive $0xFFFF;
	s2 =	simm.s32 @!p0 $0x1C01  }
0x53a: {  	[timem:s3], [sflag:s2] =	dma.local @!p0 [hbm:s0], s1  }
0x53b: {  	s0 =	simm.s32 @!p0 $0x1  }
0x53c: {  	_ =	swait.ge @!p0 [sflag:s0], s1  }
0x53d: {  	s1 =	ssub.s32 @!p0 $0x0, s1;
	[sflag:s0] =	ssyncset.done @!p0 $0x0  }
0x53e: {  	[sflag:s0] =	ssyncadd.s32 @!p0 s1  }
0x53f: {  	[bflag:$0x3] =	sbarrier.arrive $0xFFFF  }
0x540: {  	_ =	shalt  }

</sc_bundles>
